<compile_context>
chip_gen: v7x
topology: tpu7x:2x2x1
jax: 0.10.2.dev20260603
libtpu: 0.0.44.dev20260713+nightly
codegen_flags: <defaults>
</compile_context>

<pallas_src>
import functools

import jax
import jax.numpy as jnp
from jax import lax
from jax.experimental import pallas as pl
from jax.experimental.pallas import tpu as pltpu
from jax.experimental.pallas import tpu_sc as plsc

_NC = 2
_NS = 16
_NW = _NC * _NS
_L = 16
_CHUNK = 64
_NBUF = 14


def _sc_body(n, d, x_hbm, r_hbm, m_hbm, t_hbm, out_hbm,
             xbufs, ibufs, rbuf, mbuf, t_sh, sems):
    rows_per_w = n // _NW
    nchunk = rows_per_w // _CHUNK
    sid = lax.axis_index("s")
    wid = sid * _NC + lax.axis_index("c")
    base_row = wid * rows_per_w

    @pl.when(sid == 0)
    def _():
        pltpu.make_async_copy(t_hbm, t_sh, sems[2 * _NBUF]).start()

    def start_in(g):
        slot = g % _NBUF
        row0 = base_row + g * _CHUNK
        h1 = pltpu.async_copy(x_hbm.at[pl.ds(row0, _CHUNK), :],
                              xbufs[slot], sems[slot])
        h2 = pltpu.async_copy(r_hbm.at[pl.ds(row0, _CHUNK)],
                              rbuf.at[slot], sems[slot])
        h3 = pltpu.async_copy(m_hbm.at[pl.ds(row0, _CHUNK)],
                              mbuf.at[slot], sems[slot])
        return (h1, h2, h3)

    def start_out(g):
        slot = g % _NBUF
        row0 = base_row + g * _CHUNK
        return pltpu.async_copy(xbufs[slot],
                                out_hbm.at[pl.ds(row0, _CHUNK), :],
                                sems[_NBUF + slot])

    def start_gather_add(g):
        slot = g % _NBUF
        ib = ibufs[g % 2]
        for g16 in range(_CHUNK // _L):
            r0 = g16 * _L
            rv = rbuf[slot, pl.ds(r0, _L)]
            mv = mbuf[slot, pl.ds(r0, _L)]
            ib[pl.ds(r0, _L)] = jnp.where(
                mv != 0, jnp.where(rv >= 94, 1, 0), -1)
        return pltpu.async_copy(
            t_sh.at[plsc.Indices(ib, ignored_value=-1)], xbufs[slot],
            sems[2 * _NBUF + 1 + g % 2], add=True)

    in_h, out_h, ga_h = {}, {}, {}
    depth = _NBUF - 1

    def try_start_in(g):
        if g < nchunk:
            if g >= _NBUF:
                out_h[g - _NBUF].wait()
            in_h[g] = start_in(g)

    for g in range(depth):
        try_start_in(g)
    for h in in_h[0]:
        h.wait()

    @pl.when(sid == 0)
    def _():
        pltpu.make_async_copy(t_hbm, t_sh, sems[2 * _NBUF]).wait()
    plsc.subcore_barrier()
    ga_h[0] = start_gather_add(0)
    for g in range(nchunk):
        if g + 1 < nchunk:
            for h in in_h[g + 1]:
                h.wait()
            ga_h[g + 1] = start_gather_add(g + 1)
        ga_h[g].wait()
        out_h[g] = start_out(g)
        try_start_in(g + depth)
    for g in range(max(0, nchunk - _NBUF), nchunk):
        out_h[g].wait()


def kernel(x, resids, mask, table):
    n, d = x.shape
    r32 = resids.astype(jnp.int32)
    m32 = mask.astype(jnp.int32)

    mesh = plsc.VectorSubcoreMesh(core_axis_name="c", subcore_axis_name="s",
                                  num_cores=_NC, num_subcores=_NS)
    sc = functools.partial(
        pl.kernel,
        out_type=jax.ShapeDtypeStruct((n, d), jnp.float32),
        mesh=mesh,
        compiler_params=pltpu.CompilerParams(needs_layout_passes=False),
        scratch_types=[
            [pltpu.VMEM((_CHUNK, d), jnp.float32)] * _NBUF,
            [pltpu.VMEM((_CHUNK,), jnp.int32)] * 2,
            pltpu.VMEM((_NBUF, _CHUNK), jnp.int32),
            pltpu.VMEM((_NBUF, _CHUNK), jnp.int32),
            pltpu.VMEM_SHARED((2, d), jnp.float32),
            [pltpu.SemaphoreType.DMA] * (2 * _NBUF + 3),
        ],
    )(functools.partial(_sc_body, n, d))
    return sc(x, r32, m32, table)

# --- scband reference (transcript-rebuilt; emitter-appended) ---
"""Pipeline reference for scband-posit-mhcencoder-11570641895568 (READ-ONLY COPY).

The authoritative reference and input builder live on the scoring server;
editing this copy changes nothing except your own understanding.
"""

import jax, jax.numpy as jnp
import numpy as np

N = 32768
D = 128
NUM_EMB = 2

def setup_inputs(seed: int = 0) -> dict:
    key = jax.random.key(seed)
    k1, k2, k3, k4 = jax.random.split(key, 4)
    x = jax.random.normal(k1, (N, D), dtype=jnp.float32)
    resids = jax.random.randint(k2, (N,), 0, 200)
    mask = jax.random.randint(k3, (N,), 0, 2).astype(jnp.bool_)
    # learned embedding table (nn.Embedding(num_embeddings=2, embed_dim=128))
    table = jax.random.normal(k4, (NUM_EMB, D), dtype=jnp.float32)
    return {"x": x, "resids": resids, "mask": mask, "table": table}

def reference(x, resids, mask, table):
    # eval-mode (dropout = identity)
    mask_b = mask.astype(jnp.bool_)
    # mhc_ids: 0 for resid < 94, 1 for resid >= 94 (only relevant where mask is True)
    mhc_ids = jnp.where(resids >= 94, 1, 0)
    mhc_embed = jnp.take(table, mhc_ids, axis=0)  # [N, D] gather from 2-row table
    # x[mask] = x[mask] + mhc_embed  <=>  masked residual add
    out = jnp.where(mask_b[:, None], x + mhc_embed, x)
    return out

if __name__ == "__main__":
    import jax
    _d = setup_inputs()
    print(jax.jit(kernel)(*tuple(_d.values())))

</pallas_src>

<mosaic_0001>
#map = affine_map<(d0, d1) -> (0, 0)>
#map1 = affine_map<(d0, d1) -> (0)>
module attributes {stable_mosaic.version = 14 : i64} {
  func.func @_sc_body(%arg0: i32, %arg1: i32, %arg2: memref<32768x128xf32, #tpu.memory_space<hbm>>, %arg3: memref<32768xi32, #tpu.memory_space<hbm>>, %arg4: memref<32768xi32, #tpu.memory_space<hbm>>, %arg5: memref<2x128xf32, #tpu.memory_space<hbm>>, %arg6: memref<32768x128xf32, #tpu.memory_space<hbm>>, %arg7: memref<64x128xf32, #tpu.memory_space<vmem>>, %arg8: memref<64x128xf32, #tpu.memory_space<vmem>>, %arg9: memref<64x128xf32, #tpu.memory_space<vmem>>, %arg10: memref<64x128xf32, #tpu.memory_space<vmem>>, %arg11: memref<64x128xf32, #tpu.memory_space<vmem>>, %arg12: memref<64x128xf32, #tpu.memory_space<vmem>>, %arg13: memref<64x128xf32, #tpu.memory_space<vmem>>, %arg14: memref<64x128xf32, #tpu.memory_space<vmem>>, %arg15: memref<64x128xf32, #tpu.memory_space<vmem>>, %arg16: memref<64x128xf32, #tpu.memory_space<vmem>>, %arg17: memref<64x128xf32, #tpu.memory_space<vmem>>, %arg18: memref<64x128xf32, #tpu.memory_space<vmem>>, %arg19: memref<64x128xf32, #tpu.memory_space<vmem>>, %arg20: memref<64x128xf32, #tpu.memory_space<vmem>>, %arg21: memref<64xi32, #tpu.memory_space<vmem>>, %arg22: memref<64xi32, #tpu.memory_space<vmem>>, %arg23: memref<14x64xi32, #tpu.memory_space<vmem>>, %arg24: memref<14x64xi32, #tpu.memory_space<vmem>>, %arg25: memref<2x128xf32, #tpu.memory_space<vmem_shared>>, %arg26: memref<!tpu.dma_semaphore, #tpu.memory_space<semaphore_mem>>, %arg27: memref<!tpu.dma_semaphore, #tpu.memory_space<semaphore_mem>>, %arg28: memref<!tpu.dma_semaphore, #tpu.memory_space<semaphore_mem>>, %arg29: memref<!tpu.dma_semaphore, #tpu.memory_space<semaphore_mem>>, %arg30: memref<!tpu.dma_semaphore, #tpu.memory_space<semaphore_mem>>, %arg31: memref<!tpu.dma_semaphore, #tpu.memory_space<semaphore_mem>>, %arg32: memref<!tpu.dma_semaphore, #tpu.memory_space<semaphore_mem>>, %arg33: memref<!tpu.dma_semaphore, #tpu.memory_space<semaphore_mem>>, %arg34: memref<!tpu.dma_semaphore, #tpu.memory_space<semaphore_mem>>, %arg35: memref<!tpu.dma_semaphore, #tpu.memory_space<semaphore_mem>>, %arg36: memref<!tpu.dma_semaphore, #tpu.memory_space<semaphore_mem>>, %arg37: memref<!tpu.dma_semaphore, #tpu.memory_space<semaphore_mem>>, %arg38: memref<!tpu.dma_semaphore, #tpu.memory_space<semaphore_mem>>, %arg39: memref<!tpu.dma_semaphore, #tpu.memory_space<semaphore_mem>>, %arg40: memref<!tpu.dma_semaphore, #tpu.memory_space<semaphore_mem>>, %arg41: memref<!tpu.dma_semaphore, #tpu.memory_space<semaphore_mem>>, %arg42: memref<!tpu.dma_semaphore, #tpu.memory_space<semaphore_mem>>, %arg43: memref<!tpu.dma_semaphore, #tpu.memory_space<semaphore_mem>>, %arg44: memref<!tpu.dma_semaphore, #tpu.memory_space<semaphore_mem>>, %arg45: memref<!tpu.dma_semaphore, #tpu.memory_space<semaphore_mem>>, %arg46: memref<!tpu.dma_semaphore, #tpu.memory_space<semaphore_mem>>, %arg47: memref<!tpu.dma_semaphore, #tpu.memory_space<semaphore_mem>>, %arg48: memref<!tpu.dma_semaphore, #tpu.memory_space<semaphore_mem>>, %arg49: memref<!tpu.dma_semaphore, #tpu.memory_space<semaphore_mem>>, %arg50: memref<!tpu.dma_semaphore, #tpu.memory_space<semaphore_mem>>, %arg51: memref<!tpu.dma_semaphore, #tpu.memory_space<semaphore_mem>>, %arg52: memref<!tpu.dma_semaphore, #tpu.memory_space<semaphore_mem>>, %arg53: memref<!tpu.dma_semaphore, #tpu.memory_space<semaphore_mem>>, %arg54: memref<!tpu.dma_semaphore, #tpu.memory_space<semaphore_mem>>, %arg55: memref<!tpu.dma_semaphore, #tpu.memory_space<semaphore_mem>>, %arg56: memref<!tpu.dma_semaphore, #tpu.memory_space<semaphore_mem>>) attributes {dimension_semantics = [#tpu.dimension_semantics<core_parallel>, #tpu.dimension_semantics<subcore_parallel>], iteration_bounds = array<i64: 2, 16>, scalar_prefetch = 0 : i64, scratch_operands = 50 : i64, tpu.core_type = #tpu.core_type<sc_vector_subcore>, window_params = [{transform_indices = #map}, {transform_indices = #map1}, {transform_indices = #map1}, {transform_indices = #map}, {transform_indices = #map}]} {
    %mul3A = arith.constant 2 : i32
    %mul3A_0 = arith.muli %arg1, %mul3A : i32
    %add3A = arith.addi %mul3A_0, %arg0 : i32
    %mul3A_1 = arith.constant 1024 : i32
    %mul3A_2 = arith.muli %add3A, %mul3A_1 : i32
    %eq3A = arith.constant 0 : i32
    %eq3A_3 = arith.cmpi eq, %arg1, %eq3A : i32
    %convert_element_type3A = arith.extui %eq3A_3 : i1 to i32
    %cond3A = arith.constant 0 : i32
    %cond3A_4 = arith.cmpi ne, %convert_element_type3A, %cond3A : i32
    scf.if %cond3A_4 {
      tpu.enqueue_dma source(%arg5 : memref<2x128xf32, #tpu.memory_space<hbm>>) target(%arg25 : memref<2x128xf32, #tpu.memory_space<vmem_shared>>) target_semaphore(%arg54 : memref<!tpu.dma_semaphore, #tpu.memory_space<semaphore_mem>>)
    } else {
    }
    %add3A_5 = arith.constant 0 : i32
    %add3A_6 = arith.addi %mul3A_2, %add3A_5 : i32
    %dma_start3A = arith.constant 0 : i32
    %dma_start3A_7 = tpu.memref_slice %arg2[%add3A_6, %dma_start3A] : memref<32768x128xf32, #tpu.memory_space<hbm>> -> memref<64x128xf32, #tpu.memory_space<hbm>>
    %dma_start3A_8 = arith.constant 0 : i32
    %dma_start3A_9 = tpu.memref_slice %arg2[%add3A_6, %dma_start3A_8] : memref<32768x128xf32, #tpu.memory_space<hbm>> -> memref<64x128xf32, #tpu.memory_space<hbm>>
    tpu.enqueue_dma source(%dma_start3A_9 : memref<64x128xf32, #tpu.memory_space<hbm>>) target(%arg7 : memref<64x128xf32, #tpu.memory_space<vmem>>) target_semaphore(%arg26 : memref<!tpu.dma_semaphore, #tpu.memory_space<semaphore_mem>>)
    %dma_start3A_10 = arith.constant 0 : i32
    %dma_start3A_11 = arith.constant 0 : i32
    %dma_start3A_12 = tpu.memref_slice %arg23[%dma_start3A_10, %dma_start3A_11] : memref<14x64xi32, #tpu.memory_space<vmem>> -> memref<1x64xi32, #tpu.memory_space<vmem>>
    %dma_start3A_13 = tpu.memref_squeeze %dma_start3A_12 : memref<1x64xi32, #tpu.memory_space<vmem>> -> memref<64xi32, #tpu.memory_space<vmem>>
    %dma_start3A_14 = tpu.memref_slice %arg3[%add3A_6] : memref<32768xi32, #tpu.memory_space<hbm>> -> memref<64xi32, #tpu.memory_space<hbm>>
    %dma_start3A_15 = arith.constant 0 : i32
    %dma_start3A_16 = tpu.memref_slice %arg23[%dma_start3A_10, %dma_start3A_15] : memref<14x64xi32, #tpu.memory_space<vmem>> -> memref<1x64xi32, #tpu.memory_space<vmem>>
    %dma_start3A_17 = tpu.memref_squeeze %dma_start3A_16 : memref<1x64xi32, #tpu.memory_space<vmem>> -> memref<64xi32, #tpu.memory_space<vmem>>
    %dma_start3A_18 = tpu.memref_slice %arg3[%add3A_6] : memref<32768xi32, #tpu.memory_space<hbm>> -> memref<64xi32, #tpu.memory_space<hbm>>
    tpu.enqueue_dma source(%dma_start3A_18 : memref<64xi32, #tpu.memory_space<hbm>>) target(%dma_start3A_17 : memref<64xi32, #tpu.memory_space<vmem>>) target_semaphore(%arg26 : memref<!tpu.dma_semaphore, #tpu.memory_space<semaphore_mem>>)
    %dma_start3A_19 = arith.constant 0 : i32
    %dma_start3A_20 = arith.constant 0 : i32
    %dma_start3A_21 = tpu.memref_slice %arg24[%dma_start3A_19, %dma_start3A_20] : memref<14x64xi32, #tpu.memory_space<vmem>> -> memref<1x64xi32, #tpu.memory_space<vmem>>
    %dma_start3A_22 = tpu.memref_squeeze %dma_start3A_21 : memref<1x64xi32, #tpu.memory_space<vmem>> -> memref<64xi32, #tpu.memory_space<vmem>>
    %dma_start3A_23 = tpu.memref_slice %arg4[%add3A_6] : memref<32768xi32, #tpu.memory_space<hbm>> -> memref<64xi32, #tpu.memory_space<hbm>>
    %dma_start3A_24 = arith.constant 0 : i32
    %dma_start3A_25 = tpu.memref_slice %arg24[%dma_start3A_19, %dma_start3A_24] : memref<14x64xi32, #tpu.memory_space<vmem>> -> memref<1x64xi32, #tpu.memory_space<vmem>>
    %dma_start3A_26 = tpu.memref_squeeze %dma_start3A_25 : memref<1x64xi32, #tpu.memory_space<vmem>> -> memref<64xi32, #tpu.memory_space<vmem>>
    %dma_start3A_27 = tpu.memref_slice %arg4[%add3A_6] : memref<32768xi32, #tpu.memory_space<hbm>> -> memref<64xi32, #tpu.memory_space<hbm>>
    tpu.enqueue_dma source(%dma_start3A_27 : memref<64xi32, #tpu.memory_space<hbm>>) target(%dma_start3A_26 : memref<64xi32, #tpu.memory_space<vmem>>) target_semaphore(%arg26 : memref<!tpu.dma_semaphore, #tpu.memory_space<semaphore_mem>>)
    %add3A_28 = arith.constant 64 : i32
    %add3A_29 = arith.addi %mul3A_2, %add3A_28 : i32
    %dma_start3A_30 = arith.constant 0 : i32
    %dma_start3A_31 = tpu.memref_slice %arg2[%add3A_29, %dma_start3A_30] : memref<32768x128xf32, #tpu.memory_space<hbm>> -> memref<64x128xf32, #tpu.memory_space<hbm>>
    %dma_start3A_32 = arith.constant 0 : i32
    %dma_start3A_33 = tpu.memref_slice %arg2[%add3A_29, %dma_start3A_32] : memref<32768x128xf32, #tpu.memory_space<hbm>> -> memref<64x128xf32, #tpu.memory_space<hbm>>
    tpu.enqueue_dma source(%dma_start3A_33 : memref<64x128xf32, #tpu.memory_space<hbm>>) target(%arg8 : memref<64x128xf32, #tpu.memory_space<vmem>>) target_semaphore(%arg27 : memref<!tpu.dma_semaphore, #tpu.memory_space<semaphore_mem>>)
    %dma_start3A_34 = arith.constant 1 : i32
    %dma_start3A_35 = arith.constant 0 : i32
    %dma_start3A_36 = tpu.memref_slice %arg23[%dma_start3A_34, %dma_start3A_35] : memref<14x64xi32, #tpu.memory_space<vmem>> -> memref<1x64xi32, #tpu.memory_space<vmem>>
    %dma_start3A_37 = tpu.memref_squeeze %dma_start3A_36 : memref<1x64xi32, #tpu.memory_space<vmem>> -> memref<64xi32, #tpu.memory_space<vmem>>
    %dma_start3A_38 = tpu.memref_slice %arg3[%add3A_29] : memref<32768xi32, #tpu.memory_space<hbm>> -> memref<64xi32, #tpu.memory_space<hbm>>
    %dma_start3A_39 = arith.constant 0 : i32
    %dma_start3A_40 = tpu.memref_slice %arg23[%dma_start3A_34, %dma_start3A_39] : memref<14x64xi32, #tpu.memory_space<vmem>> -> memref<1x64xi32, #tpu.memory_space<vmem>>
    %dma_start3A_41 = tpu.memref_squeeze %dma_start3A_40 : memref<1x64xi32, #tpu.memory_space<vmem>> -> memref<64xi32, #tpu.memory_space<vmem>>
    %dma_start3A_42 = tpu.memref_slice %arg3[%add3A_29] : memref<32768xi32, #tpu.memory_space<hbm>> -> memref<64xi32, #tpu.memory_space<hbm>>
    tpu.enqueue_dma source(%dma_start3A_42 : memref<64xi32, #tpu.memory_space<hbm>>) target(%dma_start3A_41 : memref<64xi32, #tpu.memory_space<vmem>>) target_semaphore(%arg27 : memref<!tpu.dma_semaphore, #tpu.memory_space<semaphore_mem>>)
    %dma_start3A_43 = arith.constant 1 : i32
    %dma_start3A_44 = arith.constant 0 : i32
    %dma_start3A_45 = tpu.memref_slice %arg24[%dma_start3A_43, %dma_start3A_44] : memref<14x64xi32, #tpu.memory_space<vmem>> -> memref<1x64xi32, #tpu.memory_space<vmem>>
    %dma_start3A_46 = tpu.memref_squeeze %dma_start3A_45 : memref<1x64xi32, #tpu.memory_space<vmem>> -> memref<64xi32, #tpu.memory_space<vmem>>
    %dma_start3A_47 = tpu.memref_slice %arg4[%add3A_29] : memref<32768xi32, #tpu.memory_space<hbm>> -> memref<64xi32, #tpu.memory_space<hbm>>
    %dma_start3A_48 = arith.constant 0 : i32
    %dma_start3A_49 = tpu.memref_slice %arg24[%dma_start3A_43, %dma_start3A_48] : memref<14x64xi32, #tpu.memory_space<vmem>> -> memref<1x64xi32, #tpu.memory_space<vmem>>
    %dma_start3A_50 = tpu.memref_squeeze %dma_start3A_49 : memref<1x64xi32, #tpu.memory_space<vmem>> -> memref<64xi32, #tpu.memory_space<vmem>>
    %dma_start3A_51 = tpu.memref_slice %arg4[%add3A_29] : memref<32768xi32, #tpu.memory_space<hbm>> -> memref<64xi32, #tpu.memory_space<hbm>>
    tpu.enqueue_dma source(%dma_start3A_51 : memref<64xi32, #tpu.memory_space<hbm>>) target(%dma_start3A_50 : memref<64xi32, #tpu.memory_space<vmem>>) target_semaphore(%arg27 : memref<!tpu.dma_semaphore, #tpu.memory_space<semaphore_mem>>)
    %add3A_52 = arith.constant 128 : i32
    %add3A_53 = arith.addi %mul3A_2, %add3A_52 : i32
    %dma_start3A_54 = arith.constant 0 : i32
    %dma_start3A_55 = tpu.memref_slice %arg2[%add3A_53, %dma_start3A_54] : memref<32768x128xf32, #tpu.memory_space<hbm>> -> memref<64x128xf32, #tpu.memory_space<hbm>>
    %dma_start3A_56 = arith.constant 0 : i32
    %dma_start3A_57 = tpu.memref_slice %arg2[%add3A_53, %dma_start3A_56] : memref<32768x128xf32, #tpu.memory_space<hbm>> -> memref<64x128xf32, #tpu.memory_space<hbm>>
    tpu.enqueue_dma source(%dma_start3A_57 : memref<64x128xf32, #tpu.memory_space<hbm>>) target(%arg9 : memref<64x128xf32, #tpu.memory_space<vmem>>) target_semaphore(%arg28 : memref<!tpu.dma_semaphore, #tpu.memory_space<semaphore_mem>>)
    %dma_start3A_58 = arith.constant 2 : i32
    %dma_start3A_59 = arith.constant 0 : i32
    %dma_start3A_60 = tpu.memref_slice %arg23[%dma_start3A_58, %dma_start3A_59] : memref<14x64xi32, #tpu.memory_space<vmem>> -> memref<1x64xi32, #tpu.memory_space<vmem>>
    %dma_start3A_61 = tpu.memref_squeeze %dma_start3A_60 : memref<1x64xi32, #tpu.memory_space<vmem>> -> memref<64xi32, #tpu.memory_space<vmem>>
    %dma_start3A_62 = tpu.memref_slice %arg3[%add3A_53] : memref<32768xi32, #tpu.memory_space<hbm>> -> memref<64xi32, #tpu.memory_space<hbm>>
    %dma_start3A_63 = arith.constant 0 : i32
    %dma_start3A_64 = tpu.memref_slice %arg23[%dma_start3A_58, %dma_start3A_63] : memref<14x64xi32, #tpu.memory_space<vmem>> -> memref<1x64xi32, #tpu.memory_space<vmem>>
    %dma_start3A_65 = tpu.memref_squeeze %dma_start3A_64 : memref<1x64xi32, #tpu.memory_space<vmem>> -> memref<64xi32, #tpu.memory_space<vmem>>
    %dma_start3A_66 = tpu.memref_slice %arg3[%add3A_53] : memref<32768xi32, #tpu.memory_space<hbm>> -> memref<64xi32, #tpu.memory_space<hbm>>
    tpu.enqueue_dma source(%dma_start3A_66 : memref<64xi32, #tpu.memory_space<hbm>>) target(%dma_start3A_65 : memref<64xi32, #tpu.memory_space<vmem>>) target_semaphore(%arg28 : memref<!tpu.dma_semaphore, #tpu.memory_space<semaphore_mem>>)
    %dma_start3A_67 = arith.constant 2 : i32
    %dma_start3A_68 = arith.constant 0 : i32
    %dma_start3A_69 = tpu.memref_slice %arg24[%dma_start3A_67, %dma_start3A_68] : memref<14x64xi32, #tpu.memory_space<vmem>> -> memref<1x64xi32, #tpu.memory_space<vmem>>
    %dma_start3A_70 = tpu.memref_squeeze %dma_start3A_69 : memref<1x64xi32, #tpu.memory_space<vmem>> -> memref<64xi32, #tpu.memory_space<vmem>>
    %dma_start3A_71 = tpu.memref_slice %arg4[%add3A_53] : memref<32768xi32, #tpu.memory_space<hbm>> -> memref<64xi32, #tpu.memory_space<hbm>>
    %dma_start3A_72 = arith.constant 0 : i32
    %dma_start3A_73 = tpu.memref_slice %arg24[%dma_start3A_67, %dma_start3A_72] : memref<14x64xi32, #tpu.memory_space<vmem>> -> memref<1x64xi32, #tpu.memory_space<vmem>>
    %dma_start3A_74 = tpu.memref_squeeze %dma_start3A_73 : memref<1x64xi32, #tpu.memory_space<vmem>> -> memref<64xi32, #tpu.memory_space<vmem>>
    %dma_start3A_75 = tpu.memref_slice %arg4[%add3A_53] : memref<32768xi32, #tpu.memory_space<hbm>> -> memref<64xi32, #tpu.memory_space<hbm>>
    tpu.enqueue_dma source(%dma_start3A_75 : memref<64xi32, #tpu.memory_space<hbm>>) target(%dma_start3A_74 : memref<64xi32, #tpu.memory_space<vmem>>) target_semaphore(%arg28 : memref<!tpu.dma_semaphore, #tpu.memory_space<semaphore_mem>>)
    %add3A_76 = arith.constant 192 : i32
    %add3A_77 = arith.addi %mul3A_2, %add3A_76 : i32
    %dma_start3A_78 = arith.constant 0 : i32
    %dma_start3A_79 = tpu.memref_slice %arg2[%add3A_77, %dma_start3A_78] : memref<32768x128xf32, #tpu.memory_space<hbm>> -> memref<64x128xf32, #tpu.memory_space<hbm>>
    %dma_start3A_80 = arith.constant 0 : i32
    %dma_start3A_81 = tpu.memref_slice %arg2[%add3A_77, %dma_start3A_80] : memref<32768x128xf32, #tpu.memory_space<hbm>> -> memref<64x128xf32, #tpu.memory_space<hbm>>
    tpu.enqueue_dma source(%dma_start3A_81 : memref<64x128xf32, #tpu.memory_space<hbm>>) target(%arg10 : memref<64x128xf32, #tpu.memory_space<vmem>>) target_semaphore(%arg29 : memref<!tpu.dma_semaphore, #tpu.memory_space<semaphore_mem>>)
    %dma_start3A_82 = arith.constant 3 : i32
    %dma_start3A_83 = arith.constant 0 : i32
    %dma_start3A_84 = tpu.memref_slice %arg23[%dma_start3A_82, %dma_start3A_83] : memref<14x64xi32, #tpu.memory_space<vmem>> -> memref<1x64xi32, #tpu.memory_space<vmem>>
    %dma_start3A_85 = tpu.memref_squeeze %dma_start3A_84 : memref<1x64xi32, #tpu.memory_space<vmem>> -> memref<64xi32, #tpu.memory_space<vmem>>
    %dma_start3A_86 = tpu.memref_slice %arg3[%add3A_77] : memref<32768xi32, #tpu.memory_space<hbm>> -> memref<64xi32, #tpu.memory_space<hbm>>
    %dma_start3A_87 = arith.constant 0 : i32
    %dma_start3A_88 = tpu.memref_slice %arg23[%dma_start3A_82, %dma_start3A_87] : memref<14x64xi32, #tpu.memory_space<vmem>> -> memref<1x64xi32, #tpu.memory_space<vmem>>
    %dma_start3A_89 = tpu.memref_squeeze %dma_start3A_88 : memref<1x64xi32, #tpu.memory_space<vmem>> -> memref<64xi32, #tpu.memory_space<vmem>>
    %dma_start3A_90 = tpu.memref_slice %arg3[%add3A_77] : memref<32768xi32, #tpu.memory_space<hbm>> -> memref<64xi32, #tpu.memory_space<hbm>>
    tpu.enqueue_dma source(%dma_start3A_90 : memref<64xi32, #tpu.memory_space<hbm>>) target(%dma_start3A_89 : memref<64xi32, #tpu.memory_space<vmem>>) target_semaphore(%arg29 : memref<!tpu.dma_semaphore, #tpu.memory_space<semaphore_mem>>)
    %dma_start3A_91 = arith.constant 3 : i32
    %dma_start3A_92 = arith.constant 0 : i32
    %dma_start3A_93 = tpu.memref_slice %arg24[%dma_start3A_91, %dma_start3A_92] : memref<14x64xi32, #tpu.memory_space<vmem>> -> memref<1x64xi32, #tpu.memory_space<vmem>>
    %dma_start3A_94 = tpu.memref_squeeze %dma_start3A_93 : memref<1x64xi32, #tpu.memory_space<vmem>> -> memref<64xi32, #tpu.memory_space<vmem>>
    %dma_start3A_95 = tpu.memref_slice %arg4[%add3A_77] : memref<32768xi32, #tpu.memory_space<hbm>> -> memref<64xi32, #tpu.memory_space<hbm>>
    %dma_start3A_96 = arith.constant 0 : i32
    %dma_start3A_97 = tpu.memref_slice %arg24[%dma_start3A_91, %dma_start3A_96] : memref<14x64xi32, #tpu.memory_space<vmem>> -> memref<1x64xi32, #tpu.memory_space<vmem>>
    %dma_start3A_98 = tpu.memref_squeeze %dma_start3A_97 : memref<1x64xi32, #tpu.memory_space<vmem>> -> memref<64xi32, #tpu.memory_space<vmem>>
    %dma_start3A_99 = tpu.memref_slice %arg4[%add3A_77] : memref<32768xi32, #tpu.memory_space<hbm>> -> memref<64xi32, #tpu.memory_space<hbm>>
    tpu.enqueue_dma source(%dma_start3A_99 : memref<64xi32, #tpu.memory_space<hbm>>) target(%dma_start3A_98 : memref<64xi32, #tpu.memory_space<vmem>>) target_semaphore(%arg29 : memref<!tpu.dma_semaphore, #tpu.memory_space<semaphore_mem>>)
    %add3A_100 = arith.constant 256 : i32
    %add3A_101 = arith.addi %mul3A_2, %add3A_100 : i32
    %dma_start3A_102 = arith.constant 0 : i32
    %dma_start3A_103 = tpu.memref_slice %arg2[%add3A_101, %dma_start3A_102] : memref<32768x128xf32, #tpu.memory_space<hbm>> -> memref<64x128xf32, #tpu.memory_space<hbm>>
    %dma_start3A_104 = arith.constant 0 : i32
    %dma_start3A_105 = tpu.memref_slice %arg2[%add3A_101, %dma_start3A_104] : memref<32768x128xf32, #tpu.memory_space<hbm>> -> memref<64x128xf32, #tpu.memory_space<hbm>>
    tpu.enqueue_dma source(%dma_start3A_105 : memref<64x128xf32, #tpu.memory_space<hbm>>) target(%arg11 : memref<64x128xf32, #tpu.memory_space<vmem>>) target_semaphore(%arg30 : memref<!tpu.dma_semaphore, #tpu.memory_space<semaphore_mem>>)
    %dma_start3A_106 = arith.constant 4 : i32
    %dma_start3A_107 = arith.constant 0 : i32
    %dma_start3A_108 = tpu.memref_slice %arg23[%dma_start3A_106, %dma_start3A_107] : memref<14x64xi32, #tpu.memory_space<vmem>> -> memref<1x64xi32, #tpu.memory_space<vmem>>
    %dma_start3A_109 = tpu.memref_squeeze %dma_start3A_108 : memref<1x64xi32, #tpu.memory_space<vmem>> -> memref<64xi32, #tpu.memory_space<vmem>>
    %dma_start3A_110 = tpu.memref_slice %arg3[%add3A_101] : memref<32768xi32, #tpu.memory_space<hbm>> -> memref<64xi32, #tpu.memory_space<hbm>>
    %dma_start3A_111 = arith.constant 0 : i32
    %dma_start3A_112 = tpu.memref_slice %arg23[%dma_start3A_106, %dma_start3A_111] : memref<14x64xi32, #tpu.memory_space<vmem>> -> memref<1x64xi32, #tpu.memory_space<vmem>>
    %dma_start3A_113 = tpu.memref_squeeze %dma_start3A_112 : memref<1x64xi32, #tpu.memory_space<vmem>> -> memref<64xi32, #tpu.memory_space<vmem>>
    %dma_start3A_114 = tpu.memref_slice %arg3[%add3A_101] : memref<32768xi32, #tpu.memory_space<hbm>> -> memref<64xi32, #tpu.memory_space<hbm>>
    tpu.enqueue_dma source(%dma_start3A_114 : memref<64xi32, #tpu.memory_space<hbm>>) target(%dma_start3A_113 : memref<64xi32, #tpu.memory_space<vmem>>) target_semaphore(%arg30 : memref<!tpu.dma_semaphore, #tpu.memory_space<semaphore_mem>>)
    %dma_start3A_115 = arith.constant 4 : i32
    %dma_start3A_116 = arith.constant 0 : i32
    %dma_start3A_117 = tpu.memref_slice %arg24[%dma_start3A_115, %dma_start3A_116] : memref<14x64xi32, #tpu.memory_space<vmem>> -> memref<1x64xi32, #tpu.memory_space<vmem>>
    %dma_start3A_118 = tpu.memref_squeeze %dma_start3A_117 : memref<1x64xi32, #tpu.memory_space<vmem>> -> memref<64xi32, #tpu.memory_space<vmem>>
    %dma_start3A_119 = tpu.memref_slice %arg4[%add3A_101] : memref<32768xi32, #tpu.memory_space<hbm>> -> memref<64xi32, #tpu.memory_space<hbm>>
    %dma_start3A_120 = arith.constant 0 : i32
    %dma_start3A_121 = tpu.memref_slice %arg24[%dma_start3A_115, %dma_start3A_120] : memref<14x64xi32, #tpu.memory_space<vmem>> -> memref<1x64xi32, #tpu.memory_space<vmem>>
    %dma_start3A_122 = tpu.memref_squeeze %dma_start3A_121 : memref<1x64xi32, #tpu.memory_space<vmem>> -> memref<64xi32, #tpu.memory_space<vmem>>
    %dma_start3A_123 = tpu.memref_slice %arg4[%add3A_101] : memref<32768xi32, #tpu.memory_space<hbm>> -> memref<64xi32, #tpu.memory_space<hbm>>
    tpu.enqueue_dma source(%dma_start3A_123 : memref<64xi32, #tpu.memory_space<hbm>>) target(%dma_start3A_122 : memref<64xi32, #tpu.memory_space<vmem>>) target_semaphore(%arg30 : memref<!tpu.dma_semaphore, #tpu.memory_space<semaphore_mem>>)
    %add3A_124 = arith.constant 320 : i32
    %add3A_125 = arith.addi %mul3A_2, %add3A_124 : i32
    %dma_start3A_126 = arith.constant 0 : i32
    %dma_start3A_127 = tpu.memref_slice %arg2[%add3A_125, %dma_start3A_126] : memref<32768x128xf32, #tpu.memory_space<hbm>> -> memref<64x128xf32, #tpu.memory_space<hbm>>
    %dma_start3A_128 = arith.constant 0 : i32
    %dma_start3A_129 = tpu.memref_slice %arg2[%add3A_125, %dma_start3A_128] : memref<32768x128xf32, #tpu.memory_space<hbm>> -> memref<64x128xf32, #tpu.memory_space<hbm>>
    tpu.enqueue_dma source(%dma_start3A_129 : memref<64x128xf32, #tpu.memory_space<hbm>>) target(%arg12 : memref<64x128xf32, #tpu.memory_space<vmem>>) target_semaphore(%arg31 : memref<!tpu.dma_semaphore, #tpu.memory_space<semaphore_mem>>)
    %dma_start3A_130 = arith.constant 5 : i32
    %dma_start3A_131 = arith.constant 0 : i32
    %dma_start3A_132 = tpu.memref_slice %arg23[%dma_start3A_130, %dma_start3A_131] : memref<14x64xi32, #tpu.memory_space<vmem>> -> memref<1x64xi32, #tpu.memory_space<vmem>>
    %dma_start3A_133 = tpu.memref_squeeze %dma_start3A_132 : memref<1x64xi32, #tpu.memory_space<vmem>> -> memref<64xi32, #tpu.memory_space<vmem>>
    %dma_start3A_134 = tpu.memref_slice %arg3[%add3A_125] : memref<32768xi32, #tpu.memory_space<hbm>> -> memref<64xi32, #tpu.memory_space<hbm>>
    %dma_start3A_135 = arith.constant 0 : i32
    %dma_start3A_136 = tpu.memref_slice %arg23[%dma_start3A_130, %dma_start3A_135] : memref<14x64xi32, #tpu.memory_space<vmem>> -> memref<1x64xi32, #tpu.memory_space<vmem>>
    %dma_start3A_137 = tpu.memref_squeeze %dma_start3A_136 : memref<1x64xi32, #tpu.memory_space<vmem>> -> memref<64xi32, #tpu.memory_space<vmem>>
    %dma_start3A_138 = tpu.memref_slice %arg3[%add3A_125] : memref<32768xi32, #tpu.memory_space<hbm>> -> memref<64xi32, #tpu.memory_space<hbm>>
    tpu.enqueue_dma source(%dma_start3A_138 : memref<64xi32, #tpu.memory_space<hbm>>) target(%dma_start3A_137 : memref<64xi32, #tpu.memory_space<vmem>>) target_semaphore(%arg31 : memref<!tpu.dma_semaphore, #tpu.memory_space<semaphore_mem>>)
    %dma_start3A_139 = arith.constant 5 : i32
    %dma_start3A_140 = arith.constant 0 : i32
    %dma_start3A_141 = tpu.memref_slice %arg24[%dma_start3A_139, %dma_start3A_140] : memref<14x64xi32, #tpu.memory_space<vmem>> -> memref<1x64xi32, #tpu.memory_space<vmem>>
    %dma_start3A_142 = tpu.memref_squeeze %dma_start3A_141 : memref<1x64xi32, #tpu.memory_space<vmem>> -> memref<64xi32, #tpu.memory_space<vmem>>
    %dma_start3A_143 = tpu.memref_slice %arg4[%add3A_125] : memref<32768xi32, #tpu.memory_space<hbm>> -> memref<64xi32, #tpu.memory_space<hbm>>
    %dma_start3A_144 = arith.constant 0 : i32
    %dma_start3A_145 = tpu.memref_slice %arg24[%dma_start3A_139, %dma_start3A_144] : memref<14x64xi32, #tpu.memory_space<vmem>> -> memref<1x64xi32, #tpu.memory_space<vmem>>
    %dma_start3A_146 = tpu.memref_squeeze %dma_start3A_145 : memref<1x64xi32, #tpu.memory_space<vmem>> -> memref<64xi32, #tpu.memory_space<vmem>>
    %dma_start3A_147 = tpu.memref_slice %arg4[%add3A_125] : memref<32768xi32, #tpu.memory_space<hbm>> -> memref<64xi32, #tpu.memory_space<hbm>>
    tpu.enqueue_dma source(%dma_start3A_147 : memref<64xi32, #tpu.memory_space<hbm>>) target(%dma_start3A_146 : memref<64xi32, #tpu.memory_space<vmem>>) target_semaphore(%arg31 : memref<!tpu.dma_semaphore, #tpu.memory_space<semaphore_mem>>)
    %add3A_148 = arith.constant 384 : i32
    %add3A_149 = arith.addi %mul3A_2, %add3A_148 : i32
    %dma_start3A_150 = arith.constant 0 : i32
    %dma_start3A_151 = tpu.memref_slice %arg2[%add3A_149, %dma_start3A_150] : memref<32768x128xf32, #tpu.memory_space<hbm>> -> memref<64x128xf32, #tpu.memory_space<hbm>>
    %dma_start3A_152 = arith.constant 0 : i32
    %dma_start3A_153 = tpu.memref_slice %arg2[%add3A_149, %dma_start3A_152] : memref<32768x128xf32, #tpu.memory_space<hbm>> -> memref<64x128xf32, #tpu.memory_space<hbm>>
    tpu.enqueue_dma source(%dma_start3A_153 : memref<64x128xf32, #tpu.memory_space<hbm>>) target(%arg13 : memref<64x128xf32, #tpu.memory_space<vmem>>) target_semaphore(%arg32 : memref<!tpu.dma_semaphore, #tpu.memory_space<semaphore_mem>>)
    %dma_start3A_154 = arith.constant 6 : i32
    %dma_start3A_155 = arith.constant 0 : i32
    %dma_start3A_156 = tpu.memref_slice %arg23[%dma_start3A_154, %dma_start3A_155] : memref<14x64xi32, #tpu.memory_space<vmem>> -> memref<1x64xi32, #tpu.memory_space<vmem>>
    %dma_start3A_157 = tpu.memref_squeeze %dma_start3A_156 : memref<1x64xi32, #tpu.memory_space<vmem>> -> memref<64xi32, #tpu.memory_space<vmem>>
    %dma_start3A_158 = tpu.memref_slice %arg3[%add3A_149] : memref<32768xi32, #tpu.memory_space<hbm>> -> memref<64xi32, #tpu.memory_space<hbm>>
    %dma_start3A_159 = arith.constant 0 : i32
    %dma_start3A_160 = tpu.memref_slice %arg23[%dma_start3A_154, %dma_start3A_159] : memref<14x64xi32, #tpu.memory_space<vmem>> -> memref<1x64xi32, #tpu.memory_space<vmem>>
    %dma_start3A_161 = tpu.memref_squeeze %dma_start3A_160 : memref<1x64xi32, #tpu.memory_space<vmem>> -> memref<64xi32, #tpu.memory_space<vmem>>
    %dma_start3A_162 = tpu.memref_slice %arg3[%add3A_149] : memref<32768xi32, #tpu.memory_space<hbm>> -> memref<64xi32, #tpu.memory_space<hbm>>
    tpu.enqueue_dma source(%dma_start3A_162 : memref<64xi32, #tpu.memory_space<hbm>>) target(%dma_start3A_161 : memref<64xi32, #tpu.memory_space<vmem>>) target_semaphore(%arg32 : memref<!tpu.dma_semaphore, #tpu.memory_space<semaphore_mem>>)
    %dma_start3A_163 = arith.constant 6 : i32
    %dma_start3A_164 = arith.constant 0 : i32
    %dma_start3A_165 = tpu.memref_slice %arg24[%dma_start3A_163, %dma_start3A_164] : memref<14x64xi32, #tpu.memory_space<vmem>> -> memref<1x64xi32, #tpu.memory_space<vmem>>
    %dma_start3A_166 = tpu.memref_squeeze %dma_start3A_165 : memref<1x64xi32, #tpu.memory_space<vmem>> -> memref<64xi32, #tpu.memory_space<vmem>>
    %dma_start3A_167 = tpu.memref_slice %arg4[%add3A_149] : memref<32768xi32, #tpu.memory_space<hbm>> -> memref<64xi32, #tpu.memory_space<hbm>>
    %dma_start3A_168 = arith.constant 0 : i32
    %dma_start3A_169 = tpu.memref_slice %arg24[%dma_start3A_163, %dma_start3A_168] : memref<14x64xi32, #tpu.memory_space<vmem>> -> memref<1x64xi32, #tpu.memory_space<vmem>>
    %dma_start3A_170 = tpu.memref_squeeze %dma_start3A_169 : memref<1x64xi32, #tpu.memory_space<vmem>> -> memref<64xi32, #tpu.memory_space<vmem>>
    %dma_start3A_171 = tpu.memref_slice %arg4[%add3A_149] : memref<32768xi32, #tpu.memory_space<hbm>> -> memref<64xi32, #tpu.memory_space<hbm>>
    tpu.enqueue_dma source(%dma_start3A_171 : memref<64xi32, #tpu.memory_space<hbm>>) target(%dma_start3A_170 : memref<64xi32, #tpu.memory_space<vmem>>) target_semaphore(%arg32 : memref<!tpu.dma_semaphore, #tpu.memory_space<semaphore_mem>>)
    %add3A_172 = arith.constant 448 : i32
    %add3A_173 = arith.addi %mul3A_2, %add3A_172 : i32
    %dma_start3A_174 = arith.constant 0 : i32
    %dma_start3A_175 = tpu.memref_slice %arg2[%add3A_173, %dma_start3A_174] : memref<32768x128xf32, #tpu.memory_space<hbm>> -> memref<64x128xf32, #tpu.memory_space<hbm>>
    %dma_start3A_176 = arith.constant 0 : i32
    %dma_start3A_177 = tpu.memref_slice %arg2[%add3A_173, %dma_start3A_176] : memref<32768x128xf32, #tpu.memory_space<hbm>> -> memref<64x128xf32, #tpu.memory_space<hbm>>
    tpu.enqueue_dma source(%dma_start3A_177 : memref<64x128xf32, #tpu.memory_space<hbm>>) target(%arg14 : memref<64x128xf32, #tpu.memory_space<vmem>>) target_semaphore(%arg33 : memref<!tpu.dma_semaphore, #tpu.memory_space<semaphore_mem>>)
    %dma_start3A_178 = arith.constant 7 : i32
    %dma_start3A_179 = arith.constant 0 : i32
    %dma_start3A_180 = tpu.memref_slice %arg23[%dma_start3A_178, %dma_start3A_179] : memref<14x64xi32, #tpu.memory_space<vmem>> -> memref<1x64xi32, #tpu.memory_space<vmem>>
    %dma_start3A_181 = tpu.memref_squeeze %dma_start3A_180 : memref<1x64xi32, #tpu.memory_space<vmem>> -> memref<64xi32, #tpu.memory_space<vmem>>
    %dma_start3A_182 = tpu.memref_slice %arg3[%add3A_173] : memref<32768xi32, #tpu.memory_space<hbm>> -> memref<64xi32, #tpu.memory_space<hbm>>
    %dma_start3A_183 = arith.constant 0 : i32
    %dma_start3A_184 = tpu.memref_slice %arg23[%dma_start3A_178, %dma_start3A_183] : memref<14x64xi32, #tpu.memory_space<vmem>> -> memref<1x64xi32, #tpu.memory_space<vmem>>
    %dma_start3A_185 = tpu.memref_squeeze %dma_start3A_184 : memref<1x64xi32, #tpu.memory_space<vmem>> -> memref<64xi32, #tpu.memory_space<vmem>>
    %dma_start3A_186 = tpu.memref_slice %arg3[%add3A_173] : memref<32768xi32, #tpu.memory_space<hbm>> -> memref<64xi32, #tpu.memory_space<hbm>>
    tpu.enqueue_dma source(%dma_start3A_186 : memref<64xi32, #tpu.memory_space<hbm>>) target(%dma_start3A_185 : memref<64xi32, #tpu.memory_space<vmem>>) target_semaphore(%arg33 : memref<!tpu.dma_semaphore, #tpu.memory_space<semaphore_mem>>)
    %dma_start3A_187 = arith.constant 7 : i32
    %dma_start3A_188 = arith.constant 0 : i32
    %dma_start3A_189 = tpu.memref_slice %arg24[%dma_start3A_187, %dma_start3A_188] : memref<14x64xi32, #tpu.memory_space<vmem>> -> memref<1x64xi32, #tpu.memory_space<vmem>>
    %dma_start3A_190 = tpu.memref_squeeze %dma_start3A_189 : memref<1x64xi32, #tpu.memory_space<vmem>> -> memref<64xi32, #tpu.memory_space<vmem>>
    %dma_start3A_191 = tpu.memref_slice %arg4[%add3A_173] : memref<32768xi32, #tpu.memory_space<hbm>> -> memref<64xi32, #tpu.memory_space<hbm>>
    %dma_start3A_192 = arith.constant 0 : i32
    %dma_start3A_193 = tpu.memref_slice %arg24[%dma_start3A_187, %dma_start3A_192] : memref<14x64xi32, #tpu.memory_space<vmem>> -> memref<1x64xi32, #tpu.memory_space<vmem>>
    %dma_start3A_194 = tpu.memref_squeeze %dma_start3A_193 : memref<1x64xi32, #tpu.memory_space<vmem>> -> memref<64xi32, #tpu.memory_space<vmem>>
    %dma_start3A_195 = tpu.memref_slice %arg4[%add3A_173] : memref<32768xi32, #tpu.memory_space<hbm>> -> memref<64xi32, #tpu.memory_space<hbm>>
    tpu.enqueue_dma source(%dma_start3A_195 : memref<64xi32, #tpu.memory_space<hbm>>) target(%dma_start3A_194 : memref<64xi32, #tpu.memory_space<vmem>>) target_semaphore(%arg33 : memref<!tpu.dma_semaphore, #tpu.memory_space<semaphore_mem>>)
    %add3A_196 = arith.constant 512 : i32
    %add3A_197 = arith.addi %mul3A_2, %add3A_196 : i32
    %dma_start3A_198 = arith.constant 0 : i32
    %dma_start3A_199 = tpu.memref_slice %arg2[%add3A_197, %dma_start3A_198] : memref<32768x128xf32, #tpu.memory_space<hbm>> -> memref<64x128xf32, #tpu.memory_space<hbm>>
    %dma_start3A_200 = arith.constant 0 : i32
    %dma_start3A_201 = tpu.memref_slice %arg2[%add3A_197, %dma_start3A_200] : memref<32768x128xf32, #tpu.memory_space<hbm>> -> memref<64x128xf32, #tpu.memory_space<hbm>>
    tpu.enqueue_dma source(%dma_start3A_201 : memref<64x128xf32, #tpu.memory_space<hbm>>) target(%arg15 : memref<64x128xf32, #tpu.memory_space<vmem>>) target_semaphore(%arg34 : memref<!tpu.dma_semaphore, #tpu.memory_space<semaphore_mem>>)
    %dma_start3A_202 = arith.constant 8 : i32
    %dma_start3A_203 = arith.constant 0 : i32
    %dma_start3A_204 = tpu.memref_slice %arg23[%dma_start3A_202, %dma_start3A_203] : memref<14x64xi32, #tpu.memory_space<vmem>> -> memref<1x64xi32, #tpu.memory_space<vmem>>
    %dma_start3A_205 = tpu.memref_squeeze %dma_start3A_204 : memref<1x64xi32, #tpu.memory_space<vmem>> -> memref<64xi32, #tpu.memory_space<vmem>>
    %dma_start3A_206 = tpu.memref_slice %arg3[%add3A_197] : memref<32768xi32, #tpu.memory_space<hbm>> -> memref<64xi32, #tpu.memory_space<hbm>>
    %dma_start3A_207 = arith.constant 0 : i32
    %dma_start3A_208 = tpu.memref_slice %arg23[%dma_start3A_202, %dma_start3A_207] : memref<14x64xi32, #tpu.memory_space<vmem>> -> memref<1x64xi32, #tpu.memory_space<vmem>>
    %dma_start3A_209 = tpu.memref_squeeze %dma_start3A_208 : memref<1x64xi32, #tpu.memory_space<vmem>> -> memref<64xi32, #tpu.memory_space<vmem>>
    %dma_start3A_210 = tpu.memref_slice %arg3[%add3A_197] : memref<32768xi32, #tpu.memory_space<hbm>> -> memref<64xi32, #tpu.memory_space<hbm>>
    tpu.enqueue_dma source(%dma_start3A_210 : memref<64xi32, #tpu.memory_space<hbm>>) target(%dma_start3A_209 : memref<64xi32, #tpu.memory_space<vmem>>) target_semaphore(%arg34 : memref<!tpu.dma_semaphore, #tpu.memory_space<semaphore_mem>>)
    %dma_start3A_211 = arith.constant 8 : i32
    %dma_start3A_212 = arith.constant 0 : i32
    %dma_start3A_213 = tpu.memref_slice %arg24[%dma_start3A_211, %dma_start3A_212] : memref<14x64xi32, #tpu.memory_space<vmem>> -> memref<1x64xi32, #tpu.memory_space<vmem>>
    %dma_start3A_214 = tpu.memref_squeeze %dma_start3A_213 : memref<1x64xi32, #tpu.memory_space<vmem>> -> memref<64xi32, #tpu.memory_space<vmem>>
    %dma_start3A_215 = tpu.memref_slice %arg4[%add3A_197] : memref<32768xi32, #tpu.memory_space<hbm>> -> memref<64xi32, #tpu.memory_space<hbm>>
    %dma_start3A_216 = arith.constant 0 : i32
    %dma_start3A_217 = tpu.memref_slice %arg24[%dma_start3A_211, %dma_start3A_216] : memref<14x64xi32, #tpu.memory_space<vmem>> -> memref<1x64xi32, #tpu.memory_space<vmem>>
    %dma_start3A_218 = tpu.memref_squeeze %dma_start3A_217 : memref<1x64xi32, #tpu.memory_space<vmem>> -> memref<64xi32, #tpu.memory_space<vmem>>
    %dma_start3A_219 = tpu.memref_slice %arg4[%add3A_197] : memref<32768xi32, #tpu.memory_space<hbm>> -> memref<64xi32, #tpu.memory_space<hbm>>
    tpu.enqueue_dma source(%dma_start3A_219 : memref<64xi32, #tpu.memory_space<hbm>>) target(%dma_start3A_218 : memref<64xi32, #tpu.memory_space<vmem>>) target_semaphore(%arg34 : memref<!tpu.dma_semaphore, #tpu.memory_space<semaphore_mem>>)
    %add3A_220 = arith.constant 576 : i32
    %add3A_221 = arith.addi %mul3A_2, %add3A_220 : i32
    %dma_start3A_222 = arith.constant 0 : i32
    %dma_start3A_223 = tpu.memref_slice %arg2[%add3A_221, %dma_start3A_222] : memref<32768x128xf32, #tpu.memory_space<hbm>> -> memref<64x128xf32, #tpu.memory_space<hbm>>
    %dma_start3A_224 = arith.constant 0 : i32
    %dma_start3A_225 = tpu.memref_slice %arg2[%add3A_221, %dma_start3A_224] : memref<32768x128xf32, #tpu.memory_space<hbm>> -> memref<64x128xf32, #tpu.memory_space<hbm>>
    tpu.enqueue_dma source(%dma_start3A_225 : memref<64x128xf32, #tpu.memory_space<hbm>>) target(%arg16 : memref<64x128xf32, #tpu.memory_space<vmem>>) target_semaphore(%arg35 : memref<!tpu.dma_semaphore, #tpu.memory_space<semaphore_mem>>)
    %dma_start3A_226 = arith.constant 9 : i32
    %dma_start3A_227 = arith.constant 0 : i32
    %dma_start3A_228 = tpu.memref_slice %arg23[%dma_start3A_226, %dma_start3A_227] : memref<14x64xi32, #tpu.memory_space<vmem>> -> memref<1x64xi32, #tpu.memory_space<vmem>>
    %dma_start3A_229 = tpu.memref_squeeze %dma_start3A_228 : memref<1x64xi32, #tpu.memory_space<vmem>> -> memref<64xi32, #tpu.memory_space<vmem>>
    %dma_start3A_230 = tpu.memref_slice %arg3[%add3A_221] : memref<32768xi32, #tpu.memory_space<hbm>> -> memref<64xi32, #tpu.memory_space<hbm>>
    %dma_start3A_231 = arith.constant 0 : i32
    %dma_start3A_232 = tpu.memref_slice %arg23[%dma_start3A_226, %dma_start3A_231] : memref<14x64xi32, #tpu.memory_space<vmem>> -> memref<1x64xi32, #tpu.memory_space<vmem>>
    %dma_start3A_233 = tpu.memref_squeeze %dma_start3A_232 : memref<1x64xi32, #tpu.memory_space<vmem>> -> memref<64xi32, #tpu.memory_space<vmem>>
    %dma_start3A_234 = tpu.memref_slice %arg3[%add3A_221] : memref<32768xi32, #tpu.memory_space<hbm>> -> memref<64xi32, #tpu.memory_space<hbm>>
    tpu.enqueue_dma source(%dma_start3A_234 : memref<64xi32, #tpu.memory_space<hbm>>) target(%dma_start3A_233 : memref<64xi32, #tpu.memory_space<vmem>>) target_semaphore(%arg35 : memref<!tpu.dma_semaphore, #tpu.memory_space<semaphore_mem>>)
    %dma_start3A_235 = arith.constant 9 : i32
    %dma_start3A_236 = arith.constant 0 : i32
    %dma_start3A_237 = tpu.memref_slice %arg24[%dma_start3A_235, %dma_start3A_236] : memref<14x64xi32, #tpu.memory_space<vmem>> -> memref<1x64xi32, #tpu.memory_space<vmem>>
    %dma_start3A_238 = tpu.memref_squeeze %dma_start3A_237 : memref<1x64xi32, #tpu.memory_space<vmem>> -> memref<64xi32, #tpu.memory_space<vmem>>
    %dma_start3A_239 = tpu.memref_slice %arg4[%add3A_221] : memref<32768xi32, #tpu.memory_space<hbm>> -> memref<64xi32, #tpu.memory_space<hbm>>
    %dma_start3A_240 = arith.constant 0 : i32
    %dma_start3A_241 = tpu.memref_slice %arg24[%dma_start3A_235, %dma_start3A_240] : memref<14x64xi32, #tpu.memory_space<vmem>> -> memref<1x64xi32, #tpu.memory_space<vmem>>
    %dma_start3A_242 = tpu.memref_squeeze %dma_start3A_241 : memref<1x64xi32, #tpu.memory_space<vmem>> -> memref<64xi32, #tpu.memory_space<vmem>>
    %dma_start3A_243 = tpu.memref_slice %arg4[%add3A_221] : memref<32768xi32, #tpu.memory_space<hbm>> -> memref<64xi32, #tpu.memory_space<hbm>>
    tpu.enqueue_dma source(%dma_start3A_243 : memref<64xi32, #tpu.memory_space<hbm>>) target(%dma_start3A_242 : memref<64xi32, #tpu.memory_space<vmem>>) target_semaphore(%arg35 : memref<!tpu.dma_semaphore, #tpu.memory_space<semaphore_mem>>)
    %add3A_244 = arith.constant 640 : i32
    %add3A_245 = arith.addi %mul3A_2, %add3A_244 : i32
    %dma_start3A_246 = arith.constant 0 : i32
    %dma_start3A_247 = tpu.memref_slice %arg2[%add3A_245, %dma_start3A_246] : memref<32768x128xf32, #tpu.memory_space<hbm>> -> memref<64x128xf32, #tpu.memory_space<hbm>>
    %dma_start3A_248 = arith.constant 0 : i32
    %dma_start3A_249 = tpu.memref_slice %arg2[%add3A_245, %dma_start3A_248] : memref<32768x128xf32, #tpu.memory_space<hbm>> -> memref<64x128xf32, #tpu.memory_space<hbm>>
    tpu.enqueue_dma source(%dma_start3A_249 : memref<64x128xf32, #tpu.memory_space<hbm>>) target(%arg17 : memref<64x128xf32, #tpu.memory_space<vmem>>) target_semaphore(%arg36 : memref<!tpu.dma_semaphore, #tpu.memory_space<semaphore_mem>>)
    %dma_start3A_250 = arith.constant 10 : i32
    %dma_start3A_251 = arith.constant 0 : i32
    %dma_start3A_252 = tpu.memref_slice %arg23[%dma_start3A_250, %dma_start3A_251] : memref<14x64xi32, #tpu.memory_space<vmem>> -> memref<1x64xi32, #tpu.memory_space<vmem>>
    %dma_start3A_253 = tpu.memref_squeeze %dma_start3A_252 : memref<1x64xi32, #tpu.memory_space<vmem>> -> memref<64xi32, #tpu.memory_space<vmem>>
    %dma_start3A_254 = tpu.memref_slice %arg3[%add3A_245] : memref<32768xi32, #tpu.memory_space<hbm>> -> memref<64xi32, #tpu.memory_space<hbm>>
    %dma_start3A_255 = arith.constant 0 : i32
    %dma_start3A_256 = tpu.memref_slice %arg23[%dma_start3A_250, %dma_start3A_255] : memref<14x64xi32, #tpu.memory_space<vmem>> -> memref<1x64xi32, #tpu.memory_space<vmem>>
    %dma_start3A_257 = tpu.memref_squeeze %dma_start3A_256 : memref<1x64xi32, #tpu.memory_space<vmem>> -> memref<64xi32, #tpu.memory_space<vmem>>
    %dma_start3A_258 = tpu.memref_slice %arg3[%add3A_245] : memref<32768xi32, #tpu.memory_space<hbm>> -> memref<64xi32, #tpu.memory_space<hbm>>
    tpu.enqueue_dma source(%dma_start3A_258 : memref<64xi32, #tpu.memory_space<hbm>>) target(%dma_start3A_257 : memref<64xi32, #tpu.memory_space<vmem>>) target_semaphore(%arg36 : memref<!tpu.dma_semaphore, #tpu.memory_space<semaphore_mem>>)
    %dma_start3A_259 = arith.constant 10 : i32
    %dma_start3A_260 = arith.constant 0 : i32
    %dma_start3A_261 = tpu.memref_slice %arg24[%dma_start3A_259, %dma_start3A_260] : memref<14x64xi32, #tpu.memory_space<vmem>> -> memref<1x64xi32, #tpu.memory_space<vmem>>
    %dma_start3A_262 = tpu.memref_squeeze %dma_start3A_261 : memref<1x64xi32, #tpu.memory_space<vmem>> -> memref<64xi32, #tpu.memory_space<vmem>>
    %dma_start3A_263 = tpu.memref_slice %arg4[%add3A_245] : memref<32768xi32, #tpu.memory_space<hbm>> -> memref<64xi32, #tpu.memory_space<hbm>>
    %dma_start3A_264 = arith.constant 0 : i32
    %dma_start3A_265 = tpu.memref_slice %arg24[%dma_start3A_259, %dma_start3A_264] : memref<14x64xi32, #tpu.memory_space<vmem>> -> memref<1x64xi32, #tpu.memory_space<vmem>>
    %dma_start3A_266 = tpu.memref_squeeze %dma_start3A_265 : memref<1x64xi32, #tpu.memory_space<vmem>> -> memref<64xi32, #tpu.memory_space<vmem>>
    %dma_start3A_267 = tpu.memref_slice %arg4[%add3A_245] : memref<32768xi32, #tpu.memory_space<hbm>> -> memref<64xi32, #tpu.memory_space<hbm>>
    tpu.enqueue_dma source(%dma_start3A_267 : memref<64xi32, #tpu.memory_space<hbm>>) target(%dma_start3A_266 : memref<64xi32, #tpu.memory_space<vmem>>) target_semaphore(%arg36 : memref<!tpu.dma_semaphore, #tpu.memory_space<semaphore_mem>>)
    %add3A_268 = arith.constant 704 : i32
    %add3A_269 = arith.addi %mul3A_2, %add3A_268 : i32
    %dma_start3A_270 = arith.constant 0 : i32
    %dma_start3A_271 = tpu.memref_slice %arg2[%add3A_269, %dma_start3A_270] : memref<32768x128xf32, #tpu.memory_space<hbm>> -> memref<64x128xf32, #tpu.memory_space<hbm>>
    %dma_start3A_272 = arith.constant 0 : i32
    %dma_start3A_273 = tpu.memref_slice %arg2[%add3A_269, %dma_start3A_272] : memref<32768x128xf32, #tpu.memory_space<hbm>> -> memref<64x128xf32, #tpu.memory_space<hbm>>
    tpu.enqueue_dma source(%dma_start3A_273 : memref<64x128xf32, #tpu.memory_space<hbm>>) target(%arg18 : memref<64x128xf32, #tpu.memory_space<vmem>>) target_semaphore(%arg37 : memref<!tpu.dma_semaphore, #tpu.memory_space<semaphore_mem>>)
    %dma_start3A_274 = arith.constant 11 : i32
    %dma_start3A_275 = arith.constant 0 : i32
    %dma_start3A_276 = tpu.memref_slice %arg23[%dma_start3A_274, %dma_start3A_275] : memref<14x64xi32, #tpu.memory_space<vmem>> -> memref<1x64xi32, #tpu.memory_space<vmem>>
    %dma_start3A_277 = tpu.memref_squeeze %dma_start3A_276 : memref<1x64xi32, #tpu.memory_space<vmem>> -> memref<64xi32, #tpu.memory_space<vmem>>
    %dma_start3A_278 = tpu.memref_slice %arg3[%add3A_269] : memref<32768xi32, #tpu.memory_space<hbm>> -> memref<64xi32, #tpu.memory_space<hbm>>
    %dma_start3A_279 = arith.constant 0 : i32
    %dma_start3A_280 = tpu.memref_slice %arg23[%dma_start3A_274, %dma_start3A_279] : memref<14x64xi32, #tpu.memory_space<vmem>> -> memref<1x64xi32, #tpu.memory_space<vmem>>
    %dma_start3A_281 = tpu.memref_squeeze %dma_start3A_280 : memref<1x64xi32, #tpu.memory_space<vmem>> -> memref<64xi32, #tpu.memory_space<vmem>>
    %dma_start3A_282 = tpu.memref_slice %arg3[%add3A_269] : memref<32768xi32, #tpu.memory_space<hbm>> -> memref<64xi32, #tpu.memory_space<hbm>>
    tpu.enqueue_dma source(%dma_start3A_282 : memref<64xi32, #tpu.memory_space<hbm>>) target(%dma_start3A_281 : memref<64xi32, #tpu.memory_space<vmem>>) target_semaphore(%arg37 : memref<!tpu.dma_semaphore, #tpu.memory_space<semaphore_mem>>)
    %dma_start3A_283 = arith.constant 11 : i32
    %dma_start3A_284 = arith.constant 0 : i32
    %dma_start3A_285 = tpu.memref_slice %arg24[%dma_start3A_283, %dma_start3A_284] : memref<14x64xi32, #tpu.memory_space<vmem>> -> memref<1x64xi32, #tpu.memory_space<vmem>>
    %dma_start3A_286 = tpu.memref_squeeze %dma_start3A_285 : memref<1x64xi32, #tpu.memory_space<vmem>> -> memref<64xi32, #tpu.memory_space<vmem>>
    %dma_start3A_287 = tpu.memref_slice %arg4[%add3A_269] : memref<32768xi32, #tpu.memory_space<hbm>> -> memref<64xi32, #tpu.memory_space<hbm>>
    %dma_start3A_288 = arith.constant 0 : i32
    %dma_start3A_289 = tpu.memref_slice %arg24[%dma_start3A_283, %dma_start3A_288] : memref<14x64xi32, #tpu.memory_space<vmem>> -> memref<1x64xi32, #tpu.memory_space<vmem>>
    %dma_start3A_290 = tpu.memref_squeeze %dma_start3A_289 : memref<1x64xi32, #tpu.memory_space<vmem>> -> memref<64xi32, #tpu.memory_space<vmem>>
    %dma_start3A_291 = tpu.memref_slice %arg4[%add3A_269] : memref<32768xi32, #tpu.memory_space<hbm>> -> memref<64xi32, #tpu.memory_space<hbm>>
    tpu.enqueue_dma source(%dma_start3A_291 : memref<64xi32, #tpu.memory_space<hbm>>) target(%dma_start3A_290 : memref<64xi32, #tpu.memory_space<vmem>>) target_semaphore(%arg37 : memref<!tpu.dma_semaphore, #tpu.memory_space<semaphore_mem>>)
    %add3A_292 = arith.constant 768 : i32
    %add3A_293 = arith.addi %mul3A_2, %add3A_292 : i32
    %dma_start3A_294 = arith.constant 0 : i32
    %dma_start3A_295 = tpu.memref_slice %arg2[%add3A_293, %dma_start3A_294] : memref<32768x128xf32, #tpu.memory_space<hbm>> -> memref<64x128xf32, #tpu.memory_space<hbm>>
    %dma_start3A_296 = arith.constant 0 : i32
    %dma_start3A_297 = tpu.memref_slice %arg2[%add3A_293, %dma_start3A_296] : memref<32768x128xf32, #tpu.memory_space<hbm>> -> memref<64x128xf32, #tpu.memory_space<hbm>>
    tpu.enqueue_dma source(%dma_start3A_297 : memref<64x128xf32, #tpu.memory_space<hbm>>) target(%arg19 : memref<64x128xf32, #tpu.memory_space<vmem>>) target_semaphore(%arg38 : memref<!tpu.dma_semaphore, #tpu.memory_space<semaphore_mem>>)
    %dma_start3A_298 = arith.constant 12 : i32
    %dma_start3A_299 = arith.constant 0 : i32
    %dma_start3A_300 = tpu.memref_slice %arg23[%dma_start3A_298, %dma_start3A_299] : memref<14x64xi32, #tpu.memory_space<vmem>> -> memref<1x64xi32, #tpu.memory_space<vmem>>
    %dma_start3A_301 = tpu.memref_squeeze %dma_start3A_300 : memref<1x64xi32, #tpu.memory_space<vmem>> -> memref<64xi32, #tpu.memory_space<vmem>>
    %dma_start3A_302 = tpu.memref_slice %arg3[%add3A_293] : memref<32768xi32, #tpu.memory_space<hbm>> -> memref<64xi32, #tpu.memory_space<hbm>>
    %dma_start3A_303 = arith.constant 0 : i32
    %dma_start3A_304 = tpu.memref_slice %arg23[%dma_start3A_298, %dma_start3A_303] : memref<14x64xi32, #tpu.memory_space<vmem>> -> memref<1x64xi32, #tpu.memory_space<vmem>>
    %dma_start3A_305 = tpu.memref_squeeze %dma_start3A_304 : memref<1x64xi32, #tpu.memory_space<vmem>> -> memref<64xi32, #tpu.memory_space<vmem>>
    %dma_start3A_306 = tpu.memref_slice %arg3[%add3A_293] : memref<32768xi32, #tpu.memory_space<hbm>> -> memref<64xi32, #tpu.memory_space<hbm>>
    tpu.enqueue_dma source(%dma_start3A_306 : memref<64xi32, #tpu.memory_space<hbm>>) target(%dma_start3A_305 : memref<64xi32, #tpu.memory_space<vmem>>) target_semaphore(%arg38 : memref<!tpu.dma_semaphore, #tpu.memory_space<semaphore_mem>>)
    %dma_start3A_307 = arith.constant 12 : i32
    %dma_start3A_308 = arith.constant 0 : i32
    %dma_start3A_309 = tpu.memref_slice %arg24[%dma_start3A_307, %dma_start3A_308] : memref<14x64xi32, #tpu.memory_space<vmem>> -> memref<1x64xi32, #tpu.memory_space<vmem>>
    %dma_start3A_310 = tpu.memref_squeeze %dma_start3A_309 : memref<1x64xi32, #tpu.memory_space<vmem>> -> memref<64xi32, #tpu.memory_space<vmem>>
    %dma_start3A_311 = tpu.memref_slice %arg4[%add3A_293] : memref<32768xi32, #tpu.memory_space<hbm>> -> memref<64xi32, #tpu.memory_space<hbm>>
    %dma_start3A_312 = arith.constant 0 : i32
    %dma_start3A_313 = tpu.memref_slice %arg24[%dma_start3A_307, %dma_start3A_312] : memref<14x64xi32, #tpu.memory_space<vmem>> -> memref<1x64xi32, #tpu.memory_space<vmem>>
    %dma_start3A_314 = tpu.memref_squeeze %dma_start3A_313 : memref<1x64xi32, #tpu.memory_space<vmem>> -> memref<64xi32, #tpu.memory_space<vmem>>
    %dma_start3A_315 = tpu.memref_slice %arg4[%add3A_293] : memref<32768xi32, #tpu.memory_space<hbm>> -> memref<64xi32, #tpu.memory_space<hbm>>
    tpu.enqueue_dma source(%dma_start3A_315 : memref<64xi32, #tpu.memory_space<hbm>>) target(%dma_start3A_314 : memref<64xi32, #tpu.memory_space<vmem>>) target_semaphore(%arg38 : memref<!tpu.dma_semaphore, #tpu.memory_space<semaphore_mem>>)
    %dma_wait3A = arith.constant 0 : i32
    %dma_wait3A_316 = tpu.memref_slice %arg2[%add3A_6, %dma_wait3A] : memref<32768x128xf32, #tpu.memory_space<hbm>> -> memref<64x128xf32, #tpu.memory_space<hbm>>
    %dma_wait3A_317 = arith.constant 0 : i32
    %dma_wait3A_318 = tpu.memref_slice %arg2[%add3A_6, %dma_wait3A_317] : memref<32768x128xf32, #tpu.memory_space<hbm>> -> memref<64x128xf32, #tpu.memory_space<hbm>>
    tpu.wait_dma2 semaphore(%arg26 : memref<!tpu.dma_semaphore, #tpu.memory_space<semaphore_mem>>) src(%dma_wait3A_318 : memref<64x128xf32, #tpu.memory_space<hbm>>) dst(%arg7 : memref<64x128xf32, #tpu.memory_space<vmem>>)
    %dma_wait3A_319 = arith.constant 0 : i32
    %dma_wait3A_320 = arith.constant 0 : i32
    %dma_wait3A_321 = tpu.memref_slice %arg23[%dma_wait3A_319, %dma_wait3A_320] : memref<14x64xi32, #tpu.memory_space<vmem>> -> memref<1x64xi32, #tpu.memory_space<vmem>>
    %dma_wait3A_322 = tpu.memref_squeeze %dma_wait3A_321 : memref<1x64xi32, #tpu.memory_space<vmem>> -> memref<64xi32, #tpu.memory_space<vmem>>
    %dma_wait3A_323 = tpu.memref_slice %arg3[%add3A_6] : memref<32768xi32, #tpu.memory_space<hbm>> -> memref<64xi32, #tpu.memory_space<hbm>>
    %dma_wait3A_324 = arith.constant 0 : i32
    %dma_wait3A_325 = tpu.memref_slice %arg23[%dma_wait3A_319, %dma_wait3A_324] : memref<14x64xi32, #tpu.memory_space<vmem>> -> memref<1x64xi32, #tpu.memory_space<vmem>>
    %dma_wait3A_326 = tpu.memref_squeeze %dma_wait3A_325 : memref<1x64xi32, #tpu.memory_space<vmem>> -> memref<64xi32, #tpu.memory_space<vmem>>
    %dma_wait3A_327 = tpu.memref_slice %arg3[%add3A_6] : memref<32768xi32, #tpu.memory_space<hbm>> -> memref<64xi32, #tpu.memory_space<hbm>>
    tpu.wait_dma2 semaphore(%arg26 : memref<!tpu.dma_semaphore, #tpu.memory_space<semaphore_mem>>) src(%dma_wait3A_327 : memref<64xi32, #tpu.memory_space<hbm>>) dst(%dma_wait3A_326 : memref<64xi32, #tpu.memory_space<vmem>>)
    %dma_wait3A_328 = arith.constant 0 : i32
    %dma_wait3A_329 = arith.constant 0 : i32
    %dma_wait3A_330 = tpu.memref_slice %arg24[%dma_wait3A_328, %dma_wait3A_329] : memref<14x64xi32, #tpu.memory_space<vmem>> -> memref<1x64xi32, #tpu.memory_space<vmem>>
    %dma_wait3A_331 = tpu.memref_squeeze %dma_wait3A_330 : memref<1x64xi32, #tpu.memory_space<vmem>> -> memref<64xi32, #tpu.memory_space<vmem>>
    %dma_wait3A_332 = tpu.memref_slice %arg4[%add3A_6] : memref<32768xi32, #tpu.memory_space<hbm>> -> memref<64xi32, #tpu.memory_space<hbm>>
    %dma_wait3A_333 = arith.constant 0 : i32
    %dma_wait3A_334 = tpu.memref_slice %arg24[%dma_wait3A_328, %dma_wait3A_333] : memref<14x64xi32, #tpu.memory_space<vmem>> -> memref<1x64xi32, #tpu.memory_space<vmem>>
    %dma_wait3A_335 = tpu.memref_squeeze %dma_wait3A_334 : memref<1x64xi32, #tpu.memory_space<vmem>> -> memref<64xi32, #tpu.memory_space<vmem>>
    %dma_wait3A_336 = tpu.memref_slice %arg4[%add3A_6] : memref<32768xi32, #tpu.memory_space<hbm>> -> memref<64xi32, #tpu.memory_space<hbm>>
    tpu.wait_dma2 semaphore(%arg26 : memref<!tpu.dma_semaphore, #tpu.memory_space<semaphore_mem>>) src(%dma_wait3A_336 : memref<64xi32, #tpu.memory_space<hbm>>) dst(%dma_wait3A_335 : memref<64xi32, #tpu.memory_space<vmem>>)
    %eq3A_337 = arith.constant 0 : i32
    %eq3A_338 = arith.cmpi eq, %arg1, %eq3A_337 : i32
    %convert_element_type3A_339 = arith.extui %eq3A_338 : i1 to i32
    %cond3A_340 = arith.constant 0 : i32
    %cond3A_341 = arith.cmpi ne, %convert_element_type3A_339, %cond3A_340 : i32
    scf.if %cond3A_341 {
      tpu.wait_dma2 semaphore(%arg54 : memref<!tpu.dma_semaphore, #tpu.memory_space<semaphore_mem>>) src(%arg5 : memref<2x128xf32, #tpu.memory_space<hbm>>) dst(%arg25 : memref<2x128xf32, #tpu.memory_space<vmem_shared>>)
    } else {
    }
    %barrier3A = arith.constant 0 : index
    tpu.barrier barrier_id(%barrier3A)
    %get3A = arith.constant 0 : i32
    %get3A_342 = arith.index_cast %get3A : i32 to index
    %get3A_343 = arith.constant 0 : index
    %get3A_344 = tpu.vector_load %arg23[%get3A_342, %get3A_343] {strides = array<i32>} : memref<14x64xi32, #tpu.memory_space<vmem>>, vector<16xi32>,
    %get3A_345 = arith.constant 0 : i32
    %get3A_346 = arith.index_cast %get3A_345 : i32 to index
    %get3A_347 = arith.constant 0 : index
    %get3A_348 = tpu.vector_load %arg24[%get3A_346, %get3A_347] {strides = array<i32>} : memref<14x64xi32, #tpu.memory_space<vmem>>, vector<16xi32>,
    %ne3A = arith.constant 0 : i32
    %ne3A_349 = vector.broadcast %ne3A : i32 to vector<16xi32>
    %ne3A_350 = arith.cmpi ne, %get3A_348, %ne3A_349 : vector<16xi32>
    %ge3A = arith.constant 94 : i32
    %ge3A_351 = vector.broadcast %ge3A : i32 to vector<16xi32>
    %ge3A_352 = arith.cmpi sge, %get3A_344, %ge3A_351 : vector<16xi32>
    %jit3A = arith.constant 1 : i32
    %jit3A_353 = arith.constant 0 : i32
    %broadcast_in_dim3A = vector.broadcast %jit3A : i32 to vector<16xi32>
    %broadcast_in_dim3A_354 = vector.broadcast %jit3A_353 : i32 to vector<16xi32>
    %select_n3A = arith.select %ge3A_352, %broadcast_in_dim3A, %broadcast_in_dim3A_354 : vector<16xi1>, vector<16xi32>
    %jit3A_355 = arith.constant -1 : i32
    %broadcast_in_dim3A_356 = vector.broadcast %jit3A_355 : i32 to vector<16xi32>
    %select_n3A_357 = arith.select %ne3A_350, %select_n3A, %broadcast_in_dim3A_356 : vector<16xi1>, vector<16xi32>
    %swap3A = arith.constant 0 : index
    %swap3A_358 = tpu.vector_load %arg21[%swap3A] {strides = array<i32>} : memref<64xi32, #tpu.memory_space<vmem>>, vector<16xi32>,
    tpu.vector_store %arg21[%swap3A], %select_n3A_357 {strides = array<i32>} : memref<64xi32, #tpu.memory_space<vmem>>, vector<16xi32>,
    %get3A_359 = arith.constant 0 : i32
    %get3A_360 = arith.index_cast %get3A_359 : i32 to index
    %get3A_361 = arith.constant 16 : index
    %get3A_362 = tpu.vector_load %arg23[%get3A_360, %get3A_361] {strides = array<i32>} : memref<14x64xi32, #tpu.memory_space<vmem>>, vector<16xi32>,
    %get3A_363 = arith.constant 0 : i32
    %get3A_364 = arith.index_cast %get3A_363 : i32 to index
    %get3A_365 = arith.constant 16 : index
    %get3A_366 = tpu.vector_load %arg24[%get3A_364, %get3A_365] {strides = array<i32>} : memref<14x64xi32, #tpu.memory_space<vmem>>, vector<16xi32>,
    %ne3A_367 = arith.constant 0 : i32
    %ne3A_368 = vector.broadcast %ne3A_367 : i32 to vector<16xi32>
    %ne3A_369 = arith.cmpi ne, %get3A_366, %ne3A_368 : vector<16xi32>
    %ge3A_370 = arith.constant 94 : i32
    %ge3A_371 = vector.broadcast %ge3A_370 : i32 to vector<16xi32>
    %ge3A_372 = arith.cmpi sge, %get3A_362, %ge3A_371 : vector<16xi32>
    %jit3A_373 = arith.constant 1 : i32
    %jit3A_374 = arith.constant 0 : i32
    %broadcast_in_dim3A_375 = vector.broadcast %jit3A_373 : i32 to vector<16xi32>
    %broadcast_in_dim3A_376 = vector.broadcast %jit3A_374 : i32 to vector<16xi32>
    %select_n3A_377 = arith.select %ge3A_372, %broadcast_in_dim3A_375, %broadcast_in_dim3A_376 : vector<16xi1>, vector<16xi32>
    %jit3A_378 = arith.constant -1 : i32
    %broadcast_in_dim3A_379 = vector.broadcast %jit3A_378 : i32 to vector<16xi32>
    %select_n3A_380 = arith.select %ne3A_369, %select_n3A_377, %broadcast_in_dim3A_379 : vector<16xi1>, vector<16xi32>
    %swap3A_381 = arith.constant 16 : index
    %swap3A_382 = tpu.vector_load %arg21[%swap3A_381] {strides = array<i32>} : memref<64xi32, #tpu.memory_space<vmem>>, vector<16xi32>,
    tpu.vector_store %arg21[%swap3A_381], %select_n3A_380 {strides = array<i32>} : memref<64xi32, #tpu.memory_space<vmem>>, vector<16xi32>,
    %get3A_383 = arith.constant 0 : i32
    %get3A_384 = arith.index_cast %get3A_383 : i32 to index
    %get3A_385 = arith.constant 32 : index
    %get3A_386 = tpu.vector_load %arg23[%get3A_384, %get3A_385] {strides = array<i32>} : memref<14x64xi32, #tpu.memory_space<vmem>>, vector<16xi32>,
    %get3A_387 = arith.constant 0 : i32
    %get3A_388 = arith.index_cast %get3A_387 : i32 to index
    %get3A_389 = arith.constant 32 : index
    %get3A_390 = tpu.vector_load %arg24[%get3A_388, %get3A_389] {strides = array<i32>} : memref<14x64xi32, #tpu.memory_space<vmem>>, vector<16xi32>,
    %ne3A_391 = arith.constant 0 : i32
    %ne3A_392 = vector.broadcast %ne3A_391 : i32 to vector<16xi32>
    %ne3A_393 = arith.cmpi ne, %get3A_390, %ne3A_392 : vector<16xi32>
    %ge3A_394 = arith.constant 94 : i32
    %ge3A_395 = vector.broadcast %ge3A_394 : i32 to vector<16xi32>
    %ge3A_396 = arith.cmpi sge, %get3A_386, %ge3A_395 : vector<16xi32>
    %jit3A_397 = arith.constant 1 : i32
    %jit3A_398 = arith.constant 0 : i32
    %broadcast_in_dim3A_399 = vector.broadcast %jit3A_397 : i32 to vector<16xi32>
    %broadcast_in_dim3A_400 = vector.broadcast %jit3A_398 : i32 to vector<16xi32>
    %select_n3A_401 = arith.select %ge3A_396, %broadcast_in_dim3A_399, %broadcast_in_dim3A_400 : vector<16xi1>, vector<16xi32>
    %jit3A_402 = arith.constant -1 : i32
    %broadcast_in_dim3A_403 = vector.broadcast %jit3A_402 : i32 to vector<16xi32>
    %select_n3A_404 = arith.select %ne3A_393, %select_n3A_401, %broadcast_in_dim3A_403 : vector<16xi1>, vector<16xi32>
    %swap3A_405 = arith.constant 32 : index
    %swap3A_406 = tpu.vector_load %arg21[%swap3A_405] {strides = array<i32>} : memref<64xi32, #tpu.memory_space<vmem>>, vector<16xi32>,
    tpu.vector_store %arg21[%swap3A_405], %select_n3A_404 {strides = array<i32>} : memref<64xi32, #tpu.memory_space<vmem>>, vector<16xi32>,
    %get3A_407 = arith.constant 0 : i32
    %get3A_408 = arith.index_cast %get3A_407 : i32 to index
    %get3A_409 = arith.constant 48 : index
    %get3A_410 = tpu.vector_load %arg23[%get3A_408, %get3A_409] {strides = array<i32>} : memref<14x64xi32, #tpu.memory_space<vmem>>, vector<16xi32>,
    %get3A_411 = arith.constant 0 : i32
    %get3A_412 = arith.index_cast %get3A_411 : i32 to index
    %get3A_413 = arith.constant 48 : index
    %get3A_414 = tpu.vector_load %arg24[%get3A_412, %get3A_413] {strides = array<i32>} : memref<14x64xi32, #tpu.memory_space<vmem>>, vector<16xi32>,
    %ne3A_415 = arith.constant 0 : i32
    %ne3A_416 = vector.broadcast %ne3A_415 : i32 to vector<16xi32>
    %ne3A_417 = arith.cmpi ne, %get3A_414, %ne3A_416 : vector<16xi32>
    %ge3A_418 = arith.constant 94 : i32
    %ge3A_419 = vector.broadcast %ge3A_418 : i32 to vector<16xi32>
    %ge3A_420 = arith.cmpi sge, %get3A_410, %ge3A_419 : vector<16xi32>
    %jit3A_421 = arith.constant 1 : i32
    %jit3A_422 = arith.constant 0 : i32
    %broadcast_in_dim3A_423 = vector.broadcast %jit3A_421 : i32 to vector<16xi32>
    %broadcast_in_dim3A_424 = vector.broadcast %jit3A_422 : i32 to vector<16xi32>
    %select_n3A_425 = arith.select %ge3A_420, %broadcast_in_dim3A_423, %broadcast_in_dim3A_424 : vector<16xi1>, vector<16xi32>
    %jit3A_426 = arith.constant -1 : i32
    %broadcast_in_dim3A_427 = vector.broadcast %jit3A_426 : i32 to vector<16xi32>
    %select_n3A_428 = arith.select %ne3A_417, %select_n3A_425, %broadcast_in_dim3A_427 : vector<16xi1>, vector<16xi32>
    %swap3A_429 = arith.constant 48 : index
    %swap3A_430 = tpu.vector_load %arg21[%swap3A_429] {strides = array<i32>} : memref<64xi32, #tpu.memory_space<vmem>>, vector<16xi32>,
    tpu.vector_store %arg21[%swap3A_429], %select_n3A_428 {strides = array<i32>} : memref<64xi32, #tpu.memory_space<vmem>>, vector<16xi32>,
    %dma_start3A_431 = arith.constant 0 : i32
    %dma_start3A_432 = arith.constant 0 : i32
    %dma_start3A_433 = tpu.memref_slice %arg25[%dma_start3A_431, %dma_start3A_432] : memref<2x128xf32, #tpu.memory_space<vmem_shared>> -> memref<2x128xf32, #tpu.memory_space<vmem_shared>>
    %dma_start3A_434 = arith.constant -1 : i32
    tpu.enqueue_indirect_dma source(%dma_start3A_433 : memref<2x128xf32, #tpu.memory_space<vmem_shared>>) target(%arg7 : memref<64x128xf32, #tpu.memory_space<vmem>>) offsets(%arg21 : memref<64xi32, #tpu.memory_space<vmem>>) offset_filter(%dma_start3A_434) semaphore(%arg55 : memref<!tpu.dma_semaphore, #tpu.memory_space<semaphore_mem>>) {add = true}
    %dma_wait3A_435 = arith.constant 0 : i32
    %dma_wait3A_436 = tpu.memref_slice %arg2[%add3A_29, %dma_wait3A_435] : memref<32768x128xf32, #tpu.memory_space<hbm>> -> memref<64x128xf32, #tpu.memory_space<hbm>>
    %dma_wait3A_437 = arith.constant 0 : i32
    %dma_wait3A_438 = tpu.memref_slice %arg2[%add3A_29, %dma_wait3A_437] : memref<32768x128xf32, #tpu.memory_space<hbm>> -> memref<64x128xf32, #tpu.memory_space<hbm>>
    tpu.wait_dma2 semaphore(%arg27 : memref<!tpu.dma_semaphore, #tpu.memory_space<semaphore_mem>>) src(%dma_wait3A_438 : memref<64x128xf32, #tpu.memory_space<hbm>>) dst(%arg8 : memref<64x128xf32, #tpu.memory_space<vmem>>)
    %dma_wait3A_439 = arith.constant 1 : i32
    %dma_wait3A_440 = arith.constant 0 : i32
    %dma_wait3A_441 = tpu.memref_slice %arg23[%dma_wait3A_439, %dma_wait3A_440] : memref<14x64xi32, #tpu.memory_space<vmem>> -> memref<1x64xi32, #tpu.memory_space<vmem>>
    %dma_wait3A_442 = tpu.memref_squeeze %dma_wait3A_441 : memref<1x64xi32, #tpu.memory_space<vmem>> -> memref<64xi32, #tpu.memory_space<vmem>>
    %dma_wait3A_443 = tpu.memref_slice %arg3[%add3A_29] : memref<32768xi32, #tpu.memory_space<hbm>> -> memref<64xi32, #tpu.memory_space<hbm>>
    %dma_wait3A_444 = arith.constant 0 : i32
    %dma_wait3A_445 = tpu.memref_slice %arg23[%dma_wait3A_439, %dma_wait3A_444] : memref<14x64xi32, #tpu.memory_space<vmem>> -> memref<1x64xi32, #tpu.memory_space<vmem>>
    %dma_wait3A_446 = tpu.memref_squeeze %dma_wait3A_445 : memref<1x64xi32, #tpu.memory_space<vmem>> -> memref<64xi32, #tpu.memory_space<vmem>>
    %dma_wait3A_447 = tpu.memref_slice %arg3[%add3A_29] : memref<32768xi32, #tpu.memory_space<hbm>> -> memref<64xi32, #tpu.memory_space<hbm>>
    tpu.wait_dma2 semaphore(%arg27 : memref<!tpu.dma_semaphore, #tpu.memory_space<semaphore_mem>>) src(%dma_wait3A_447 : memref<64xi32, #tpu.memory_space<hbm>>) dst(%dma_wait3A_446 : memref<64xi32, #tpu.memory_space<vmem>>)
    %dma_wait3A_448 = arith.constant 1 : i32
    %dma_wait3A_449 = arith.constant 0 : i32
    %dma_wait3A_450 = tpu.memref_slice %arg24[%dma_wait3A_448, %dma_wait3A_449] : memref<14x64xi32, #tpu.memory_space<vmem>> -> memref<1x64xi32, #tpu.memory_space<vmem>>
    %dma_wait3A_451 = tpu.memref_squeeze %dma_wait3A_450 : memref<1x64xi32, #tpu.memory_space<vmem>> -> memref<64xi32, #tpu.memory_space<vmem>>
    %dma_wait3A_452 = tpu.memref_slice %arg4[%add3A_29] : memref<32768xi32, #tpu.memory_space<hbm>> -> memref<64xi32, #tpu.memory_space<hbm>>
    %dma_wait3A_453 = arith.constant 0 : i32
    %dma_wait3A_454 = tpu.memref_slice %arg24[%dma_wait3A_448, %dma_wait3A_453] : memref<14x64xi32, #tpu.memory_space<vmem>> -> memref<1x64xi32, #tpu.memory_space<vmem>>
    %dma_wait3A_455 = tpu.memref_squeeze %dma_wait3A_454 : memref<1x64xi32, #tpu.memory_space<vmem>> -> memref<64xi32, #tpu.memory_space<vmem>>
    %dma_wait3A_456 = tpu.memref_slice %arg4[%add3A_29] : memref<32768xi32, #tpu.memory_space<hbm>> -> memref<64xi32, #tpu.memory_space<hbm>>
    tpu.wait_dma2 semaphore(%arg27 : memref<!tpu.dma_semaphore, #tpu.memory_space<semaphore_mem>>) src(%dma_wait3A_456 : memref<64xi32, #tpu.memory_space<hbm>>) dst(%dma_wait3A_455 : memref<64xi32, #tpu.memory_space<vmem>>)
    %get3A_457 = arith.constant 1 : i32
    %get3A_458 = arith.index_cast %get3A_457 : i32 to index
    %get3A_459 = arith.constant 0 : index
    %get3A_460 = tpu.vector_load %arg23[%get3A_458, %get3A_459] {strides = array<i32>} : memref<14x64xi32, #tpu.memory_space<vmem>>, vector<16xi32>,
    %get3A_461 = arith.constant 1 : i32
    %get3A_462 = arith.index_cast %get3A_461 : i32 to index
    %get3A_463 = arith.constant 0 : index
    %get3A_464 = tpu.vector_load %arg24[%get3A_462, %get3A_463] {strides = array<i32>} : memref<14x64xi32, #tpu.memory_space<vmem>>, vector<16xi32>,
    %ne3A_465 = arith.constant 0 : i32
    %ne3A_466 = vector.broadcast %ne3A_465 : i32 to vector<16xi32>
    %ne3A_467 = arith.cmpi ne, %get3A_464, %ne3A_466 : vector<16xi32>
    %ge3A_468 = arith.constant 94 : i32
    %ge3A_469 = vector.broadcast %ge3A_468 : i32 to vector<16xi32>
    %ge3A_470 = arith.cmpi sge, %get3A_460, %ge3A_469 : vector<16xi32>
    %jit3A_471 = arith.constant 1 : i32
    %jit3A_472 = arith.constant 0 : i32
    %broadcast_in_dim3A_473 = vector.broadcast %jit3A_471 : i32 to vector<16xi32>
    %broadcast_in_dim3A_474 = vector.broadcast %jit3A_472 : i32 to vector<16xi32>
    %select_n3A_475 = arith.select %ge3A_470, %broadcast_in_dim3A_473, %broadcast_in_dim3A_474 : vector<16xi1>, vector<16xi32>
    %jit3A_476 = arith.constant -1 : i32
    %broadcast_in_dim3A_477 = vector.broadcast %jit3A_476 : i32 to vector<16xi32>
    %select_n3A_478 = arith.select %ne3A_467, %select_n3A_475, %broadcast_in_dim3A_477 : vector<16xi1>, vector<16xi32>
    %swap3A_479 = arith.constant 0 : index
    %swap3A_480 = tpu.vector_load %arg22[%swap3A_479] {strides = array<i32>} : memref<64xi32, #tpu.memory_space<vmem>>, vector<16xi32>,
    tpu.vector_store %arg22[%swap3A_479], %select_n3A_478 {strides = array<i32>} : memref<64xi32, #tpu.memory_space<vmem>>, vector<16xi32>,
    %get3A_481 = arith.constant 1 : i32
    %get3A_482 = arith.index_cast %get3A_481 : i32 to index
    %get3A_483 = arith.constant 16 : index
    %get3A_484 = tpu.vector_load %arg23[%get3A_482, %get3A_483] {strides = array<i32>} : memref<14x64xi32, #tpu.memory_space<vmem>>, vector<16xi32>,
    %get3A_485 = arith.constant 1 : i32
    %get3A_486 = arith.index_cast %get3A_485 : i32 to index
    %get3A_487 = arith.constant 16 : index
    %get3A_488 = tpu.vector_load %arg24[%get3A_486, %get3A_487] {strides = array<i32>} : memref<14x64xi32, #tpu.memory_space<vmem>>, vector<16xi32>,
    %ne3A_489 = arith.constant 0 : i32
    %ne3A_490 = vector.broadcast %ne3A_489 : i32 to vector<16xi32>
    %ne3A_491 = arith.cmpi ne, %get3A_488, %ne3A_490 : vector<16xi32>
    %ge3A_492 = arith.constant 94 : i32
    %ge3A_493 = vector.broadcast %ge3A_492 : i32 to vector<16xi32>
    %ge3A_494 = arith.cmpi sge, %get3A_484, %ge3A_493 : vector<16xi32>
    %jit3A_495 = arith.constant 1 : i32
    %jit3A_496 = arith.constant 0 : i32
    %broadcast_in_dim3A_497 = vector.broadcast %jit3A_495 : i32 to vector<16xi32>
    %broadcast_in_dim3A_498 = vector.broadcast %jit3A_496 : i32 to vector<16xi32>
    %select_n3A_499 = arith.select %ge3A_494, %broadcast_in_dim3A_497, %broadcast_in_dim3A_498 : vector<16xi1>, vector<16xi32>
    %jit3A_500 = arith.constant -1 : i32
    %broadcast_in_dim3A_501 = vector.broadcast %jit3A_500 : i32 to vector<16xi32>
    %select_n3A_502 = arith.select %ne3A_491, %select_n3A_499, %broadcast_in_dim3A_501 : vector<16xi1>, vector<16xi32>
    %swap3A_503 = arith.constant 16 : index
    %swap3A_504 = tpu.vector_load %arg22[%swap3A_503] {strides = array<i32>} : memref<64xi32, #tpu.memory_space<vmem>>, vector<16xi32>,
    tpu.vector_store %arg22[%swap3A_503], %select_n3A_502 {strides = array<i32>} : memref<64xi32, #tpu.memory_space<vmem>>, vector<16xi32>,
    %get3A_505 = arith.constant 1 : i32
    %get3A_506 = arith.index_cast %get3A_505 : i32 to index
    %get3A_507 = arith.constant 32 : index
    %get3A_508 = tpu.vector_load %arg23[%get3A_506, %get3A_507] {strides = array<i32>} : memref<14x64xi32, #tpu.memory_space<vmem>>, vector<16xi32>,
    %get3A_509 = arith.constant 1 : i32
    %get3A_510 = arith.index_cast %get3A_509 : i32 to index
    %get3A_511 = arith.constant 32 : index
    %get3A_512 = tpu.vector_load %arg24[%get3A_510, %get3A_511] {strides = array<i32>} : memref<14x64xi32, #tpu.memory_space<vmem>>, vector<16xi32>,
    %ne3A_513 = arith.constant 0 : i32
    %ne3A_514 = vector.broadcast %ne3A_513 : i32 to vector<16xi32>
    %ne3A_515 = arith.cmpi ne, %get3A_512, %ne3A_514 : vector<16xi32>
    %ge3A_516 = arith.constant 94 : i32
    %ge3A_517 = vector.broadcast %ge3A_516 : i32 to vector<16xi32>
    %ge3A_518 = arith.cmpi sge, %get3A_508, %ge3A_517 : vector<16xi32>
    %jit3A_519 = arith.constant 1 : i32
    %jit3A_520 = arith.constant 0 : i32
    %broadcast_in_dim3A_521 = vector.broadcast %jit3A_519 : i32 to vector<16xi32>
    %broadcast_in_dim3A_522 = vector.broadcast %jit3A_520 : i32 to vector<16xi32>
    %select_n3A_523 = arith.select %ge3A_518, %broadcast_in_dim3A_521, %broadcast_in_dim3A_522 : vector<16xi1>, vector<16xi32>
    %jit3A_524 = arith.constant -1 : i32
    %broadcast_in_dim3A_525 = vector.broadcast %jit3A_524 : i32 to vector<16xi32>
    %select_n3A_526 = arith.select %ne3A_515, %select_n3A_523, %broadcast_in_dim3A_525 : vector<16xi1>, vector<16xi32>
    %swap3A_527 = arith.constant 32 : index
    %swap3A_528 = tpu.vector_load %arg22[%swap3A_527] {strides = array<i32>} : memref<64xi32, #tpu.memory_space<vmem>>, vector<16xi32>,
    tpu.vector_store %arg22[%swap3A_527], %select_n3A_526 {strides = array<i32>} : memref<64xi32, #tpu.memory_space<vmem>>, vector<16xi32>,
    %get3A_529 = arith.constant 1 : i32
    %get3A_530 = arith.index_cast %get3A_529 : i32 to index
    %get3A_531 = arith.constant 48 : index
    %get3A_532 = tpu.vector_load %arg23[%get3A_530, %get3A_531] {strides = array<i32>} : memref<14x64xi32, #tpu.memory_space<vmem>>, vector<16xi32>,
    %get3A_533 = arith.constant 1 : i32
    %get3A_534 = arith.index_cast %get3A_533 : i32 to index
    %get3A_535 = arith.constant 48 : index
    %get3A_536 = tpu.vector_load %arg24[%get3A_534, %get3A_535] {strides = array<i32>} : memref<14x64xi32, #tpu.memory_space<vmem>>, vector<16xi32>,
    %ne3A_537 = arith.constant 0 : i32
    %ne3A_538 = vector.broadcast %ne3A_537 : i32 to vector<16xi32>
    %ne3A_539 = arith.cmpi ne, %get3A_536, %ne3A_538 : vector<16xi32>
    %ge3A_540 = arith.constant 94 : i32
    %ge3A_541 = vector.broadcast %ge3A_540 : i32 to vector<16xi32>
    %ge3A_542 = arith.cmpi sge, %get3A_532, %ge3A_541 : vector<16xi32>
    %jit3A_543 = arith.constant 1 : i32
    %jit3A_544 = arith.constant 0 : i32
    %broadcast_in_dim3A_545 = vector.broadcast %jit3A_543 : i32 to vector<16xi32>
    %broadcast_in_dim3A_546 = vector.broadcast %jit3A_544 : i32 to vector<16xi32>
    %select_n3A_547 = arith.select %ge3A_542, %broadcast_in_dim3A_545, %broadcast_in_dim3A_546 : vector<16xi1>, vector<16xi32>
    %jit3A_548 = arith.constant -1 : i32
    %broadcast_in_dim3A_549 = vector.broadcast %jit3A_548 : i32 to vector<16xi32>
    %select_n3A_550 = arith.select %ne3A_539, %select_n3A_547, %broadcast_in_dim3A_549 : vector<16xi1>, vector<16xi32>
    %swap3A_551 = arith.constant 48 : index
    %swap3A_552 = tpu.vector_load %arg22[%swap3A_551] {strides = array<i32>} : memref<64xi32, #tpu.memory_space<vmem>>, vector<16xi32>,
    tpu.vector_store %arg22[%swap3A_551], %select_n3A_550 {strides = array<i32>} : memref<64xi32, #tpu.memory_space<vmem>>, vector<16xi32>,
    %dma_start3A_553 = arith.constant 0 : i32
    %dma_start3A_554 = arith.constant 0 : i32
    %dma_start3A_555 = tpu.memref_slice %arg25[%dma_start3A_553, %dma_start3A_554] : memref<2x128xf32, #tpu.memory_space<vmem_shared>> -> memref<2x128xf32, #tpu.memory_space<vmem_shared>>
    %dma_start3A_556 = arith.constant -1 : i32
    tpu.enqueue_indirect_dma source(%dma_start3A_555 : memref<2x128xf32, #tpu.memory_space<vmem_shared>>) target(%arg8 : memref<64x128xf32, #tpu.memory_space<vmem>>) offsets(%arg22 : memref<64xi32, #tpu.memory_space<vmem>>) offset_filter(%dma_start3A_556) semaphore(%arg56 : memref<!tpu.dma_semaphore, #tpu.memory_space<semaphore_mem>>) {add = true}
    %dma_wait3A_557 = arith.constant 0 : i32
    %dma_wait3A_558 = arith.constant 0 : i32
    %dma_wait3A_559 = tpu.memref_slice %arg25[%dma_wait3A_557, %dma_wait3A_558] : memref<2x128xf32, #tpu.memory_space<vmem_shared>> -> memref<2x128xf32, #tpu.memory_space<vmem_shared>>
    tpu.wait_indirect_dma semaphore(%arg55 : memref<!tpu.dma_semaphore, #tpu.memory_space<semaphore_mem>>) src(%dma_wait3A_559 : memref<2x128xf32, #tpu.memory_space<vmem_shared>>) dst(%arg7 : memref<64x128xf32, #tpu.memory_space<vmem>>)
    %add3A_560 = arith.constant 0 : i32
    %add3A_561 = arith.addi %mul3A_2, %add3A_560 : i32
    %dma_start3A_562 = arith.constant 0 : i32
    %dma_start3A_563 = tpu.memref_slice %arg6[%add3A_561, %dma_start3A_562] : memref<32768x128xf32, #tpu.memory_space<hbm>> -> memref<64x128xf32, #tpu.memory_space<hbm>>
    %dma_start3A_564 = arith.constant 0 : i32
    %dma_start3A_565 = tpu.memref_slice %arg6[%add3A_561, %dma_start3A_564] : memref<32768x128xf32, #tpu.memory_space<hbm>> -> memref<64x128xf32, #tpu.memory_space<hbm>>
    tpu.enqueue_dma source(%arg7 : memref<64x128xf32, #tpu.memory_space<vmem>>) target(%dma_start3A_565 : memref<64x128xf32, #tpu.memory_space<hbm>>) target_semaphore(%arg40 : memref<!tpu.dma_semaphore, #tpu.memory_space<semaphore_mem>>)
    %add3A_566 = arith.constant 832 : i32
    %add3A_567 = arith.addi %mul3A_2, %add3A_566 : i32
    %dma_start3A_568 = arith.constant 0 : i32
    %dma_start3A_569 = tpu.memref_slice %arg2[%add3A_567, %dma_start3A_568] : memref<32768x128xf32, #tpu.memory_space<hbm>> -> memref<64x128xf32, #tpu.memory_space<hbm>>
    %dma_start3A_570 = arith.constant 0 : i32
    %dma_start3A_571 = tpu.memref_slice %arg2[%add3A_567, %dma_start3A_570] : memref<32768x128xf32, #tpu.memory_space<hbm>> -> memref<64x128xf32, #tpu.memory_space<hbm>>
    tpu.enqueue_dma source(%dma_start3A_571 : memref<64x128xf32, #tpu.memory_space<hbm>>) target(%arg20 : memref<64x128xf32, #tpu.memory_space<vmem>>) target_semaphore(%arg39 : memref<!tpu.dma_semaphore, #tpu.memory_space<semaphore_mem>>)
    %dma_start3A_572 = arith.constant 13 : i32
    %dma_start3A_573 = arith.constant 0 : i32
    %dma_start3A_574 = tpu.memref_slice %arg23[%dma_start3A_572, %dma_start3A_573] : memref<14x64xi32, #tpu.memory_space<vmem>> -> memref<1x64xi32, #tpu.memory_space<vmem>>
    %dma_start3A_575 = tpu.memref_squeeze %dma_start3A_574 : memref<1x64xi32, #tpu.memory_space<vmem>> -> memref<64xi32, #tpu.memory_space<vmem>>
    %dma_start3A_576 = tpu.memref_slice %arg3[%add3A_567] : memref<32768xi32, #tpu.memory_space<hbm>> -> memref<64xi32, #tpu.memory_space<hbm>>
    %dma_start3A_577 = arith.constant 0 : i32
    %dma_start3A_578 = tpu.memref_slice %arg23[%dma_start3A_572, %dma_start3A_577] : memref<14x64xi32, #tpu.memory_space<vmem>> -> memref<1x64xi32, #tpu.memory_space<vmem>>
    %dma_start3A_579 = tpu.memref_squeeze %dma_start3A_578 : memref<1x64xi32, #tpu.memory_space<vmem>> -> memref<64xi32, #tpu.memory_space<vmem>>
    %dma_start3A_580 = tpu.memref_slice %arg3[%add3A_567] : memref<32768xi32, #tpu.memory_space<hbm>> -> memref<64xi32, #tpu.memory_space<hbm>>
    tpu.enqueue_dma source(%dma_start3A_580 : memref<64xi32, #tpu.memory_space<hbm>>) target(%dma_start3A_579 : memref<64xi32, #tpu.memory_space<vmem>>) target_semaphore(%arg39 : memref<!tpu.dma_semaphore, #tpu.memory_space<semaphore_mem>>)
    %dma_start3A_581 = arith.constant 13 : i32
    %dma_start3A_582 = arith.constant 0 : i32
    %dma_start3A_583 = tpu.memref_slice %arg24[%dma_start3A_581, %dma_start3A_582] : memref<14x64xi32, #tpu.memory_space<vmem>> -> memref<1x64xi32, #tpu.memory_space<vmem>>
    %dma_start3A_584 = tpu.memref_squeeze %dma_start3A_583 : memref<1x64xi32, #tpu.memory_space<vmem>> -> memref<64xi32, #tpu.memory_space<vmem>>
    %dma_start3A_585 = tpu.memref_slice %arg4[%add3A_567] : memref<32768xi32, #tpu.memory_space<hbm>> -> memref<64xi32, #tpu.memory_space<hbm>>
    %dma_start3A_586 = arith.constant 0 : i32
    %dma_start3A_587 = tpu.memref_slice %arg24[%dma_start3A_581, %dma_start3A_586] : memref<14x64xi32, #tpu.memory_space<vmem>> -> memref<1x64xi32, #tpu.memory_space<vmem>>
    %dma_start3A_588 = tpu.memref_squeeze %dma_start3A_587 : memref<1x64xi32, #tpu.memory_space<vmem>> -> memref<64xi32, #tpu.memory_space<vmem>>
    %dma_start3A_589 = tpu.memref_slice %arg4[%add3A_567] : memref<32768xi32, #tpu.memory_space<hbm>> -> memref<64xi32, #tpu.memory_space<hbm>>
    tpu.enqueue_dma source(%dma_start3A_589 : memref<64xi32, #tpu.memory_space<hbm>>) target(%dma_start3A_588 : memref<64xi32, #tpu.memory_space<vmem>>) target_semaphore(%arg39 : memref<!tpu.dma_semaphore, #tpu.memory_space<semaphore_mem>>)
    %dma_wait3A_590 = arith.constant 0 : i32
    %dma_wait3A_591 = tpu.memref_slice %arg2[%add3A_53, %dma_wait3A_590] : memref<32768x128xf32, #tpu.memory_space<hbm>> -> memref<64x128xf32, #tpu.memory_space<hbm>>
    %dma_wait3A_592 = arith.constant 0 : i32
    %dma_wait3A_593 = tpu.memref_slice %arg2[%add3A_53, %dma_wait3A_592] : memref<32768x128xf32, #tpu.memory_space<hbm>> -> memref<64x128xf32, #tpu.memory_space<hbm>>
    tpu.wait_dma2 semaphore(%arg28 : memref<!tpu.dma_semaphore, #tpu.memory_space<semaphore_mem>>) src(%dma_wait3A_593 : memref<64x128xf32, #tpu.memory_space<hbm>>) dst(%arg9 : memref<64x128xf32, #tpu.memory_space<vmem>>)
    %dma_wait3A_594 = arith.constant 2 : i32
    %dma_wait3A_595 = arith.constant 0 : i32
    %dma_wait3A_596 = tpu.memref_slice %arg23[%dma_wait3A_594, %dma_wait3A_595] : memref<14x64xi32, #tpu.memory_space<vmem>> -> memref<1x64xi32, #tpu.memory_space<vmem>>
    %dma_wait3A_597 = tpu.memref_squeeze %dma_wait3A_596 : memref<1x64xi32, #tpu.memory_space<vmem>> -> memref<64xi32, #tpu.memory_space<vmem>>
    %dma_wait3A_598 = tpu.memref_slice %arg3[%add3A_53] : memref<32768xi32, #tpu.memory_space<hbm>> -> memref<64xi32, #tpu.memory_space<hbm>>
    %dma_wait3A_599 = arith.constant 0 : i32
    %dma_wait3A_600 = tpu.memref_slice %arg23[%dma_wait3A_594, %dma_wait3A_599] : memref<14x64xi32, #tpu.memory_space<vmem>> -> memref<1x64xi32, #tpu.memory_space<vmem>>
    %dma_wait3A_601 = tpu.memref_squeeze %dma_wait3A_600 : memref<1x64xi32, #tpu.memory_space<vmem>> -> memref<64xi32, #tpu.memory_space<vmem>>
    %dma_wait3A_602 = tpu.memref_slice %arg3[%add3A_53] : memref<32768xi32, #tpu.memory_space<hbm>> -> memref<64xi32, #tpu.memory_space<hbm>>
    tpu.wait_dma2 semaphore(%arg28 : memref<!tpu.dma_semaphore, #tpu.memory_space<semaphore_mem>>) src(%dma_wait3A_602 : memref<64xi32, #tpu.memory_space<hbm>>) dst(%dma_wait3A_601 : memref<64xi32, #tpu.memory_space<vmem>>)
    %dma_wait3A_603 = arith.constant 2 : i32
    %dma_wait3A_604 = arith.constant 0 : i32
    %dma_wait3A_605 = tpu.memref_slice %arg24[%dma_wait3A_603, %dma_wait3A_604] : memref<14x64xi32, #tpu.memory_space<vmem>> -> memref<1x64xi32, #tpu.memory_space<vmem>>
    %dma_wait3A_606 = tpu.memref_squeeze %dma_wait3A_605 : memref<1x64xi32, #tpu.memory_space<vmem>> -> memref<64xi32, #tpu.memory_space<vmem>>
    %dma_wait3A_607 = tpu.memref_slice %arg4[%add3A_53] : memref<32768xi32, #tpu.memory_space<hbm>> -> memref<64xi32, #tpu.memory_space<hbm>>
    %dma_wait3A_608 = arith.constant 0 : i32
    %dma_wait3A_609 = tpu.memref_slice %arg24[%dma_wait3A_603, %dma_wait3A_608] : memref<14x64xi32, #tpu.memory_space<vmem>> -> memref<1x64xi32, #tpu.memory_space<vmem>>
    %dma_wait3A_610 = tpu.memref_squeeze %dma_wait3A_609 : memref<1x64xi32, #tpu.memory_space<vmem>> -> memref<64xi32, #tpu.memory_space<vmem>>
    %dma_wait3A_611 = tpu.memref_slice %arg4[%add3A_53] : memref<32768xi32, #tpu.memory_space<hbm>> -> memref<64xi32, #tpu.memory_space<hbm>>
    tpu.wait_dma2 semaphore(%arg28 : memref<!tpu.dma_semaphore, #tpu.memory_space<semaphore_mem>>) src(%dma_wait3A_611 : memref<64xi32, #tpu.memory_space<hbm>>) dst(%dma_wait3A_610 : memref<64xi32, #tpu.memory_space<vmem>>)
    %get3A_612 = arith.constant 2 : i32
    %get3A_613 = arith.index_cast %get3A_612 : i32 to index
    %get3A_614 = arith.constant 0 : index
    %get3A_615 = tpu.vector_load %arg23[%get3A_613, %get3A_614] {strides = array<i32>} : memref<14x64xi32, #tpu.memory_space<vmem>>, vector<16xi32>,
    %get3A_616 = arith.constant 2 : i32
    %get3A_617 = arith.index_cast %get3A_616 : i32 to index
    %get3A_618 = arith.constant 0 : index
    %get3A_619 = tpu.vector_load %arg24[%get3A_617, %get3A_618] {strides = array<i32>} : memref<14x64xi32, #tpu.memory_space<vmem>>, vector<16xi32>,
    %ne3A_620 = arith.constant 0 : i32
    %ne3A_621 = vector.broadcast %ne3A_620 : i32 to vector<16xi32>
    %ne3A_622 = arith.cmpi ne, %get3A_619, %ne3A_621 : vector<16xi32>
    %ge3A_623 = arith.constant 94 : i32
    %ge3A_624 = vector.broadcast %ge3A_623 : i32 to vector<16xi32>
    %ge3A_625 = arith.cmpi sge, %get3A_615, %ge3A_624 : vector<16xi32>
    %jit3A_626 = arith.constant 1 : i32
    %jit3A_627 = arith.constant 0 : i32
    %broadcast_in_dim3A_628 = vector.broadcast %jit3A_626 : i32 to vector<16xi32>
    %broadcast_in_dim3A_629 = vector.broadcast %jit3A_627 : i32 to vector<16xi32>
    %select_n3A_630 = arith.select %ge3A_625, %broadcast_in_dim3A_628, %broadcast_in_dim3A_629 : vector<16xi1>, vector<16xi32>
    %jit3A_631 = arith.constant -1 : i32
    %broadcast_in_dim3A_632 = vector.broadcast %jit3A_631 : i32 to vector<16xi32>
    %select_n3A_633 = arith.select %ne3A_622, %select_n3A_630, %broadcast_in_dim3A_632 : vector<16xi1>, vector<16xi32>
    %swap3A_634 = arith.constant 0 : index
    %swap3A_635 = tpu.vector_load %arg21[%swap3A_634] {strides = array<i32>} : memref<64xi32, #tpu.memory_space<vmem>>, vector<16xi32>,
    tpu.vector_store %arg21[%swap3A_634], %select_n3A_633 {strides = array<i32>} : memref<64xi32, #tpu.memory_space<vmem>>, vector<16xi32>,
    %get3A_636 = arith.constant 2 : i32
    %get3A_637 = arith.index_cast %get3A_636 : i32 to index
    %get3A_638 = arith.constant 16 : index
    %get3A_639 = tpu.vector_load %arg23[%get3A_637, %get3A_638] {strides = array<i32>} : memref<14x64xi32, #tpu.memory_space<vmem>>, vector<16xi32>,
    %get3A_640 = arith.constant 2 : i32
    %get3A_641 = arith.index_cast %get3A_640 : i32 to index
    %get3A_642 = arith.constant 16 : index
    %get3A_643 = tpu.vector_load %arg24[%get3A_641, %get3A_642] {strides = array<i32>} : memref<14x64xi32, #tpu.memory_space<vmem>>, vector<16xi32>,
    %ne3A_644 = arith.constant 0 : i32
    %ne3A_645 = vector.broadcast %ne3A_644 : i32 to vector<16xi32>
    %ne3A_646 = arith.cmpi ne, %get3A_643, %ne3A_645 : vector<16xi32>
    %ge3A_647 = arith.constant 94 : i32
    %ge3A_648 = vector.broadcast %ge3A_647 : i32 to vector<16xi32>
    %ge3A_649 = arith.cmpi sge, %get3A_639, %ge3A_648 : vector<16xi32>
    %jit3A_650 = arith.constant 1 : i32
    %jit3A_651 = arith.constant 0 : i32
    %broadcast_in_dim3A_652 = vector.broadcast %jit3A_650 : i32 to vector<16xi32>
    %broadcast_in_dim3A_653 = vector.broadcast %jit3A_651 : i32 to vector<16xi32>
    %select_n3A_654 = arith.select %ge3A_649, %broadcast_in_dim3A_652, %broadcast_in_dim3A_653 : vector<16xi1>, vector<16xi32>
    %jit3A_655 = arith.constant -1 : i32
    %broadcast_in_dim3A_656 = vector.broadcast %jit3A_655 : i32 to vector<16xi32>
    %select_n3A_657 = arith.select %ne3A_646, %select_n3A_654, %broadcast_in_dim3A_656 : vector<16xi1>, vector<16xi32>
    %swap3A_658 = arith.constant 16 : index
    %swap3A_659 = tpu.vector_load %arg21[%swap3A_658] {strides = array<i32>} : memref<64xi32, #tpu.memory_space<vmem>>, vector<16xi32>,
    tpu.vector_store %arg21[%swap3A_658], %select_n3A_657 {strides = array<i32>} : memref<64xi32, #tpu.memory_space<vmem>>, vector<16xi32>,
    %get3A_660 = arith.constant 2 : i32
    %get3A_661 = arith.index_cast %get3A_660 : i32 to index
    %get3A_662 = arith.constant 32 : index
    %get3A_663 = tpu.vector_load %arg23[%get3A_661, %get3A_662] {strides = array<i32>} : memref<14x64xi32, #tpu.memory_space<vmem>>, vector<16xi32>,
    %get3A_664 = arith.constant 2 : i32
    %get3A_665 = arith.index_cast %get3A_664 : i32 to index
    %get3A_666 = arith.constant 32 : index
    %get3A_667 = tpu.vector_load %arg24[%get3A_665, %get3A_666] {strides = array<i32>} : memref<14x64xi32, #tpu.memory_space<vmem>>, vector<16xi32>,
    %ne3A_668 = arith.constant 0 : i32
    %ne3A_669 = vector.broadcast %ne3A_668 : i32 to vector<16xi32>
    %ne3A_670 = arith.cmpi ne, %get3A_667, %ne3A_669 : vector<16xi32>
    %ge3A_671 = arith.constant 94 : i32
    %ge3A_672 = vector.broadcast %ge3A_671 : i32 to vector<16xi32>
    %ge3A_673 = arith.cmpi sge, %get3A_663, %ge3A_672 : vector<16xi32>
    %jit3A_674 = arith.constant 1 : i32
    %jit3A_675 = arith.constant 0 : i32
    %broadcast_in_dim3A_676 = vector.broadcast %jit3A_674 : i32 to vector<16xi32>
    %broadcast_in_dim3A_677 = vector.broadcast %jit3A_675 : i32 to vector<16xi32>
    %select_n3A_678 = arith.select %ge3A_673, %broadcast_in_dim3A_676, %broadcast_in_dim3A_677 : vector<16xi1>, vector<16xi32>
    %jit3A_679 = arith.constant -1 : i32
    %broadcast_in_dim3A_680 = vector.broadcast %jit3A_679 : i32 to vector<16xi32>
    %select_n3A_681 = arith.select %ne3A_670, %select_n3A_678, %broadcast_in_dim3A_680 : vector<16xi1>, vector<16xi32>
    %swap3A_682 = arith.constant 32 : index
    %swap3A_683 = tpu.vector_load %arg21[%swap3A_682] {strides = array<i32>} : memref<64xi32, #tpu.memory_space<vmem>>, vector<16xi32>,
    tpu.vector_store %arg21[%swap3A_682], %select_n3A_681 {strides = array<i32>} : memref<64xi32, #tpu.memory_space<vmem>>, vector<16xi32>,
    %get3A_684 = arith.constant 2 : i32
    %get3A_685 = arith.index_cast %get3A_684 : i32 to index
    %get3A_686 = arith.constant 48 : index
    %get3A_687 = tpu.vector_load %arg23[%get3A_685, %get3A_686] {strides = array<i32>} : memref<14x64xi32, #tpu.memory_space<vmem>>, vector<16xi32>,
    %get3A_688 = arith.constant 2 : i32
    %get3A_689 = arith.index_cast %get3A_688 : i32 to index
    %get3A_690 = arith.constant 48 : index
    %get3A_691 = tpu.vector_load %arg24[%get3A_689, %get3A_690] {strides = array<i32>} : memref<14x64xi32, #tpu.memory_space<vmem>>, vector<16xi32>,
    %ne3A_692 = arith.constant 0 : i32
    %ne3A_693 = vector.broadcast %ne3A_692 : i32 to vector<16xi32>
    %ne3A_694 = arith.cmpi ne, %get3A_691, %ne3A_693 : vector<16xi32>
    %ge3A_695 = arith.constant 94 : i32
    %ge3A_696 = vector.broadcast %ge3A_695 : i32 to vector<16xi32>
    %ge3A_697 = arith.cmpi sge, %get3A_687, %ge3A_696 : vector<16xi32>
    %jit3A_698 = arith.constant 1 : i32
    %jit3A_699 = arith.constant 0 : i32
    %broadcast_in_dim3A_700 = vector.broadcast %jit3A_698 : i32 to vector<16xi32>
    %broadcast_in_dim3A_701 = vector.broadcast %jit3A_699 : i32 to vector<16xi32>
    %select_n3A_702 = arith.select %ge3A_697, %broadcast_in_dim3A_700, %broadcast_in_dim3A_701 : vector<16xi1>, vector<16xi32>
    %jit3A_703 = arith.constant -1 : i32
    %broadcast_in_dim3A_704 = vector.broadcast %jit3A_703 : i32 to vector<16xi32>
    %select_n3A_705 = arith.select %ne3A_694, %select_n3A_702, %broadcast_in_dim3A_704 : vector<16xi1>, vector<16xi32>
    %swap3A_706 = arith.constant 48 : index
    %swap3A_707 = tpu.vector_load %arg21[%swap3A_706] {strides = array<i32>} : memref<64xi32, #tpu.memory_space<vmem>>, vector<16xi32>,
    tpu.vector_store %arg21[%swap3A_706], %select_n3A_705 {strides = array<i32>} : memref<64xi32, #tpu.memory_space<vmem>>, vector<16xi32>,
    %dma_start3A_708 = arith.constant 0 : i32
    %dma_start3A_709 = arith.constant 0 : i32
    %dma_start3A_710 = tpu.memref_slice %arg25[%dma_start3A_708, %dma_start3A_709] : memref<2x128xf32, #tpu.memory_space<vmem_shared>> -> memref<2x128xf32, #tpu.memory_space<vmem_shared>>
    %dma_start3A_711 = arith.constant -1 : i32
    tpu.enqueue_indirect_dma source(%dma_start3A_710 : memref<2x128xf32, #tpu.memory_space<vmem_shared>>) target(%arg9 : memref<64x128xf32, #tpu.memory_space<vmem>>) offsets(%arg21 : memref<64xi32, #tpu.memory_space<vmem>>) offset_filter(%dma_start3A_711) semaphore(%arg55 : memref<!tpu.dma_semaphore, #tpu.memory_space<semaphore_mem>>) {add = true}
    %dma_wait3A_712 = arith.constant 0 : i32
    %dma_wait3A_713 = arith.constant 0 : i32
    %dma_wait3A_714 = tpu.memref_slice %arg25[%dma_wait3A_712, %dma_wait3A_713] : memref<2x128xf32, #tpu.memory_space<vmem_shared>> -> memref<2x128xf32, #tpu.memory_space<vmem_shared>>
    tpu.wait_indirect_dma semaphore(%arg56 : memref<!tpu.dma_semaphore, #tpu.memory_space<semaphore_mem>>) src(%dma_wait3A_714 : memref<2x128xf32, #tpu.memory_space<vmem_shared>>) dst(%arg8 : memref<64x128xf32, #tpu.memory_space<vmem>>)
    %add3A_715 = arith.constant 64 : i32
    %add3A_716 = arith.addi %mul3A_2, %add3A_715 : i32
    %dma_start3A_717 = arith.constant 0 : i32
    %dma_start3A_718 = tpu.memref_slice %arg6[%add3A_716, %dma_start3A_717] : memref<32768x128xf32, #tpu.memory_space<hbm>> -> memref<64x128xf32, #tpu.memory_space<hbm>>
    %dma_start3A_719 = arith.constant 0 : i32
    %dma_start3A_720 = tpu.memref_slice %arg6[%add3A_716, %dma_start3A_719] : memref<32768x128xf32, #tpu.memory_space<hbm>> -> memref<64x128xf32, #tpu.memory_space<hbm>>
    tpu.enqueue_dma source(%arg8 : memref<64x128xf32, #tpu.memory_space<vmem>>) target(%dma_start3A_720 : memref<64x128xf32, #tpu.memory_space<hbm>>) target_semaphore(%arg41 : memref<!tpu.dma_semaphore, #tpu.memory_space<semaphore_mem>>)
    %dma_wait3A_721 = arith.constant 0 : i32
    %dma_wait3A_722 = tpu.memref_slice %arg6[%add3A_561, %dma_wait3A_721] : memref<32768x128xf32, #tpu.memory_space<hbm>> -> memref<64x128xf32, #tpu.memory_space<hbm>>
    %dma_wait3A_723 = arith.constant 0 : i32
    %dma_wait3A_724 = tpu.memref_slice %arg6[%add3A_561, %dma_wait3A_723] : memref<32768x128xf32, #tpu.memory_space<hbm>> -> memref<64x128xf32, #tpu.memory_space<hbm>>
    tpu.wait_dma2 semaphore(%arg40 : memref<!tpu.dma_semaphore, #tpu.memory_space<semaphore_mem>>) src(%arg7 : memref<64x128xf32, #tpu.memory_space<vmem>>) dst(%dma_wait3A_724 : memref<64x128xf32, #tpu.memory_space<hbm>>)
    %add3A_725 = arith.constant 896 : i32
    %add3A_726 = arith.addi %mul3A_2, %add3A_725 : i32
    %dma_start3A_727 = arith.constant 0 : i32
    %dma_start3A_728 = tpu.memref_slice %arg2[%add3A_726, %dma_start3A_727] : memref<32768x128xf32, #tpu.memory_space<hbm>> -> memref<64x128xf32, #tpu.memory_space<hbm>>
    %dma_start3A_729 = arith.constant 0 : i32
    %dma_start3A_730 = tpu.memref_slice %arg2[%add3A_726, %dma_start3A_729] : memref<32768x128xf32, #tpu.memory_space<hbm>> -> memref<64x128xf32, #tpu.memory_space<hbm>>
    tpu.enqueue_dma source(%dma_start3A_730 : memref<64x128xf32, #tpu.memory_space<hbm>>) target(%arg7 : memref<64x128xf32, #tpu.memory_space<vmem>>) target_semaphore(%arg26 : memref<!tpu.dma_semaphore, #tpu.memory_space<semaphore_mem>>)
    %dma_start3A_731 = arith.constant 0 : i32
    %dma_start3A_732 = arith.constant 0 : i32
    %dma_start3A_733 = tpu.memref_slice %arg23[%dma_start3A_731, %dma_start3A_732] : memref<14x64xi32, #tpu.memory_space<vmem>> -> memref<1x64xi32, #tpu.memory_space<vmem>>
    %dma_start3A_734 = tpu.memref_squeeze %dma_start3A_733 : memref<1x64xi32, #tpu.memory_space<vmem>> -> memref<64xi32, #tpu.memory_space<vmem>>
    %dma_start3A_735 = tpu.memref_slice %arg3[%add3A_726] : memref<32768xi32, #tpu.memory_space<hbm>> -> memref<64xi32, #tpu.memory_space<hbm>>
    %dma_start3A_736 = arith.constant 0 : i32
    %dma_start3A_737 = tpu.memref_slice %arg23[%dma_start3A_731, %dma_start3A_736] : memref<14x64xi32, #tpu.memory_space<vmem>> -> memref<1x64xi32, #tpu.memory_space<vmem>>
    %dma_start3A_738 = tpu.memref_squeeze %dma_start3A_737 : memref<1x64xi32, #tpu.memory_space<vmem>> -> memref<64xi32, #tpu.memory_space<vmem>>
    %dma_start3A_739 = tpu.memref_slice %arg3[%add3A_726] : memref<32768xi32, #tpu.memory_space<hbm>> -> memref<64xi32, #tpu.memory_space<hbm>>
    tpu.enqueue_dma source(%dma_start3A_739 : memref<64xi32, #tpu.memory_space<hbm>>) target(%dma_start3A_738 : memref<64xi32, #tpu.memory_space<vmem>>) target_semaphore(%arg26 : memref<!tpu.dma_semaphore, #tpu.memory_space<semaphore_mem>>)
    %dma_start3A_740 = arith.constant 0 : i32
    %dma_start3A_741 = arith.constant 0 : i32
    %dma_start3A_742 = tpu.memref_slice %arg24[%dma_start3A_740, %dma_start3A_741] : memref<14x64xi32, #tpu.memory_space<vmem>> -> memref<1x64xi32, #tpu.memory_space<vmem>>
    %dma_start3A_743 = tpu.memref_squeeze %dma_start3A_742 : memref<1x64xi32, #tpu.memory_space<vmem>> -> memref<64xi32, #tpu.memory_space<vmem>>
    %dma_start3A_744 = tpu.memref_slice %arg4[%add3A_726] : memref<32768xi32, #tpu.memory_space<hbm>> -> memref<64xi32, #tpu.memory_space<hbm>>
    %dma_start3A_745 = arith.constant 0 : i32
    %dma_start3A_746 = tpu.memref_slice %arg24[%dma_start3A_740, %dma_start3A_745] : memref<14x64xi32, #tpu.memory_space<vmem>> -> memref<1x64xi32, #tpu.memory_space<vmem>>
    %dma_start3A_747 = tpu.memref_squeeze %dma_start3A_746 : memref<1x64xi32, #tpu.memory_space<vmem>> -> memref<64xi32, #tpu.memory_space<vmem>>
    %dma_start3A_748 = tpu.memref_slice %arg4[%add3A_726] : memref<32768xi32, #tpu.memory_space<hbm>> -> memref<64xi32, #tpu.memory_space<hbm>>
    tpu.enqueue_dma source(%dma_start3A_748 : memref<64xi32, #tpu.memory_space<hbm>>) target(%dma_start3A_747 : memref<64xi32, #tpu.memory_space<vmem>>) target_semaphore(%arg26 : memref<!tpu.dma_semaphore, #tpu.memory_space<semaphore_mem>>)
    %dma_wait3A_749 = arith.constant 0 : i32
    %dma_wait3A_750 = tpu.memref_slice %arg2[%add3A_77, %dma_wait3A_749] : memref<32768x128xf32, #tpu.memory_space<hbm>> -> memref<64x128xf32, #tpu.memory_space<hbm>>
    %dma_wait3A_751 = arith.constant 0 : i32
    %dma_wait3A_752 = tpu.memref_slice %arg2[%add3A_77, %dma_wait3A_751] : memref<32768x128xf32, #tpu.memory_space<hbm>> -> memref<64x128xf32, #tpu.memory_space<hbm>>
    tpu.wait_dma2 semaphore(%arg29 : memref<!tpu.dma_semaphore, #tpu.memory_space<semaphore_mem>>) src(%dma_wait3A_752 : memref<64x128xf32, #tpu.memory_space<hbm>>) dst(%arg10 : memref<64x128xf32, #tpu.memory_space<vmem>>)
    %dma_wait3A_753 = arith.constant 3 : i32
    %dma_wait3A_754 = arith.constant 0 : i32
    %dma_wait3A_755 = tpu.memref_slice %arg23[%dma_wait3A_753, %dma_wait3A_754] : memref<14x64xi32, #tpu.memory_space<vmem>> -> memref<1x64xi32, #tpu.memory_space<vmem>>
    %dma_wait3A_756 = tpu.memref_squeeze %dma_wait3A_755 : memref<1x64xi32, #tpu.memory_space<vmem>> -> memref<64xi32, #tpu.memory_space<vmem>>
    %dma_wait3A_757 = tpu.memref_slice %arg3[%add3A_77] : memref<32768xi32, #tpu.memory_space<hbm>> -> memref<64xi32, #tpu.memory_space<hbm>>
    %dma_wait3A_758 = arith.constant 0 : i32
    %dma_wait3A_759 = tpu.memref_slice %arg23[%dma_wait3A_753, %dma_wait3A_758] : memref<14x64xi32, #tpu.memory_space<vmem>> -> memref<1x64xi32, #tpu.memory_space<vmem>>
    %dma_wait3A_760 = tpu.memref_squeeze %dma_wait3A_759 : memref<1x64xi32, #tpu.memory_space<vmem>> -> memref<64xi32, #tpu.memory_space<vmem>>
    %dma_wait3A_761 = tpu.memref_slice %arg3[%add3A_77] : memref<32768xi32, #tpu.memory_space<hbm>> -> memref<64xi32, #tpu.memory_space<hbm>>
    tpu.wait_dma2 semaphore(%arg29 : memref<!tpu.dma_semaphore, #tpu.memory_space<semaphore_mem>>) src(%dma_wait3A_761 : memref<64xi32, #tpu.memory_space<hbm>>) dst(%dma_wait3A_760 : memref<64xi32, #tpu.memory_space<vmem>>)
    %dma_wait3A_762 = arith.constant 3 : i32
    %dma_wait3A_763 = arith.constant 0 : i32
    %dma_wait3A_764 = tpu.memref_slice %arg24[%dma_wait3A_762, %dma_wait3A_763] : memref<14x64xi32, #tpu.memory_space<vmem>> -> memref<1x64xi32, #tpu.memory_space<vmem>>
    %dma_wait3A_765 = tpu.memref_squeeze %dma_wait3A_764 : memref<1x64xi32, #tpu.memory_space<vmem>> -> memref<64xi32, #tpu.memory_space<vmem>>
    %dma_wait3A_766 = tpu.memref_slice %arg4[%add3A_77] : memref<32768xi32, #tpu.memory_space<hbm>> -> memref<64xi32, #tpu.memory_space<hbm>>
    %dma_wait3A_767 = arith.constant 0 : i32
    %dma_wait3A_768 = tpu.memref_slice %arg24[%dma_wait3A_762, %dma_wait3A_767] : memref<14x64xi32, #tpu.memory_space<vmem>> -> memref<1x64xi32, #tpu.memory_space<vmem>>
    %dma_wait3A_769 = tpu.memref_squeeze %dma_wait3A_768 : memref<1x64xi32, #tpu.memory_space<vmem>> -> memref<64xi32, #tpu.memory_space<vmem>>
    %dma_wait3A_770 = tpu.memref_slice %arg4[%add3A_77] : memref<32768xi32, #tpu.memory_space<hbm>> -> memref<64xi32, #tpu.memory_space<hbm>>
    tpu.wait_dma2 semaphore(%arg29 : memref<!tpu.dma_semaphore, #tpu.memory_space<semaphore_mem>>) src(%dma_wait3A_770 : memref<64xi32, #tpu.memory_space<hbm>>) dst(%dma_wait3A_769 : memref<64xi32, #tpu.memory_space<vmem>>)
    %get3A_771 = arith.constant 3 : i32
    %get3A_772 = arith.index_cast %get3A_771 : i32 to index
    %get3A_773 = arith.constant 0 : index
    %get3A_774 = tpu.vector_load %arg23[%get3A_772, %get3A_773] {strides = array<i32>} : memref<14x64xi32, #tpu.memory_space<vmem>>, vector<16xi32>,
    %get3A_775 = arith.constant 3 : i32
    %get3A_776 = arith.index_cast %get3A_775 : i32 to index
    %get3A_777 = arith.constant 0 : index
    %get3A_778 = tpu.vector_load %arg24[%get3A_776, %get3A_777] {strides = array<i32>} : memref<14x64xi32, #tpu.memory_space<vmem>>, vector<16xi32>,
    %ne3A_779 = arith.constant 0 : i32
    %ne3A_780 = vector.broadcast %ne3A_779 : i32 to vector<16xi32>
    %ne3A_781 = arith.cmpi ne, %get3A_778, %ne3A_780 : vector<16xi32>
    %ge3A_782 = arith.constant 94 : i32
    %ge3A_783 = vector.broadcast %ge3A_782 : i32 to vector<16xi32>
    %ge3A_784 = arith.cmpi sge, %get3A_774, %ge3A_783 : vector<16xi32>
    %jit3A_785 = arith.constant 1 : i32
    %jit3A_786 = arith.constant 0 : i32
    %broadcast_in_dim3A_787 = vector.broadcast %jit3A_785 : i32 to vector<16xi32>
    %broadcast_in_dim3A_788 = vector.broadcast %jit3A_786 : i32 to vector<16xi32>
    %select_n3A_789 = arith.select %ge3A_784, %broadcast_in_dim3A_787, %broadcast_in_dim3A_788 : vector<16xi1>, vector<16xi32>
    %jit3A_790 = arith.constant -1 : i32
    %broadcast_in_dim3A_791 = vector.broadcast %jit3A_790 : i32 to vector<16xi32>
    %select_n3A_792 = arith.select %ne3A_781, %select_n3A_789, %broadcast_in_dim3A_791 : vector<16xi1>, vector<16xi32>
    %swap3A_793 = arith.constant 0 : index
    %swap3A_794 = tpu.vector_load %arg22[%swap3A_793] {strides = array<i32>} : memref<64xi32, #tpu.memory_space<vmem>>, vector<16xi32>,
    tpu.vector_store %arg22[%swap3A_793], %select_n3A_792 {strides = array<i32>} : memref<64xi32, #tpu.memory_space<vmem>>, vector<16xi32>,
    %get3A_795 = arith.constant 3 : i32
    %get3A_796 = arith.index_cast %get3A_795 : i32 to index
    %get3A_797 = arith.constant 16 : index
    %get3A_798 = tpu.vector_load %arg23[%get3A_796, %get3A_797] {strides = array<i32>} : memref<14x64xi32, #tpu.memory_space<vmem>>, vector<16xi32>,
    %get3A_799 = arith.constant 3 : i32
    %get3A_800 = arith.index_cast %get3A_799 : i32 to index
    %get3A_801 = arith.constant 16 : index
    %get3A_802 = tpu.vector_load %arg24[%get3A_800, %get3A_801] {strides = array<i32>} : memref<14x64xi32, #tpu.memory_space<vmem>>, vector<16xi32>,
    %ne3A_803 = arith.constant 0 : i32
    %ne3A_804 = vector.broadcast %ne3A_803 : i32 to vector<16xi32>
    %ne3A_805 = arith.cmpi ne, %get3A_802, %ne3A_804 : vector<16xi32>
    %ge3A_806 = arith.constant 94 : i32
    %ge3A_807 = vector.broadcast %ge3A_806 : i32 to vector<16xi32>
    %ge3A_808 = arith.cmpi sge, %get3A_798, %ge3A_807 : vector<16xi32>
    %jit3A_809 = arith.constant 1 : i32
    %jit3A_810 = arith.constant 0 : i32
    %broadcast_in_dim3A_811 = vector.broadcast %jit3A_809 : i32 to vector<16xi32>
    %broadcast_in_dim3A_812 = vector.broadcast %jit3A_810 : i32 to vector<16xi32>
    %select_n3A_813 = arith.select %ge3A_808, %broadcast_in_dim3A_811, %broadcast_in_dim3A_812 : vector<16xi1>, vector<16xi32>
    %jit3A_814 = arith.constant -1 : i32
    %broadcast_in_dim3A_815 = vector.broadcast %jit3A_814 : i32 to vector<16xi32>
    %select_n3A_816 = arith.select %ne3A_805, %select_n3A_813, %broadcast_in_dim3A_815 : vector<16xi1>, vector<16xi32>
    %swap3A_817 = arith.constant 16 : index
    %swap3A_818 = tpu.vector_load %arg22[%swap3A_817] {strides = array<i32>} : memref<64xi32, #tpu.memory_space<vmem>>, vector<16xi32>,
    tpu.vector_store %arg22[%swap3A_817], %select_n3A_816 {strides = array<i32>} : memref<64xi32, #tpu.memory_space<vmem>>, vector<16xi32>,
    %get3A_819 = arith.constant 3 : i32
    %get3A_820 = arith.index_cast %get3A_819 : i32 to index
    %get3A_821 = arith.constant 32 : index
    %get3A_822 = tpu.vector_load %arg23[%get3A_820, %get3A_821] {strides = array<i32>} : memref<14x64xi32, #tpu.memory_space<vmem>>, vector<16xi32>,
    %get3A_823 = arith.constant 3 : i32
    %get3A_824 = arith.index_cast %get3A_823 : i32 to index
    %get3A_825 = arith.constant 32 : index
    %get3A_826 = tpu.vector_load %arg24[%get3A_824, %get3A_825] {strides = array<i32>} : memref<14x64xi32, #tpu.memory_space<vmem>>, vector<16xi32>,
    %ne3A_827 = arith.constant 0 : i32
    %ne3A_828 = vector.broadcast %ne3A_827 : i32 to vector<16xi32>
    %ne3A_829 = arith.cmpi ne, %get3A_826, %ne3A_828 : vector<16xi32>
    %ge3A_830 = arith.constant 94 : i32
    %ge3A_831 = vector.broadcast %ge3A_830 : i32 to vector<16xi32>
    %ge3A_832 = arith.cmpi sge, %get3A_822, %ge3A_831 : vector<16xi32>
    %jit3A_833 = arith.constant 1 : i32
    %jit3A_834 = arith.constant 0 : i32
    %broadcast_in_dim3A_835 = vector.broadcast %jit3A_833 : i32 to vector<16xi32>
    %broadcast_in_dim3A_836 = vector.broadcast %jit3A_834 : i32 to vector<16xi32>
    %select_n3A_837 = arith.select %ge3A_832, %broadcast_in_dim3A_835, %broadcast_in_dim3A_836 : vector<16xi1>, vector<16xi32>
    %jit3A_838 = arith.constant -1 : i32
    %broadcast_in_dim3A_839 = vector.broadcast %jit3A_838 : i32 to vector<16xi32>
    %select_n3A_840 = arith.select %ne3A_829, %select_n3A_837, %broadcast_in_dim3A_839 : vector<16xi1>, vector<16xi32>
    %swap3A_841 = arith.constant 32 : index
    %swap3A_842 = tpu.vector_load %arg22[%swap3A_841] {strides = array<i32>} : memref<64xi32, #tpu.memory_space<vmem>>, vector<16xi32>,
    tpu.vector_store %arg22[%swap3A_841], %select_n3A_840 {strides = array<i32>} : memref<64xi32, #tpu.memory_space<vmem>>, vector<16xi32>,
    %get3A_843 = arith.constant 3 : i32
    %get3A_844 = arith.index_cast %get3A_843 : i32 to index
    %get3A_845 = arith.constant 48 : index
    %get3A_846 = tpu.vector_load %arg23[%get3A_844, %get3A_845] {strides = array<i32>} : memref<14x64xi32, #tpu.memory_space<vmem>>, vector<16xi32>,
    %get3A_847 = arith.constant 3 : i32
    %get3A_848 = arith.index_cast %get3A_847 : i32 to index
    %get3A_849 = arith.constant 48 : index
    %get3A_850 = tpu.vector_load %arg24[%get3A_848, %get3A_849] {strides = array<i32>} : memref<14x64xi32, #tpu.memory_space<vmem>>, vector<16xi32>,
    %ne3A_851 = arith.constant 0 : i32
    %ne3A_852 = vector.broadcast %ne3A_851 : i32 to vector<16xi32>
    %ne3A_853 = arith.cmpi ne, %get3A_850, %ne3A_852 : vector<16xi32>
    %ge3A_854 = arith.constant 94 : i32
    %ge3A_855 = vector.broadcast %ge3A_854 : i32 to vector<16xi32>
    %ge3A_856 = arith.cmpi sge, %get3A_846, %ge3A_855 : vector<16xi32>
    %jit3A_857 = arith.constant 1 : i32
    %jit3A_858 = arith.constant 0 : i32
    %broadcast_in_dim3A_859 = vector.broadcast %jit3A_857 : i32 to vector<16xi32>
    %broadcast_in_dim3A_860 = vector.broadcast %jit3A_858 : i32 to vector<16xi32>
    %select_n3A_861 = arith.select %ge3A_856, %broadcast_in_dim3A_859, %broadcast_in_dim3A_860 : vector<16xi1>, vector<16xi32>
    %jit3A_862 = arith.constant -1 : i32
    %broadcast_in_dim3A_863 = vector.broadcast %jit3A_862 : i32 to vector<16xi32>
    %select_n3A_864 = arith.select %ne3A_853, %select_n3A_861, %broadcast_in_dim3A_863 : vector<16xi1>, vector<16xi32>
    %swap3A_865 = arith.constant 48 : index
    %swap3A_866 = tpu.vector_load %arg22[%swap3A_865] {strides = array<i32>} : memref<64xi32, #tpu.memory_space<vmem>>, vector<16xi32>,
    tpu.vector_store %arg22[%swap3A_865], %select_n3A_864 {strides = array<i32>} : memref<64xi32, #tpu.memory_space<vmem>>, vector<16xi32>,
    %dma_start3A_867 = arith.constant 0 : i32
    %dma_start3A_868 = arith.constant 0 : i32
    %dma_start3A_869 = tpu.memref_slice %arg25[%dma_start3A_867, %dma_start3A_868] : memref<2x128xf32, #tpu.memory_space<vmem_shared>> -> memref<2x128xf32, #tpu.memory_space<vmem_shared>>
    %dma_start3A_870 = arith.constant -1 : i32
    tpu.enqueue_indirect_dma source(%dma_start3A_869 : memref<2x128xf32, #tpu.memory_space<vmem_shared>>) target(%arg10 : memref<64x128xf32, #tpu.memory_space<vmem>>) offsets(%arg22 : memref<64xi32, #tpu.memory_space<vmem>>) offset_filter(%dma_start3A_870) semaphore(%arg56 : memref<!tpu.dma_semaphore, #tpu.memory_space<semaphore_mem>>) {add = true}
    %dma_wait3A_871 = arith.constant 0 : i32
    %dma_wait3A_872 = arith.constant 0 : i32
    %dma_wait3A_873 = tpu.memref_slice %arg25[%dma_wait3A_871, %dma_wait3A_872] : memref<2x128xf32, #tpu.memory_space<vmem_shared>> -> memref<2x128xf32, #tpu.memory_space<vmem_shared>>
    tpu.wait_indirect_dma semaphore(%arg55 : memref<!tpu.dma_semaphore, #tpu.memory_space<semaphore_mem>>) src(%dma_wait3A_873 : memref<2x128xf32, #tpu.memory_space<vmem_shared>>) dst(%arg9 : memref<64x128xf32, #tpu.memory_space<vmem>>)
    %add3A_874 = arith.constant 128 : i32
    %add3A_875 = arith.addi %mul3A_2, %add3A_874 : i32
    %dma_start3A_876 = arith.constant 0 : i32
    %dma_start3A_877 = tpu.memref_slice %arg6[%add3A_875, %dma_start3A_876] : memref<32768x128xf32, #tpu.memory_space<hbm>> -> memref<64x128xf32, #tpu.memory_space<hbm>>
    %dma_start3A_878 = arith.constant 0 : i32
    %dma_start3A_879 = tpu.memref_slice %arg6[%add3A_875, %dma_start3A_878] : memref<32768x128xf32, #tpu.memory_space<hbm>> -> memref<64x128xf32, #tpu.memory_space<hbm>>
    tpu.enqueue_dma source(%arg9 : memref<64x128xf32, #tpu.memory_space<vmem>>) target(%dma_start3A_879 : memref<64x128xf32, #tpu.memory_space<hbm>>) target_semaphore(%arg42 : memref<!tpu.dma_semaphore, #tpu.memory_space<semaphore_mem>>)
    %dma_wait3A_880 = arith.constant 0 : i32
    %dma_wait3A_881 = tpu.memref_slice %arg6[%add3A_716, %dma_wait3A_880] : memref<32768x128xf32, #tpu.memory_space<hbm>> -> memref<64x128xf32, #tpu.memory_space<hbm>>
    %dma_wait3A_882 = arith.constant 0 : i32
    %dma_wait3A_883 = tpu.memref_slice %arg6[%add3A_716, %dma_wait3A_882] : memref<32768x128xf32, #tpu.memory_space<hbm>> -> memref<64x128xf32, #tpu.memory_space<hbm>>
    tpu.wait_dma2 semaphore(%arg41 : memref<!tpu.dma_semaphore, #tpu.memory_space<semaphore_mem>>) src(%arg8 : memref<64x128xf32, #tpu.memory_space<vmem>>) dst(%dma_wait3A_883 : memref<64x128xf32, #tpu.memory_space<hbm>>)
    %add3A_884 = arith.constant 960 : i32
    %add3A_885 = arith.addi %mul3A_2, %add3A_884 : i32
    %dma_start3A_886 = arith.constant 0 : i32
    %dma_start3A_887 = tpu.memref_slice %arg2[%add3A_885, %dma_start3A_886] : memref<32768x128xf32, #tpu.memory_space<hbm>> -> memref<64x128xf32, #tpu.memory_space<hbm>>
    %dma_start3A_888 = arith.constant 0 : i32
    %dma_start3A_889 = tpu.memref_slice %arg2[%add3A_885, %dma_start3A_888] : memref<32768x128xf32, #tpu.memory_space<hbm>> -> memref<64x128xf32, #tpu.memory_space<hbm>>
    tpu.enqueue_dma source(%dma_start3A_889 : memref<64x128xf32, #tpu.memory_space<hbm>>) target(%arg8 : memref<64x128xf32, #tpu.memory_space<vmem>>) target_semaphore(%arg27 : memref<!tpu.dma_semaphore, #tpu.memory_space<semaphore_mem>>)
    %dma_start3A_890 = arith.constant 1 : i32
    %dma_start3A_891 = arith.constant 0 : i32
    %dma_start3A_892 = tpu.memref_slice %arg23[%dma_start3A_890, %dma_start3A_891] : memref<14x64xi32, #tpu.memory_space<vmem>> -> memref<1x64xi32, #tpu.memory_space<vmem>>
    %dma_start3A_893 = tpu.memref_squeeze %dma_start3A_892 : memref<1x64xi32, #tpu.memory_space<vmem>> -> memref<64xi32, #tpu.memory_space<vmem>>
    %dma_start3A_894 = tpu.memref_slice %arg3[%add3A_885] : memref<32768xi32, #tpu.memory_space<hbm>> -> memref<64xi32, #tpu.memory_space<hbm>>
    %dma_start3A_895 = arith.constant 0 : i32
    %dma_start3A_896 = tpu.memref_slice %arg23[%dma_start3A_890, %dma_start3A_895] : memref<14x64xi32, #tpu.memory_space<vmem>> -> memref<1x64xi32, #tpu.memory_space<vmem>>
    %dma_start3A_897 = tpu.memref_squeeze %dma_start3A_896 : memref<1x64xi32, #tpu.memory_space<vmem>> -> memref<64xi32, #tpu.memory_space<vmem>>
    %dma_start3A_898 = tpu.memref_slice %arg3[%add3A_885] : memref<32768xi32, #tpu.memory_space<hbm>> -> memref<64xi32, #tpu.memory_space<hbm>>
    tpu.enqueue_dma source(%dma_start3A_898 : memref<64xi32, #tpu.memory_space<hbm>>) target(%dma_start3A_897 : memref<64xi32, #tpu.memory_space<vmem>>) target_semaphore(%arg27 : memref<!tpu.dma_semaphore, #tpu.memory_space<semaphore_mem>>)
    %dma_start3A_899 = arith.constant 1 : i32
    %dma_start3A_900 = arith.constant 0 : i32
    %dma_start3A_901 = tpu.memref_slice %arg24[%dma_start3A_899, %dma_start3A_900] : memref<14x64xi32, #tpu.memory_space<vmem>> -> memref<1x64xi32, #tpu.memory_space<vmem>>
    %dma_start3A_902 = tpu.memref_squeeze %dma_start3A_901 : memref<1x64xi32, #tpu.memory_space<vmem>> -> memref<64xi32, #tpu.memory_space<vmem>>
    %dma_start3A_903 = tpu.memref_slice %arg4[%add3A_885] : memref<32768xi32, #tpu.memory_space<hbm>> -> memref<64xi32, #tpu.memory_space<hbm>>
    %dma_start3A_904 = arith.constant 0 : i32
    %dma_start3A_905 = tpu.memref_slice %arg24[%dma_start3A_899, %dma_start3A_904] : memref<14x64xi32, #tpu.memory_space<vmem>> -> memref<1x64xi32, #tpu.memory_space<vmem>>
    %dma_start3A_906 = tpu.memref_squeeze %dma_start3A_905 : memref<1x64xi32, #tpu.memory_space<vmem>> -> memref<64xi32, #tpu.memory_space<vmem>>
    %dma_start3A_907 = tpu.memref_slice %arg4[%add3A_885] : memref<32768xi32, #tpu.memory_space<hbm>> -> memref<64xi32, #tpu.memory_space<hbm>>
    tpu.enqueue_dma source(%dma_start3A_907 : memref<64xi32, #tpu.memory_space<hbm>>) target(%dma_start3A_906 : memref<64xi32, #tpu.memory_space<vmem>>) target_semaphore(%arg27 : memref<!tpu.dma_semaphore, #tpu.memory_space<semaphore_mem>>)
    %dma_wait3A_908 = arith.constant 0 : i32
    %dma_wait3A_909 = tpu.memref_slice %arg2[%add3A_101, %dma_wait3A_908] : memref<32768x128xf32, #tpu.memory_space<hbm>> -> memref<64x128xf32, #tpu.memory_space<hbm>>
    %dma_wait3A_910 = arith.constant 0 : i32
    %dma_wait3A_911 = tpu.memref_slice %arg2[%add3A_101, %dma_wait3A_910] : memref<32768x128xf32, #tpu.memory_space<hbm>> -> memref<64x128xf32, #tpu.memory_space<hbm>>
    tpu.wait_dma2 semaphore(%arg30 : memref<!tpu.dma_semaphore, #tpu.memory_space<semaphore_mem>>) src(%dma_wait3A_911 : memref<64x128xf32, #tpu.memory_space<hbm>>) dst(%arg11 : memref<64x128xf32, #tpu.memory_space<vmem>>)
    %dma_wait3A_912 = arith.constant 4 : i32
    %dma_wait3A_913 = arith.constant 0 : i32
    %dma_wait3A_914 = tpu.memref_slice %arg23[%dma_wait3A_912, %dma_wait3A_913] : memref<14x64xi32, #tpu.memory_space<vmem>> -> memref<1x64xi32, #tpu.memory_space<vmem>>
    %dma_wait3A_915 = tpu.memref_squeeze %dma_wait3A_914 : memref<1x64xi32, #tpu.memory_space<vmem>> -> memref<64xi32, #tpu.memory_space<vmem>>
    %dma_wait3A_916 = tpu.memref_slice %arg3[%add3A_101] : memref<32768xi32, #tpu.memory_space<hbm>> -> memref<64xi32, #tpu.memory_space<hbm>>
    %dma_wait3A_917 = arith.constant 0 : i32
    %dma_wait3A_918 = tpu.memref_slice %arg23[%dma_wait3A_912, %dma_wait3A_917] : memref<14x64xi32, #tpu.memory_space<vmem>> -> memref<1x64xi32, #tpu.memory_space<vmem>>
    %dma_wait3A_919 = tpu.memref_squeeze %dma_wait3A_918 : memref<1x64xi32, #tpu.memory_space<vmem>> -> memref<64xi32, #tpu.memory_space<vmem>>
    %dma_wait3A_920 = tpu.memref_slice %arg3[%add3A_101] : memref<32768xi32, #tpu.memory_space<hbm>> -> memref<64xi32, #tpu.memory_space<hbm>>
    tpu.wait_dma2 semaphore(%arg30 : memref<!tpu.dma_semaphore, #tpu.memory_space<semaphore_mem>>) src(%dma_wait3A_920 : memref<64xi32, #tpu.memory_space<hbm>>) dst(%dma_wait3A_919 : memref<64xi32, #tpu.memory_space<vmem>>)
    %dma_wait3A_921 = arith.constant 4 : i32
    %dma_wait3A_922 = arith.constant 0 : i32
    %dma_wait3A_923 = tpu.memref_slice %arg24[%dma_wait3A_921, %dma_wait3A_922] : memref<14x64xi32, #tpu.memory_space<vmem>> -> memref<1x64xi32, #tpu.memory_space<vmem>>
    %dma_wait3A_924 = tpu.memref_squeeze %dma_wait3A_923 : memref<1x64xi32, #tpu.memory_space<vmem>> -> memref<64xi32, #tpu.memory_space<vmem>>
    %dma_wait3A_925 = tpu.memref_slice %arg4[%add3A_101] : memref<32768xi32, #tpu.memory_space<hbm>> -> memref<64xi32, #tpu.memory_space<hbm>>
    %dma_wait3A_926 = arith.constant 0 : i32
    %dma_wait3A_927 = tpu.memref_slice %arg24[%dma_wait3A_921, %dma_wait3A_926] : memref<14x64xi32, #tpu.memory_space<vmem>> -> memref<1x64xi32, #tpu.memory_space<vmem>>
    %dma_wait3A_928 = tpu.memref_squeeze %dma_wait3A_927 : memref<1x64xi32, #tpu.memory_space<vmem>> -> memref<64xi32, #tpu.memory_space<vmem>>
    %dma_wait3A_929 = tpu.memref_slice %arg4[%add3A_101] : memref<32768xi32, #tpu.memory_space<hbm>> -> memref<64xi32, #tpu.memory_space<hbm>>
    tpu.wait_dma2 semaphore(%arg30 : memref<!tpu.dma_semaphore, #tpu.memory_space<semaphore_mem>>) src(%dma_wait3A_929 : memref<64xi32, #tpu.memory_space<hbm>>) dst(%dma_wait3A_928 : memref<64xi32, #tpu.memory_space<vmem>>)
    %get3A_930 = arith.constant 4 : i32
    %get3A_931 = arith.index_cast %get3A_930 : i32 to index
    %get3A_932 = arith.constant 0 : index
    %get3A_933 = tpu.vector_load %arg23[%get3A_931, %get3A_932] {strides = array<i32>} : memref<14x64xi32, #tpu.memory_space<vmem>>, vector<16xi32>,
    %get3A_934 = arith.constant 4 : i32
    %get3A_935 = arith.index_cast %get3A_934 : i32 to index
    %get3A_936 = arith.constant 0 : index
    %get3A_937 = tpu.vector_load %arg24[%get3A_935, %get3A_936] {strides = array<i32>} : memref<14x64xi32, #tpu.memory_space<vmem>>, vector<16xi32>,
    %ne3A_938 = arith.constant 0 : i32
    %ne3A_939 = vector.broadcast %ne3A_938 : i32 to vector<16xi32>
    %ne3A_940 = arith.cmpi ne, %get3A_937, %ne3A_939 : vector<16xi32>
    %ge3A_941 = arith.constant 94 : i32
    %ge3A_942 = vector.broadcast %ge3A_941 : i32 to vector<16xi32>
    %ge3A_943 = arith.cmpi sge, %get3A_933, %ge3A_942 : vector<16xi32>
    %jit3A_944 = arith.constant 1 : i32
    %jit3A_945 = arith.constant 0 : i32
    %broadcast_in_dim3A_946 = vector.broadcast %jit3A_944 : i32 to vector<16xi32>
    %broadcast_in_dim3A_947 = vector.broadcast %jit3A_945 : i32 to vector<16xi32>
    %select_n3A_948 = arith.select %ge3A_943, %broadcast_in_dim3A_946, %broadcast_in_dim3A_947 : vector<16xi1>, vector<16xi32>
    %jit3A_949 = arith.constant -1 : i32
    %broadcast_in_dim3A_950 = vector.broadcast %jit3A_949 : i32 to vector<16xi32>
    %select_n3A_951 = arith.select %ne3A_940, %select_n3A_948, %broadcast_in_dim3A_950 : vector<16xi1>, vector<16xi32>
    %swap3A_952 = arith.constant 0 : index
    %swap3A_953 = tpu.vector_load %arg21[%swap3A_952] {strides = array<i32>} : memref<64xi32, #tpu.memory_space<vmem>>, vector<16xi32>,
    tpu.vector_store %arg21[%swap3A_952], %select_n3A_951 {strides = array<i32>} : memref<64xi32, #tpu.memory_space<vmem>>, vector<16xi32>,
    %get3A_954 = arith.constant 4 : i32
    %get3A_955 = arith.index_cast %get3A_954 : i32 to index
    %get3A_956 = arith.constant 16 : index
    %get3A_957 = tpu.vector_load %arg23[%get3A_955, %get3A_956] {strides = array<i32>} : memref<14x64xi32, #tpu.memory_space<vmem>>, vector<16xi32>,
    %get3A_958 = arith.constant 4 : i32
    %get3A_959 = arith.index_cast %get3A_958 : i32 to index
    %get3A_960 = arith.constant 16 : index
    %get3A_961 = tpu.vector_load %arg24[%get3A_959, %get3A_960] {strides = array<i32>} : memref<14x64xi32, #tpu.memory_space<vmem>>, vector<16xi32>,
    %ne3A_962 = arith.constant 0 : i32
    %ne3A_963 = vector.broadcast %ne3A_962 : i32 to vector<16xi32>
    %ne3A_964 = arith.cmpi ne, %get3A_961, %ne3A_963 : vector<16xi32>
    %ge3A_965 = arith.constant 94 : i32
    %ge3A_966 = vector.broadcast %ge3A_965 : i32 to vector<16xi32>
    %ge3A_967 = arith.cmpi sge, %get3A_957, %ge3A_966 : vector<16xi32>
    %jit3A_968 = arith.constant 1 : i32
    %jit3A_969 = arith.constant 0 : i32
    %broadcast_in_dim3A_970 = vector.broadcast %jit3A_968 : i32 to vector<16xi32>
    %broadcast_in_dim3A_971 = vector.broadcast %jit3A_969 : i32 to vector<16xi32>
    %select_n3A_972 = arith.select %ge3A_967, %broadcast_in_dim3A_970, %broadcast_in_dim3A_971 : vector<16xi1>, vector<16xi32>
    %jit3A_973 = arith.constant -1 : i32
    %broadcast_in_dim3A_974 = vector.broadcast %jit3A_973 : i32 to vector<16xi32>
    %select_n3A_975 = arith.select %ne3A_964, %select_n3A_972, %broadcast_in_dim3A_974 : vector<16xi1>, vector<16xi32>
    %swap3A_976 = arith.constant 16 : index
    %swap3A_977 = tpu.vector_load %arg21[%swap3A_976] {strides = array<i32>} : memref<64xi32, #tpu.memory_space<vmem>>, vector<16xi32>,
    tpu.vector_store %arg21[%swap3A_976], %select_n3A_975 {strides = array<i32>} : memref<64xi32, #tpu.memory_space<vmem>>, vector<16xi32>,
    %get3A_978 = arith.constant 4 : i32
    %get3A_979 = arith.index_cast %get3A_978 : i32 to index
    %get3A_980 = arith.constant 32 : index
    %get3A_981 = tpu.vector_load %arg23[%get3A_979, %get3A_980] {strides = array<i32>} : memref<14x64xi32, #tpu.memory_space<vmem>>, vector<16xi32>,
    %get3A_982 = arith.constant 4 : i32
    %get3A_983 = arith.index_cast %get3A_982 : i32 to index
    %get3A_984 = arith.constant 32 : index
    %get3A_985 = tpu.vector_load %arg24[%get3A_983, %get3A_984] {strides = array<i32>} : memref<14x64xi32, #tpu.memory_space<vmem>>, vector<16xi32>,
    %ne3A_986 = arith.constant 0 : i32
    %ne3A_987 = vector.broadcast %ne3A_986 : i32 to vector<16xi32>
    %ne3A_988 = arith.cmpi ne, %get3A_985, %ne3A_987 : vector<16xi32>
    %ge3A_989 = arith.constant 94 : i32
    %ge3A_990 = vector.broadcast %ge3A_989 : i32 to vector<16xi32>
    %ge3A_991 = arith.cmpi sge, %get3A_981, %ge3A_990 : vector<16xi32>
    %jit3A_992 = arith.constant 1 : i32
    %jit3A_993 = arith.constant 0 : i32
    %broadcast_in_dim3A_994 = vector.broadcast %jit3A_992 : i32 to vector<16xi32>
    %broadcast_in_dim3A_995 = vector.broadcast %jit3A_993 : i32 to vector<16xi32>
    %select_n3A_996 = arith.select %ge3A_991, %broadcast_in_dim3A_994, %broadcast_in_dim3A_995 : vector<16xi1>, vector<16xi32>
    %jit3A_997 = arith.constant -1 : i32
    %broadcast_in_dim3A_998 = vector.broadcast %jit3A_997 : i32 to vector<16xi32>
    %select_n3A_999 = arith.select %ne3A_988, %select_n3A_996, %broadcast_in_dim3A_998 : vector<16xi1>, vector<16xi32>
    %swap3A_1000 = arith.constant 32 : index
    %swap3A_1001 = tpu.vector_load %arg21[%swap3A_1000] {strides = array<i32>} : memref<64xi32, #tpu.memory_space<vmem>>, vector<16xi32>,
    tpu.vector_store %arg21[%swap3A_1000], %select_n3A_999 {strides = array<i32>} : memref<64xi32, #tpu.memory_space<vmem>>, vector<16xi32>,
    %get3A_1002 = arith.constant 4 : i32
    %get3A_1003 = arith.index_cast %get3A_1002 : i32 to index
    %get3A_1004 = arith.constant 48 : index
    %get3A_1005 = tpu.vector_load %arg23[%get3A_1003, %get3A_1004] {strides = array<i32>} : memref<14x64xi32, #tpu.memory_space<vmem>>, vector<16xi32>,
    %get3A_1006 = arith.constant 4 : i32
    %get3A_1007 = arith.index_cast %get3A_1006 : i32 to index
    %get3A_1008 = arith.constant 48 : index
    %get3A_1009 = tpu.vector_load %arg24[%get3A_1007, %get3A_1008] {strides = array<i32>} : memref<14x64xi32, #tpu.memory_space<vmem>>, vector<16xi32>,
    %ne3A_1010 = arith.constant 0 : i32
    %ne3A_1011 = vector.broadcast %ne3A_1010 : i32 to vector<16xi32>
    %ne3A_1012 = arith.cmpi ne, %get3A_1009, %ne3A_1011 : vector<16xi32>
    %ge3A_1013 = arith.constant 94 : i32
    %ge3A_1014 = vector.broadcast %ge3A_1013 : i32 to vector<16xi32>
    %ge3A_1015 = arith.cmpi sge, %get3A_1005, %ge3A_1014 : vector<16xi32>
    %jit3A_1016 = arith.constant 1 : i32
    %jit3A_1017 = arith.constant 0 : i32
    %broadcast_in_dim3A_1018 = vector.broadcast %jit3A_1016 : i32 to vector<16xi32>
    %broadcast_in_dim3A_1019 = vector.broadcast %jit3A_1017 : i32 to vector<16xi32>
    %select_n3A_1020 = arith.select %ge3A_1015, %broadcast_in_dim3A_1018, %broadcast_in_dim3A_1019 : vector<16xi1>, vector<16xi32>
    %jit3A_1021 = arith.constant -1 : i32
    %broadcast_in_dim3A_1022 = vector.broadcast %jit3A_1021 : i32 to vector<16xi32>
    %select_n3A_1023 = arith.select %ne3A_1012, %select_n3A_1020, %broadcast_in_dim3A_1022 : vector<16xi1>, vector<16xi32>
    %swap3A_1024 = arith.constant 48 : index
    %swap3A_1025 = tpu.vector_load %arg21[%swap3A_1024] {strides = array<i32>} : memref<64xi32, #tpu.memory_space<vmem>>, vector<16xi32>,
    tpu.vector_store %arg21[%swap3A_1024], %select_n3A_1023 {strides = array<i32>} : memref<64xi32, #tpu.memory_space<vmem>>, vector<16xi32>,
    %dma_start3A_1026 = arith.constant 0 : i32
    %dma_start3A_1027 = arith.constant 0 : i32
    %dma_start3A_1028 = tpu.memref_slice %arg25[%dma_start3A_1026, %dma_start3A_1027] : memref<2x128xf32, #tpu.memory_space<vmem_shared>> -> memref<2x128xf32, #tpu.memory_space<vmem_shared>>
    %dma_start3A_1029 = arith.constant -1 : i32
    tpu.enqueue_indirect_dma source(%dma_start3A_1028 : memref<2x128xf32, #tpu.memory_space<vmem_shared>>) target(%arg11 : memref<64x128xf32, #tpu.memory_space<vmem>>) offsets(%arg21 : memref<64xi32, #tpu.memory_space<vmem>>) offset_filter(%dma_start3A_1029) semaphore(%arg55 : memref<!tpu.dma_semaphore, #tpu.memory_space<semaphore_mem>>) {add = true}
    %dma_wait3A_1030 = arith.constant 0 : i32
    %dma_wait3A_1031 = arith.constant 0 : i32
    %dma_wait3A_1032 = tpu.memref_slice %arg25[%dma_wait3A_1030, %dma_wait3A_1031] : memref<2x128xf32, #tpu.memory_space<vmem_shared>> -> memref<2x128xf32, #tpu.memory_space<vmem_shared>>
    tpu.wait_indirect_dma semaphore(%arg56 : memref<!tpu.dma_semaphore, #tpu.memory_space<semaphore_mem>>) src(%dma_wait3A_1032 : memref<2x128xf32, #tpu.memory_space<vmem_shared>>) dst(%arg10 : memref<64x128xf32, #tpu.memory_space<vmem>>)
    %add3A_1033 = arith.constant 192 : i32
    %add3A_1034 = arith.addi %mul3A_2, %add3A_1033 : i32
    %dma_start3A_1035 = arith.constant 0 : i32
    %dma_start3A_1036 = tpu.memref_slice %arg6[%add3A_1034, %dma_start3A_1035] : memref<32768x128xf32, #tpu.memory_space<hbm>> -> memref<64x128xf32, #tpu.memory_space<hbm>>
    %dma_start3A_1037 = arith.constant 0 : i32
    %dma_start3A_1038 = tpu.memref_slice %arg6[%add3A_1034, %dma_start3A_1037] : memref<32768x128xf32, #tpu.memory_space<hbm>> -> memref<64x128xf32, #tpu.memory_space<hbm>>
    tpu.enqueue_dma source(%arg10 : memref<64x128xf32, #tpu.memory_space<vmem>>) target(%dma_start3A_1038 : memref<64x128xf32, #tpu.memory_space<hbm>>) target_semaphore(%arg43 : memref<!tpu.dma_semaphore, #tpu.memory_space<semaphore_mem>>)
    %dma_wait3A_1039 = arith.constant 0 : i32
    %dma_wait3A_1040 = tpu.memref_slice %arg2[%add3A_125, %dma_wait3A_1039] : memref<32768x128xf32, #tpu.memory_space<hbm>> -> memref<64x128xf32, #tpu.memory_space<hbm>>
    %dma_wait3A_1041 = arith.constant 0 : i32
    %dma_wait3A_1042 = tpu.memref_slice %arg2[%add3A_125, %dma_wait3A_1041] : memref<32768x128xf32, #tpu.memory_space<hbm>> -> memref<64x128xf32, #tpu.memory_space<hbm>>
    tpu.wait_dma2 semaphore(%arg31 : memref<!tpu.dma_semaphore, #tpu.memory_space<semaphore_mem>>) src(%dma_wait3A_1042 : memref<64x128xf32, #tpu.memory_space<hbm>>) dst(%arg12 : memref<64x128xf32, #tpu.memory_space<vmem>>)
    %dma_wait3A_1043 = arith.constant 5 : i32
    %dma_wait3A_1044 = arith.constant 0 : i32
    %dma_wait3A_1045 = tpu.memref_slice %arg23[%dma_wait3A_1043, %dma_wait3A_1044] : memref<14x64xi32, #tpu.memory_space<vmem>> -> memref<1x64xi32, #tpu.memory_space<vmem>>
    %dma_wait3A_1046 = tpu.memref_squeeze %dma_wait3A_1045 : memref<1x64xi32, #tpu.memory_space<vmem>> -> memref<64xi32, #tpu.memory_space<vmem>>
    %dma_wait3A_1047 = tpu.memref_slice %arg3[%add3A_125] : memref<32768xi32, #tpu.memory_space<hbm>> -> memref<64xi32, #tpu.memory_space<hbm>>
    %dma_wait3A_1048 = arith.constant 0 : i32
    %dma_wait3A_1049 = tpu.memref_slice %arg23[%dma_wait3A_1043, %dma_wait3A_1048] : memref<14x64xi32, #tpu.memory_space<vmem>> -> memref<1x64xi32, #tpu.memory_space<vmem>>
    %dma_wait3A_1050 = tpu.memref_squeeze %dma_wait3A_1049 : memref<1x64xi32, #tpu.memory_space<vmem>> -> memref<64xi32, #tpu.memory_space<vmem>>
    %dma_wait3A_1051 = tpu.memref_slice %arg3[%add3A_125] : memref<32768xi32, #tpu.memory_space<hbm>> -> memref<64xi32, #tpu.memory_space<hbm>>
    tpu.wait_dma2 semaphore(%arg31 : memref<!tpu.dma_semaphore, #tpu.memory_space<semaphore_mem>>) src(%dma_wait3A_1051 : memref<64xi32, #tpu.memory_space<hbm>>) dst(%dma_wait3A_1050 : memref<64xi32, #tpu.memory_space<vmem>>)
    %dma_wait3A_1052 = arith.constant 5 : i32
    %dma_wait3A_1053 = arith.constant 0 : i32
    %dma_wait3A_1054 = tpu.memref_slice %arg24[%dma_wait3A_1052, %dma_wait3A_1053] : memref<14x64xi32, #tpu.memory_space<vmem>> -> memref<1x64xi32, #tpu.memory_space<vmem>>
    %dma_wait3A_1055 = tpu.memref_squeeze %dma_wait3A_1054 : memref<1x64xi32, #tpu.memory_space<vmem>> -> memref<64xi32, #tpu.memory_space<vmem>>
    %dma_wait3A_1056 = tpu.memref_slice %arg4[%add3A_125] : memref<32768xi32, #tpu.memory_space<hbm>> -> memref<64xi32, #tpu.memory_space<hbm>>
    %dma_wait3A_1057 = arith.constant 0 : i32
    %dma_wait3A_1058 = tpu.memref_slice %arg24[%dma_wait3A_1052, %dma_wait3A_1057] : memref<14x64xi32, #tpu.memory_space<vmem>> -> memref<1x64xi32, #tpu.memory_space<vmem>>
    %dma_wait3A_1059 = tpu.memref_squeeze %dma_wait3A_1058 : memref<1x64xi32, #tpu.memory_space<vmem>> -> memref<64xi32, #tpu.memory_space<vmem>>
    %dma_wait3A_1060 = tpu.memref_slice %arg4[%add3A_125] : memref<32768xi32, #tpu.memory_space<hbm>> -> memref<64xi32, #tpu.memory_space<hbm>>
    tpu.wait_dma2 semaphore(%arg31 : memref<!tpu.dma_semaphore, #tpu.memory_space<semaphore_mem>>) src(%dma_wait3A_1060 : memref<64xi32, #tpu.memory_space<hbm>>) dst(%dma_wait3A_1059 : memref<64xi32, #tpu.memory_space<vmem>>)
    %get3A_1061 = arith.constant 5 : i32
    %get3A_1062 = arith.index_cast %get3A_1061 : i32 to index
    %get3A_1063 = arith.constant 0 : index
    %get3A_1064 = tpu.vector_load %arg23[%get3A_1062, %get3A_1063] {strides = array<i32>} : memref<14x64xi32, #tpu.memory_space<vmem>>, vector<16xi32>,
    %get3A_1065 = arith.constant 5 : i32
    %get3A_1066 = arith.index_cast %get3A_1065 : i32 to index
    %get3A_1067 = arith.constant 0 : index
    %get3A_1068 = tpu.vector_load %arg24[%get3A_1066, %get3A_1067] {strides = array<i32>} : memref<14x64xi32, #tpu.memory_space<vmem>>, vector<16xi32>,
    %ne3A_1069 = arith.constant 0 : i32
    %ne3A_1070 = vector.broadcast %ne3A_1069 : i32 to vector<16xi32>
    %ne3A_1071 = arith.cmpi ne, %get3A_1068, %ne3A_1070 : vector<16xi32>
    %ge3A_1072 = arith.constant 94 : i32
    %ge3A_1073 = vector.broadcast %ge3A_1072 : i32 to vector<16xi32>
    %ge3A_1074 = arith.cmpi sge, %get3A_1064, %ge3A_1073 : vector<16xi32>
    %jit3A_1075 = arith.constant 1 : i32
    %jit3A_1076 = arith.constant 0 : i32
    %broadcast_in_dim3A_1077 = vector.broadcast %jit3A_1075 : i32 to vector<16xi32>
    %broadcast_in_dim3A_1078 = vector.broadcast %jit3A_1076 : i32 to vector<16xi32>
    %select_n3A_1079 = arith.select %ge3A_1074, %broadcast_in_dim3A_1077, %broadcast_in_dim3A_1078 : vector<16xi1>, vector<16xi32>
    %jit3A_1080 = arith.constant -1 : i32
    %broadcast_in_dim3A_1081 = vector.broadcast %jit3A_1080 : i32 to vector<16xi32>
    %select_n3A_1082 = arith.select %ne3A_1071, %select_n3A_1079, %broadcast_in_dim3A_1081 : vector<16xi1>, vector<16xi32>
    %swap3A_1083 = arith.constant 0 : index
    %swap3A_1084 = tpu.vector_load %arg22[%swap3A_1083] {strides = array<i32>} : memref<64xi32, #tpu.memory_space<vmem>>, vector<16xi32>,
    tpu.vector_store %arg22[%swap3A_1083], %select_n3A_1082 {strides = array<i32>} : memref<64xi32, #tpu.memory_space<vmem>>, vector<16xi32>,
    %get3A_1085 = arith.constant 5 : i32
    %get3A_1086 = arith.index_cast %get3A_1085 : i32 to index
    %get3A_1087 = arith.constant 16 : index
    %get3A_1088 = tpu.vector_load %arg23[%get3A_1086, %get3A_1087] {strides = array<i32>} : memref<14x64xi32, #tpu.memory_space<vmem>>, vector<16xi32>,
    %get3A_1089 = arith.constant 5 : i32
    %get3A_1090 = arith.index_cast %get3A_1089 : i32 to index
    %get3A_1091 = arith.constant 16 : index
    %get3A_1092 = tpu.vector_load %arg24[%get3A_1090, %get3A_1091] {strides = array<i32>} : memref<14x64xi32, #tpu.memory_space<vmem>>, vector<16xi32>,
    %ne3A_1093 = arith.constant 0 : i32
    %ne3A_1094 = vector.broadcast %ne3A_1093 : i32 to vector<16xi32>
    %ne3A_1095 = arith.cmpi ne, %get3A_1092, %ne3A_1094 : vector<16xi32>
    %ge3A_1096 = arith.constant 94 : i32
    %ge3A_1097 = vector.broadcast %ge3A_1096 : i32 to vector<16xi32>
    %ge3A_1098 = arith.cmpi sge, %get3A_1088, %ge3A_1097 : vector<16xi32>
    %jit3A_1099 = arith.constant 1 : i32
    %jit3A_1100 = arith.constant 0 : i32
    %broadcast_in_dim3A_1101 = vector.broadcast %jit3A_1099 : i32 to vector<16xi32>
    %broadcast_in_dim3A_1102 = vector.broadcast %jit3A_1100 : i32 to vector<16xi32>
    %select_n3A_1103 = arith.select %ge3A_1098, %broadcast_in_dim3A_1101, %broadcast_in_dim3A_1102 : vector<16xi1>, vector<16xi32>
    %jit3A_1104 = arith.constant -1 : i32
    %broadcast_in_dim3A_1105 = vector.broadcast %jit3A_1104 : i32 to vector<16xi32>
    %select_n3A_1106 = arith.select %ne3A_1095, %select_n3A_1103, %broadcast_in_dim3A_1105 : vector<16xi1>, vector<16xi32>
    %swap3A_1107 = arith.constant 16 : index
    %swap3A_1108 = tpu.vector_load %arg22[%swap3A_1107] {strides = array<i32>} : memref<64xi32, #tpu.memory_space<vmem>>, vector<16xi32>,
    tpu.vector_store %arg22[%swap3A_1107], %select_n3A_1106 {strides = array<i32>} : memref<64xi32, #tpu.memory_space<vmem>>, vector<16xi32>,
    %get3A_1109 = arith.constant 5 : i32
    %get3A_1110 = arith.index_cast %get3A_1109 : i32 to index
    %get3A_1111 = arith.constant 32 : index
    %get3A_1112 = tpu.vector_load %arg23[%get3A_1110, %get3A_1111] {strides = array<i32>} : memref<14x64xi32, #tpu.memory_space<vmem>>, vector<16xi32>,
    %get3A_1113 = arith.constant 5 : i32
    %get3A_1114 = arith.index_cast %get3A_1113 : i32 to index
    %get3A_1115 = arith.constant 32 : index
    %get3A_1116 = tpu.vector_load %arg24[%get3A_1114, %get3A_1115] {strides = array<i32>} : memref<14x64xi32, #tpu.memory_space<vmem>>, vector<16xi32>,
    %ne3A_1117 = arith.constant 0 : i32
    %ne3A_1118 = vector.broadcast %ne3A_1117 : i32 to vector<16xi32>
    %ne3A_1119 = arith.cmpi ne, %get3A_1116, %ne3A_1118 : vector<16xi32>
    %ge3A_1120 = arith.constant 94 : i32
    %ge3A_1121 = vector.broadcast %ge3A_1120 : i32 to vector<16xi32>
    %ge3A_1122 = arith.cmpi sge, %get3A_1112, %ge3A_1121 : vector<16xi32>
    %jit3A_1123 = arith.constant 1 : i32
    %jit3A_1124 = arith.constant 0 : i32
    %broadcast_in_dim3A_1125 = vector.broadcast %jit3A_1123 : i32 to vector<16xi32>
    %broadcast_in_dim3A_1126 = vector.broadcast %jit3A_1124 : i32 to vector<16xi32>
    %select_n3A_1127 = arith.select %ge3A_1122, %broadcast_in_dim3A_1125, %broadcast_in_dim3A_1126 : vector<16xi1>, vector<16xi32>
    %jit3A_1128 = arith.constant -1 : i32
    %broadcast_in_dim3A_1129 = vector.broadcast %jit3A_1128 : i32 to vector<16xi32>
    %select_n3A_1130 = arith.select %ne3A_1119, %select_n3A_1127, %broadcast_in_dim3A_1129 : vector<16xi1>, vector<16xi32>
    %swap3A_1131 = arith.constant 32 : index
    %swap3A_1132 = tpu.vector_load %arg22[%swap3A_1131] {strides = array<i32>} : memref<64xi32, #tpu.memory_space<vmem>>, vector<16xi32>,
    tpu.vector_store %arg22[%swap3A_1131], %select_n3A_1130 {strides = array<i32>} : memref<64xi32, #tpu.memory_space<vmem>>, vector<16xi32>,
    %get3A_1133 = arith.constant 5 : i32
    %get3A_1134 = arith.index_cast %get3A_1133 : i32 to index
    %get3A_1135 = arith.constant 48 : index
    %get3A_1136 = tpu.vector_load %arg23[%get3A_1134, %get3A_1135] {strides = array<i32>} : memref<14x64xi32, #tpu.memory_space<vmem>>, vector<16xi32>,
    %get3A_1137 = arith.constant 5 : i32
    %get3A_1138 = arith.index_cast %get3A_1137 : i32 to index
    %get3A_1139 = arith.constant 48 : index
    %get3A_1140 = tpu.vector_load %arg24[%get3A_1138, %get3A_1139] {strides = array<i32>} : memref<14x64xi32, #tpu.memory_space<vmem>>, vector<16xi32>,
    %ne3A_1141 = arith.constant 0 : i32
    %ne3A_1142 = vector.broadcast %ne3A_1141 : i32 to vector<16xi32>
    %ne3A_1143 = arith.cmpi ne, %get3A_1140, %ne3A_1142 : vector<16xi32>
    %ge3A_1144 = arith.constant 94 : i32
    %ge3A_1145 = vector.broadcast %ge3A_1144 : i32 to vector<16xi32>
    %ge3A_1146 = arith.cmpi sge, %get3A_1136, %ge3A_1145 : vector<16xi32>
    %jit3A_1147 = arith.constant 1 : i32
    %jit3A_1148 = arith.constant 0 : i32
    %broadcast_in_dim3A_1149 = vector.broadcast %jit3A_1147 : i32 to vector<16xi32>
    %broadcast_in_dim3A_1150 = vector.broadcast %jit3A_1148 : i32 to vector<16xi32>
    %select_n3A_1151 = arith.select %ge3A_1146, %broadcast_in_dim3A_1149, %broadcast_in_dim3A_1150 : vector<16xi1>, vector<16xi32>
    %jit3A_1152 = arith.constant -1 : i32
    %broadcast_in_dim3A_1153 = vector.broadcast %jit3A_1152 : i32 to vector<16xi32>
    %select_n3A_1154 = arith.select %ne3A_1143, %select_n3A_1151, %broadcast_in_dim3A_1153 : vector<16xi1>, vector<16xi32>
    %swap3A_1155 = arith.constant 48 : index
    %swap3A_1156 = tpu.vector_load %arg22[%swap3A_1155] {strides = array<i32>} : memref<64xi32, #tpu.memory_space<vmem>>, vector<16xi32>,
    tpu.vector_store %arg22[%swap3A_1155], %select_n3A_1154 {strides = array<i32>} : memref<64xi32, #tpu.memory_space<vmem>>, vector<16xi32>,
    %dma_start3A_1157 = arith.constant 0 : i32
    %dma_start3A_1158 = arith.constant 0 : i32
    %dma_start3A_1159 = tpu.memref_slice %arg25[%dma_start3A_1157, %dma_start3A_1158] : memref<2x128xf32, #tpu.memory_space<vmem_shared>> -> memref<2x128xf32, #tpu.memory_space<vmem_shared>>
    %dma_start3A_1160 = arith.constant -1 : i32
    tpu.enqueue_indirect_dma source(%dma_start3A_1159 : memref<2x128xf32, #tpu.memory_space<vmem_shared>>) target(%arg12 : memref<64x128xf32, #tpu.memory_space<vmem>>) offsets(%arg22 : memref<64xi32, #tpu.memory_space<vmem>>) offset_filter(%dma_start3A_1160) semaphore(%arg56 : memref<!tpu.dma_semaphore, #tpu.memory_space<semaphore_mem>>) {add = true}
    %dma_wait3A_1161 = arith.constant 0 : i32
    %dma_wait3A_1162 = arith.constant 0 : i32
    %dma_wait3A_1163 = tpu.memref_slice %arg25[%dma_wait3A_1161, %dma_wait3A_1162] : memref<2x128xf32, #tpu.memory_space<vmem_shared>> -> memref<2x128xf32, #tpu.memory_space<vmem_shared>>
    tpu.wait_indirect_dma semaphore(%arg55 : memref<!tpu.dma_semaphore, #tpu.memory_space<semaphore_mem>>) src(%dma_wait3A_1163 : memref<2x128xf32, #tpu.memory_space<vmem_shared>>) dst(%arg11 : memref<64x128xf32, #tpu.memory_space<vmem>>)
    %add3A_1164 = arith.constant 256 : i32
    %add3A_1165 = arith.addi %mul3A_2, %add3A_1164 : i32
    %dma_start3A_1166 = arith.constant 0 : i32
    %dma_start3A_1167 = tpu.memref_slice %arg6[%add3A_1165, %dma_start3A_1166] : memref<32768x128xf32, #tpu.memory_space<hbm>> -> memref<64x128xf32, #tpu.memory_space<hbm>>
    %dma_start3A_1168 = arith.constant 0 : i32
    %dma_start3A_1169 = tpu.memref_slice %arg6[%add3A_1165, %dma_start3A_1168] : memref<32768x128xf32, #tpu.memory_space<hbm>> -> memref<64x128xf32, #tpu.memory_space<hbm>>
    tpu.enqueue_dma source(%arg11 : memref<64x128xf32, #tpu.memory_space<vmem>>) target(%dma_start3A_1169 : memref<64x128xf32, #tpu.memory_space<hbm>>) target_semaphore(%arg44 : memref<!tpu.dma_semaphore, #tpu.memory_space<semaphore_mem>>)
    %dma_wait3A_1170 = arith.constant 0 : i32
    %dma_wait3A_1171 = tpu.memref_slice %arg2[%add3A_149, %dma_wait3A_1170] : memref<32768x128xf32, #tpu.memory_space<hbm>> -> memref<64x128xf32, #tpu.memory_space<hbm>>
    %dma_wait3A_1172 = arith.constant 0 : i32
    %dma_wait3A_1173 = tpu.memref_slice %arg2[%add3A_149, %dma_wait3A_1172] : memref<32768x128xf32, #tpu.memory_space<hbm>> -> memref<64x128xf32, #tpu.memory_space<hbm>>
    tpu.wait_dma2 semaphore(%arg32 : memref<!tpu.dma_semaphore, #tpu.memory_space<semaphore_mem>>) src(%dma_wait3A_1173 : memref<64x128xf32, #tpu.memory_space<hbm>>) dst(%arg13 : memref<64x128xf32, #tpu.memory_space<vmem>>)
    %dma_wait3A_1174 = arith.constant 6 : i32
    %dma_wait3A_1175 = arith.constant 0 : i32
    %dma_wait3A_1176 = tpu.memref_slice %arg23[%dma_wait3A_1174, %dma_wait3A_1175] : memref<14x64xi32, #tpu.memory_space<vmem>> -> memref<1x64xi32, #tpu.memory_space<vmem>>
    %dma_wait3A_1177 = tpu.memref_squeeze %dma_wait3A_1176 : memref<1x64xi32, #tpu.memory_space<vmem>> -> memref<64xi32, #tpu.memory_space<vmem>>
    %dma_wait3A_1178 = tpu.memref_slice %arg3[%add3A_149] : memref<32768xi32, #tpu.memory_space<hbm>> -> memref<64xi32, #tpu.memory_space<hbm>>
    %dma_wait3A_1179 = arith.constant 0 : i32
    %dma_wait3A_1180 = tpu.memref_slice %arg23[%dma_wait3A_1174, %dma_wait3A_1179] : memref<14x64xi32, #tpu.memory_space<vmem>> -> memref<1x64xi32, #tpu.memory_space<vmem>>
    %dma_wait3A_1181 = tpu.memref_squeeze %dma_wait3A_1180 : memref<1x64xi32, #tpu.memory_space<vmem>> -> memref<64xi32, #tpu.memory_space<vmem>>
    %dma_wait3A_1182 = tpu.memref_slice %arg3[%add3A_149] : memref<32768xi32, #tpu.memory_space<hbm>> -> memref<64xi32, #tpu.memory_space<hbm>>
    tpu.wait_dma2 semaphore(%arg32 : memref<!tpu.dma_semaphore, #tpu.memory_space<semaphore_mem>>) src(%dma_wait3A_1182 : memref<64xi32, #tpu.memory_space<hbm>>) dst(%dma_wait3A_1181 : memref<64xi32, #tpu.memory_space<vmem>>)
    %dma_wait3A_1183 = arith.constant 6 : i32
    %dma_wait3A_1184 = arith.constant 0 : i32
    %dma_wait3A_1185 = tpu.memref_slice %arg24[%dma_wait3A_1183, %dma_wait3A_1184] : memref<14x64xi32, #tpu.memory_space<vmem>> -> memref<1x64xi32, #tpu.memory_space<vmem>>
    %dma_wait3A_1186 = tpu.memref_squeeze %dma_wait3A_1185 : memref<1x64xi32, #tpu.memory_space<vmem>> -> memref<64xi32, #tpu.memory_space<vmem>>
    %dma_wait3A_1187 = tpu.memref_slice %arg4[%add3A_149] : memref<32768xi32, #tpu.memory_space<hbm>> -> memref<64xi32, #tpu.memory_space<hbm>>
    %dma_wait3A_1188 = arith.constant 0 : i32
    %dma_wait3A_1189 = tpu.memref_slice %arg24[%dma_wait3A_1183, %dma_wait3A_1188] : memref<14x64xi32, #tpu.memory_space<vmem>> -> memref<1x64xi32, #tpu.memory_space<vmem>>
    %dma_wait3A_1190 = tpu.memref_squeeze %dma_wait3A_1189 : memref<1x64xi32, #tpu.memory_space<vmem>> -> memref<64xi32, #tpu.memory_space<vmem>>
    %dma_wait3A_1191 = tpu.memref_slice %arg4[%add3A_149] : memref<32768xi32, #tpu.memory_space<hbm>> -> memref<64xi32, #tpu.memory_space<hbm>>
    tpu.wait_dma2 semaphore(%arg32 : memref<!tpu.dma_semaphore, #tpu.memory_space<semaphore_mem>>) src(%dma_wait3A_1191 : memref<64xi32, #tpu.memory_space<hbm>>) dst(%dma_wait3A_1190 : memref<64xi32, #tpu.memory_space<vmem>>)
    %get3A_1192 = arith.constant 6 : i32
    %get3A_1193 = arith.index_cast %get3A_1192 : i32 to index
    %get3A_1194 = arith.constant 0 : index
    %get3A_1195 = tpu.vector_load %arg23[%get3A_1193, %get3A_1194] {strides = array<i32>} : memref<14x64xi32, #tpu.memory_space<vmem>>, vector<16xi32>,
    %get3A_1196 = arith.constant 6 : i32
    %get3A_1197 = arith.index_cast %get3A_1196 : i32 to index
    %get3A_1198 = arith.constant 0 : index
    %get3A_1199 = tpu.vector_load %arg24[%get3A_1197, %get3A_1198] {strides = array<i32>} : memref<14x64xi32, #tpu.memory_space<vmem>>, vector<16xi32>,
    %ne3A_1200 = arith.constant 0 : i32
    %ne3A_1201 = vector.broadcast %ne3A_1200 : i32 to vector<16xi32>
    %ne3A_1202 = arith.cmpi ne, %get3A_1199, %ne3A_1201 : vector<16xi32>
    %ge3A_1203 = arith.constant 94 : i32
    %ge3A_1204 = vector.broadcast %ge3A_1203 : i32 to vector<16xi32>
    %ge3A_1205 = arith.cmpi sge, %get3A_1195, %ge3A_1204 : vector<16xi32>
    %jit3A_1206 = arith.constant 1 : i32
    %jit3A_1207 = arith.constant 0 : i32
    %broadcast_in_dim3A_1208 = vector.broadcast %jit3A_1206 : i32 to vector<16xi32>
    %broadcast_in_dim3A_1209 = vector.broadcast %jit3A_1207 : i32 to vector<16xi32>
    %select_n3A_1210 = arith.select %ge3A_1205, %broadcast_in_dim3A_1208, %broadcast_in_dim3A_1209 : vector<16xi1>, vector<16xi32>
    %jit3A_1211 = arith.constant -1 : i32
    %broadcast_in_dim3A_1212 = vector.broadcast %jit3A_1211 : i32 to vector<16xi32>
    %select_n3A_1213 = arith.select %ne3A_1202, %select_n3A_1210, %broadcast_in_dim3A_1212 : vector<16xi1>, vector<16xi32>
    %swap3A_1214 = arith.constant 0 : index
    %swap3A_1215 = tpu.vector_load %arg21[%swap3A_1214] {strides = array<i32>} : memref<64xi32, #tpu.memory_space<vmem>>, vector<16xi32>,
    tpu.vector_store %arg21[%swap3A_1214], %select_n3A_1213 {strides = array<i32>} : memref<64xi32, #tpu.memory_space<vmem>>, vector<16xi32>,
    %get3A_1216 = arith.constant 6 : i32
    %get3A_1217 = arith.index_cast %get3A_1216 : i32 to index
    %get3A_1218 = arith.constant 16 : index
    %get3A_1219 = tpu.vector_load %arg23[%get3A_1217, %get3A_1218] {strides = array<i32>} : memref<14x64xi32, #tpu.memory_space<vmem>>, vector<16xi32>,
    %get3A_1220 = arith.constant 6 : i32
    %get3A_1221 = arith.index_cast %get3A_1220 : i32 to index
    %get3A_1222 = arith.constant 16 : index
    %get3A_1223 = tpu.vector_load %arg24[%get3A_1221, %get3A_1222] {strides = array<i32>} : memref<14x64xi32, #tpu.memory_space<vmem>>, vector<16xi32>,
    %ne3A_1224 = arith.constant 0 : i32
    %ne3A_1225 = vector.broadcast %ne3A_1224 : i32 to vector<16xi32>
    %ne3A_1226 = arith.cmpi ne, %get3A_1223, %ne3A_1225 : vector<16xi32>
    %ge3A_1227 = arith.constant 94 : i32
    %ge3A_1228 = vector.broadcast %ge3A_1227 : i32 to vector<16xi32>
    %ge3A_1229 = arith.cmpi sge, %get3A_1219, %ge3A_1228 : vector<16xi32>
    %jit3A_1230 = arith.constant 1 : i32
    %jit3A_1231 = arith.constant 0 : i32
    %broadcast_in_dim3A_1232 = vector.broadcast %jit3A_1230 : i32 to vector<16xi32>
    %broadcast_in_dim3A_1233 = vector.broadcast %jit3A_1231 : i32 to vector<16xi32>
    %select_n3A_1234 = arith.select %ge3A_1229, %broadcast_in_dim3A_1232, %broadcast_in_dim3A_1233 : vector<16xi1>, vector<16xi32>
    %jit3A_1235 = arith.constant -1 : i32
    %broadcast_in_dim3A_1236 = vector.broadcast %jit3A_1235 : i32 to vector<16xi32>
    %select_n3A_1237 = arith.select %ne3A_1226, %select_n3A_1234, %broadcast_in_dim3A_1236 : vector<16xi1>, vector<16xi32>
    %swap3A_1238 = arith.constant 16 : index
    %swap3A_1239 = tpu.vector_load %arg21[%swap3A_1238] {strides = array<i32>} : memref<64xi32, #tpu.memory_space<vmem>>, vector<16xi32>,
    tpu.vector_store %arg21[%swap3A_1238], %select_n3A_1237 {strides = array<i32>} : memref<64xi32, #tpu.memory_space<vmem>>, vector<16xi32>,
    %get3A_1240 = arith.constant 6 : i32
    %get3A_1241 = arith.index_cast %get3A_1240 : i32 to index
    %get3A_1242 = arith.constant 32 : index
    %get3A_1243 = tpu.vector_load %arg23[%get3A_1241, %get3A_1242] {strides = array<i32>} : memref<14x64xi32, #tpu.memory_space<vmem>>, vector<16xi32>,
    %get3A_1244 = arith.constant 6 : i32
    %get3A_1245 = arith.index_cast %get3A_1244 : i32 to index
    %get3A_1246 = arith.constant 32 : index
    %get3A_1247 = tpu.vector_load %arg24[%get3A_1245, %get3A_1246] {strides = array<i32>} : memref<14x64xi32, #tpu.memory_space<vmem>>, vector<16xi32>,
    %ne3A_1248 = arith.constant 0 : i32
    %ne3A_1249 = vector.broadcast %ne3A_1248 : i32 to vector<16xi32>
    %ne3A_1250 = arith.cmpi ne, %get3A_1247, %ne3A_1249 : vector<16xi32>
    %ge3A_1251 = arith.constant 94 : i32
    %ge3A_1252 = vector.broadcast %ge3A_1251 : i32 to vector<16xi32>
    %ge3A_1253 = arith.cmpi sge, %get3A_1243, %ge3A_1252 : vector<16xi32>
    %jit3A_1254 = arith.constant 1 : i32
    %jit3A_1255 = arith.constant 0 : i32
    %broadcast_in_dim3A_1256 = vector.broadcast %jit3A_1254 : i32 to vector<16xi32>
    %broadcast_in_dim3A_1257 = vector.broadcast %jit3A_1255 : i32 to vector<16xi32>
    %select_n3A_1258 = arith.select %ge3A_1253, %broadcast_in_dim3A_1256, %broadcast_in_dim3A_1257 : vector<16xi1>, vector<16xi32>
    %jit3A_1259 = arith.constant -1 : i32
    %broadcast_in_dim3A_1260 = vector.broadcast %jit3A_1259 : i32 to vector<16xi32>
    %select_n3A_1261 = arith.select %ne3A_1250, %select_n3A_1258, %broadcast_in_dim3A_1260 : vector<16xi1>, vector<16xi32>
    %swap3A_1262 = arith.constant 32 : index
    %swap3A_1263 = tpu.vector_load %arg21[%swap3A_1262] {strides = array<i32>} : memref<64xi32, #tpu.memory_space<vmem>>, vector<16xi32>,
    tpu.vector_store %arg21[%swap3A_1262], %select_n3A_1261 {strides = array<i32>} : memref<64xi32, #tpu.memory_space<vmem>>, vector<16xi32>,
    %get3A_1264 = arith.constant 6 : i32
    %get3A_1265 = arith.index_cast %get3A_1264 : i32 to index
    %get3A_1266 = arith.constant 48 : index
    %get3A_1267 = tpu.vector_load %arg23[%get3A_1265, %get3A_1266] {strides = array<i32>} : memref<14x64xi32, #tpu.memory_space<vmem>>, vector<16xi32>,
    %get3A_1268 = arith.constant 6 : i32
    %get3A_1269 = arith.index_cast %get3A_1268 : i32 to index
    %get3A_1270 = arith.constant 48 : index
    %get3A_1271 = tpu.vector_load %arg24[%get3A_1269, %get3A_1270] {strides = array<i32>} : memref<14x64xi32, #tpu.memory_space<vmem>>, vector<16xi32>,
    %ne3A_1272 = arith.constant 0 : i32
    %ne3A_1273 = vector.broadcast %ne3A_1272 : i32 to vector<16xi32>
    %ne3A_1274 = arith.cmpi ne, %get3A_1271, %ne3A_1273 : vector<16xi32>
    %ge3A_1275 = arith.constant 94 : i32
    %ge3A_1276 = vector.broadcast %ge3A_1275 : i32 to vector<16xi32>
    %ge3A_1277 = arith.cmpi sge, %get3A_1267, %ge3A_1276 : vector<16xi32>
    %jit3A_1278 = arith.constant 1 : i32
    %jit3A_1279 = arith.constant 0 : i32
    %broadcast_in_dim3A_1280 = vector.broadcast %jit3A_1278 : i32 to vector<16xi32>
    %broadcast_in_dim3A_1281 = vector.broadcast %jit3A_1279 : i32 to vector<16xi32>
    %select_n3A_1282 = arith.select %ge3A_1277, %broadcast_in_dim3A_1280, %broadcast_in_dim3A_1281 : vector<16xi1>, vector<16xi32>
    %jit3A_1283 = arith.constant -1 : i32
    %broadcast_in_dim3A_1284 = vector.broadcast %jit3A_1283 : i32 to vector<16xi32>
    %select_n3A_1285 = arith.select %ne3A_1274, %select_n3A_1282, %broadcast_in_dim3A_1284 : vector<16xi1>, vector<16xi32>
    %swap3A_1286 = arith.constant 48 : index
    %swap3A_1287 = tpu.vector_load %arg21[%swap3A_1286] {strides = array<i32>} : memref<64xi32, #tpu.memory_space<vmem>>, vector<16xi32>,
    tpu.vector_store %arg21[%swap3A_1286], %select_n3A_1285 {strides = array<i32>} : memref<64xi32, #tpu.memory_space<vmem>>, vector<16xi32>,
    %dma_start3A_1288 = arith.constant 0 : i32
    %dma_start3A_1289 = arith.constant 0 : i32
    %dma_start3A_1290 = tpu.memref_slice %arg25[%dma_start3A_1288, %dma_start3A_1289] : memref<2x128xf32, #tpu.memory_space<vmem_shared>> -> memref<2x128xf32, #tpu.memory_space<vmem_shared>>
    %dma_start3A_1291 = arith.constant -1 : i32
    tpu.enqueue_indirect_dma source(%dma_start3A_1290 : memref<2x128xf32, #tpu.memory_space<vmem_shared>>) target(%arg13 : memref<64x128xf32, #tpu.memory_space<vmem>>) offsets(%arg21 : memref<64xi32, #tpu.memory_space<vmem>>) offset_filter(%dma_start3A_1291) semaphore(%arg55 : memref<!tpu.dma_semaphore, #tpu.memory_space<semaphore_mem>>) {add = true}
    %dma_wait3A_1292 = arith.constant 0 : i32
    %dma_wait3A_1293 = arith.constant 0 : i32
    %dma_wait3A_1294 = tpu.memref_slice %arg25[%dma_wait3A_1292, %dma_wait3A_1293] : memref<2x128xf32, #tpu.memory_space<vmem_shared>> -> memref<2x128xf32, #tpu.memory_space<vmem_shared>>
    tpu.wait_indirect_dma semaphore(%arg56 : memref<!tpu.dma_semaphore, #tpu.memory_space<semaphore_mem>>) src(%dma_wait3A_1294 : memref<2x128xf32, #tpu.memory_space<vmem_shared>>) dst(%arg12 : memref<64x128xf32, #tpu.memory_space<vmem>>)
    %add3A_1295 = arith.constant 320 : i32
    %add3A_1296 = arith.addi %mul3A_2, %add3A_1295 : i32
    %dma_start3A_1297 = arith.constant 0 : i32
    %dma_start3A_1298 = tpu.memref_slice %arg6[%add3A_1296, %dma_start3A_1297] : memref<32768x128xf32, #tpu.memory_space<hbm>> -> memref<64x128xf32, #tpu.memory_space<hbm>>
    %dma_start3A_1299 = arith.constant 0 : i32
    %dma_start3A_1300 = tpu.memref_slice %arg6[%add3A_1296, %dma_start3A_1299] : memref<32768x128xf32, #tpu.memory_space<hbm>> -> memref<64x128xf32, #tpu.memory_space<hbm>>
    tpu.enqueue_dma source(%arg12 : memref<64x128xf32, #tpu.memory_space<vmem>>) target(%dma_start3A_1300 : memref<64x128xf32, #tpu.memory_space<hbm>>) target_semaphore(%arg45 : memref<!tpu.dma_semaphore, #tpu.memory_space<semaphore_mem>>)
    %dma_wait3A_1301 = arith.constant 0 : i32
    %dma_wait3A_1302 = tpu.memref_slice %arg2[%add3A_173, %dma_wait3A_1301] : memref<32768x128xf32, #tpu.memory_space<hbm>> -> memref<64x128xf32, #tpu.memory_space<hbm>>
    %dma_wait3A_1303 = arith.constant 0 : i32
    %dma_wait3A_1304 = tpu.memref_slice %arg2[%add3A_173, %dma_wait3A_1303] : memref<32768x128xf32, #tpu.memory_space<hbm>> -> memref<64x128xf32, #tpu.memory_space<hbm>>
    tpu.wait_dma2 semaphore(%arg33 : memref<!tpu.dma_semaphore, #tpu.memory_space<semaphore_mem>>) src(%dma_wait3A_1304 : memref<64x128xf32, #tpu.memory_space<hbm>>) dst(%arg14 : memref<64x128xf32, #tpu.memory_space<vmem>>)
    %dma_wait3A_1305 = arith.constant 7 : i32
    %dma_wait3A_1306 = arith.constant 0 : i32
    %dma_wait3A_1307 = tpu.memref_slice %arg23[%dma_wait3A_1305, %dma_wait3A_1306] : memref<14x64xi32, #tpu.memory_space<vmem>> -> memref<1x64xi32, #tpu.memory_space<vmem>>
    %dma_wait3A_1308 = tpu.memref_squeeze %dma_wait3A_1307 : memref<1x64xi32, #tpu.memory_space<vmem>> -> memref<64xi32, #tpu.memory_space<vmem>>
    %dma_wait3A_1309 = tpu.memref_slice %arg3[%add3A_173] : memref<32768xi32, #tpu.memory_space<hbm>> -> memref<64xi32, #tpu.memory_space<hbm>>
    %dma_wait3A_1310 = arith.constant 0 : i32
    %dma_wait3A_1311 = tpu.memref_slice %arg23[%dma_wait3A_1305, %dma_wait3A_1310] : memref<14x64xi32, #tpu.memory_space<vmem>> -> memref<1x64xi32, #tpu.memory_space<vmem>>
    %dma_wait3A_1312 = tpu.memref_squeeze %dma_wait3A_1311 : memref<1x64xi32, #tpu.memory_space<vmem>> -> memref<64xi32, #tpu.memory_space<vmem>>
    %dma_wait3A_1313 = tpu.memref_slice %arg3[%add3A_173] : memref<32768xi32, #tpu.memory_space<hbm>> -> memref<64xi32, #tpu.memory_space<hbm>>
    tpu.wait_dma2 semaphore(%arg33 : memref<!tpu.dma_semaphore, #tpu.memory_space<semaphore_mem>>) src(%dma_wait3A_1313 : memref<64xi32, #tpu.memory_space<hbm>>) dst(%dma_wait3A_1312 : memref<64xi32, #tpu.memory_space<vmem>>)
    %dma_wait3A_1314 = arith.constant 7 : i32
    %dma_wait3A_1315 = arith.constant 0 : i32
    %dma_wait3A_1316 = tpu.memref_slice %arg24[%dma_wait3A_1314, %dma_wait3A_1315] : memref<14x64xi32, #tpu.memory_space<vmem>> -> memref<1x64xi32, #tpu.memory_space<vmem>>
    %dma_wait3A_1317 = tpu.memref_squeeze %dma_wait3A_1316 : memref<1x64xi32, #tpu.memory_space<vmem>> -> memref<64xi32, #tpu.memory_space<vmem>>
    %dma_wait3A_1318 = tpu.memref_slice %arg4[%add3A_173] : memref<32768xi32, #tpu.memory_space<hbm>> -> memref<64xi32, #tpu.memory_space<hbm>>
    %dma_wait3A_1319 = arith.constant 0 : i32
    %dma_wait3A_1320 = tpu.memref_slice %arg24[%dma_wait3A_1314, %dma_wait3A_1319] : memref<14x64xi32, #tpu.memory_space<vmem>> -> memref<1x64xi32, #tpu.memory_space<vmem>>
    %dma_wait3A_1321 = tpu.memref_squeeze %dma_wait3A_1320 : memref<1x64xi32, #tpu.memory_space<vmem>> -> memref<64xi32, #tpu.memory_space<vmem>>
    %dma_wait3A_1322 = tpu.memref_slice %arg4[%add3A_173] : memref<32768xi32, #tpu.memory_space<hbm>> -> memref<64xi32, #tpu.memory_space<hbm>>
    tpu.wait_dma2 semaphore(%arg33 : memref<!tpu.dma_semaphore, #tpu.memory_space<semaphore_mem>>) src(%dma_wait3A_1322 : memref<64xi32, #tpu.memory_space<hbm>>) dst(%dma_wait3A_1321 : memref<64xi32, #tpu.memory_space<vmem>>)
    %get3A_1323 = arith.constant 7 : i32
    %get3A_1324 = arith.index_cast %get3A_1323 : i32 to index
    %get3A_1325 = arith.constant 0 : index
    %get3A_1326 = tpu.vector_load %arg23[%get3A_1324, %get3A_1325] {strides = array<i32>} : memref<14x64xi32, #tpu.memory_space<vmem>>, vector<16xi32>,
    %get3A_1327 = arith.constant 7 : i32
    %get3A_1328 = arith.index_cast %get3A_1327 : i32 to index
    %get3A_1329 = arith.constant 0 : index
    %get3A_1330 = tpu.vector_load %arg24[%get3A_1328, %get3A_1329] {strides = array<i32>} : memref<14x64xi32, #tpu.memory_space<vmem>>, vector<16xi32>,
    %ne3A_1331 = arith.constant 0 : i32
    %ne3A_1332 = vector.broadcast %ne3A_1331 : i32 to vector<16xi32>
    %ne3A_1333 = arith.cmpi ne, %get3A_1330, %ne3A_1332 : vector<16xi32>
    %ge3A_1334 = arith.constant 94 : i32
    %ge3A_1335 = vector.broadcast %ge3A_1334 : i32 to vector<16xi32>
    %ge3A_1336 = arith.cmpi sge, %get3A_1326, %ge3A_1335 : vector<16xi32>
    %jit3A_1337 = arith.constant 1 : i32
    %jit3A_1338 = arith.constant 0 : i32
    %broadcast_in_dim3A_1339 = vector.broadcast %jit3A_1337 : i32 to vector<16xi32>
    %broadcast_in_dim3A_1340 = vector.broadcast %jit3A_1338 : i32 to vector<16xi32>
    %select_n3A_1341 = arith.select %ge3A_1336, %broadcast_in_dim3A_1339, %broadcast_in_dim3A_1340 : vector<16xi1>, vector<16xi32>
    %jit3A_1342 = arith.constant -1 : i32
    %broadcast_in_dim3A_1343 = vector.broadcast %jit3A_1342 : i32 to vector<16xi32>
    %select_n3A_1344 = arith.select %ne3A_1333, %select_n3A_1341, %broadcast_in_dim3A_1343 : vector<16xi1>, vector<16xi32>
    %swap3A_1345 = arith.constant 0 : index
    %swap3A_1346 = tpu.vector_load %arg22[%swap3A_1345] {strides = array<i32>} : memref<64xi32, #tpu.memory_space<vmem>>, vector<16xi32>,
    tpu.vector_store %arg22[%swap3A_1345], %select_n3A_1344 {strides = array<i32>} : memref<64xi32, #tpu.memory_space<vmem>>, vector<16xi32>,
    %get3A_1347 = arith.constant 7 : i32
    %get3A_1348 = arith.index_cast %get3A_1347 : i32 to index
    %get3A_1349 = arith.constant 16 : index
    %get3A_1350 = tpu.vector_load %arg23[%get3A_1348, %get3A_1349] {strides = array<i32>} : memref<14x64xi32, #tpu.memory_space<vmem>>, vector<16xi32>,
    %get3A_1351 = arith.constant 7 : i32
    %get3A_1352 = arith.index_cast %get3A_1351 : i32 to index
    %get3A_1353 = arith.constant 16 : index
    %get3A_1354 = tpu.vector_load %arg24[%get3A_1352, %get3A_1353] {strides = array<i32>} : memref<14x64xi32, #tpu.memory_space<vmem>>, vector<16xi32>,
    %ne3A_1355 = arith.constant 0 : i32
    %ne3A_1356 = vector.broadcast %ne3A_1355 : i32 to vector<16xi32>
    %ne3A_1357 = arith.cmpi ne, %get3A_1354, %ne3A_1356 : vector<16xi32>
    %ge3A_1358 = arith.constant 94 : i32
    %ge3A_1359 = vector.broadcast %ge3A_1358 : i32 to vector<16xi32>
    %ge3A_1360 = arith.cmpi sge, %get3A_1350, %ge3A_1359 : vector<16xi32>
    %jit3A_1361 = arith.constant 1 : i32
    %jit3A_1362 = arith.constant 0 : i32
    %broadcast_in_dim3A_1363 = vector.broadcast %jit3A_1361 : i32 to vector<16xi32>
    %broadcast_in_dim3A_1364 = vector.broadcast %jit3A_1362 : i32 to vector<16xi32>
    %select_n3A_1365 = arith.select %ge3A_1360, %broadcast_in_dim3A_1363, %broadcast_in_dim3A_1364 : vector<16xi1>, vector<16xi32>
    %jit3A_1366 = arith.constant -1 : i32
    %broadcast_in_dim3A_1367 = vector.broadcast %jit3A_1366 : i32 to vector<16xi32>
    %select_n3A_1368 = arith.select %ne3A_1357, %select_n3A_1365, %broadcast_in_dim3A_1367 : vector<16xi1>, vector<16xi32>
    %swap3A_1369 = arith.constant 16 : index
    %swap3A_1370 = tpu.vector_load %arg22[%swap3A_1369] {strides = array<i32>} : memref<64xi32, #tpu.memory_space<vmem>>, vector<16xi32>,
    tpu.vector_store %arg22[%swap3A_1369], %select_n3A_1368 {strides = array<i32>} : memref<64xi32, #tpu.memory_space<vmem>>, vector<16xi32>,
    %get3A_1371 = arith.constant 7 : i32
    %get3A_1372 = arith.index_cast %get3A_1371 : i32 to index
    %get3A_1373 = arith.constant 32 : index
    %get3A_1374 = tpu.vector_load %arg23[%get3A_1372, %get3A_1373] {strides = array<i32>} : memref<14x64xi32, #tpu.memory_space<vmem>>, vector<16xi32>,
    %get3A_1375 = arith.constant 7 : i32
    %get3A_1376 = arith.index_cast %get3A_1375 : i32 to index
    %get3A_1377 = arith.constant 32 : index
    %get3A_1378 = tpu.vector_load %arg24[%get3A_1376, %get3A_1377] {strides = array<i32>} : memref<14x64xi32, #tpu.memory_space<vmem>>, vector<16xi32>,
    %ne3A_1379 = arith.constant 0 : i32
    %ne3A_1380 = vector.broadcast %ne3A_1379 : i32 to vector<16xi32>
    %ne3A_1381 = arith.cmpi ne, %get3A_1378, %ne3A_1380 : vector<16xi32>
    %ge3A_1382 = arith.constant 94 : i32
    %ge3A_1383 = vector.broadcast %ge3A_1382 : i32 to vector<16xi32>
    %ge3A_1384 = arith.cmpi sge, %get3A_1374, %ge3A_1383 : vector<16xi32>
    %jit3A_1385 = arith.constant 1 : i32
    %jit3A_1386 = arith.constant 0 : i32
    %broadcast_in_dim3A_1387 = vector.broadcast %jit3A_1385 : i32 to vector<16xi32>
    %broadcast_in_dim3A_1388 = vector.broadcast %jit3A_1386 : i32 to vector<16xi32>
    %select_n3A_1389 = arith.select %ge3A_1384, %broadcast_in_dim3A_1387, %broadcast_in_dim3A_1388 : vector<16xi1>, vector<16xi32>
    %jit3A_1390 = arith.constant -1 : i32
    %broadcast_in_dim3A_1391 = vector.broadcast %jit3A_1390 : i32 to vector<16xi32>
    %select_n3A_1392 = arith.select %ne3A_1381, %select_n3A_1389, %broadcast_in_dim3A_1391 : vector<16xi1>, vector<16xi32>
    %swap3A_1393 = arith.constant 32 : index
    %swap3A_1394 = tpu.vector_load %arg22[%swap3A_1393] {strides = array<i32>} : memref<64xi32, #tpu.memory_space<vmem>>, vector<16xi32>,
    tpu.vector_store %arg22[%swap3A_1393], %select_n3A_1392 {strides = array<i32>} : memref<64xi32, #tpu.memory_space<vmem>>, vector<16xi32>,
    %get3A_1395 = arith.constant 7 : i32
    %get3A_1396 = arith.index_cast %get3A_1395 : i32 to index
    %get3A_1397 = arith.constant 48 : index
    %get3A_1398 = tpu.vector_load %arg23[%get3A_1396, %get3A_1397] {strides = array<i32>} : memref<14x64xi32, #tpu.memory_space<vmem>>, vector<16xi32>,
    %get3A_1399 = arith.constant 7 : i32
    %get3A_1400 = arith.index_cast %get3A_1399 : i32 to index
    %get3A_1401 = arith.constant 48 : index
    %get3A_1402 = tpu.vector_load %arg24[%get3A_1400, %get3A_1401] {strides = array<i32>} : memref<14x64xi32, #tpu.memory_space<vmem>>, vector<16xi32>,
    %ne3A_1403 = arith.constant 0 : i32
    %ne3A_1404 = vector.broadcast %ne3A_1403 : i32 to vector<16xi32>
    %ne3A_1405 = arith.cmpi ne, %get3A_1402, %ne3A_1404 : vector<16xi32>
    %ge3A_1406 = arith.constant 94 : i32
    %ge3A_1407 = vector.broadcast %ge3A_1406 : i32 to vector<16xi32>
    %ge3A_1408 = arith.cmpi sge, %get3A_1398, %ge3A_1407 : vector<16xi32>
    %jit3A_1409 = arith.constant 1 : i32
    %jit3A_1410 = arith.constant 0 : i32
    %broadcast_in_dim3A_1411 = vector.broadcast %jit3A_1409 : i32 to vector<16xi32>
    %broadcast_in_dim3A_1412 = vector.broadcast %jit3A_1410 : i32 to vector<16xi32>
    %select_n3A_1413 = arith.select %ge3A_1408, %broadcast_in_dim3A_1411, %broadcast_in_dim3A_1412 : vector<16xi1>, vector<16xi32>
    %jit3A_1414 = arith.constant -1 : i32
    %broadcast_in_dim3A_1415 = vector.broadcast %jit3A_1414 : i32 to vector<16xi32>
    %select_n3A_1416 = arith.select %ne3A_1405, %select_n3A_1413, %broadcast_in_dim3A_1415 : vector<16xi1>, vector<16xi32>
    %swap3A_1417 = arith.constant 48 : index
    %swap3A_1418 = tpu.vector_load %arg22[%swap3A_1417] {strides = array<i32>} : memref<64xi32, #tpu.memory_space<vmem>>, vector<16xi32>,
    tpu.vector_store %arg22[%swap3A_1417], %select_n3A_1416 {strides = array<i32>} : memref<64xi32, #tpu.memory_space<vmem>>, vector<16xi32>,
    %dma_start3A_1419 = arith.constant 0 : i32
    %dma_start3A_1420 = arith.constant 0 : i32
    %dma_start3A_1421 = tpu.memref_slice %arg25[%dma_start3A_1419, %dma_start3A_1420] : memref<2x128xf32, #tpu.memory_space<vmem_shared>> -> memref<2x128xf32, #tpu.memory_space<vmem_shared>>
    %dma_start3A_1422 = arith.constant -1 : i32
    tpu.enqueue_indirect_dma source(%dma_start3A_1421 : memref<2x128xf32, #tpu.memory_space<vmem_shared>>) target(%arg14 : memref<64x128xf32, #tpu.memory_space<vmem>>) offsets(%arg22 : memref<64xi32, #tpu.memory_space<vmem>>) offset_filter(%dma_start3A_1422) semaphore(%arg56 : memref<!tpu.dma_semaphore, #tpu.memory_space<semaphore_mem>>) {add = true}
    %dma_wait3A_1423 = arith.constant 0 : i32
    %dma_wait3A_1424 = arith.constant 0 : i32
    %dma_wait3A_1425 = tpu.memref_slice %arg25[%dma_wait3A_1423, %dma_wait3A_1424] : memref<2x128xf32, #tpu.memory_space<vmem_shared>> -> memref<2x128xf32, #tpu.memory_space<vmem_shared>>
    tpu.wait_indirect_dma semaphore(%arg55 : memref<!tpu.dma_semaphore, #tpu.memory_space<semaphore_mem>>) src(%dma_wait3A_1425 : memref<2x128xf32, #tpu.memory_space<vmem_shared>>) dst(%arg13 : memref<64x128xf32, #tpu.memory_space<vmem>>)
    %add3A_1426 = arith.constant 384 : i32
    %add3A_1427 = arith.addi %mul3A_2, %add3A_1426 : i32
    %dma_start3A_1428 = arith.constant 0 : i32
    %dma_start3A_1429 = tpu.memref_slice %arg6[%add3A_1427, %dma_start3A_1428] : memref<32768x128xf32, #tpu.memory_space<hbm>> -> memref<64x128xf32, #tpu.memory_space<hbm>>
    %dma_start3A_1430 = arith.constant 0 : i32
    %dma_start3A_1431 = tpu.memref_slice %arg6[%add3A_1427, %dma_start3A_1430] : memref<32768x128xf32, #tpu.memory_space<hbm>> -> memref<64x128xf32, #tpu.memory_space<hbm>>
    tpu.enqueue_dma source(%arg13 : memref<64x128xf32, #tpu.memory_space<vmem>>) target(%dma_start3A_1431 : memref<64x128xf32, #tpu.memory_space<hbm>>) target_semaphore(%arg46 : memref<!tpu.dma_semaphore, #tpu.memory_space<semaphore_mem>>)
    %dma_wait3A_1432 = arith.constant 0 : i32
    %dma_wait3A_1433 = tpu.memref_slice %arg2[%add3A_197, %dma_wait3A_1432] : memref<32768x128xf32, #tpu.memory_space<hbm>> -> memref<64x128xf32, #tpu.memory_space<hbm>>
    %dma_wait3A_1434 = arith.constant 0 : i32
    %dma_wait3A_1435 = tpu.memref_slice %arg2[%add3A_197, %dma_wait3A_1434] : memref<32768x128xf32, #tpu.memory_space<hbm>> -> memref<64x128xf32, #tpu.memory_space<hbm>>
    tpu.wait_dma2 semaphore(%arg34 : memref<!tpu.dma_semaphore, #tpu.memory_space<semaphore_mem>>) src(%dma_wait3A_1435 : memref<64x128xf32, #tpu.memory_space<hbm>>) dst(%arg15 : memref<64x128xf32, #tpu.memory_space<vmem>>)
    %dma_wait3A_1436 = arith.constant 8 : i32
    %dma_wait3A_1437 = arith.constant 0 : i32
    %dma_wait3A_1438 = tpu.memref_slice %arg23[%dma_wait3A_1436, %dma_wait3A_1437] : memref<14x64xi32, #tpu.memory_space<vmem>> -> memref<1x64xi32, #tpu.memory_space<vmem>>
    %dma_wait3A_1439 = tpu.memref_squeeze %dma_wait3A_1438 : memref<1x64xi32, #tpu.memory_space<vmem>> -> memref<64xi32, #tpu.memory_space<vmem>>
    %dma_wait3A_1440 = tpu.memref_slice %arg3[%add3A_197] : memref<32768xi32, #tpu.memory_space<hbm>> -> memref<64xi32, #tpu.memory_space<hbm>>
    %dma_wait3A_1441 = arith.constant 0 : i32
    %dma_wait3A_1442 = tpu.memref_slice %arg23[%dma_wait3A_1436, %dma_wait3A_1441] : memref<14x64xi32, #tpu.memory_space<vmem>> -> memref<1x64xi32, #tpu.memory_space<vmem>>
    %dma_wait3A_1443 = tpu.memref_squeeze %dma_wait3A_1442 : memref<1x64xi32, #tpu.memory_space<vmem>> -> memref<64xi32, #tpu.memory_space<vmem>>
    %dma_wait3A_1444 = tpu.memref_slice %arg3[%add3A_197] : memref<32768xi32, #tpu.memory_space<hbm>> -> memref<64xi32, #tpu.memory_space<hbm>>
    tpu.wait_dma2 semaphore(%arg34 : memref<!tpu.dma_semaphore, #tpu.memory_space<semaphore_mem>>) src(%dma_wait3A_1444 : memref<64xi32, #tpu.memory_space<hbm>>) dst(%dma_wait3A_1443 : memref<64xi32, #tpu.memory_space<vmem>>)
    %dma_wait3A_1445 = arith.constant 8 : i32
    %dma_wait3A_1446 = arith.constant 0 : i32
    %dma_wait3A_1447 = tpu.memref_slice %arg24[%dma_wait3A_1445, %dma_wait3A_1446] : memref<14x64xi32, #tpu.memory_space<vmem>> -> memref<1x64xi32, #tpu.memory_space<vmem>>
    %dma_wait3A_1448 = tpu.memref_squeeze %dma_wait3A_1447 : memref<1x64xi32, #tpu.memory_space<vmem>> -> memref<64xi32, #tpu.memory_space<vmem>>
    %dma_wait3A_1449 = tpu.memref_slice %arg4[%add3A_197] : memref<32768xi32, #tpu.memory_space<hbm>> -> memref<64xi32, #tpu.memory_space<hbm>>
    %dma_wait3A_1450 = arith.constant 0 : i32
    %dma_wait3A_1451 = tpu.memref_slice %arg24[%dma_wait3A_1445, %dma_wait3A_1450] : memref<14x64xi32, #tpu.memory_space<vmem>> -> memref<1x64xi32, #tpu.memory_space<vmem>>
    %dma_wait3A_1452 = tpu.memref_squeeze %dma_wait3A_1451 : memref<1x64xi32, #tpu.memory_space<vmem>> -> memref<64xi32, #tpu.memory_space<vmem>>
    %dma_wait3A_1453 = tpu.memref_slice %arg4[%add3A_197] : memref<32768xi32, #tpu.memory_space<hbm>> -> memref<64xi32, #tpu.memory_space<hbm>>
    tpu.wait_dma2 semaphore(%arg34 : memref<!tpu.dma_semaphore, #tpu.memory_space<semaphore_mem>>) src(%dma_wait3A_1453 : memref<64xi32, #tpu.memory_space<hbm>>) dst(%dma_wait3A_1452 : memref<64xi32, #tpu.memory_space<vmem>>)
    %get3A_1454 = arith.constant 8 : i32
    %get3A_1455 = arith.index_cast %get3A_1454 : i32 to index
    %get3A_1456 = arith.constant 0 : index
    %get3A_1457 = tpu.vector_load %arg23[%get3A_1455, %get3A_1456] {strides = array<i32>} : memref<14x64xi32, #tpu.memory_space<vmem>>, vector<16xi32>,
    %get3A_1458 = arith.constant 8 : i32
    %get3A_1459 = arith.index_cast %get3A_1458 : i32 to index
    %get3A_1460 = arith.constant 0 : index
    %get3A_1461 = tpu.vector_load %arg24[%get3A_1459, %get3A_1460] {strides = array<i32>} : memref<14x64xi32, #tpu.memory_space<vmem>>, vector<16xi32>,
    %ne3A_1462 = arith.constant 0 : i32
    %ne3A_1463 = vector.broadcast %ne3A_1462 : i32 to vector<16xi32>
    %ne3A_1464 = arith.cmpi ne, %get3A_1461, %ne3A_1463 : vector<16xi32>
    %ge3A_1465 = arith.constant 94 : i32
    %ge3A_1466 = vector.broadcast %ge3A_1465 : i32 to vector<16xi32>
    %ge3A_1467 = arith.cmpi sge, %get3A_1457, %ge3A_1466 : vector<16xi32>
    %jit3A_1468 = arith.constant 1 : i32
    %jit3A_1469 = arith.constant 0 : i32
    %broadcast_in_dim3A_1470 = vector.broadcast %jit3A_1468 : i32 to vector<16xi32>
    %broadcast_in_dim3A_1471 = vector.broadcast %jit3A_1469 : i32 to vector<16xi32>
    %select_n3A_1472 = arith.select %ge3A_1467, %broadcast_in_dim3A_1470, %broadcast_in_dim3A_1471 : vector<16xi1>, vector<16xi32>
    %jit3A_1473 = arith.constant -1 : i32
    %broadcast_in_dim3A_1474 = vector.broadcast %jit3A_1473 : i32 to vector<16xi32>
    %select_n3A_1475 = arith.select %ne3A_1464, %select_n3A_1472, %broadcast_in_dim3A_1474 : vector<16xi1>, vector<16xi32>
    %swap3A_1476 = arith.constant 0 : index
    %swap3A_1477 = tpu.vector_load %arg21[%swap3A_1476] {strides = array<i32>} : memref<64xi32, #tpu.memory_space<vmem>>, vector<16xi32>,
    tpu.vector_store %arg21[%swap3A_1476], %select_n3A_1475 {strides = array<i32>} : memref<64xi32, #tpu.memory_space<vmem>>, vector<16xi32>,
    %get3A_1478 = arith.constant 8 : i32
    %get3A_1479 = arith.index_cast %get3A_1478 : i32 to index
    %get3A_1480 = arith.constant 16 : index
    %get3A_1481 = tpu.vector_load %arg23[%get3A_1479, %get3A_1480] {strides = array<i32>} : memref<14x64xi32, #tpu.memory_space<vmem>>, vector<16xi32>,
    %get3A_1482 = arith.constant 8 : i32
    %get3A_1483 = arith.index_cast %get3A_1482 : i32 to index
    %get3A_1484 = arith.constant 16 : index
    %get3A_1485 = tpu.vector_load %arg24[%get3A_1483, %get3A_1484] {strides = array<i32>} : memref<14x64xi32, #tpu.memory_space<vmem>>, vector<16xi32>,
    %ne3A_1486 = arith.constant 0 : i32
    %ne3A_1487 = vector.broadcast %ne3A_1486 : i32 to vector<16xi32>
    %ne3A_1488 = arith.cmpi ne, %get3A_1485, %ne3A_1487 : vector<16xi32>
    %ge3A_1489 = arith.constant 94 : i32
    %ge3A_1490 = vector.broadcast %ge3A_1489 : i32 to vector<16xi32>
    %ge3A_1491 = arith.cmpi sge, %get3A_1481, %ge3A_1490 : vector<16xi32>
    %jit3A_1492 = arith.constant 1 : i32
    %jit3A_1493 = arith.constant 0 : i32
    %broadcast_in_dim3A_1494 = vector.broadcast %jit3A_1492 : i32 to vector<16xi32>
    %broadcast_in_dim3A_1495 = vector.broadcast %jit3A_1493 : i32 to vector<16xi32>
    %select_n3A_1496 = arith.select %ge3A_1491, %broadcast_in_dim3A_1494, %broadcast_in_dim3A_1495 : vector<16xi1>, vector<16xi32>
    %jit3A_1497 = arith.constant -1 : i32
    %broadcast_in_dim3A_1498 = vector.broadcast %jit3A_1497 : i32 to vector<16xi32>
    %select_n3A_1499 = arith.select %ne3A_1488, %select_n3A_1496, %broadcast_in_dim3A_1498 : vector<16xi1>, vector<16xi32>
    %swap3A_1500 = arith.constant 16 : index
    %swap3A_1501 = tpu.vector_load %arg21[%swap3A_1500] {strides = array<i32>} : memref<64xi32, #tpu.memory_space<vmem>>, vector<16xi32>,
    tpu.vector_store %arg21[%swap3A_1500], %select_n3A_1499 {strides = array<i32>} : memref<64xi32, #tpu.memory_space<vmem>>, vector<16xi32>,
    %get3A_1502 = arith.constant 8 : i32
    %get3A_1503 = arith.index_cast %get3A_1502 : i32 to index
    %get3A_1504 = arith.constant 32 : index
    %get3A_1505 = tpu.vector_load %arg23[%get3A_1503, %get3A_1504] {strides = array<i32>} : memref<14x64xi32, #tpu.memory_space<vmem>>, vector<16xi32>,
    %get3A_1506 = arith.constant 8 : i32
    %get3A_1507 = arith.index_cast %get3A_1506 : i32 to index
    %get3A_1508 = arith.constant 32 : index
    %get3A_1509 = tpu.vector_load %arg24[%get3A_1507, %get3A_1508] {strides = array<i32>} : memref<14x64xi32, #tpu.memory_space<vmem>>, vector<16xi32>,
    %ne3A_1510 = arith.constant 0 : i32
    %ne3A_1511 = vector.broadcast %ne3A_1510 : i32 to vector<16xi32>
    %ne3A_1512 = arith.cmpi ne, %get3A_1509, %ne3A_1511 : vector<16xi32>
    %ge3A_1513 = arith.constant 94 : i32
    %ge3A_1514 = vector.broadcast %ge3A_1513 : i32 to vector<16xi32>
    %ge3A_1515 = arith.cmpi sge, %get3A_1505, %ge3A_1514 : vector<16xi32>
    %jit3A_1516 = arith.constant 1 : i32
    %jit3A_1517 = arith.constant 0 : i32
    %broadcast_in_dim3A_1518 = vector.broadcast %jit3A_1516 : i32 to vector<16xi32>
    %broadcast_in_dim3A_1519 = vector.broadcast %jit3A_1517 : i32 to vector<16xi32>
    %select_n3A_1520 = arith.select %ge3A_1515, %broadcast_in_dim3A_1518, %broadcast_in_dim3A_1519 : vector<16xi1>, vector<16xi32>
    %jit3A_1521 = arith.constant -1 : i32
    %broadcast_in_dim3A_1522 = vector.broadcast %jit3A_1521 : i32 to vector<16xi32>
    %select_n3A_1523 = arith.select %ne3A_1512, %select_n3A_1520, %broadcast_in_dim3A_1522 : vector<16xi1>, vector<16xi32>
    %swap3A_1524 = arith.constant 32 : index
    %swap3A_1525 = tpu.vector_load %arg21[%swap3A_1524] {strides = array<i32>} : memref<64xi32, #tpu.memory_space<vmem>>, vector<16xi32>,
    tpu.vector_store %arg21[%swap3A_1524], %select_n3A_1523 {strides = array<i32>} : memref<64xi32, #tpu.memory_space<vmem>>, vector<16xi32>,
    %get3A_1526 = arith.constant 8 : i32
    %get3A_1527 = arith.index_cast %get3A_1526 : i32 to index
    %get3A_1528 = arith.constant 48 : index
    %get3A_1529 = tpu.vector_load %arg23[%get3A_1527, %get3A_1528] {strides = array<i32>} : memref<14x64xi32, #tpu.memory_space<vmem>>, vector<16xi32>,
    %get3A_1530 = arith.constant 8 : i32
    %get3A_1531 = arith.index_cast %get3A_1530 : i32 to index
    %get3A_1532 = arith.constant 48 : index
    %get3A_1533 = tpu.vector_load %arg24[%get3A_1531, %get3A_1532] {strides = array<i32>} : memref<14x64xi32, #tpu.memory_space<vmem>>, vector<16xi32>,
    %ne3A_1534 = arith.constant 0 : i32
    %ne3A_1535 = vector.broadcast %ne3A_1534 : i32 to vector<16xi32>
    %ne3A_1536 = arith.cmpi ne, %get3A_1533, %ne3A_1535 : vector<16xi32>
    %ge3A_1537 = arith.constant 94 : i32
    %ge3A_1538 = vector.broadcast %ge3A_1537 : i32 to vector<16xi32>
    %ge3A_1539 = arith.cmpi sge, %get3A_1529, %ge3A_1538 : vector<16xi32>
    %jit3A_1540 = arith.constant 1 : i32
    %jit3A_1541 = arith.constant 0 : i32
    %broadcast_in_dim3A_1542 = vector.broadcast %jit3A_1540 : i32 to vector<16xi32>
    %broadcast_in_dim3A_1543 = vector.broadcast %jit3A_1541 : i32 to vector<16xi32>
    %select_n3A_1544 = arith.select %ge3A_1539, %broadcast_in_dim3A_1542, %broadcast_in_dim3A_1543 : vector<16xi1>, vector<16xi32>
    %jit3A_1545 = arith.constant -1 : i32
    %broadcast_in_dim3A_1546 = vector.broadcast %jit3A_1545 : i32 to vector<16xi32>
    %select_n3A_1547 = arith.select %ne3A_1536, %select_n3A_1544, %broadcast_in_dim3A_1546 : vector<16xi1>, vector<16xi32>
    %swap3A_1548 = arith.constant 48 : index
    %swap3A_1549 = tpu.vector_load %arg21[%swap3A_1548] {strides = array<i32>} : memref<64xi32, #tpu.memory_space<vmem>>, vector<16xi32>,
    tpu.vector_store %arg21[%swap3A_1548], %select_n3A_1547 {strides = array<i32>} : memref<64xi32, #tpu.memory_space<vmem>>, vector<16xi32>,
    %dma_start3A_1550 = arith.constant 0 : i32
    %dma_start3A_1551 = arith.constant 0 : i32
    %dma_start3A_1552 = tpu.memref_slice %arg25[%dma_start3A_1550, %dma_start3A_1551] : memref<2x128xf32, #tpu.memory_space<vmem_shared>> -> memref<2x128xf32, #tpu.memory_space<vmem_shared>>
    %dma_start3A_1553 = arith.constant -1 : i32
    tpu.enqueue_indirect_dma source(%dma_start3A_1552 : memref<2x128xf32, #tpu.memory_space<vmem_shared>>) target(%arg15 : memref<64x128xf32, #tpu.memory_space<vmem>>) offsets(%arg21 : memref<64xi32, #tpu.memory_space<vmem>>) offset_filter(%dma_start3A_1553) semaphore(%arg55 : memref<!tpu.dma_semaphore, #tpu.memory_space<semaphore_mem>>) {add = true}
    %dma_wait3A_1554 = arith.constant 0 : i32
    %dma_wait3A_1555 = arith.constant 0 : i32
    %dma_wait3A_1556 = tpu.memref_slice %arg25[%dma_wait3A_1554, %dma_wait3A_1555] : memref<2x128xf32, #tpu.memory_space<vmem_shared>> -> memref<2x128xf32, #tpu.memory_space<vmem_shared>>
    tpu.wait_indirect_dma semaphore(%arg56 : memref<!tpu.dma_semaphore, #tpu.memory_space<semaphore_mem>>) src(%dma_wait3A_1556 : memref<2x128xf32, #tpu.memory_space<vmem_shared>>) dst(%arg14 : memref<64x128xf32, #tpu.memory_space<vmem>>)
    %add3A_1557 = arith.constant 448 : i32
    %add3A_1558 = arith.addi %mul3A_2, %add3A_1557 : i32
    %dma_start3A_1559 = arith.constant 0 : i32
    %dma_start3A_1560 = tpu.memref_slice %arg6[%add3A_1558, %dma_start3A_1559] : memref<32768x128xf32, #tpu.memory_space<hbm>> -> memref<64x128xf32, #tpu.memory_space<hbm>>
    %dma_start3A_1561 = arith.constant 0 : i32
    %dma_start3A_1562 = tpu.memref_slice %arg6[%add3A_1558, %dma_start3A_1561] : memref<32768x128xf32, #tpu.memory_space<hbm>> -> memref<64x128xf32, #tpu.memory_space<hbm>>
    tpu.enqueue_dma source(%arg14 : memref<64x128xf32, #tpu.memory_space<vmem>>) target(%dma_start3A_1562 : memref<64x128xf32, #tpu.memory_space<hbm>>) target_semaphore(%arg47 : memref<!tpu.dma_semaphore, #tpu.memory_space<semaphore_mem>>)
    %dma_wait3A_1563 = arith.constant 0 : i32
    %dma_wait3A_1564 = tpu.memref_slice %arg2[%add3A_221, %dma_wait3A_1563] : memref<32768x128xf32, #tpu.memory_space<hbm>> -> memref<64x128xf32, #tpu.memory_space<hbm>>
    %dma_wait3A_1565 = arith.constant 0 : i32
    %dma_wait3A_1566 = tpu.memref_slice %arg2[%add3A_221, %dma_wait3A_1565] : memref<32768x128xf32, #tpu.memory_space<hbm>> -> memref<64x128xf32, #tpu.memory_space<hbm>>
    tpu.wait_dma2 semaphore(%arg35 : memref<!tpu.dma_semaphore, #tpu.memory_space<semaphore_mem>>) src(%dma_wait3A_1566 : memref<64x128xf32, #tpu.memory_space<hbm>>) dst(%arg16 : memref<64x128xf32, #tpu.memory_space<vmem>>)
    %dma_wait3A_1567 = arith.constant 9 : i32
    %dma_wait3A_1568 = arith.constant 0 : i32
    %dma_wait3A_1569 = tpu.memref_slice %arg23[%dma_wait3A_1567, %dma_wait3A_1568] : memref<14x64xi32, #tpu.memory_space<vmem>> -> memref<1x64xi32, #tpu.memory_space<vmem>>
    %dma_wait3A_1570 = tpu.memref_squeeze %dma_wait3A_1569 : memref<1x64xi32, #tpu.memory_space<vmem>> -> memref<64xi32, #tpu.memory_space<vmem>>
    %dma_wait3A_1571 = tpu.memref_slice %arg3[%add3A_221] : memref<32768xi32, #tpu.memory_space<hbm>> -> memref<64xi32, #tpu.memory_space<hbm>>
    %dma_wait3A_1572 = arith.constant 0 : i32
    %dma_wait3A_1573 = tpu.memref_slice %arg23[%dma_wait3A_1567, %dma_wait3A_1572] : memref<14x64xi32, #tpu.memory_space<vmem>> -> memref<1x64xi32, #tpu.memory_space<vmem>>
    %dma_wait3A_1574 = tpu.memref_squeeze %dma_wait3A_1573 : memref<1x64xi32, #tpu.memory_space<vmem>> -> memref<64xi32, #tpu.memory_space<vmem>>
    %dma_wait3A_1575 = tpu.memref_slice %arg3[%add3A_221] : memref<32768xi32, #tpu.memory_space<hbm>> -> memref<64xi32, #tpu.memory_space<hbm>>
    tpu.wait_dma2 semaphore(%arg35 : memref<!tpu.dma_semaphore, #tpu.memory_space<semaphore_mem>>) src(%dma_wait3A_1575 : memref<64xi32, #tpu.memory_space<hbm>>) dst(%dma_wait3A_1574 : memref<64xi32, #tpu.memory_space<vmem>>)
    %dma_wait3A_1576 = arith.constant 9 : i32
    %dma_wait3A_1577 = arith.constant 0 : i32
    %dma_wait3A_1578 = tpu.memref_slice %arg24[%dma_wait3A_1576, %dma_wait3A_1577] : memref<14x64xi32, #tpu.memory_space<vmem>> -> memref<1x64xi32, #tpu.memory_space<vmem>>
    %dma_wait3A_1579 = tpu.memref_squeeze %dma_wait3A_1578 : memref<1x64xi32, #tpu.memory_space<vmem>> -> memref<64xi32, #tpu.memory_space<vmem>>
    %dma_wait3A_1580 = tpu.memref_slice %arg4[%add3A_221] : memref<32768xi32, #tpu.memory_space<hbm>> -> memref<64xi32, #tpu.memory_space<hbm>>
    %dma_wait3A_1581 = arith.constant 0 : i32
    %dma_wait3A_1582 = tpu.memref_slice %arg24[%dma_wait3A_1576, %dma_wait3A_1581] : memref<14x64xi32, #tpu.memory_space<vmem>> -> memref<1x64xi32, #tpu.memory_space<vmem>>
    %dma_wait3A_1583 = tpu.memref_squeeze %dma_wait3A_1582 : memref<1x64xi32, #tpu.memory_space<vmem>> -> memref<64xi32, #tpu.memory_space<vmem>>
    %dma_wait3A_1584 = tpu.memref_slice %arg4[%add3A_221] : memref<32768xi32, #tpu.memory_space<hbm>> -> memref<64xi32, #tpu.memory_space<hbm>>
    tpu.wait_dma2 semaphore(%arg35 : memref<!tpu.dma_semaphore, #tpu.memory_space<semaphore_mem>>) src(%dma_wait3A_1584 : memref<64xi32, #tpu.memory_space<hbm>>) dst(%dma_wait3A_1583 : memref<64xi32, #tpu.memory_space<vmem>>)
    %get3A_1585 = arith.constant 9 : i32
    %get3A_1586 = arith.index_cast %get3A_1585 : i32 to index
    %get3A_1587 = arith.constant 0 : index
    %get3A_1588 = tpu.vector_load %arg23[%get3A_1586, %get3A_1587] {strides = array<i32>} : memref<14x64xi32, #tpu.memory_space<vmem>>, vector<16xi32>,
    %get3A_1589 = arith.constant 9 : i32
    %get3A_1590 = arith.index_cast %get3A_1589 : i32 to index
    %get3A_1591 = arith.constant 0 : index
    %get3A_1592 = tpu.vector_load %arg24[%get3A_1590, %get3A_1591] {strides = array<i32>} : memref<14x64xi32, #tpu.memory_space<vmem>>, vector<16xi32>,
    %ne3A_1593 = arith.constant 0 : i32
    %ne3A_1594 = vector.broadcast %ne3A_1593 : i32 to vector<16xi32>
    %ne3A_1595 = arith.cmpi ne, %get3A_1592, %ne3A_1594 : vector<16xi32>
    %ge3A_1596 = arith.constant 94 : i32
    %ge3A_1597 = vector.broadcast %ge3A_1596 : i32 to vector<16xi32>
    %ge3A_1598 = arith.cmpi sge, %get3A_1588, %ge3A_1597 : vector<16xi32>
    %jit3A_1599 = arith.constant 1 : i32
    %jit3A_1600 = arith.constant 0 : i32
    %broadcast_in_dim3A_1601 = vector.broadcast %jit3A_1599 : i32 to vector<16xi32>
    %broadcast_in_dim3A_1602 = vector.broadcast %jit3A_1600 : i32 to vector<16xi32>
    %select_n3A_1603 = arith.select %ge3A_1598, %broadcast_in_dim3A_1601, %broadcast_in_dim3A_1602 : vector<16xi1>, vector<16xi32>
    %jit3A_1604 = arith.constant -1 : i32
    %broadcast_in_dim3A_1605 = vector.broadcast %jit3A_1604 : i32 to vector<16xi32>
    %select_n3A_1606 = arith.select %ne3A_1595, %select_n3A_1603, %broadcast_in_dim3A_1605 : vector<16xi1>, vector<16xi32>
    %swap3A_1607 = arith.constant 0 : index
    %swap3A_1608 = tpu.vector_load %arg22[%swap3A_1607] {strides = array<i32>} : memref<64xi32, #tpu.memory_space<vmem>>, vector<16xi32>,
    tpu.vector_store %arg22[%swap3A_1607], %select_n3A_1606 {strides = array<i32>} : memref<64xi32, #tpu.memory_space<vmem>>, vector<16xi32>,
    %get3A_1609 = arith.constant 9 : i32
    %get3A_1610 = arith.index_cast %get3A_1609 : i32 to index
    %get3A_1611 = arith.constant 16 : index
    %get3A_1612 = tpu.vector_load %arg23[%get3A_1610, %get3A_1611] {strides = array<i32>} : memref<14x64xi32, #tpu.memory_space<vmem>>, vector<16xi32>,
    %get3A_1613 = arith.constant 9 : i32
    %get3A_1614 = arith.index_cast %get3A_1613 : i32 to index
    %get3A_1615 = arith.constant 16 : index
    %get3A_1616 = tpu.vector_load %arg24[%get3A_1614, %get3A_1615] {strides = array<i32>} : memref<14x64xi32, #tpu.memory_space<vmem>>, vector<16xi32>,
    %ne3A_1617 = arith.constant 0 : i32
    %ne3A_1618 = vector.broadcast %ne3A_1617 : i32 to vector<16xi32>
    %ne3A_1619 = arith.cmpi ne, %get3A_1616, %ne3A_1618 : vector<16xi32>
    %ge3A_1620 = arith.constant 94 : i32
    %ge3A_1621 = vector.broadcast %ge3A_1620 : i32 to vector<16xi32>
    %ge3A_1622 = arith.cmpi sge, %get3A_1612, %ge3A_1621 : vector<16xi32>
    %jit3A_1623 = arith.constant 1 : i32
    %jit3A_1624 = arith.constant 0 : i32
    %broadcast_in_dim3A_1625 = vector.broadcast %jit3A_1623 : i32 to vector<16xi32>
    %broadcast_in_dim3A_1626 = vector.broadcast %jit3A_1624 : i32 to vector<16xi32>
    %select_n3A_1627 = arith.select %ge3A_1622, %broadcast_in_dim3A_1625, %broadcast_in_dim3A_1626 : vector<16xi1>, vector<16xi32>
    %jit3A_1628 = arith.constant -1 : i32
    %broadcast_in_dim3A_1629 = vector.broadcast %jit3A_1628 : i32 to vector<16xi32>
    %select_n3A_1630 = arith.select %ne3A_1619, %select_n3A_1627, %broadcast_in_dim3A_1629 : vector<16xi1>, vector<16xi32>
    %swap3A_1631 = arith.constant 16 : index
    %swap3A_1632 = tpu.vector_load %arg22[%swap3A_1631] {strides = array<i32>} : memref<64xi32, #tpu.memory_space<vmem>>, vector<16xi32>,
    tpu.vector_store %arg22[%swap3A_1631], %select_n3A_1630 {strides = array<i32>} : memref<64xi32, #tpu.memory_space<vmem>>, vector<16xi32>,
    %get3A_1633 = arith.constant 9 : i32
    %get3A_1634 = arith.index_cast %get3A_1633 : i32 to index
    %get3A_1635 = arith.constant 32 : index
    %get3A_1636 = tpu.vector_load %arg23[%get3A_1634, %get3A_1635] {strides = array<i32>} : memref<14x64xi32, #tpu.memory_space<vmem>>, vector<16xi32>,
    %get3A_1637 = arith.constant 9 : i32
    %get3A_1638 = arith.index_cast %get3A_1637 : i32 to index
    %get3A_1639 = arith.constant 32 : index
    %get3A_1640 = tpu.vector_load %arg24[%get3A_1638, %get3A_1639] {strides = array<i32>} : memref<14x64xi32, #tpu.memory_space<vmem>>, vector<16xi32>,
    %ne3A_1641 = arith.constant 0 : i32
    %ne3A_1642 = vector.broadcast %ne3A_1641 : i32 to vector<16xi32>
    %ne3A_1643 = arith.cmpi ne, %get3A_1640, %ne3A_1642 : vector<16xi32>
    %ge3A_1644 = arith.constant 94 : i32
    %ge3A_1645 = vector.broadcast %ge3A_1644 : i32 to vector<16xi32>
    %ge3A_1646 = arith.cmpi sge, %get3A_1636, %ge3A_1645 : vector<16xi32>
    %jit3A_1647 = arith.constant 1 : i32
    %jit3A_1648 = arith.constant 0 : i32
    %broadcast_in_dim3A_1649 = vector.broadcast %jit3A_1647 : i32 to vector<16xi32>
    %broadcast_in_dim3A_1650 = vector.broadcast %jit3A_1648 : i32 to vector<16xi32>
    %select_n3A_1651 = arith.select %ge3A_1646, %broadcast_in_dim3A_1649, %broadcast_in_dim3A_1650 : vector<16xi1>, vector<16xi32>
    %jit3A_1652 = arith.constant -1 : i32
    %broadcast_in_dim3A_1653 = vector.broadcast %jit3A_1652 : i32 to vector<16xi32>
    %select_n3A_1654 = arith.select %ne3A_1643, %select_n3A_1651, %broadcast_in_dim3A_1653 : vector<16xi1>, vector<16xi32>
    %swap3A_1655 = arith.constant 32 : index
    %swap3A_1656 = tpu.vector_load %arg22[%swap3A_1655] {strides = array<i32>} : memref<64xi32, #tpu.memory_space<vmem>>, vector<16xi32>,
    tpu.vector_store %arg22[%swap3A_1655], %select_n3A_1654 {strides = array<i32>} : memref<64xi32, #tpu.memory_space<vmem>>, vector<16xi32>,
    %get3A_1657 = arith.constant 9 : i32
    %get3A_1658 = arith.index_cast %get3A_1657 : i32 to index
    %get3A_1659 = arith.constant 48 : index
    %get3A_1660 = tpu.vector_load %arg23[%get3A_1658, %get3A_1659] {strides = array<i32>} : memref<14x64xi32, #tpu.memory_space<vmem>>, vector<16xi32>,
    %get3A_1661 = arith.constant 9 : i32
    %get3A_1662 = arith.index_cast %get3A_1661 : i32 to index
    %get3A_1663 = arith.constant 48 : index
    %get3A_1664 = tpu.vector_load %arg24[%get3A_1662, %get3A_1663] {strides = array<i32>} : memref<14x64xi32, #tpu.memory_space<vmem>>, vector<16xi32>,
    %ne3A_1665 = arith.constant 0 : i32
    %ne3A_1666 = vector.broadcast %ne3A_1665 : i32 to vector<16xi32>
    %ne3A_1667 = arith.cmpi ne, %get3A_1664, %ne3A_1666 : vector<16xi32>
    %ge3A_1668 = arith.constant 94 : i32
    %ge3A_1669 = vector.broadcast %ge3A_1668 : i32 to vector<16xi32>
    %ge3A_1670 = arith.cmpi sge, %get3A_1660, %ge3A_1669 : vector<16xi32>
    %jit3A_1671 = arith.constant 1 : i32
    %jit3A_1672 = arith.constant 0 : i32
    %broadcast_in_dim3A_1673 = vector.broadcast %jit3A_1671 : i32 to vector<16xi32>
    %broadcast_in_dim3A_1674 = vector.broadcast %jit3A_1672 : i32 to vector<16xi32>
    %select_n3A_1675 = arith.select %ge3A_1670, %broadcast_in_dim3A_1673, %broadcast_in_dim3A_1674 : vector<16xi1>, vector<16xi32>
    %jit3A_1676 = arith.constant -1 : i32
    %broadcast_in_dim3A_1677 = vector.broadcast %jit3A_1676 : i32 to vector<16xi32>
    %select_n3A_1678 = arith.select %ne3A_1667, %select_n3A_1675, %broadcast_in_dim3A_1677 : vector<16xi1>, vector<16xi32>
    %swap3A_1679 = arith.constant 48 : index
    %swap3A_1680 = tpu.vector_load %arg22[%swap3A_1679] {strides = array<i32>} : memref<64xi32, #tpu.memory_space<vmem>>, vector<16xi32>,
    tpu.vector_store %arg22[%swap3A_1679], %select_n3A_1678 {strides = array<i32>} : memref<64xi32, #tpu.memory_space<vmem>>, vector<16xi32>,
    %dma_start3A_1681 = arith.constant 0 : i32
    %dma_start3A_1682 = arith.constant 0 : i32
    %dma_start3A_1683 = tpu.memref_slice %arg25[%dma_start3A_1681, %dma_start3A_1682] : memref<2x128xf32, #tpu.memory_space<vmem_shared>> -> memref<2x128xf32, #tpu.memory_space<vmem_shared>>
    %dma_start3A_1684 = arith.constant -1 : i32
    tpu.enqueue_indirect_dma source(%dma_start3A_1683 : memref<2x128xf32, #tpu.memory_space<vmem_shared>>) target(%arg16 : memref<64x128xf32, #tpu.memory_space<vmem>>) offsets(%arg22 : memref<64xi32, #tpu.memory_space<vmem>>) offset_filter(%dma_start3A_1684) semaphore(%arg56 : memref<!tpu.dma_semaphore, #tpu.memory_space<semaphore_mem>>) {add = true}
    %dma_wait3A_1685 = arith.constant 0 : i32
    %dma_wait3A_1686 = arith.constant 0 : i32
    %dma_wait3A_1687 = tpu.memref_slice %arg25[%dma_wait3A_1685, %dma_wait3A_1686] : memref<2x128xf32, #tpu.memory_space<vmem_shared>> -> memref<2x128xf32, #tpu.memory_space<vmem_shared>>
    tpu.wait_indirect_dma semaphore(%arg55 : memref<!tpu.dma_semaphore, #tpu.memory_space<semaphore_mem>>) src(%dma_wait3A_1687 : memref<2x128xf32, #tpu.memory_space<vmem_shared>>) dst(%arg15 : memref<64x128xf32, #tpu.memory_space<vmem>>)
    %add3A_1688 = arith.constant 512 : i32
    %add3A_1689 = arith.addi %mul3A_2, %add3A_1688 : i32
    %dma_start3A_1690 = arith.constant 0 : i32
    %dma_start3A_1691 = tpu.memref_slice %arg6[%add3A_1689, %dma_start3A_1690] : memref<32768x128xf32, #tpu.memory_space<hbm>> -> memref<64x128xf32, #tpu.memory_space<hbm>>
    %dma_start3A_1692 = arith.constant 0 : i32
    %dma_start3A_1693 = tpu.memref_slice %arg6[%add3A_1689, %dma_start3A_1692] : memref<32768x128xf32, #tpu.memory_space<hbm>> -> memref<64x128xf32, #tpu.memory_space<hbm>>
    tpu.enqueue_dma source(%arg15 : memref<64x128xf32, #tpu.memory_space<vmem>>) target(%dma_start3A_1693 : memref<64x128xf32, #tpu.memory_space<hbm>>) target_semaphore(%arg48 : memref<!tpu.dma_semaphore, #tpu.memory_space<semaphore_mem>>)
    %dma_wait3A_1694 = arith.constant 0 : i32
    %dma_wait3A_1695 = tpu.memref_slice %arg2[%add3A_245, %dma_wait3A_1694] : memref<32768x128xf32, #tpu.memory_space<hbm>> -> memref<64x128xf32, #tpu.memory_space<hbm>>
    %dma_wait3A_1696 = arith.constant 0 : i32
    %dma_wait3A_1697 = tpu.memref_slice %arg2[%add3A_245, %dma_wait3A_1696] : memref<32768x128xf32, #tpu.memory_space<hbm>> -> memref<64x128xf32, #tpu.memory_space<hbm>>
    tpu.wait_dma2 semaphore(%arg36 : memref<!tpu.dma_semaphore, #tpu.memory_space<semaphore_mem>>) src(%dma_wait3A_1697 : memref<64x128xf32, #tpu.memory_space<hbm>>) dst(%arg17 : memref<64x128xf32, #tpu.memory_space<vmem>>)
    %dma_wait3A_1698 = arith.constant 10 : i32
    %dma_wait3A_1699 = arith.constant 0 : i32
    %dma_wait3A_1700 = tpu.memref_slice %arg23[%dma_wait3A_1698, %dma_wait3A_1699] : memref<14x64xi32, #tpu.memory_space<vmem>> -> memref<1x64xi32, #tpu.memory_space<vmem>>
    %dma_wait3A_1701 = tpu.memref_squeeze %dma_wait3A_1700 : memref<1x64xi32, #tpu.memory_space<vmem>> -> memref<64xi32, #tpu.memory_space<vmem>>
    %dma_wait3A_1702 = tpu.memref_slice %arg3[%add3A_245] : memref<32768xi32, #tpu.memory_space<hbm>> -> memref<64xi32, #tpu.memory_space<hbm>>
    %dma_wait3A_1703 = arith.constant 0 : i32
    %dma_wait3A_1704 = tpu.memref_slice %arg23[%dma_wait3A_1698, %dma_wait3A_1703] : memref<14x64xi32, #tpu.memory_space<vmem>> -> memref<1x64xi32, #tpu.memory_space<vmem>>
    %dma_wait3A_1705 = tpu.memref_squeeze %dma_wait3A_1704 : memref<1x64xi32, #tpu.memory_space<vmem>> -> memref<64xi32, #tpu.memory_space<vmem>>
    %dma_wait3A_1706 = tpu.memref_slice %arg3[%add3A_245] : memref<32768xi32, #tpu.memory_space<hbm>> -> memref<64xi32, #tpu.memory_space<hbm>>
    tpu.wait_dma2 semaphore(%arg36 : memref<!tpu.dma_semaphore, #tpu.memory_space<semaphore_mem>>) src(%dma_wait3A_1706 : memref<64xi32, #tpu.memory_space<hbm>>) dst(%dma_wait3A_1705 : memref<64xi32, #tpu.memory_space<vmem>>)
    %dma_wait3A_1707 = arith.constant 10 : i32
    %dma_wait3A_1708 = arith.constant 0 : i32
    %dma_wait3A_1709 = tpu.memref_slice %arg24[%dma_wait3A_1707, %dma_wait3A_1708] : memref<14x64xi32, #tpu.memory_space<vmem>> -> memref<1x64xi32, #tpu.memory_space<vmem>>
    %dma_wait3A_1710 = tpu.memref_squeeze %dma_wait3A_1709 : memref<1x64xi32, #tpu.memory_space<vmem>> -> memref<64xi32, #tpu.memory_space<vmem>>
    %dma_wait3A_1711 = tpu.memref_slice %arg4[%add3A_245] : memref<32768xi32, #tpu.memory_space<hbm>> -> memref<64xi32, #tpu.memory_space<hbm>>
    %dma_wait3A_1712 = arith.constant 0 : i32
    %dma_wait3A_1713 = tpu.memref_slice %arg24[%dma_wait3A_1707, %dma_wait3A_1712] : memref<14x64xi32, #tpu.memory_space<vmem>> -> memref<1x64xi32, #tpu.memory_space<vmem>>
    %dma_wait3A_1714 = tpu.memref_squeeze %dma_wait3A_1713 : memref<1x64xi32, #tpu.memory_space<vmem>> -> memref<64xi32, #tpu.memory_space<vmem>>
    %dma_wait3A_1715 = tpu.memref_slice %arg4[%add3A_245] : memref<32768xi32, #tpu.memory_space<hbm>> -> memref<64xi32, #tpu.memory_space<hbm>>
    tpu.wait_dma2 semaphore(%arg36 : memref<!tpu.dma_semaphore, #tpu.memory_space<semaphore_mem>>) src(%dma_wait3A_1715 : memref<64xi32, #tpu.memory_space<hbm>>) dst(%dma_wait3A_1714 : memref<64xi32, #tpu.memory_space<vmem>>)
    %get3A_1716 = arith.constant 10 : i32
    %get3A_1717 = arith.index_cast %get3A_1716 : i32 to index
    %get3A_1718 = arith.constant 0 : index
    %get3A_1719 = tpu.vector_load %arg23[%get3A_1717, %get3A_1718] {strides = array<i32>} : memref<14x64xi32, #tpu.memory_space<vmem>>, vector<16xi32>,
    %get3A_1720 = arith.constant 10 : i32
    %get3A_1721 = arith.index_cast %get3A_1720 : i32 to index
    %get3A_1722 = arith.constant 0 : index
    %get3A_1723 = tpu.vector_load %arg24[%get3A_1721, %get3A_1722] {strides = array<i32>} : memref<14x64xi32, #tpu.memory_space<vmem>>, vector<16xi32>,
    %ne3A_1724 = arith.constant 0 : i32
    %ne3A_1725 = vector.broadcast %ne3A_1724 : i32 to vector<16xi32>
    %ne3A_1726 = arith.cmpi ne, %get3A_1723, %ne3A_1725 : vector<16xi32>
    %ge3A_1727 = arith.constant 94 : i32
    %ge3A_1728 = vector.broadcast %ge3A_1727 : i32 to vector<16xi32>
    %ge3A_1729 = arith.cmpi sge, %get3A_1719, %ge3A_1728 : vector<16xi32>
    %jit3A_1730 = arith.constant 1 : i32
    %jit3A_1731 = arith.constant 0 : i32
    %broadcast_in_dim3A_1732 = vector.broadcast %jit3A_1730 : i32 to vector<16xi32>
    %broadcast_in_dim3A_1733 = vector.broadcast %jit3A_1731 : i32 to vector<16xi32>
    %select_n3A_1734 = arith.select %ge3A_1729, %broadcast_in_dim3A_1732, %broadcast_in_dim3A_1733 : vector<16xi1>, vector<16xi32>
    %jit3A_1735 = arith.constant -1 : i32
    %broadcast_in_dim3A_1736 = vector.broadcast %jit3A_1735 : i32 to vector<16xi32>
    %select_n3A_1737 = arith.select %ne3A_1726, %select_n3A_1734, %broadcast_in_dim3A_1736 : vector<16xi1>, vector<16xi32>
    %swap3A_1738 = arith.constant 0 : index
    %swap3A_1739 = tpu.vector_load %arg21[%swap3A_1738] {strides = array<i32>} : memref<64xi32, #tpu.memory_space<vmem>>, vector<16xi32>,
    tpu.vector_store %arg21[%swap3A_1738], %select_n3A_1737 {strides = array<i32>} : memref<64xi32, #tpu.memory_space<vmem>>, vector<16xi32>,
    %get3A_1740 = arith.constant 10 : i32
    %get3A_1741 = arith.index_cast %get3A_1740 : i32 to index
    %get3A_1742 = arith.constant 16 : index
    %get3A_1743 = tpu.vector_load %arg23[%get3A_1741, %get3A_1742] {strides = array<i32>} : memref<14x64xi32, #tpu.memory_space<vmem>>, vector<16xi32>,
    %get3A_1744 = arith.constant 10 : i32
    %get3A_1745 = arith.index_cast %get3A_1744 : i32 to index
    %get3A_1746 = arith.constant 16 : index
    %get3A_1747 = tpu.vector_load %arg24[%get3A_1745, %get3A_1746] {strides = array<i32>} : memref<14x64xi32, #tpu.memory_space<vmem>>, vector<16xi32>,
    %ne3A_1748 = arith.constant 0 : i32
    %ne3A_1749 = vector.broadcast %ne3A_1748 : i32 to vector<16xi32>
    %ne3A_1750 = arith.cmpi ne, %get3A_1747, %ne3A_1749 : vector<16xi32>
    %ge3A_1751 = arith.constant 94 : i32
    %ge3A_1752 = vector.broadcast %ge3A_1751 : i32 to vector<16xi32>
    %ge3A_1753 = arith.cmpi sge, %get3A_1743, %ge3A_1752 : vector<16xi32>
    %jit3A_1754 = arith.constant 1 : i32
    %jit3A_1755 = arith.constant 0 : i32
    %broadcast_in_dim3A_1756 = vector.broadcast %jit3A_1754 : i32 to vector<16xi32>
    %broadcast_in_dim3A_1757 = vector.broadcast %jit3A_1755 : i32 to vector<16xi32>
    %select_n3A_1758 = arith.select %ge3A_1753, %broadcast_in_dim3A_1756, %broadcast_in_dim3A_1757 : vector<16xi1>, vector<16xi32>
    %jit3A_1759 = arith.constant -1 : i32
    %broadcast_in_dim3A_1760 = vector.broadcast %jit3A_1759 : i32 to vector<16xi32>
    %select_n3A_1761 = arith.select %ne3A_1750, %select_n3A_1758, %broadcast_in_dim3A_1760 : vector<16xi1>, vector<16xi32>
    %swap3A_1762 = arith.constant 16 : index
    %swap3A_1763 = tpu.vector_load %arg21[%swap3A_1762] {strides = array<i32>} : memref<64xi32, #tpu.memory_space<vmem>>, vector<16xi32>,
    tpu.vector_store %arg21[%swap3A_1762], %select_n3A_1761 {strides = array<i32>} : memref<64xi32, #tpu.memory_space<vmem>>, vector<16xi32>,
    %get3A_1764 = arith.constant 10 : i32
    %get3A_1765 = arith.index_cast %get3A_1764 : i32 to index
    %get3A_1766 = arith.constant 32 : index
    %get3A_1767 = tpu.vector_load %arg23[%get3A_1765, %get3A_1766] {strides = array<i32>} : memref<14x64xi32, #tpu.memory_space<vmem>>, vector<16xi32>,
    %get3A_1768 = arith.constant 10 : i32
    %get3A_1769 = arith.index_cast %get3A_1768 : i32 to index
    %get3A_1770 = arith.constant 32 : index
    %get3A_1771 = tpu.vector_load %arg24[%get3A_1769, %get3A_1770] {strides = array<i32>} : memref<14x64xi32, #tpu.memory_space<vmem>>, vector<16xi32>,
    %ne3A_1772 = arith.constant 0 : i32
    %ne3A_1773 = vector.broadcast %ne3A_1772 : i32 to vector<16xi32>
    %ne3A_1774 = arith.cmpi ne, %get3A_1771, %ne3A_1773 : vector<16xi32>
    %ge3A_1775 = arith.constant 94 : i32
    %ge3A_1776 = vector.broadcast %ge3A_1775 : i32 to vector<16xi32>
    %ge3A_1777 = arith.cmpi sge, %get3A_1767, %ge3A_1776 : vector<16xi32>
    %jit3A_1778 = arith.constant 1 : i32
    %jit3A_1779 = arith.constant 0 : i32
    %broadcast_in_dim3A_1780 = vector.broadcast %jit3A_1778 : i32 to vector<16xi32>
    %broadcast_in_dim3A_1781 = vector.broadcast %jit3A_1779 : i32 to vector<16xi32>
    %select_n3A_1782 = arith.select %ge3A_1777, %broadcast_in_dim3A_1780, %broadcast_in_dim3A_1781 : vector<16xi1>, vector<16xi32>
    %jit3A_1783 = arith.constant -1 : i32
    %broadcast_in_dim3A_1784 = vector.broadcast %jit3A_1783 : i32 to vector<16xi32>
    %select_n3A_1785 = arith.select %ne3A_1774, %select_n3A_1782, %broadcast_in_dim3A_1784 : vector<16xi1>, vector<16xi32>
    %swap3A_1786 = arith.constant 32 : index
    %swap3A_1787 = tpu.vector_load %arg21[%swap3A_1786] {strides = array<i32>} : memref<64xi32, #tpu.memory_space<vmem>>, vector<16xi32>,
    tpu.vector_store %arg21[%swap3A_1786], %select_n3A_1785 {strides = array<i32>} : memref<64xi32, #tpu.memory_space<vmem>>, vector<16xi32>,
    %get3A_1788 = arith.constant 10 : i32
    %get3A_1789 = arith.index_cast %get3A_1788 : i32 to index
    %get3A_1790 = arith.constant 48 : index
    %get3A_1791 = tpu.vector_load %arg23[%get3A_1789, %get3A_1790] {strides = array<i32>} : memref<14x64xi32, #tpu.memory_space<vmem>>, vector<16xi32>,
    %get3A_1792 = arith.constant 10 : i32
    %get3A_1793 = arith.index_cast %get3A_1792 : i32 to index
    %get3A_1794 = arith.constant 48 : index
    %get3A_1795 = tpu.vector_load %arg24[%get3A_1793, %get3A_1794] {strides = array<i32>} : memref<14x64xi32, #tpu.memory_space<vmem>>, vector<16xi32>,
    %ne3A_1796 = arith.constant 0 : i32
    %ne3A_1797 = vector.broadcast %ne3A_1796 : i32 to vector<16xi32>
    %ne3A_1798 = arith.cmpi ne, %get3A_1795, %ne3A_1797 : vector<16xi32>
    %ge3A_1799 = arith.constant 94 : i32
    %ge3A_1800 = vector.broadcast %ge3A_1799 : i32 to vector<16xi32>
    %ge3A_1801 = arith.cmpi sge, %get3A_1791, %ge3A_1800 : vector<16xi32>
    %jit3A_1802 = arith.constant 1 : i32
    %jit3A_1803 = arith.constant 0 : i32
    %broadcast_in_dim3A_1804 = vector.broadcast %jit3A_1802 : i32 to vector<16xi32>
    %broadcast_in_dim3A_1805 = vector.broadcast %jit3A_1803 : i32 to vector<16xi32>
    %select_n3A_1806 = arith.select %ge3A_1801, %broadcast_in_dim3A_1804, %broadcast_in_dim3A_1805 : vector<16xi1>, vector<16xi32>
    %jit3A_1807 = arith.constant -1 : i32
    %broadcast_in_dim3A_1808 = vector.broadcast %jit3A_1807 : i32 to vector<16xi32>
    %select_n3A_1809 = arith.select %ne3A_1798, %select_n3A_1806, %broadcast_in_dim3A_1808 : vector<16xi1>, vector<16xi32>
    %swap3A_1810 = arith.constant 48 : index
    %swap3A_1811 = tpu.vector_load %arg21[%swap3A_1810] {strides = array<i32>} : memref<64xi32, #tpu.memory_space<vmem>>, vector<16xi32>,
    tpu.vector_store %arg21[%swap3A_1810], %select_n3A_1809 {strides = array<i32>} : memref<64xi32, #tpu.memory_space<vmem>>, vector<16xi32>,
    %dma_start3A_1812 = arith.constant 0 : i32
    %dma_start3A_1813 = arith.constant 0 : i32
    %dma_start3A_1814 = tpu.memref_slice %arg25[%dma_start3A_1812, %dma_start3A_1813] : memref<2x128xf32, #tpu.memory_space<vmem_shared>> -> memref<2x128xf32, #tpu.memory_space<vmem_shared>>
    %dma_start3A_1815 = arith.constant -1 : i32
    tpu.enqueue_indirect_dma source(%dma_start3A_1814 : memref<2x128xf32, #tpu.memory_space<vmem_shared>>) target(%arg17 : memref<64x128xf32, #tpu.memory_space<vmem>>) offsets(%arg21 : memref<64xi32, #tpu.memory_space<vmem>>) offset_filter(%dma_start3A_1815) semaphore(%arg55 : memref<!tpu.dma_semaphore, #tpu.memory_space<semaphore_mem>>) {add = true}
    %dma_wait3A_1816 = arith.constant 0 : i32
    %dma_wait3A_1817 = arith.constant 0 : i32
    %dma_wait3A_1818 = tpu.memref_slice %arg25[%dma_wait3A_1816, %dma_wait3A_1817] : memref<2x128xf32, #tpu.memory_space<vmem_shared>> -> memref<2x128xf32, #tpu.memory_space<vmem_shared>>
    tpu.wait_indirect_dma semaphore(%arg56 : memref<!tpu.dma_semaphore, #tpu.memory_space<semaphore_mem>>) src(%dma_wait3A_1818 : memref<2x128xf32, #tpu.memory_space<vmem_shared>>) dst(%arg16 : memref<64x128xf32, #tpu.memory_space<vmem>>)
    %add3A_1819 = arith.constant 576 : i32
    %add3A_1820 = arith.addi %mul3A_2, %add3A_1819 : i32
    %dma_start3A_1821 = arith.constant 0 : i32
    %dma_start3A_1822 = tpu.memref_slice %arg6[%add3A_1820, %dma_start3A_1821] : memref<32768x128xf32, #tpu.memory_space<hbm>> -> memref<64x128xf32, #tpu.memory_space<hbm>>
    %dma_start3A_1823 = arith.constant 0 : i32
    %dma_start3A_1824 = tpu.memref_slice %arg6[%add3A_1820, %dma_start3A_1823] : memref<32768x128xf32, #tpu.memory_space<hbm>> -> memref<64x128xf32, #tpu.memory_space<hbm>>
    tpu.enqueue_dma source(%arg16 : memref<64x128xf32, #tpu.memory_space<vmem>>) target(%dma_start3A_1824 : memref<64x128xf32, #tpu.memory_space<hbm>>) target_semaphore(%arg49 : memref<!tpu.dma_semaphore, #tpu.memory_space<semaphore_mem>>)
    %dma_wait3A_1825 = arith.constant 0 : i32
    %dma_wait3A_1826 = tpu.memref_slice %arg2[%add3A_269, %dma_wait3A_1825] : memref<32768x128xf32, #tpu.memory_space<hbm>> -> memref<64x128xf32, #tpu.memory_space<hbm>>
    %dma_wait3A_1827 = arith.constant 0 : i32
    %dma_wait3A_1828 = tpu.memref_slice %arg2[%add3A_269, %dma_wait3A_1827] : memref<32768x128xf32, #tpu.memory_space<hbm>> -> memref<64x128xf32, #tpu.memory_space<hbm>>
    tpu.wait_dma2 semaphore(%arg37 : memref<!tpu.dma_semaphore, #tpu.memory_space<semaphore_mem>>) src(%dma_wait3A_1828 : memref<64x128xf32, #tpu.memory_space<hbm>>) dst(%arg18 : memref<64x128xf32, #tpu.memory_space<vmem>>)
    %dma_wait3A_1829 = arith.constant 11 : i32
    %dma_wait3A_1830 = arith.constant 0 : i32
    %dma_wait3A_1831 = tpu.memref_slice %arg23[%dma_wait3A_1829, %dma_wait3A_1830] : memref<14x64xi32, #tpu.memory_space<vmem>> -> memref<1x64xi32, #tpu.memory_space<vmem>>
    %dma_wait3A_1832 = tpu.memref_squeeze %dma_wait3A_1831 : memref<1x64xi32, #tpu.memory_space<vmem>> -> memref<64xi32, #tpu.memory_space<vmem>>
    %dma_wait3A_1833 = tpu.memref_slice %arg3[%add3A_269] : memref<32768xi32, #tpu.memory_space<hbm>> -> memref<64xi32, #tpu.memory_space<hbm>>
    %dma_wait3A_1834 = arith.constant 0 : i32
    %dma_wait3A_1835 = tpu.memref_slice %arg23[%dma_wait3A_1829, %dma_wait3A_1834] : memref<14x64xi32, #tpu.memory_space<vmem>> -> memref<1x64xi32, #tpu.memory_space<vmem>>
    %dma_wait3A_1836 = tpu.memref_squeeze %dma_wait3A_1835 : memref<1x64xi32, #tpu.memory_space<vmem>> -> memref<64xi32, #tpu.memory_space<vmem>>
    %dma_wait3A_1837 = tpu.memref_slice %arg3[%add3A_269] : memref<32768xi32, #tpu.memory_space<hbm>> -> memref<64xi32, #tpu.memory_space<hbm>>
    tpu.wait_dma2 semaphore(%arg37 : memref<!tpu.dma_semaphore, #tpu.memory_space<semaphore_mem>>) src(%dma_wait3A_1837 : memref<64xi32, #tpu.memory_space<hbm>>) dst(%dma_wait3A_1836 : memref<64xi32, #tpu.memory_space<vmem>>)
    %dma_wait3A_1838 = arith.constant 11 : i32
    %dma_wait3A_1839 = arith.constant 0 : i32
    %dma_wait3A_1840 = tpu.memref_slice %arg24[%dma_wait3A_1838, %dma_wait3A_1839] : memref<14x64xi32, #tpu.memory_space<vmem>> -> memref<1x64xi32, #tpu.memory_space<vmem>>
    %dma_wait3A_1841 = tpu.memref_squeeze %dma_wait3A_1840 : memref<1x64xi32, #tpu.memory_space<vmem>> -> memref<64xi32, #tpu.memory_space<vmem>>
    %dma_wait3A_1842 = tpu.memref_slice %arg4[%add3A_269] : memref<32768xi32, #tpu.memory_space<hbm>> -> memref<64xi32, #tpu.memory_space<hbm>>
    %dma_wait3A_1843 = arith.constant 0 : i32
    %dma_wait3A_1844 = tpu.memref_slice %arg24[%dma_wait3A_1838, %dma_wait3A_1843] : memref<14x64xi32, #tpu.memory_space<vmem>> -> memref<1x64xi32, #tpu.memory_space<vmem>>
    %dma_wait3A_1845 = tpu.memref_squeeze %dma_wait3A_1844 : memref<1x64xi32, #tpu.memory_space<vmem>> -> memref<64xi32, #tpu.memory_space<vmem>>
    %dma_wait3A_1846 = tpu.memref_slice %arg4[%add3A_269] : memref<32768xi32, #tpu.memory_space<hbm>> -> memref<64xi32, #tpu.memory_space<hbm>>
    tpu.wait_dma2 semaphore(%arg37 : memref<!tpu.dma_semaphore, #tpu.memory_space<semaphore_mem>>) src(%dma_wait3A_1846 : memref<64xi32, #tpu.memory_space<hbm>>) dst(%dma_wait3A_1845 : memref<64xi32, #tpu.memory_space<vmem>>)
    %get3A_1847 = arith.constant 11 : i32
    %get3A_1848 = arith.index_cast %get3A_1847 : i32 to index
    %get3A_1849 = arith.constant 0 : index
    %get3A_1850 = tpu.vector_load %arg23[%get3A_1848, %get3A_1849] {strides = array<i32>} : memref<14x64xi32, #tpu.memory_space<vmem>>, vector<16xi32>,
    %get3A_1851 = arith.constant 11 : i32
    %get3A_1852 = arith.index_cast %get3A_1851 : i32 to index
    %get3A_1853 = arith.constant 0 : index
    %get3A_1854 = tpu.vector_load %arg24[%get3A_1852, %get3A_1853] {strides = array<i32>} : memref<14x64xi32, #tpu.memory_space<vmem>>, vector<16xi32>,
    %ne3A_1855 = arith.constant 0 : i32
    %ne3A_1856 = vector.broadcast %ne3A_1855 : i32 to vector<16xi32>
    %ne3A_1857 = arith.cmpi ne, %get3A_1854, %ne3A_1856 : vector<16xi32>
    %ge3A_1858 = arith.constant 94 : i32
    %ge3A_1859 = vector.broadcast %ge3A_1858 : i32 to vector<16xi32>
    %ge3A_1860 = arith.cmpi sge, %get3A_1850, %ge3A_1859 : vector<16xi32>
    %jit3A_1861 = arith.constant 1 : i32
    %jit3A_1862 = arith.constant 0 : i32
    %broadcast_in_dim3A_1863 = vector.broadcast %jit3A_1861 : i32 to vector<16xi32>
    %broadcast_in_dim3A_1864 = vector.broadcast %jit3A_1862 : i32 to vector<16xi32>
    %select_n3A_1865 = arith.select %ge3A_1860, %broadcast_in_dim3A_1863, %broadcast_in_dim3A_1864 : vector<16xi1>, vector<16xi32>
    %jit3A_1866 = arith.constant -1 : i32
    %broadcast_in_dim3A_1867 = vector.broadcast %jit3A_1866 : i32 to vector<16xi32>
    %select_n3A_1868 = arith.select %ne3A_1857, %select_n3A_1865, %broadcast_in_dim3A_1867 : vector<16xi1>, vector<16xi32>
    %swap3A_1869 = arith.constant 0 : index
    %swap3A_1870 = tpu.vector_load %arg22[%swap3A_1869] {strides = array<i32>} : memref<64xi32, #tpu.memory_space<vmem>>, vector<16xi32>,
    tpu.vector_store %arg22[%swap3A_1869], %select_n3A_1868 {strides = array<i32>} : memref<64xi32, #tpu.memory_space<vmem>>, vector<16xi32>,
    %get3A_1871 = arith.constant 11 : i32
    %get3A_1872 = arith.index_cast %get3A_1871 : i32 to index
    %get3A_1873 = arith.constant 16 : index
    %get3A_1874 = tpu.vector_load %arg23[%get3A_1872, %get3A_1873] {strides = array<i32>} : memref<14x64xi32, #tpu.memory_space<vmem>>, vector<16xi32>,
    %get3A_1875 = arith.constant 11 : i32
    %get3A_1876 = arith.index_cast %get3A_1875 : i32 to index
    %get3A_1877 = arith.constant 16 : index
    %get3A_1878 = tpu.vector_load %arg24[%get3A_1876, %get3A_1877] {strides = array<i32>} : memref<14x64xi32, #tpu.memory_space<vmem>>, vector<16xi32>,
    %ne3A_1879 = arith.constant 0 : i32
    %ne3A_1880 = vector.broadcast %ne3A_1879 : i32 to vector<16xi32>
    %ne3A_1881 = arith.cmpi ne, %get3A_1878, %ne3A_1880 : vector<16xi32>
    %ge3A_1882 = arith.constant 94 : i32
    %ge3A_1883 = vector.broadcast %ge3A_1882 : i32 to vector<16xi32>
    %ge3A_1884 = arith.cmpi sge, %get3A_1874, %ge3A_1883 : vector<16xi32>
    %jit3A_1885 = arith.constant 1 : i32
    %jit3A_1886 = arith.constant 0 : i32
    %broadcast_in_dim3A_1887 = vector.broadcast %jit3A_1885 : i32 to vector<16xi32>
    %broadcast_in_dim3A_1888 = vector.broadcast %jit3A_1886 : i32 to vector<16xi32>
    %select_n3A_1889 = arith.select %ge3A_1884, %broadcast_in_dim3A_1887, %broadcast_in_dim3A_1888 : vector<16xi1>, vector<16xi32>
    %jit3A_1890 = arith.constant -1 : i32
    %broadcast_in_dim3A_1891 = vector.broadcast %jit3A_1890 : i32 to vector<16xi32>
    %select_n3A_1892 = arith.select %ne3A_1881, %select_n3A_1889, %broadcast_in_dim3A_1891 : vector<16xi1>, vector<16xi32>
    %swap3A_1893 = arith.constant 16 : index
    %swap3A_1894 = tpu.vector_load %arg22[%swap3A_1893] {strides = array<i32>} : memref<64xi32, #tpu.memory_space<vmem>>, vector<16xi32>,
    tpu.vector_store %arg22[%swap3A_1893], %select_n3A_1892 {strides = array<i32>} : memref<64xi32, #tpu.memory_space<vmem>>, vector<16xi32>,
    %get3A_1895 = arith.constant 11 : i32
    %get3A_1896 = arith.index_cast %get3A_1895 : i32 to index
    %get3A_1897 = arith.constant 32 : index
    %get3A_1898 = tpu.vector_load %arg23[%get3A_1896, %get3A_1897] {strides = array<i32>} : memref<14x64xi32, #tpu.memory_space<vmem>>, vector<16xi32>,
    %get3A_1899 = arith.constant 11 : i32
    %get3A_1900 = arith.index_cast %get3A_1899 : i32 to index
    %get3A_1901 = arith.constant 32 : index
    %get3A_1902 = tpu.vector_load %arg24[%get3A_1900, %get3A_1901] {strides = array<i32>} : memref<14x64xi32, #tpu.memory_space<vmem>>, vector<16xi32>,
    %ne3A_1903 = arith.constant 0 : i32
    %ne3A_1904 = vector.broadcast %ne3A_1903 : i32 to vector<16xi32>
    %ne3A_1905 = arith.cmpi ne, %get3A_1902, %ne3A_1904 : vector<16xi32>
    %ge3A_1906 = arith.constant 94 : i32
    %ge3A_1907 = vector.broadcast %ge3A_1906 : i32 to vector<16xi32>
    %ge3A_1908 = arith.cmpi sge, %get3A_1898, %ge3A_1907 : vector<16xi32>
    %jit3A_1909 = arith.constant 1 : i32
    %jit3A_1910 = arith.constant 0 : i32
    %broadcast_in_dim3A_1911 = vector.broadcast %jit3A_1909 : i32 to vector<16xi32>
    %broadcast_in_dim3A_1912 = vector.broadcast %jit3A_1910 : i32 to vector<16xi32>
    %select_n3A_1913 = arith.select %ge3A_1908, %broadcast_in_dim3A_1911, %broadcast_in_dim3A_1912 : vector<16xi1>, vector<16xi32>
    %jit3A_1914 = arith.constant -1 : i32
    %broadcast_in_dim3A_1915 = vector.broadcast %jit3A_1914 : i32 to vector<16xi32>
    %select_n3A_1916 = arith.select %ne3A_1905, %select_n3A_1913, %broadcast_in_dim3A_1915 : vector<16xi1>, vector<16xi32>
    %swap3A_1917 = arith.constant 32 : index
    %swap3A_1918 = tpu.vector_load %arg22[%swap3A_1917] {strides = array<i32>} : memref<64xi32, #tpu.memory_space<vmem>>, vector<16xi32>,
    tpu.vector_store %arg22[%swap3A_1917], %select_n3A_1916 {strides = array<i32>} : memref<64xi32, #tpu.memory_space<vmem>>, vector<16xi32>,
    %get3A_1919 = arith.constant 11 : i32
    %get3A_1920 = arith.index_cast %get3A_1919 : i32 to index
    %get3A_1921 = arith.constant 48 : index
    %get3A_1922 = tpu.vector_load %arg23[%get3A_1920, %get3A_1921] {strides = array<i32>} : memref<14x64xi32, #tpu.memory_space<vmem>>, vector<16xi32>,
    %get3A_1923 = arith.constant 11 : i32
    %get3A_1924 = arith.index_cast %get3A_1923 : i32 to index
    %get3A_1925 = arith.constant 48 : index
    %get3A_1926 = tpu.vector_load %arg24[%get3A_1924, %get3A_1925] {strides = array<i32>} : memref<14x64xi32, #tpu.memory_space<vmem>>, vector<16xi32>,
    %ne3A_1927 = arith.constant 0 : i32
    %ne3A_1928 = vector.broadcast %ne3A_1927 : i32 to vector<16xi32>
    %ne3A_1929 = arith.cmpi ne, %get3A_1926, %ne3A_1928 : vector<16xi32>
    %ge3A_1930 = arith.constant 94 : i32
    %ge3A_1931 = vector.broadcast %ge3A_1930 : i32 to vector<16xi32>
    %ge3A_1932 = arith.cmpi sge, %get3A_1922, %ge3A_1931 : vector<16xi32>
    %jit3A_1933 = arith.constant 1 : i32
    %jit3A_1934 = arith.constant 0 : i32
    %broadcast_in_dim3A_1935 = vector.broadcast %jit3A_1933 : i32 to vector<16xi32>
    %broadcast_in_dim3A_1936 = vector.broadcast %jit3A_1934 : i32 to vector<16xi32>
    %select_n3A_1937 = arith.select %ge3A_1932, %broadcast_in_dim3A_1935, %broadcast_in_dim3A_1936 : vector<16xi1>, vector<16xi32>
    %jit3A_1938 = arith.constant -1 : i32
    %broadcast_in_dim3A_1939 = vector.broadcast %jit3A_1938 : i32 to vector<16xi32>
    %select_n3A_1940 = arith.select %ne3A_1929, %select_n3A_1937, %broadcast_in_dim3A_1939 : vector<16xi1>, vector<16xi32>
    %swap3A_1941 = arith.constant 48 : index
    %swap3A_1942 = tpu.vector_load %arg22[%swap3A_1941] {strides = array<i32>} : memref<64xi32, #tpu.memory_space<vmem>>, vector<16xi32>,
    tpu.vector_store %arg22[%swap3A_1941], %select_n3A_1940 {strides = array<i32>} : memref<64xi32, #tpu.memory_space<vmem>>, vector<16xi32>,
    %dma_start3A_1943 = arith.constant 0 : i32
    %dma_start3A_1944 = arith.constant 0 : i32
    %dma_start3A_1945 = tpu.memref_slice %arg25[%dma_start3A_1943, %dma_start3A_1944] : memref<2x128xf32, #tpu.memory_space<vmem_shared>> -> memref<2x128xf32, #tpu.memory_space<vmem_shared>>
    %dma_start3A_1946 = arith.constant -1 : i32
    tpu.enqueue_indirect_dma source(%dma_start3A_1945 : memref<2x128xf32, #tpu.memory_space<vmem_shared>>) target(%arg18 : memref<64x128xf32, #tpu.memory_space<vmem>>) offsets(%arg22 : memref<64xi32, #tpu.memory_space<vmem>>) offset_filter(%dma_start3A_1946) semaphore(%arg56 : memref<!tpu.dma_semaphore, #tpu.memory_space<semaphore_mem>>) {add = true}
    %dma_wait3A_1947 = arith.constant 0 : i32
    %dma_wait3A_1948 = arith.constant 0 : i32
    %dma_wait3A_1949 = tpu.memref_slice %arg25[%dma_wait3A_1947, %dma_wait3A_1948] : memref<2x128xf32, #tpu.memory_space<vmem_shared>> -> memref<2x128xf32, #tpu.memory_space<vmem_shared>>
    tpu.wait_indirect_dma semaphore(%arg55 : memref<!tpu.dma_semaphore, #tpu.memory_space<semaphore_mem>>) src(%dma_wait3A_1949 : memref<2x128xf32, #tpu.memory_space<vmem_shared>>) dst(%arg17 : memref<64x128xf32, #tpu.memory_space<vmem>>)
    %add3A_1950 = arith.constant 640 : i32
    %add3A_1951 = arith.addi %mul3A_2, %add3A_1950 : i32
    %dma_start3A_1952 = arith.constant 0 : i32
    %dma_start3A_1953 = tpu.memref_slice %arg6[%add3A_1951, %dma_start3A_1952] : memref<32768x128xf32, #tpu.memory_space<hbm>> -> memref<64x128xf32, #tpu.memory_space<hbm>>
    %dma_start3A_1954 = arith.constant 0 : i32
    %dma_start3A_1955 = tpu.memref_slice %arg6[%add3A_1951, %dma_start3A_1954] : memref<32768x128xf32, #tpu.memory_space<hbm>> -> memref<64x128xf32, #tpu.memory_space<hbm>>
    tpu.enqueue_dma source(%arg17 : memref<64x128xf32, #tpu.memory_space<vmem>>) target(%dma_start3A_1955 : memref<64x128xf32, #tpu.memory_space<hbm>>) target_semaphore(%arg50 : memref<!tpu.dma_semaphore, #tpu.memory_space<semaphore_mem>>)
    %dma_wait3A_1956 = arith.constant 0 : i32
    %dma_wait3A_1957 = tpu.memref_slice %arg2[%add3A_293, %dma_wait3A_1956] : memref<32768x128xf32, #tpu.memory_space<hbm>> -> memref<64x128xf32, #tpu.memory_space<hbm>>
    %dma_wait3A_1958 = arith.constant 0 : i32
    %dma_wait3A_1959 = tpu.memref_slice %arg2[%add3A_293, %dma_wait3A_1958] : memref<32768x128xf32, #tpu.memory_space<hbm>> -> memref<64x128xf32, #tpu.memory_space<hbm>>
    tpu.wait_dma2 semaphore(%arg38 : memref<!tpu.dma_semaphore, #tpu.memory_space<semaphore_mem>>) src(%dma_wait3A_1959 : memref<64x128xf32, #tpu.memory_space<hbm>>) dst(%arg19 : memref<64x128xf32, #tpu.memory_space<vmem>>)
    %dma_wait3A_1960 = arith.constant 12 : i32
    %dma_wait3A_1961 = arith.constant 0 : i32
    %dma_wait3A_1962 = tpu.memref_slice %arg23[%dma_wait3A_1960, %dma_wait3A_1961] : memref<14x64xi32, #tpu.memory_space<vmem>> -> memref<1x64xi32, #tpu.memory_space<vmem>>
    %dma_wait3A_1963 = tpu.memref_squeeze %dma_wait3A_1962 : memref<1x64xi32, #tpu.memory_space<vmem>> -> memref<64xi32, #tpu.memory_space<vmem>>
    %dma_wait3A_1964 = tpu.memref_slice %arg3[%add3A_293] : memref<32768xi32, #tpu.memory_space<hbm>> -> memref<64xi32, #tpu.memory_space<hbm>>
    %dma_wait3A_1965 = arith.constant 0 : i32
    %dma_wait3A_1966 = tpu.memref_slice %arg23[%dma_wait3A_1960, %dma_wait3A_1965] : memref<14x64xi32, #tpu.memory_space<vmem>> -> memref<1x64xi32, #tpu.memory_space<vmem>>
    %dma_wait3A_1967 = tpu.memref_squeeze %dma_wait3A_1966 : memref<1x64xi32, #tpu.memory_space<vmem>> -> memref<64xi32, #tpu.memory_space<vmem>>
    %dma_wait3A_1968 = tpu.memref_slice %arg3[%add3A_293] : memref<32768xi32, #tpu.memory_space<hbm>> -> memref<64xi32, #tpu.memory_space<hbm>>
    tpu.wait_dma2 semaphore(%arg38 : memref<!tpu.dma_semaphore, #tpu.memory_space<semaphore_mem>>) src(%dma_wait3A_1968 : memref<64xi32, #tpu.memory_space<hbm>>) dst(%dma_wait3A_1967 : memref<64xi32, #tpu.memory_space<vmem>>)
    %dma_wait3A_1969 = arith.constant 12 : i32
    %dma_wait3A_1970 = arith.constant 0 : i32
    %dma_wait3A_1971 = tpu.memref_slice %arg24[%dma_wait3A_1969, %dma_wait3A_1970] : memref<14x64xi32, #tpu.memory_space<vmem>> -> memref<1x64xi32, #tpu.memory_space<vmem>>
    %dma_wait3A_1972 = tpu.memref_squeeze %dma_wait3A_1971 : memref<1x64xi32, #tpu.memory_space<vmem>> -> memref<64xi32, #tpu.memory_space<vmem>>
    %dma_wait3A_1973 = tpu.memref_slice %arg4[%add3A_293] : memref<32768xi32, #tpu.memory_space<hbm>> -> memref<64xi32, #tpu.memory_space<hbm>>
    %dma_wait3A_1974 = arith.constant 0 : i32
    %dma_wait3A_1975 = tpu.memref_slice %arg24[%dma_wait3A_1969, %dma_wait3A_1974] : memref<14x64xi32, #tpu.memory_space<vmem>> -> memref<1x64xi32, #tpu.memory_space<vmem>>
    %dma_wait3A_1976 = tpu.memref_squeeze %dma_wait3A_1975 : memref<1x64xi32, #tpu.memory_space<vmem>> -> memref<64xi32, #tpu.memory_space<vmem>>
    %dma_wait3A_1977 = tpu.memref_slice %arg4[%add3A_293] : memref<32768xi32, #tpu.memory_space<hbm>> -> memref<64xi32, #tpu.memory_space<hbm>>
    tpu.wait_dma2 semaphore(%arg38 : memref<!tpu.dma_semaphore, #tpu.memory_space<semaphore_mem>>) src(%dma_wait3A_1977 : memref<64xi32, #tpu.memory_space<hbm>>) dst(%dma_wait3A_1976 : memref<64xi32, #tpu.memory_space<vmem>>)
    %get3A_1978 = arith.constant 12 : i32
    %get3A_1979 = arith.index_cast %get3A_1978 : i32 to index
    %get3A_1980 = arith.constant 0 : index
    %get3A_1981 = tpu.vector_load %arg23[%get3A_1979, %get3A_1980] {strides = array<i32>} : memref<14x64xi32, #tpu.memory_space<vmem>>, vector<16xi32>,
    %get3A_1982 = arith.constant 12 : i32
    %get3A_1983 = arith.index_cast %get3A_1982 : i32 to index
    %get3A_1984 = arith.constant 0 : index
    %get3A_1985 = tpu.vector_load %arg24[%get3A_1983, %get3A_1984] {strides = array<i32>} : memref<14x64xi32, #tpu.memory_space<vmem>>, vector<16xi32>,
    %ne3A_1986 = arith.constant 0 : i32
    %ne3A_1987 = vector.broadcast %ne3A_1986 : i32 to vector<16xi32>
    %ne3A_1988 = arith.cmpi ne, %get3A_1985, %ne3A_1987 : vector<16xi32>
    %ge3A_1989 = arith.constant 94 : i32
    %ge3A_1990 = vector.broadcast %ge3A_1989 : i32 to vector<16xi32>
    %ge3A_1991 = arith.cmpi sge, %get3A_1981, %ge3A_1990 : vector<16xi32>
    %jit3A_1992 = arith.constant 1 : i32
    %jit3A_1993 = arith.constant 0 : i32
    %broadcast_in_dim3A_1994 = vector.broadcast %jit3A_1992 : i32 to vector<16xi32>
    %broadcast_in_dim3A_1995 = vector.broadcast %jit3A_1993 : i32 to vector<16xi32>
    %select_n3A_1996 = arith.select %ge3A_1991, %broadcast_in_dim3A_1994, %broadcast_in_dim3A_1995 : vector<16xi1>, vector<16xi32>
    %jit3A_1997 = arith.constant -1 : i32
    %broadcast_in_dim3A_1998 = vector.broadcast %jit3A_1997 : i32 to vector<16xi32>
    %select_n3A_1999 = arith.select %ne3A_1988, %select_n3A_1996, %broadcast_in_dim3A_1998 : vector<16xi1>, vector<16xi32>
    %swap3A_2000 = arith.constant 0 : index
    %swap3A_2001 = tpu.vector_load %arg21[%swap3A_2000] {strides = array<i32>} : memref<64xi32, #tpu.memory_space<vmem>>, vector<16xi32>,
    tpu.vector_store %arg21[%swap3A_2000], %select_n3A_1999 {strides = array<i32>} : memref<64xi32, #tpu.memory_space<vmem>>, vector<16xi32>,
    %get3A_2002 = arith.constant 12 : i32
    %get3A_2003 = arith.index_cast %get3A_2002 : i32 to index
    %get3A_2004 = arith.constant 16 : index
    %get3A_2005 = tpu.vector_load %arg23[%get3A_2003, %get3A_2004] {strides = array<i32>} : memref<14x64xi32, #tpu.memory_space<vmem>>, vector<16xi32>,
    %get3A_2006 = arith.constant 12 : i32
    %get3A_2007 = arith.index_cast %get3A_2006 : i32 to index
    %get3A_2008 = arith.constant 16 : index
    %get3A_2009 = tpu.vector_load %arg24[%get3A_2007, %get3A_2008] {strides = array<i32>} : memref<14x64xi32, #tpu.memory_space<vmem>>, vector<16xi32>,
    %ne3A_2010 = arith.constant 0 : i32
    %ne3A_2011 = vector.broadcast %ne3A_2010 : i32 to vector<16xi32>
    %ne3A_2012 = arith.cmpi ne, %get3A_2009, %ne3A_2011 : vector<16xi32>
    %ge3A_2013 = arith.constant 94 : i32
    %ge3A_2014 = vector.broadcast %ge3A_2013 : i32 to vector<16xi32>
    %ge3A_2015 = arith.cmpi sge, %get3A_2005, %ge3A_2014 : vector<16xi32>
    %jit3A_2016 = arith.constant 1 : i32
    %jit3A_2017 = arith.constant 0 : i32
    %broadcast_in_dim3A_2018 = vector.broadcast %jit3A_2016 : i32 to vector<16xi32>
    %broadcast_in_dim3A_2019 = vector.broadcast %jit3A_2017 : i32 to vector<16xi32>
    %select_n3A_2020 = arith.select %ge3A_2015, %broadcast_in_dim3A_2018, %broadcast_in_dim3A_2019 : vector<16xi1>, vector<16xi32>
    %jit3A_2021 = arith.constant -1 : i32
    %broadcast_in_dim3A_2022 = vector.broadcast %jit3A_2021 : i32 to vector<16xi32>
    %select_n3A_2023 = arith.select %ne3A_2012, %select_n3A_2020, %broadcast_in_dim3A_2022 : vector<16xi1>, vector<16xi32>
    %swap3A_2024 = arith.constant 16 : index
    %swap3A_2025 = tpu.vector_load %arg21[%swap3A_2024] {strides = array<i32>} : memref<64xi32, #tpu.memory_space<vmem>>, vector<16xi32>,
    tpu.vector_store %arg21[%swap3A_2024], %select_n3A_2023 {strides = array<i32>} : memref<64xi32, #tpu.memory_space<vmem>>, vector<16xi32>,
    %get3A_2026 = arith.constant 12 : i32
    %get3A_2027 = arith.index_cast %get3A_2026 : i32 to index
    %get3A_2028 = arith.constant 32 : index
    %get3A_2029 = tpu.vector_load %arg23[%get3A_2027, %get3A_2028] {strides = array<i32>} : memref<14x64xi32, #tpu.memory_space<vmem>>, vector<16xi32>,
    %get3A_2030 = arith.constant 12 : i32
    %get3A_2031 = arith.index_cast %get3A_2030 : i32 to index
    %get3A_2032 = arith.constant 32 : index
    %get3A_2033 = tpu.vector_load %arg24[%get3A_2031, %get3A_2032] {strides = array<i32>} : memref<14x64xi32, #tpu.memory_space<vmem>>, vector<16xi32>,
    %ne3A_2034 = arith.constant 0 : i32
    %ne3A_2035 = vector.broadcast %ne3A_2034 : i32 to vector<16xi32>
    %ne3A_2036 = arith.cmpi ne, %get3A_2033, %ne3A_2035 : vector<16xi32>
    %ge3A_2037 = arith.constant 94 : i32
    %ge3A_2038 = vector.broadcast %ge3A_2037 : i32 to vector<16xi32>
    %ge3A_2039 = arith.cmpi sge, %get3A_2029, %ge3A_2038 : vector<16xi32>
    %jit3A_2040 = arith.constant 1 : i32
    %jit3A_2041 = arith.constant 0 : i32
    %broadcast_in_dim3A_2042 = vector.broadcast %jit3A_2040 : i32 to vector<16xi32>
    %broadcast_in_dim3A_2043 = vector.broadcast %jit3A_2041 : i32 to vector<16xi32>
    %select_n3A_2044 = arith.select %ge3A_2039, %broadcast_in_dim3A_2042, %broadcast_in_dim3A_2043 : vector<16xi1>, vector<16xi32>
    %jit3A_2045 = arith.constant -1 : i32
    %broadcast_in_dim3A_2046 = vector.broadcast %jit3A_2045 : i32 to vector<16xi32>
    %select_n3A_2047 = arith.select %ne3A_2036, %select_n3A_2044, %broadcast_in_dim3A_2046 : vector<16xi1>, vector<16xi32>
    %swap3A_2048 = arith.constant 32 : index
    %swap3A_2049 = tpu.vector_load %arg21[%swap3A_2048] {strides = array<i32>} : memref<64xi32, #tpu.memory_space<vmem>>, vector<16xi32>,
    tpu.vector_store %arg21[%swap3A_2048], %select_n3A_2047 {strides = array<i32>} : memref<64xi32, #tpu.memory_space<vmem>>, vector<16xi32>,
    %get3A_2050 = arith.constant 12 : i32
    %get3A_2051 = arith.index_cast %get3A_2050 : i32 to index
    %get3A_2052 = arith.constant 48 : index
    %get3A_2053 = tpu.vector_load %arg23[%get3A_2051, %get3A_2052] {strides = array<i32>} : memref<14x64xi32, #tpu.memory_space<vmem>>, vector<16xi32>,
    %get3A_2054 = arith.constant 12 : i32
    %get3A_2055 = arith.index_cast %get3A_2054 : i32 to index
    %get3A_2056 = arith.constant 48 : index
    %get3A_2057 = tpu.vector_load %arg24[%get3A_2055, %get3A_2056] {strides = array<i32>} : memref<14x64xi32, #tpu.memory_space<vmem>>, vector<16xi32>,
    %ne3A_2058 = arith.constant 0 : i32
    %ne3A_2059 = vector.broadcast %ne3A_2058 : i32 to vector<16xi32>
    %ne3A_2060 = arith.cmpi ne, %get3A_2057, %ne3A_2059 : vector<16xi32>
    %ge3A_2061 = arith.constant 94 : i32
    %ge3A_2062 = vector.broadcast %ge3A_2061 : i32 to vector<16xi32>
    %ge3A_2063 = arith.cmpi sge, %get3A_2053, %ge3A_2062 : vector<16xi32>
    %jit3A_2064 = arith.constant 1 : i32
    %jit3A_2065 = arith.constant 0 : i32
    %broadcast_in_dim3A_2066 = vector.broadcast %jit3A_2064 : i32 to vector<16xi32>
    %broadcast_in_dim3A_2067 = vector.broadcast %jit3A_2065 : i32 to vector<16xi32>
    %select_n3A_2068 = arith.select %ge3A_2063, %broadcast_in_dim3A_2066, %broadcast_in_dim3A_2067 : vector<16xi1>, vector<16xi32>
    %jit3A_2069 = arith.constant -1 : i32
    %broadcast_in_dim3A_2070 = vector.broadcast %jit3A_2069 : i32 to vector<16xi32>
    %select_n3A_2071 = arith.select %ne3A_2060, %select_n3A_2068, %broadcast_in_dim3A_2070 : vector<16xi1>, vector<16xi32>
    %swap3A_2072 = arith.constant 48 : index
    %swap3A_2073 = tpu.vector_load %arg21[%swap3A_2072] {strides = array<i32>} : memref<64xi32, #tpu.memory_space<vmem>>, vector<16xi32>,
    tpu.vector_store %arg21[%swap3A_2072], %select_n3A_2071 {strides = array<i32>} : memref<64xi32, #tpu.memory_space<vmem>>, vector<16xi32>,
    %dma_start3A_2074 = arith.constant 0 : i32
    %dma_start3A_2075 = arith.constant 0 : i32
    %dma_start3A_2076 = tpu.memref_slice %arg25[%dma_start3A_2074, %dma_start3A_2075] : memref<2x128xf32, #tpu.memory_space<vmem_shared>> -> memref<2x128xf32, #tpu.memory_space<vmem_shared>>
    %dma_start3A_2077 = arith.constant -1 : i32
    tpu.enqueue_indirect_dma source(%dma_start3A_2076 : memref<2x128xf32, #tpu.memory_space<vmem_shared>>) target(%arg19 : memref<64x128xf32, #tpu.memory_space<vmem>>) offsets(%arg21 : memref<64xi32, #tpu.memory_space<vmem>>) offset_filter(%dma_start3A_2077) semaphore(%arg55 : memref<!tpu.dma_semaphore, #tpu.memory_space<semaphore_mem>>) {add = true}
    %dma_wait3A_2078 = arith.constant 0 : i32
    %dma_wait3A_2079 = arith.constant 0 : i32
    %dma_wait3A_2080 = tpu.memref_slice %arg25[%dma_wait3A_2078, %dma_wait3A_2079] : memref<2x128xf32, #tpu.memory_space<vmem_shared>> -> memref<2x128xf32, #tpu.memory_space<vmem_shared>>
    tpu.wait_indirect_dma semaphore(%arg56 : memref<!tpu.dma_semaphore, #tpu.memory_space<semaphore_mem>>) src(%dma_wait3A_2080 : memref<2x128xf32, #tpu.memory_space<vmem_shared>>) dst(%arg18 : memref<64x128xf32, #tpu.memory_space<vmem>>)
    %add3A_2081 = arith.constant 704 : i32
    %add3A_2082 = arith.addi %mul3A_2, %add3A_2081 : i32
    %dma_start3A_2083 = arith.constant 0 : i32
    %dma_start3A_2084 = tpu.memref_slice %arg6[%add3A_2082, %dma_start3A_2083] : memref<32768x128xf32, #tpu.memory_space<hbm>> -> memref<64x128xf32, #tpu.memory_space<hbm>>
    %dma_start3A_2085 = arith.constant 0 : i32
    %dma_start3A_2086 = tpu.memref_slice %arg6[%add3A_2082, %dma_start3A_2085] : memref<32768x128xf32, #tpu.memory_space<hbm>> -> memref<64x128xf32, #tpu.memory_space<hbm>>
    tpu.enqueue_dma source(%arg18 : memref<64x128xf32, #tpu.memory_space<vmem>>) target(%dma_start3A_2086 : memref<64x128xf32, #tpu.memory_space<hbm>>) target_semaphore(%arg51 : memref<!tpu.dma_semaphore, #tpu.memory_space<semaphore_mem>>)
    %dma_wait3A_2087 = arith.constant 0 : i32
    %dma_wait3A_2088 = tpu.memref_slice %arg2[%add3A_567, %dma_wait3A_2087] : memref<32768x128xf32, #tpu.memory_space<hbm>> -> memref<64x128xf32, #tpu.memory_space<hbm>>
    %dma_wait3A_2089 = arith.constant 0 : i32
    %dma_wait3A_2090 = tpu.memref_slice %arg2[%add3A_567, %dma_wait3A_2089] : memref<32768x128xf32, #tpu.memory_space<hbm>> -> memref<64x128xf32, #tpu.memory_space<hbm>>
    tpu.wait_dma2 semaphore(%arg39 : memref<!tpu.dma_semaphore, #tpu.memory_space<semaphore_mem>>) src(%dma_wait3A_2090 : memref<64x128xf32, #tpu.memory_space<hbm>>) dst(%arg20 : memref<64x128xf32, #tpu.memory_space<vmem>>)
    %dma_wait3A_2091 = arith.constant 13 : i32
    %dma_wait3A_2092 = arith.constant 0 : i32
    %dma_wait3A_2093 = tpu.memref_slice %arg23[%dma_wait3A_2091, %dma_wait3A_2092] : memref<14x64xi32, #tpu.memory_space<vmem>> -> memref<1x64xi32, #tpu.memory_space<vmem>>
    %dma_wait3A_2094 = tpu.memref_squeeze %dma_wait3A_2093 : memref<1x64xi32, #tpu.memory_space<vmem>> -> memref<64xi32, #tpu.memory_space<vmem>>
    %dma_wait3A_2095 = tpu.memref_slice %arg3[%add3A_567] : memref<32768xi32, #tpu.memory_space<hbm>> -> memref<64xi32, #tpu.memory_space<hbm>>
    %dma_wait3A_2096 = arith.constant 0 : i32
    %dma_wait3A_2097 = tpu.memref_slice %arg23[%dma_wait3A_2091, %dma_wait3A_2096] : memref<14x64xi32, #tpu.memory_space<vmem>> -> memref<1x64xi32, #tpu.memory_space<vmem>>
    %dma_wait3A_2098 = tpu.memref_squeeze %dma_wait3A_2097 : memref<1x64xi32, #tpu.memory_space<vmem>> -> memref<64xi32, #tpu.memory_space<vmem>>
    %dma_wait3A_2099 = tpu.memref_slice %arg3[%add3A_567] : memref<32768xi32, #tpu.memory_space<hbm>> -> memref<64xi32, #tpu.memory_space<hbm>>
    tpu.wait_dma2 semaphore(%arg39 : memref<!tpu.dma_semaphore, #tpu.memory_space<semaphore_mem>>) src(%dma_wait3A_2099 : memref<64xi32, #tpu.memory_space<hbm>>) dst(%dma_wait3A_2098 : memref<64xi32, #tpu.memory_space<vmem>>)
    %dma_wait3A_2100 = arith.constant 13 : i32
    %dma_wait3A_2101 = arith.constant 0 : i32
    %dma_wait3A_2102 = tpu.memref_slice %arg24[%dma_wait3A_2100, %dma_wait3A_2101] : memref<14x64xi32, #tpu.memory_space<vmem>> -> memref<1x64xi32, #tpu.memory_space<vmem>>
    %dma_wait3A_2103 = tpu.memref_squeeze %dma_wait3A_2102 : memref<1x64xi32, #tpu.memory_space<vmem>> -> memref<64xi32, #tpu.memory_space<vmem>>
    %dma_wait3A_2104 = tpu.memref_slice %arg4[%add3A_567] : memref<32768xi32, #tpu.memory_space<hbm>> -> memref<64xi32, #tpu.memory_space<hbm>>
    %dma_wait3A_2105 = arith.constant 0 : i32
    %dma_wait3A_2106 = tpu.memref_slice %arg24[%dma_wait3A_2100, %dma_wait3A_2105] : memref<14x64xi32, #tpu.memory_space<vmem>> -> memref<1x64xi32, #tpu.memory_space<vmem>>
    %dma_wait3A_2107 = tpu.memref_squeeze %dma_wait3A_2106 : memref<1x64xi32, #tpu.memory_space<vmem>> -> memref<64xi32, #tpu.memory_space<vmem>>
    %dma_wait3A_2108 = tpu.memref_slice %arg4[%add3A_567] : memref<32768xi32, #tpu.memory_space<hbm>> -> memref<64xi32, #tpu.memory_space<hbm>>
    tpu.wait_dma2 semaphore(%arg39 : memref<!tpu.dma_semaphore, #tpu.memory_space<semaphore_mem>>) src(%dma_wait3A_2108 : memref<64xi32, #tpu.memory_space<hbm>>) dst(%dma_wait3A_2107 : memref<64xi32, #tpu.memory_space<vmem>>)
    %get3A_2109 = arith.constant 13 : i32
    %get3A_2110 = arith.index_cast %get3A_2109 : i32 to index
    %get3A_2111 = arith.constant 0 : index
    %get3A_2112 = tpu.vector_load %arg23[%get3A_2110, %get3A_2111] {strides = array<i32>} : memref<14x64xi32, #tpu.memory_space<vmem>>, vector<16xi32>,
    %get3A_2113 = arith.constant 13 : i32
    %get3A_2114 = arith.index_cast %get3A_2113 : i32 to index
    %get3A_2115 = arith.constant 0 : index
    %get3A_2116 = tpu.vector_load %arg24[%get3A_2114, %get3A_2115] {strides = array<i32>} : memref<14x64xi32, #tpu.memory_space<vmem>>, vector<16xi32>,
    %ne3A_2117 = arith.constant 0 : i32
    %ne3A_2118 = vector.broadcast %ne3A_2117 : i32 to vector<16xi32>
    %ne3A_2119 = arith.cmpi ne, %get3A_2116, %ne3A_2118 : vector<16xi32>
    %ge3A_2120 = arith.constant 94 : i32
    %ge3A_2121 = vector.broadcast %ge3A_2120 : i32 to vector<16xi32>
    %ge3A_2122 = arith.cmpi sge, %get3A_2112, %ge3A_2121 : vector<16xi32>
    %jit3A_2123 = arith.constant 1 : i32
    %jit3A_2124 = arith.constant 0 : i32
    %broadcast_in_dim3A_2125 = vector.broadcast %jit3A_2123 : i32 to vector<16xi32>
    %broadcast_in_dim3A_2126 = vector.broadcast %jit3A_2124 : i32 to vector<16xi32>
    %select_n3A_2127 = arith.select %ge3A_2122, %broadcast_in_dim3A_2125, %broadcast_in_dim3A_2126 : vector<16xi1>, vector<16xi32>
    %jit3A_2128 = arith.constant -1 : i32
    %broadcast_in_dim3A_2129 = vector.broadcast %jit3A_2128 : i32 to vector<16xi32>
    %select_n3A_2130 = arith.select %ne3A_2119, %select_n3A_2127, %broadcast_in_dim3A_2129 : vector<16xi1>, vector<16xi32>
    %swap3A_2131 = arith.constant 0 : index
    %swap3A_2132 = tpu.vector_load %arg22[%swap3A_2131] {strides = array<i32>} : memref<64xi32, #tpu.memory_space<vmem>>, vector<16xi32>,
    tpu.vector_store %arg22[%swap3A_2131], %select_n3A_2130 {strides = array<i32>} : memref<64xi32, #tpu.memory_space<vmem>>, vector<16xi32>,
    %get3A_2133 = arith.constant 13 : i32
    %get3A_2134 = arith.index_cast %get3A_2133 : i32 to index
    %get3A_2135 = arith.constant 16 : index
    %get3A_2136 = tpu.vector_load %arg23[%get3A_2134, %get3A_2135] {strides = array<i32>} : memref<14x64xi32, #tpu.memory_space<vmem>>, vector<16xi32>,
    %get3A_2137 = arith.constant 13 : i32
    %get3A_2138 = arith.index_cast %get3A_2137 : i32 to index
    %get3A_2139 = arith.constant 16 : index
    %get3A_2140 = tpu.vector_load %arg24[%get3A_2138, %get3A_2139] {strides = array<i32>} : memref<14x64xi32, #tpu.memory_space<vmem>>, vector<16xi32>,
    %ne3A_2141 = arith.constant 0 : i32
    %ne3A_2142 = vector.broadcast %ne3A_2141 : i32 to vector<16xi32>
    %ne3A_2143 = arith.cmpi ne, %get3A_2140, %ne3A_2142 : vector<16xi32>
    %ge3A_2144 = arith.constant 94 : i32
    %ge3A_2145 = vector.broadcast %ge3A_2144 : i32 to vector<16xi32>
    %ge3A_2146 = arith.cmpi sge, %get3A_2136, %ge3A_2145 : vector<16xi32>
    %jit3A_2147 = arith.constant 1 : i32
    %jit3A_2148 = arith.constant 0 : i32
    %broadcast_in_dim3A_2149 = vector.broadcast %jit3A_2147 : i32 to vector<16xi32>
    %broadcast_in_dim3A_2150 = vector.broadcast %jit3A_2148 : i32 to vector<16xi32>
    %select_n3A_2151 = arith.select %ge3A_2146, %broadcast_in_dim3A_2149, %broadcast_in_dim3A_2150 : vector<16xi1>, vector<16xi32>
    %jit3A_2152 = arith.constant -1 : i32
    %broadcast_in_dim3A_2153 = vector.broadcast %jit3A_2152 : i32 to vector<16xi32>
    %select_n3A_2154 = arith.select %ne3A_2143, %select_n3A_2151, %broadcast_in_dim3A_2153 : vector<16xi1>, vector<16xi32>
    %swap3A_2155 = arith.constant 16 : index
    %swap3A_2156 = tpu.vector_load %arg22[%swap3A_2155] {strides = array<i32>} : memref<64xi32, #tpu.memory_space<vmem>>, vector<16xi32>,
    tpu.vector_store %arg22[%swap3A_2155], %select_n3A_2154 {strides = array<i32>} : memref<64xi32, #tpu.memory_space<vmem>>, vector<16xi32>,
    %get3A_2157 = arith.constant 13 : i32
    %get3A_2158 = arith.index_cast %get3A_2157 : i32 to index
    %get3A_2159 = arith.constant 32 : index
    %get3A_2160 = tpu.vector_load %arg23[%get3A_2158, %get3A_2159] {strides = array<i32>} : memref<14x64xi32, #tpu.memory_space<vmem>>, vector<16xi32>,
    %get3A_2161 = arith.constant 13 : i32
    %get3A_2162 = arith.index_cast %get3A_2161 : i32 to index
    %get3A_2163 = arith.constant 32 : index
    %get3A_2164 = tpu.vector_load %arg24[%get3A_2162, %get3A_2163] {strides = array<i32>} : memref<14x64xi32, #tpu.memory_space<vmem>>, vector<16xi32>,
    %ne3A_2165 = arith.constant 0 : i32
    %ne3A_2166 = vector.broadcast %ne3A_2165 : i32 to vector<16xi32>
    %ne3A_2167 = arith.cmpi ne, %get3A_2164, %ne3A_2166 : vector<16xi32>
    %ge3A_2168 = arith.constant 94 : i32
    %ge3A_2169 = vector.broadcast %ge3A_2168 : i32 to vector<16xi32>
    %ge3A_2170 = arith.cmpi sge, %get3A_2160, %ge3A_2169 : vector<16xi32>
    %jit3A_2171 = arith.constant 1 : i32
    %jit3A_2172 = arith.constant 0 : i32
    %broadcast_in_dim3A_2173 = vector.broadcast %jit3A_2171 : i32 to vector<16xi32>
    %broadcast_in_dim3A_2174 = vector.broadcast %jit3A_2172 : i32 to vector<16xi32>
    %select_n3A_2175 = arith.select %ge3A_2170, %broadcast_in_dim3A_2173, %broadcast_in_dim3A_2174 : vector<16xi1>, vector<16xi32>
    %jit3A_2176 = arith.constant -1 : i32
    %broadcast_in_dim3A_2177 = vector.broadcast %jit3A_2176 : i32 to vector<16xi32>
    %select_n3A_2178 = arith.select %ne3A_2167, %select_n3A_2175, %broadcast_in_dim3A_2177 : vector<16xi1>, vector<16xi32>
    %swap3A_2179 = arith.constant 32 : index
    %swap3A_2180 = tpu.vector_load %arg22[%swap3A_2179] {strides = array<i32>} : memref<64xi32, #tpu.memory_space<vmem>>, vector<16xi32>,
    tpu.vector_store %arg22[%swap3A_2179], %select_n3A_2178 {strides = array<i32>} : memref<64xi32, #tpu.memory_space<vmem>>, vector<16xi32>,
    %get3A_2181 = arith.constant 13 : i32
    %get3A_2182 = arith.index_cast %get3A_2181 : i32 to index
    %get3A_2183 = arith.constant 48 : index
    %get3A_2184 = tpu.vector_load %arg23[%get3A_2182, %get3A_2183] {strides = array<i32>} : memref<14x64xi32, #tpu.memory_space<vmem>>, vector<16xi32>,
    %get3A_2185 = arith.constant 13 : i32
    %get3A_2186 = arith.index_cast %get3A_2185 : i32 to index
    %get3A_2187 = arith.constant 48 : index
    %get3A_2188 = tpu.vector_load %arg24[%get3A_2186, %get3A_2187] {strides = array<i32>} : memref<14x64xi32, #tpu.memory_space<vmem>>, vector<16xi32>,
    %ne3A_2189 = arith.constant 0 : i32
    %ne3A_2190 = vector.broadcast %ne3A_2189 : i32 to vector<16xi32>
    %ne3A_2191 = arith.cmpi ne, %get3A_2188, %ne3A_2190 : vector<16xi32>
    %ge3A_2192 = arith.constant 94 : i32
    %ge3A_2193 = vector.broadcast %ge3A_2192 : i32 to vector<16xi32>
    %ge3A_2194 = arith.cmpi sge, %get3A_2184, %ge3A_2193 : vector<16xi32>
    %jit3A_2195 = arith.constant 1 : i32
    %jit3A_2196 = arith.constant 0 : i32
    %broadcast_in_dim3A_2197 = vector.broadcast %jit3A_2195 : i32 to vector<16xi32>
    %broadcast_in_dim3A_2198 = vector.broadcast %jit3A_2196 : i32 to vector<16xi32>
    %select_n3A_2199 = arith.select %ge3A_2194, %broadcast_in_dim3A_2197, %broadcast_in_dim3A_2198 : vector<16xi1>, vector<16xi32>
    %jit3A_2200 = arith.constant -1 : i32
    %broadcast_in_dim3A_2201 = vector.broadcast %jit3A_2200 : i32 to vector<16xi32>
    %select_n3A_2202 = arith.select %ne3A_2191, %select_n3A_2199, %broadcast_in_dim3A_2201 : vector<16xi1>, vector<16xi32>
    %swap3A_2203 = arith.constant 48 : index
    %swap3A_2204 = tpu.vector_load %arg22[%swap3A_2203] {strides = array<i32>} : memref<64xi32, #tpu.memory_space<vmem>>, vector<16xi32>,
    tpu.vector_store %arg22[%swap3A_2203], %select_n3A_2202 {strides = array<i32>} : memref<64xi32, #tpu.memory_space<vmem>>, vector<16xi32>,
    %dma_start3A_2205 = arith.constant 0 : i32
    %dma_start3A_2206 = arith.constant 0 : i32
    %dma_start3A_2207 = tpu.memref_slice %arg25[%dma_start3A_2205, %dma_start3A_2206] : memref<2x128xf32, #tpu.memory_space<vmem_shared>> -> memref<2x128xf32, #tpu.memory_space<vmem_shared>>
    %dma_start3A_2208 = arith.constant -1 : i32
    tpu.enqueue_indirect_dma source(%dma_start3A_2207 : memref<2x128xf32, #tpu.memory_space<vmem_shared>>) target(%arg20 : memref<64x128xf32, #tpu.memory_space<vmem>>) offsets(%arg22 : memref<64xi32, #tpu.memory_space<vmem>>) offset_filter(%dma_start3A_2208) semaphore(%arg56 : memref<!tpu.dma_semaphore, #tpu.memory_space<semaphore_mem>>) {add = true}
    %dma_wait3A_2209 = arith.constant 0 : i32
    %dma_wait3A_2210 = arith.constant 0 : i32
    %dma_wait3A_2211 = tpu.memref_slice %arg25[%dma_wait3A_2209, %dma_wait3A_2210] : memref<2x128xf32, #tpu.memory_space<vmem_shared>> -> memref<2x128xf32, #tpu.memory_space<vmem_shared>>
    tpu.wait_indirect_dma semaphore(%arg55 : memref<!tpu.dma_semaphore, #tpu.memory_space<semaphore_mem>>) src(%dma_wait3A_2211 : memref<2x128xf32, #tpu.memory_space<vmem_shared>>) dst(%arg19 : memref<64x128xf32, #tpu.memory_space<vmem>>)
    %add3A_2212 = arith.constant 768 : i32
    %add3A_2213 = arith.addi %mul3A_2, %add3A_2212 : i32
    %dma_start3A_2214 = arith.constant 0 : i32
    %dma_start3A_2215 = tpu.memref_slice %arg6[%add3A_2213, %dma_start3A_2214] : memref<32768x128xf32, #tpu.memory_space<hbm>> -> memref<64x128xf32, #tpu.memory_space<hbm>>
    %dma_start3A_2216 = arith.constant 0 : i32
    %dma_start3A_2217 = tpu.memref_slice %arg6[%add3A_2213, %dma_start3A_2216] : memref<32768x128xf32, #tpu.memory_space<hbm>> -> memref<64x128xf32, #tpu.memory_space<hbm>>
    tpu.enqueue_dma source(%arg19 : memref<64x128xf32, #tpu.memory_space<vmem>>) target(%dma_start3A_2217 : memref<64x128xf32, #tpu.memory_space<hbm>>) target_semaphore(%arg52 : memref<!tpu.dma_semaphore, #tpu.memory_space<semaphore_mem>>)
    %dma_wait3A_2218 = arith.constant 0 : i32
    %dma_wait3A_2219 = tpu.memref_slice %arg2[%add3A_726, %dma_wait3A_2218] : memref<32768x128xf32, #tpu.memory_space<hbm>> -> memref<64x128xf32, #tpu.memory_space<hbm>>
    %dma_wait3A_2220 = arith.constant 0 : i32
    %dma_wait3A_2221 = tpu.memref_slice %arg2[%add3A_726, %dma_wait3A_2220] : memref<32768x128xf32, #tpu.memory_space<hbm>> -> memref<64x128xf32, #tpu.memory_space<hbm>>
    tpu.wait_dma2 semaphore(%arg26 : memref<!tpu.dma_semaphore, #tpu.memory_space<semaphore_mem>>) src(%dma_wait3A_2221 : memref<64x128xf32, #tpu.memory_space<hbm>>) dst(%arg7 : memref<64x128xf32, #tpu.memory_space<vmem>>)
    %dma_wait3A_2222 = arith.constant 0 : i32
    %dma_wait3A_2223 = arith.constant 0 : i32
    %dma_wait3A_2224 = tpu.memref_slice %arg23[%dma_wait3A_2222, %dma_wait3A_2223] : memref<14x64xi32, #tpu.memory_space<vmem>> -> memref<1x64xi32, #tpu.memory_space<vmem>>
    %dma_wait3A_2225 = tpu.memref_squeeze %dma_wait3A_2224 : memref<1x64xi32, #tpu.memory_space<vmem>> -> memref<64xi32, #tpu.memory_space<vmem>>
    %dma_wait3A_2226 = tpu.memref_slice %arg3[%add3A_726] : memref<32768xi32, #tpu.memory_space<hbm>> -> memref<64xi32, #tpu.memory_space<hbm>>
    %dma_wait3A_2227 = arith.constant 0 : i32
    %dma_wait3A_2228 = tpu.memref_slice %arg23[%dma_wait3A_2222, %dma_wait3A_2227] : memref<14x64xi32, #tpu.memory_space<vmem>> -> memref<1x64xi32, #tpu.memory_space<vmem>>
    %dma_wait3A_2229 = tpu.memref_squeeze %dma_wait3A_2228 : memref<1x64xi32, #tpu.memory_space<vmem>> -> memref<64xi32, #tpu.memory_space<vmem>>
    %dma_wait3A_2230 = tpu.memref_slice %arg3[%add3A_726] : memref<32768xi32, #tpu.memory_space<hbm>> -> memref<64xi32, #tpu.memory_space<hbm>>
    tpu.wait_dma2 semaphore(%arg26 : memref<!tpu.dma_semaphore, #tpu.memory_space<semaphore_mem>>) src(%dma_wait3A_2230 : memref<64xi32, #tpu.memory_space<hbm>>) dst(%dma_wait3A_2229 : memref<64xi32, #tpu.memory_space<vmem>>)
    %dma_wait3A_2231 = arith.constant 0 : i32
    %dma_wait3A_2232 = arith.constant 0 : i32
    %dma_wait3A_2233 = tpu.memref_slice %arg24[%dma_wait3A_2231, %dma_wait3A_2232] : memref<14x64xi32, #tpu.memory_space<vmem>> -> memref<1x64xi32, #tpu.memory_space<vmem>>
    %dma_wait3A_2234 = tpu.memref_squeeze %dma_wait3A_2233 : memref<1x64xi32, #tpu.memory_space<vmem>> -> memref<64xi32, #tpu.memory_space<vmem>>
    %dma_wait3A_2235 = tpu.memref_slice %arg4[%add3A_726] : memref<32768xi32, #tpu.memory_space<hbm>> -> memref<64xi32, #tpu.memory_space<hbm>>
    %dma_wait3A_2236 = arith.constant 0 : i32
    %dma_wait3A_2237 = tpu.memref_slice %arg24[%dma_wait3A_2231, %dma_wait3A_2236] : memref<14x64xi32, #tpu.memory_space<vmem>> -> memref<1x64xi32, #tpu.memory_space<vmem>>
    %dma_wait3A_2238 = tpu.memref_squeeze %dma_wait3A_2237 : memref<1x64xi32, #tpu.memory_space<vmem>> -> memref<64xi32, #tpu.memory_space<vmem>>
    %dma_wait3A_2239 = tpu.memref_slice %arg4[%add3A_726] : memref<32768xi32, #tpu.memory_space<hbm>> -> memref<64xi32, #tpu.memory_space<hbm>>
    tpu.wait_dma2 semaphore(%arg26 : memref<!tpu.dma_semaphore, #tpu.memory_space<semaphore_mem>>) src(%dma_wait3A_2239 : memref<64xi32, #tpu.memory_space<hbm>>) dst(%dma_wait3A_2238 : memref<64xi32, #tpu.memory_space<vmem>>)
    %get3A_2240 = arith.constant 0 : i32
    %get3A_2241 = arith.index_cast %get3A_2240 : i32 to index
    %get3A_2242 = arith.constant 0 : index
    %get3A_2243 = tpu.vector_load %arg23[%get3A_2241, %get3A_2242] {strides = array<i32>} : memref<14x64xi32, #tpu.memory_space<vmem>>, vector<16xi32>,
    %get3A_2244 = arith.constant 0 : i32
    %get3A_2245 = arith.index_cast %get3A_2244 : i32 to index
    %get3A_2246 = arith.constant 0 : index
    %get3A_2247 = tpu.vector_load %arg24[%get3A_2245, %get3A_2246] {strides = array<i32>} : memref<14x64xi32, #tpu.memory_space<vmem>>, vector<16xi32>,
    %ne3A_2248 = arith.constant 0 : i32
    %ne3A_2249 = vector.broadcast %ne3A_2248 : i32 to vector<16xi32>
    %ne3A_2250 = arith.cmpi ne, %get3A_2247, %ne3A_2249 : vector<16xi32>
    %ge3A_2251 = arith.constant 94 : i32
    %ge3A_2252 = vector.broadcast %ge3A_2251 : i32 to vector<16xi32>
    %ge3A_2253 = arith.cmpi sge, %get3A_2243, %ge3A_2252 : vector<16xi32>
    %jit3A_2254 = arith.constant 1 : i32
    %jit3A_2255 = arith.constant 0 : i32
    %broadcast_in_dim3A_2256 = vector.broadcast %jit3A_2254 : i32 to vector<16xi32>
    %broadcast_in_dim3A_2257 = vector.broadcast %jit3A_2255 : i32 to vector<16xi32>
    %select_n3A_2258 = arith.select %ge3A_2253, %broadcast_in_dim3A_2256, %broadcast_in_dim3A_2257 : vector<16xi1>, vector<16xi32>
    %jit3A_2259 = arith.constant -1 : i32
    %broadcast_in_dim3A_2260 = vector.broadcast %jit3A_2259 : i32 to vector<16xi32>
    %select_n3A_2261 = arith.select %ne3A_2250, %select_n3A_2258, %broadcast_in_dim3A_2260 : vector<16xi1>, vector<16xi32>
    %swap3A_2262 = arith.constant 0 : index
    %swap3A_2263 = tpu.vector_load %arg21[%swap3A_2262] {strides = array<i32>} : memref<64xi32, #tpu.memory_space<vmem>>, vector<16xi32>,
    tpu.vector_store %arg21[%swap3A_2262], %select_n3A_2261 {strides = array<i32>} : memref<64xi32, #tpu.memory_space<vmem>>, vector<16xi32>,
    %get3A_2264 = arith.constant 0 : i32
    %get3A_2265 = arith.index_cast %get3A_2264 : i32 to index
    %get3A_2266 = arith.constant 16 : index
    %get3A_2267 = tpu.vector_load %arg23[%get3A_2265, %get3A_2266] {strides = array<i32>} : memref<14x64xi32, #tpu.memory_space<vmem>>, vector<16xi32>,
    %get3A_2268 = arith.constant 0 : i32
    %get3A_2269 = arith.index_cast %get3A_2268 : i32 to index
    %get3A_2270 = arith.constant 16 : index
    %get3A_2271 = tpu.vector_load %arg24[%get3A_2269, %get3A_2270] {strides = array<i32>} : memref<14x64xi32, #tpu.memory_space<vmem>>, vector<16xi32>,
    %ne3A_2272 = arith.constant 0 : i32
    %ne3A_2273 = vector.broadcast %ne3A_2272 : i32 to vector<16xi32>
    %ne3A_2274 = arith.cmpi ne, %get3A_2271, %ne3A_2273 : vector<16xi32>
    %ge3A_2275 = arith.constant 94 : i32
    %ge3A_2276 = vector.broadcast %ge3A_2275 : i32 to vector<16xi32>
    %ge3A_2277 = arith.cmpi sge, %get3A_2267, %ge3A_2276 : vector<16xi32>
    %jit3A_2278 = arith.constant 1 : i32
    %jit3A_2279 = arith.constant 0 : i32
    %broadcast_in_dim3A_2280 = vector.broadcast %jit3A_2278 : i32 to vector<16xi32>
    %broadcast_in_dim3A_2281 = vector.broadcast %jit3A_2279 : i32 to vector<16xi32>
    %select_n3A_2282 = arith.select %ge3A_2277, %broadcast_in_dim3A_2280, %broadcast_in_dim3A_2281 : vector<16xi1>, vector<16xi32>
    %jit3A_2283 = arith.constant -1 : i32
    %broadcast_in_dim3A_2284 = vector.broadcast %jit3A_2283 : i32 to vector<16xi32>
    %select_n3A_2285 = arith.select %ne3A_2274, %select_n3A_2282, %broadcast_in_dim3A_2284 : vector<16xi1>, vector<16xi32>
    %swap3A_2286 = arith.constant 16 : index
    %swap3A_2287 = tpu.vector_load %arg21[%swap3A_2286] {strides = array<i32>} : memref<64xi32, #tpu.memory_space<vmem>>, vector<16xi32>,
    tpu.vector_store %arg21[%swap3A_2286], %select_n3A_2285 {strides = array<i32>} : memref<64xi32, #tpu.memory_space<vmem>>, vector<16xi32>,
    %get3A_2288 = arith.constant 0 : i32
    %get3A_2289 = arith.index_cast %get3A_2288 : i32 to index
    %get3A_2290 = arith.constant 32 : index
    %get3A_2291 = tpu.vector_load %arg23[%get3A_2289, %get3A_2290] {strides = array<i32>} : memref<14x64xi32, #tpu.memory_space<vmem>>, vector<16xi32>,
    %get3A_2292 = arith.constant 0 : i32
    %get3A_2293 = arith.index_cast %get3A_2292 : i32 to index
    %get3A_2294 = arith.constant 32 : index
    %get3A_2295 = tpu.vector_load %arg24[%get3A_2293, %get3A_2294] {strides = array<i32>} : memref<14x64xi32, #tpu.memory_space<vmem>>, vector<16xi32>,
    %ne3A_2296 = arith.constant 0 : i32
    %ne3A_2297 = vector.broadcast %ne3A_2296 : i32 to vector<16xi32>
    %ne3A_2298 = arith.cmpi ne, %get3A_2295, %ne3A_2297 : vector<16xi32>
    %ge3A_2299 = arith.constant 94 : i32
    %ge3A_2300 = vector.broadcast %ge3A_2299 : i32 to vector<16xi32>
    %ge3A_2301 = arith.cmpi sge, %get3A_2291, %ge3A_2300 : vector<16xi32>
    %jit3A_2302 = arith.constant 1 : i32
    %jit3A_2303 = arith.constant 0 : i32
    %broadcast_in_dim3A_2304 = vector.broadcast %jit3A_2302 : i32 to vector<16xi32>
    %broadcast_in_dim3A_2305 = vector.broadcast %jit3A_2303 : i32 to vector<16xi32>
    %select_n3A_2306 = arith.select %ge3A_2301, %broadcast_in_dim3A_2304, %broadcast_in_dim3A_2305 : vector<16xi1>, vector<16xi32>
    %jit3A_2307 = arith.constant -1 : i32
    %broadcast_in_dim3A_2308 = vector.broadcast %jit3A_2307 : i32 to vector<16xi32>
    %select_n3A_2309 = arith.select %ne3A_2298, %select_n3A_2306, %broadcast_in_dim3A_2308 : vector<16xi1>, vector<16xi32>
    %swap3A_2310 = arith.constant 32 : index
    %swap3A_2311 = tpu.vector_load %arg21[%swap3A_2310] {strides = array<i32>} : memref<64xi32, #tpu.memory_space<vmem>>, vector<16xi32>,
    tpu.vector_store %arg21[%swap3A_2310], %select_n3A_2309 {strides = array<i32>} : memref<64xi32, #tpu.memory_space<vmem>>, vector<16xi32>,
    %get3A_2312 = arith.constant 0 : i32
    %get3A_2313 = arith.index_cast %get3A_2312 : i32 to index
    %get3A_2314 = arith.constant 48 : index
    %get3A_2315 = tpu.vector_load %arg23[%get3A_2313, %get3A_2314] {strides = array<i32>} : memref<14x64xi32, #tpu.memory_space<vmem>>, vector<16xi32>,
    %get3A_2316 = arith.constant 0 : i32
    %get3A_2317 = arith.index_cast %get3A_2316 : i32 to index
    %get3A_2318 = arith.constant 48 : index
    %get3A_2319 = tpu.vector_load %arg24[%get3A_2317, %get3A_2318] {strides = array<i32>} : memref<14x64xi32, #tpu.memory_space<vmem>>, vector<16xi32>,
    %ne3A_2320 = arith.constant 0 : i32
    %ne3A_2321 = vector.broadcast %ne3A_2320 : i32 to vector<16xi32>
    %ne3A_2322 = arith.cmpi ne, %get3A_2319, %ne3A_2321 : vector<16xi32>
    %ge3A_2323 = arith.constant 94 : i32
    %ge3A_2324 = vector.broadcast %ge3A_2323 : i32 to vector<16xi32>
    %ge3A_2325 = arith.cmpi sge, %get3A_2315, %ge3A_2324 : vector<16xi32>
    %jit3A_2326 = arith.constant 1 : i32
    %jit3A_2327 = arith.constant 0 : i32
    %broadcast_in_dim3A_2328 = vector.broadcast %jit3A_2326 : i32 to vector<16xi32>
    %broadcast_in_dim3A_2329 = vector.broadcast %jit3A_2327 : i32 to vector<16xi32>
    %select_n3A_2330 = arith.select %ge3A_2325, %broadcast_in_dim3A_2328, %broadcast_in_dim3A_2329 : vector<16xi1>, vector<16xi32>
    %jit3A_2331 = arith.constant -1 : i32
    %broadcast_in_dim3A_2332 = vector.broadcast %jit3A_2331 : i32 to vector<16xi32>
    %select_n3A_2333 = arith.select %ne3A_2322, %select_n3A_2330, %broadcast_in_dim3A_2332 : vector<16xi1>, vector<16xi32>
    %swap3A_2334 = arith.constant 48 : index
    %swap3A_2335 = tpu.vector_load %arg21[%swap3A_2334] {strides = array<i32>} : memref<64xi32, #tpu.memory_space<vmem>>, vector<16xi32>,
    tpu.vector_store %arg21[%swap3A_2334], %select_n3A_2333 {strides = array<i32>} : memref<64xi32, #tpu.memory_space<vmem>>, vector<16xi32>,
    %dma_start3A_2336 = arith.constant 0 : i32
    %dma_start3A_2337 = arith.constant 0 : i32
    %dma_start3A_2338 = tpu.memref_slice %arg25[%dma_start3A_2336, %dma_start3A_2337] : memref<2x128xf32, #tpu.memory_space<vmem_shared>> -> memref<2x128xf32, #tpu.memory_space<vmem_shared>>
    %dma_start3A_2339 = arith.constant -1 : i32
    tpu.enqueue_indirect_dma source(%dma_start3A_2338 : memref<2x128xf32, #tpu.memory_space<vmem_shared>>) target(%arg7 : memref<64x128xf32, #tpu.memory_space<vmem>>) offsets(%arg21 : memref<64xi32, #tpu.memory_space<vmem>>) offset_filter(%dma_start3A_2339) semaphore(%arg55 : memref<!tpu.dma_semaphore, #tpu.memory_space<semaphore_mem>>) {add = true}
    %dma_wait3A_2340 = arith.constant 0 : i32
    %dma_wait3A_2341 = arith.constant 0 : i32
    %dma_wait3A_2342 = tpu.memref_slice %arg25[%dma_wait3A_2340, %dma_wait3A_2341] : memref<2x128xf32, #tpu.memory_space<vmem_shared>> -> memref<2x128xf32, #tpu.memory_space<vmem_shared>>
    tpu.wait_indirect_dma semaphore(%arg56 : memref<!tpu.dma_semaphore, #tpu.memory_space<semaphore_mem>>) src(%dma_wait3A_2342 : memref<2x128xf32, #tpu.memory_space<vmem_shared>>) dst(%arg20 : memref<64x128xf32, #tpu.memory_space<vmem>>)
    %add3A_2343 = arith.constant 832 : i32
    %add3A_2344 = arith.addi %mul3A_2, %add3A_2343 : i32
    %dma_start3A_2345 = arith.constant 0 : i32
    %dma_start3A_2346 = tpu.memref_slice %arg6[%add3A_2344, %dma_start3A_2345] : memref<32768x128xf32, #tpu.memory_space<hbm>> -> memref<64x128xf32, #tpu.memory_space<hbm>>
    %dma_start3A_2347 = arith.constant 0 : i32
    %dma_start3A_2348 = tpu.memref_slice %arg6[%add3A_2344, %dma_start3A_2347] : memref<32768x128xf32, #tpu.memory_space<hbm>> -> memref<64x128xf32, #tpu.memory_space<hbm>>
    tpu.enqueue_dma source(%arg20 : memref<64x128xf32, #tpu.memory_space<vmem>>) target(%dma_start3A_2348 : memref<64x128xf32, #tpu.memory_space<hbm>>) target_semaphore(%arg53 : memref<!tpu.dma_semaphore, #tpu.memory_space<semaphore_mem>>)
    %dma_wait3A_2349 = arith.constant 0 : i32
    %dma_wait3A_2350 = tpu.memref_slice %arg2[%add3A_885, %dma_wait3A_2349] : memref<32768x128xf32, #tpu.memory_space<hbm>> -> memref<64x128xf32, #tpu.memory_space<hbm>>
    %dma_wait3A_2351 = arith.constant 0 : i32
    %dma_wait3A_2352 = tpu.memref_slice %arg2[%add3A_885, %dma_wait3A_2351] : memref<32768x128xf32, #tpu.memory_space<hbm>> -> memref<64x128xf32, #tpu.memory_space<hbm>>
    tpu.wait_dma2 semaphore(%arg27 : memref<!tpu.dma_semaphore, #tpu.memory_space<semaphore_mem>>) src(%dma_wait3A_2352 : memref<64x128xf32, #tpu.memory_space<hbm>>) dst(%arg8 : memref<64x128xf32, #tpu.memory_space<vmem>>)
    %dma_wait3A_2353 = arith.constant 1 : i32
    %dma_wait3A_2354 = arith.constant 0 : i32
    %dma_wait3A_2355 = tpu.memref_slice %arg23[%dma_wait3A_2353, %dma_wait3A_2354] : memref<14x64xi32, #tpu.memory_space<vmem>> -> memref<1x64xi32, #tpu.memory_space<vmem>>
    %dma_wait3A_2356 = tpu.memref_squeeze %dma_wait3A_2355 : memref<1x64xi32, #tpu.memory_space<vmem>> -> memref<64xi32, #tpu.memory_space<vmem>>
    %dma_wait3A_2357 = tpu.memref_slice %arg3[%add3A_885] : memref<32768xi32, #tpu.memory_space<hbm>> -> memref<64xi32, #tpu.memory_space<hbm>>
    %dma_wait3A_2358 = arith.constant 0 : i32
    %dma_wait3A_2359 = tpu.memref_slice %arg23[%dma_wait3A_2353, %dma_wait3A_2358] : memref<14x64xi32, #tpu.memory_space<vmem>> -> memref<1x64xi32, #tpu.memory_space<vmem>>
    %dma_wait3A_2360 = tpu.memref_squeeze %dma_wait3A_2359 : memref<1x64xi32, #tpu.memory_space<vmem>> -> memref<64xi32, #tpu.memory_space<vmem>>
    %dma_wait3A_2361 = tpu.memref_slice %arg3[%add3A_885] : memref<32768xi32, #tpu.memory_space<hbm>> -> memref<64xi32, #tpu.memory_space<hbm>>
    tpu.wait_dma2 semaphore(%arg27 : memref<!tpu.dma_semaphore, #tpu.memory_space<semaphore_mem>>) src(%dma_wait3A_2361 : memref<64xi32, #tpu.memory_space<hbm>>) dst(%dma_wait3A_2360 : memref<64xi32, #tpu.memory_space<vmem>>)
    %dma_wait3A_2362 = arith.constant 1 : i32
    %dma_wait3A_2363 = arith.constant 0 : i32
    %dma_wait3A_2364 = tpu.memref_slice %arg24[%dma_wait3A_2362, %dma_wait3A_2363] : memref<14x64xi32, #tpu.memory_space<vmem>> -> memref<1x64xi32, #tpu.memory_space<vmem>>
    %dma_wait3A_2365 = tpu.memref_squeeze %dma_wait3A_2364 : memref<1x64xi32, #tpu.memory_space<vmem>> -> memref<64xi32, #tpu.memory_space<vmem>>
    %dma_wait3A_2366 = tpu.memref_slice %arg4[%add3A_885] : memref<32768xi32, #tpu.memory_space<hbm>> -> memref<64xi32, #tpu.memory_space<hbm>>
    %dma_wait3A_2367 = arith.constant 0 : i32
    %dma_wait3A_2368 = tpu.memref_slice %arg24[%dma_wait3A_2362, %dma_wait3A_2367] : memref<14x64xi32, #tpu.memory_space<vmem>> -> memref<1x64xi32, #tpu.memory_space<vmem>>
    %dma_wait3A_2369 = tpu.memref_squeeze %dma_wait3A_2368 : memref<1x64xi32, #tpu.memory_space<vmem>> -> memref<64xi32, #tpu.memory_space<vmem>>
    %dma_wait3A_2370 = tpu.memref_slice %arg4[%add3A_885] : memref<32768xi32, #tpu.memory_space<hbm>> -> memref<64xi32, #tpu.memory_space<hbm>>
    tpu.wait_dma2 semaphore(%arg27 : memref<!tpu.dma_semaphore, #tpu.memory_space<semaphore_mem>>) src(%dma_wait3A_2370 : memref<64xi32, #tpu.memory_space<hbm>>) dst(%dma_wait3A_2369 : memref<64xi32, #tpu.memory_space<vmem>>)
    %get3A_2371 = arith.constant 1 : i32
    %get3A_2372 = arith.index_cast %get3A_2371 : i32 to index
    %get3A_2373 = arith.constant 0 : index
    %get3A_2374 = tpu.vector_load %arg23[%get3A_2372, %get3A_2373] {strides = array<i32>} : memref<14x64xi32, #tpu.memory_space<vmem>>, vector<16xi32>,
    %get3A_2375 = arith.constant 1 : i32
    %get3A_2376 = arith.index_cast %get3A_2375 : i32 to index
    %get3A_2377 = arith.constant 0 : index
    %get3A_2378 = tpu.vector_load %arg24[%get3A_2376, %get3A_2377] {strides = array<i32>} : memref<14x64xi32, #tpu.memory_space<vmem>>, vector<16xi32>,
    %ne3A_2379 = arith.constant 0 : i32
    %ne3A_2380 = vector.broadcast %ne3A_2379 : i32 to vector<16xi32>
    %ne3A_2381 = arith.cmpi ne, %get3A_2378, %ne3A_2380 : vector<16xi32>
    %ge3A_2382 = arith.constant 94 : i32
    %ge3A_2383 = vector.broadcast %ge3A_2382 : i32 to vector<16xi32>
    %ge3A_2384 = arith.cmpi sge, %get3A_2374, %ge3A_2383 : vector<16xi32>
    %jit3A_2385 = arith.constant 1 : i32
    %jit3A_2386 = arith.constant 0 : i32
    %broadcast_in_dim3A_2387 = vector.broadcast %jit3A_2385 : i32 to vector<16xi32>
    %broadcast_in_dim3A_2388 = vector.broadcast %jit3A_2386 : i32 to vector<16xi32>
    %select_n3A_2389 = arith.select %ge3A_2384, %broadcast_in_dim3A_2387, %broadcast_in_dim3A_2388 : vector<16xi1>, vector<16xi32>
    %jit3A_2390 = arith.constant -1 : i32
    %broadcast_in_dim3A_2391 = vector.broadcast %jit3A_2390 : i32 to vector<16xi32>
    %select_n3A_2392 = arith.select %ne3A_2381, %select_n3A_2389, %broadcast_in_dim3A_2391 : vector<16xi1>, vector<16xi32>
    %swap3A_2393 = arith.constant 0 : index
    %swap3A_2394 = tpu.vector_load %arg22[%swap3A_2393] {strides = array<i32>} : memref<64xi32, #tpu.memory_space<vmem>>, vector<16xi32>,
    tpu.vector_store %arg22[%swap3A_2393], %select_n3A_2392 {strides = array<i32>} : memref<64xi32, #tpu.memory_space<vmem>>, vector<16xi32>,
    %get3A_2395 = arith.constant 1 : i32
    %get3A_2396 = arith.index_cast %get3A_2395 : i32 to index
    %get3A_2397 = arith.constant 16 : index
    %get3A_2398 = tpu.vector_load %arg23[%get3A_2396, %get3A_2397] {strides = array<i32>} : memref<14x64xi32, #tpu.memory_space<vmem>>, vector<16xi32>,
    %get3A_2399 = arith.constant 1 : i32
    %get3A_2400 = arith.index_cast %get3A_2399 : i32 to index
    %get3A_2401 = arith.constant 16 : index
    %get3A_2402 = tpu.vector_load %arg24[%get3A_2400, %get3A_2401] {strides = array<i32>} : memref<14x64xi32, #tpu.memory_space<vmem>>, vector<16xi32>,
    %ne3A_2403 = arith.constant 0 : i32
    %ne3A_2404 = vector.broadcast %ne3A_2403 : i32 to vector<16xi32>
    %ne3A_2405 = arith.cmpi ne, %get3A_2402, %ne3A_2404 : vector<16xi32>
    %ge3A_2406 = arith.constant 94 : i32
    %ge3A_2407 = vector.broadcast %ge3A_2406 : i32 to vector<16xi32>
    %ge3A_2408 = arith.cmpi sge, %get3A_2398, %ge3A_2407 : vector<16xi32>
    %jit3A_2409 = arith.constant 1 : i32
    %jit3A_2410 = arith.constant 0 : i32
    %broadcast_in_dim3A_2411 = vector.broadcast %jit3A_2409 : i32 to vector<16xi32>
    %broadcast_in_dim3A_2412 = vector.broadcast %jit3A_2410 : i32 to vector<16xi32>
    %select_n3A_2413 = arith.select %ge3A_2408, %broadcast_in_dim3A_2411, %broadcast_in_dim3A_2412 : vector<16xi1>, vector<16xi32>
    %jit3A_2414 = arith.constant -1 : i32
    %broadcast_in_dim3A_2415 = vector.broadcast %jit3A_2414 : i32 to vector<16xi32>
    %select_n3A_2416 = arith.select %ne3A_2405, %select_n3A_2413, %broadcast_in_dim3A_2415 : vector<16xi1>, vector<16xi32>
    %swap3A_2417 = arith.constant 16 : index
    %swap3A_2418 = tpu.vector_load %arg22[%swap3A_2417] {strides = array<i32>} : memref<64xi32, #tpu.memory_space<vmem>>, vector<16xi32>,
    tpu.vector_store %arg22[%swap3A_2417], %select_n3A_2416 {strides = array<i32>} : memref<64xi32, #tpu.memory_space<vmem>>, vector<16xi32>,
    %get3A_2419 = arith.constant 1 : i32
    %get3A_2420 = arith.index_cast %get3A_2419 : i32 to index
    %get3A_2421 = arith.constant 32 : index
    %get3A_2422 = tpu.vector_load %arg23[%get3A_2420, %get3A_2421] {strides = array<i32>} : memref<14x64xi32, #tpu.memory_space<vmem>>, vector<16xi32>,
    %get3A_2423 = arith.constant 1 : i32
    %get3A_2424 = arith.index_cast %get3A_2423 : i32 to index
    %get3A_2425 = arith.constant 32 : index
    %get3A_2426 = tpu.vector_load %arg24[%get3A_2424, %get3A_2425] {strides = array<i32>} : memref<14x64xi32, #tpu.memory_space<vmem>>, vector<16xi32>,
    %ne3A_2427 = arith.constant 0 : i32
    %ne3A_2428 = vector.broadcast %ne3A_2427 : i32 to vector<16xi32>
    %ne3A_2429 = arith.cmpi ne, %get3A_2426, %ne3A_2428 : vector<16xi32>
    %ge3A_2430 = arith.constant 94 : i32
    %ge3A_2431 = vector.broadcast %ge3A_2430 : i32 to vector<16xi32>
    %ge3A_2432 = arith.cmpi sge, %get3A_2422, %ge3A_2431 : vector<16xi32>
    %jit3A_2433 = arith.constant 1 : i32
    %jit3A_2434 = arith.constant 0 : i32
    %broadcast_in_dim3A_2435 = vector.broadcast %jit3A_2433 : i32 to vector<16xi32>
    %broadcast_in_dim3A_2436 = vector.broadcast %jit3A_2434 : i32 to vector<16xi32>
    %select_n3A_2437 = arith.select %ge3A_2432, %broadcast_in_dim3A_2435, %broadcast_in_dim3A_2436 : vector<16xi1>, vector<16xi32>
    %jit3A_2438 = arith.constant -1 : i32
    %broadcast_in_dim3A_2439 = vector.broadcast %jit3A_2438 : i32 to vector<16xi32>
    %select_n3A_2440 = arith.select %ne3A_2429, %select_n3A_2437, %broadcast_in_dim3A_2439 : vector<16xi1>, vector<16xi32>
    %swap3A_2441 = arith.constant 32 : index
    %swap3A_2442 = tpu.vector_load %arg22[%swap3A_2441] {strides = array<i32>} : memref<64xi32, #tpu.memory_space<vmem>>, vector<16xi32>,
    tpu.vector_store %arg22[%swap3A_2441], %select_n3A_2440 {strides = array<i32>} : memref<64xi32, #tpu.memory_space<vmem>>, vector<16xi32>,
    %get3A_2443 = arith.constant 1 : i32
    %get3A_2444 = arith.index_cast %get3A_2443 : i32 to index
    %get3A_2445 = arith.constant 48 : index
    %get3A_2446 = tpu.vector_load %arg23[%get3A_2444, %get3A_2445] {strides = array<i32>} : memref<14x64xi32, #tpu.memory_space<vmem>>, vector<16xi32>,
    %get3A_2447 = arith.constant 1 : i32
    %get3A_2448 = arith.index_cast %get3A_2447 : i32 to index
    %get3A_2449 = arith.constant 48 : index
    %get3A_2450 = tpu.vector_load %arg24[%get3A_2448, %get3A_2449] {strides = array<i32>} : memref<14x64xi32, #tpu.memory_space<vmem>>, vector<16xi32>,
    %ne3A_2451 = arith.constant 0 : i32
    %ne3A_2452 = vector.broadcast %ne3A_2451 : i32 to vector<16xi32>
    %ne3A_2453 = arith.cmpi ne, %get3A_2450, %ne3A_2452 : vector<16xi32>
    %ge3A_2454 = arith.constant 94 : i32
    %ge3A_2455 = vector.broadcast %ge3A_2454 : i32 to vector<16xi32>
    %ge3A_2456 = arith.cmpi sge, %get3A_2446, %ge3A_2455 : vector<16xi32>
    %jit3A_2457 = arith.constant 1 : i32
    %jit3A_2458 = arith.constant 0 : i32
    %broadcast_in_dim3A_2459 = vector.broadcast %jit3A_2457 : i32 to vector<16xi32>
    %broadcast_in_dim3A_2460 = vector.broadcast %jit3A_2458 : i32 to vector<16xi32>
    %select_n3A_2461 = arith.select %ge3A_2456, %broadcast_in_dim3A_2459, %broadcast_in_dim3A_2460 : vector<16xi1>, vector<16xi32>
    %jit3A_2462 = arith.constant -1 : i32
    %broadcast_in_dim3A_2463 = vector.broadcast %jit3A_2462 : i32 to vector<16xi32>
    %select_n3A_2464 = arith.select %ne3A_2453, %select_n3A_2461, %broadcast_in_dim3A_2463 : vector<16xi1>, vector<16xi32>
    %swap3A_2465 = arith.constant 48 : index
    %swap3A_2466 = tpu.vector_load %arg22[%swap3A_2465] {strides = array<i32>} : memref<64xi32, #tpu.memory_space<vmem>>, vector<16xi32>,
    tpu.vector_store %arg22[%swap3A_2465], %select_n3A_2464 {strides = array<i32>} : memref<64xi32, #tpu.memory_space<vmem>>, vector<16xi32>,
    %dma_start3A_2467 = arith.constant 0 : i32
    %dma_start3A_2468 = arith.constant 0 : i32
    %dma_start3A_2469 = tpu.memref_slice %arg25[%dma_start3A_2467, %dma_start3A_2468] : memref<2x128xf32, #tpu.memory_space<vmem_shared>> -> memref<2x128xf32, #tpu.memory_space<vmem_shared>>
    %dma_start3A_2470 = arith.constant -1 : i32
    tpu.enqueue_indirect_dma source(%dma_start3A_2469 : memref<2x128xf32, #tpu.memory_space<vmem_shared>>) target(%arg8 : memref<64x128xf32, #tpu.memory_space<vmem>>) offsets(%arg22 : memref<64xi32, #tpu.memory_space<vmem>>) offset_filter(%dma_start3A_2470) semaphore(%arg56 : memref<!tpu.dma_semaphore, #tpu.memory_space<semaphore_mem>>) {add = true}
    %dma_wait3A_2471 = arith.constant 0 : i32
    %dma_wait3A_2472 = arith.constant 0 : i32
    %dma_wait3A_2473 = tpu.memref_slice %arg25[%dma_wait3A_2471, %dma_wait3A_2472] : memref<2x128xf32, #tpu.memory_space<vmem_shared>> -> memref<2x128xf32, #tpu.memory_space<vmem_shared>>
    tpu.wait_indirect_dma semaphore(%arg55 : memref<!tpu.dma_semaphore, #tpu.memory_space<semaphore_mem>>) src(%dma_wait3A_2473 : memref<2x128xf32, #tpu.memory_space<vmem_shared>>) dst(%arg7 : memref<64x128xf32, #tpu.memory_space<vmem>>)
    %add3A_2474 = arith.constant 896 : i32
    %add3A_2475 = arith.addi %mul3A_2, %add3A_2474 : i32
    %dma_start3A_2476 = arith.constant 0 : i32
    %dma_start3A_2477 = tpu.memref_slice %arg6[%add3A_2475, %dma_start3A_2476] : memref<32768x128xf32, #tpu.memory_space<hbm>> -> memref<64x128xf32, #tpu.memory_space<hbm>>
    %dma_start3A_2478 = arith.constant 0 : i32
    %dma_start3A_2479 = tpu.memref_slice %arg6[%add3A_2475, %dma_start3A_2478] : memref<32768x128xf32, #tpu.memory_space<hbm>> -> memref<64x128xf32, #tpu.memory_space<hbm>>
    tpu.enqueue_dma source(%arg7 : memref<64x128xf32, #tpu.memory_space<vmem>>) target(%dma_start3A_2479 : memref<64x128xf32, #tpu.memory_space<hbm>>) target_semaphore(%arg40 : memref<!tpu.dma_semaphore, #tpu.memory_space<semaphore_mem>>)
    %dma_wait3A_2480 = arith.constant 0 : i32
    %dma_wait3A_2481 = arith.constant 0 : i32
    %dma_wait3A_2482 = tpu.memref_slice %arg25[%dma_wait3A_2480, %dma_wait3A_2481] : memref<2x128xf32, #tpu.memory_space<vmem_shared>> -> memref<2x128xf32, #tpu.memory_space<vmem_shared>>
    tpu.wait_indirect_dma semaphore(%arg56 : memref<!tpu.dma_semaphore, #tpu.memory_space<semaphore_mem>>) src(%dma_wait3A_2482 : memref<2x128xf32, #tpu.memory_space<vmem_shared>>) dst(%arg8 : memref<64x128xf32, #tpu.memory_space<vmem>>)
    %add3A_2483 = arith.constant 960 : i32
    %add3A_2484 = arith.addi %mul3A_2, %add3A_2483 : i32
    %dma_start3A_2485 = arith.constant 0 : i32
    %dma_start3A_2486 = tpu.memref_slice %arg6[%add3A_2484, %dma_start3A_2485] : memref<32768x128xf32, #tpu.memory_space<hbm>> -> memref<64x128xf32, #tpu.memory_space<hbm>>
    %dma_start3A_2487 = arith.constant 0 : i32
    %dma_start3A_2488 = tpu.memref_slice %arg6[%add3A_2484, %dma_start3A_2487] : memref<32768x128xf32, #tpu.memory_space<hbm>> -> memref<64x128xf32, #tpu.memory_space<hbm>>
    tpu.enqueue_dma source(%arg8 : memref<64x128xf32, #tpu.memory_space<vmem>>) target(%dma_start3A_2488 : memref<64x128xf32, #tpu.memory_space<hbm>>) target_semaphore(%arg41 : memref<!tpu.dma_semaphore, #tpu.memory_space<semaphore_mem>>)
    %dma_wait3A_2489 = arith.constant 0 : i32
    %dma_wait3A_2490 = tpu.memref_slice %arg6[%add3A_875, %dma_wait3A_2489] : memref<32768x128xf32, #tpu.memory_space<hbm>> -> memref<64x128xf32, #tpu.memory_space<hbm>>
    %dma_wait3A_2491 = arith.constant 0 : i32
    %dma_wait3A_2492 = tpu.memref_slice %arg6[%add3A_875, %dma_wait3A_2491] : memref<32768x128xf32, #tpu.memory_space<hbm>> -> memref<64x128xf32, #tpu.memory_space<hbm>>
    tpu.wait_dma2 semaphore(%arg42 : memref<!tpu.dma_semaphore, #tpu.memory_space<semaphore_mem>>) src(%arg9 : memref<64x128xf32, #tpu.memory_space<vmem>>) dst(%dma_wait3A_2492 : memref<64x128xf32, #tpu.memory_space<hbm>>)
    %dma_wait3A_2493 = arith.constant 0 : i32
    %dma_wait3A_2494 = tpu.memref_slice %arg6[%add3A_1034, %dma_wait3A_2493] : memref<32768x128xf32, #tpu.memory_space<hbm>> -> memref<64x128xf32, #tpu.memory_space<hbm>>
    %dma_wait3A_2495 = arith.constant 0 : i32
    %dma_wait3A_2496 = tpu.memref_slice %arg6[%add3A_1034, %dma_wait3A_2495] : memref<32768x128xf32, #tpu.memory_space<hbm>> -> memref<64x128xf32, #tpu.memory_space<hbm>>
    tpu.wait_dma2 semaphore(%arg43 : memref<!tpu.dma_semaphore, #tpu.memory_space<semaphore_mem>>) src(%arg10 : memref<64x128xf32, #tpu.memory_space<vmem>>) dst(%dma_wait3A_2496 : memref<64x128xf32, #tpu.memory_space<hbm>>)
    %dma_wait3A_2497 = arith.constant 0 : i32
    %dma_wait3A_2498 = tpu.memref_slice %arg6[%add3A_1165, %dma_wait3A_2497] : memref<32768x128xf32, #tpu.memory_space<hbm>> -> memref<64x128xf32, #tpu.memory_space<hbm>>
    %dma_wait3A_2499 = arith.constant 0 : i32
    %dma_wait3A_2500 = tpu.memref_slice %arg6[%add3A_1165, %dma_wait3A_2499] : memref<32768x128xf32, #tpu.memory_space<hbm>> -> memref<64x128xf32, #tpu.memory_space<hbm>>
    tpu.wait_dma2 semaphore(%arg44 : memref<!tpu.dma_semaphore, #tpu.memory_space<semaphore_mem>>) src(%arg11 : memref<64x128xf32, #tpu.memory_space<vmem>>) dst(%dma_wait3A_2500 : memref<64x128xf32, #tpu.memory_space<hbm>>)
    %dma_wait3A_2501 = arith.constant 0 : i32
    %dma_wait3A_2502 = tpu.memref_slice %arg6[%add3A_1296, %dma_wait3A_2501] : memref<32768x128xf32, #tpu.memory_space<hbm>> -> memref<64x128xf32, #tpu.memory_space<hbm>>
    %dma_wait3A_2503 = arith.constant 0 : i32
    %dma_wait3A_2504 = tpu.memref_slice %arg6[%add3A_1296, %dma_wait3A_2503] : memref<32768x128xf32, #tpu.memory_space<hbm>> -> memref<64x128xf32, #tpu.memory_space<hbm>>
    tpu.wait_dma2 semaphore(%arg45 : memref<!tpu.dma_semaphore, #tpu.memory_space<semaphore_mem>>) src(%arg12 : memref<64x128xf32, #tpu.memory_space<vmem>>) dst(%dma_wait3A_2504 : memref<64x128xf32, #tpu.memory_space<hbm>>)
    %dma_wait3A_2505 = arith.constant 0 : i32
    %dma_wait3A_2506 = tpu.memref_slice %arg6[%add3A_1427, %dma_wait3A_2505] : memref<32768x128xf32, #tpu.memory_space<hbm>> -> memref<64x128xf32, #tpu.memory_space<hbm>>
    %dma_wait3A_2507 = arith.constant 0 : i32
    %dma_wait3A_2508 = tpu.memref_slice %arg6[%add3A_1427, %dma_wait3A_2507] : memref<32768x128xf32, #tpu.memory_space<hbm>> -> memref<64x128xf32, #tpu.memory_space<hbm>>
    tpu.wait_dma2 semaphore(%arg46 : memref<!tpu.dma_semaphore, #tpu.memory_space<semaphore_mem>>) src(%arg13 : memref<64x128xf32, #tpu.memory_space<vmem>>) dst(%dma_wait3A_2508 : memref<64x128xf32, #tpu.memory_space<hbm>>)
    %dma_wait3A_2509 = arith.constant 0 : i32
    %dma_wait3A_2510 = tpu.memref_slice %arg6[%add3A_1558, %dma_wait3A_2509] : memref<32768x128xf32, #tpu.memory_space<hbm>> -> memref<64x128xf32, #tpu.memory_space<hbm>>
    %dma_wait3A_2511 = arith.constant 0 : i32
    %dma_wait3A_2512 = tpu.memref_slice %arg6[%add3A_1558, %dma_wait3A_2511] : memref<32768x128xf32, #tpu.memory_space<hbm>> -> memref<64x128xf32, #tpu.memory_space<hbm>>
    tpu.wait_dma2 semaphore(%arg47 : memref<!tpu.dma_semaphore, #tpu.memory_space<semaphore_mem>>) src(%arg14 : memref<64x128xf32, #tpu.memory_space<vmem>>) dst(%dma_wait3A_2512 : memref<64x128xf32, #tpu.memory_space<hbm>>)
    %dma_wait3A_2513 = arith.constant 0 : i32
    %dma_wait3A_2514 = tpu.memref_slice %arg6[%add3A_1689, %dma_wait3A_2513] : memref<32768x128xf32, #tpu.memory_space<hbm>> -> memref<64x128xf32, #tpu.memory_space<hbm>>
    %dma_wait3A_2515 = arith.constant 0 : i32
    %dma_wait3A_2516 = tpu.memref_slice %arg6[%add3A_1689, %dma_wait3A_2515] : memref<32768x128xf32, #tpu.memory_space<hbm>> -> memref<64x128xf32, #tpu.memory_space<hbm>>
    tpu.wait_dma2 semaphore(%arg48 : memref<!tpu.dma_semaphore, #tpu.memory_space<semaphore_mem>>) src(%arg15 : memref<64x128xf32, #tpu.memory_space<vmem>>) dst(%dma_wait3A_2516 : memref<64x128xf32, #tpu.memory_space<hbm>>)
    %dma_wait3A_2517 = arith.constant 0 : i32
    %dma_wait3A_2518 = tpu.memref_slice %arg6[%add3A_1820, %dma_wait3A_2517] : memref<32768x128xf32, #tpu.memory_space<hbm>> -> memref<64x128xf32, #tpu.memory_space<hbm>>
    %dma_wait3A_2519 = arith.constant 0 : i32
    %dma_wait3A_2520 = tpu.memref_slice %arg6[%add3A_1820, %dma_wait3A_2519] : memref<32768x128xf32, #tpu.memory_space<hbm>> -> memref<64x128xf32, #tpu.memory_space<hbm>>
    tpu.wait_dma2 semaphore(%arg49 : memref<!tpu.dma_semaphore, #tpu.memory_space<semaphore_mem>>) src(%arg16 : memref<64x128xf32, #tpu.memory_space<vmem>>) dst(%dma_wait3A_2520 : memref<64x128xf32, #tpu.memory_space<hbm>>)
    %dma_wait3A_2521 = arith.constant 0 : i32
    %dma_wait3A_2522 = tpu.memref_slice %arg6[%add3A_1951, %dma_wait3A_2521] : memref<32768x128xf32, #tpu.memory_space<hbm>> -> memref<64x128xf32, #tpu.memory_space<hbm>>
    %dma_wait3A_2523 = arith.constant 0 : i32
    %dma_wait3A_2524 = tpu.memref_slice %arg6[%add3A_1951, %dma_wait3A_2523] : memref<32768x128xf32, #tpu.memory_space<hbm>> -> memref<64x128xf32, #tpu.memory_space<hbm>>
    tpu.wait_dma2 semaphore(%arg50 : memref<!tpu.dma_semaphore, #tpu.memory_space<semaphore_mem>>) src(%arg17 : memref<64x128xf32, #tpu.memory_space<vmem>>) dst(%dma_wait3A_2524 : memref<64x128xf32, #tpu.memory_space<hbm>>)
    %dma_wait3A_2525 = arith.constant 0 : i32
    %dma_wait3A_2526 = tpu.memref_slice %arg6[%add3A_2082, %dma_wait3A_2525] : memref<32768x128xf32, #tpu.memory_space<hbm>> -> memref<64x128xf32, #tpu.memory_space<hbm>>
    %dma_wait3A_2527 = arith.constant 0 : i32
    %dma_wait3A_2528 = tpu.memref_slice %arg6[%add3A_2082, %dma_wait3A_2527] : memref<32768x128xf32, #tpu.memory_space<hbm>> -> memref<64x128xf32, #tpu.memory_space<hbm>>
    tpu.wait_dma2 semaphore(%arg51 : memref<!tpu.dma_semaphore, #tpu.memory_space<semaphore_mem>>) src(%arg18 : memref<64x128xf32, #tpu.memory_space<vmem>>) dst(%dma_wait3A_2528 : memref<64x128xf32, #tpu.memory_space<hbm>>)
    %dma_wait3A_2529 = arith.constant 0 : i32
    %dma_wait3A_2530 = tpu.memref_slice %arg6[%add3A_2213, %dma_wait3A_2529] : memref<32768x128xf32, #tpu.memory_space<hbm>> -> memref<64x128xf32, #tpu.memory_space<hbm>>
    %dma_wait3A_2531 = arith.constant 0 : i32
    %dma_wait3A_2532 = tpu.memref_slice %arg6[%add3A_2213, %dma_wait3A_2531] : memref<32768x128xf32, #tpu.memory_space<hbm>> -> memref<64x128xf32, #tpu.memory_space<hbm>>
    tpu.wait_dma2 semaphore(%arg52 : memref<!tpu.dma_semaphore, #tpu.memory_space<semaphore_mem>>) src(%arg19 : memref<64x128xf32, #tpu.memory_space<vmem>>) dst(%dma_wait3A_2532 : memref<64x128xf32, #tpu.memory_space<hbm>>)
    %dma_wait3A_2533 = arith.constant 0 : i32
    %dma_wait3A_2534 = tpu.memref_slice %arg6[%add3A_2344, %dma_wait3A_2533] : memref<32768x128xf32, #tpu.memory_space<hbm>> -> memref<64x128xf32, #tpu.memory_space<hbm>>
    %dma_wait3A_2535 = arith.constant 0 : i32
    %dma_wait3A_2536 = tpu.memref_slice %arg6[%add3A_2344, %dma_wait3A_2535] : memref<32768x128xf32, #tpu.memory_space<hbm>> -> memref<64x128xf32, #tpu.memory_space<hbm>>
    tpu.wait_dma2 semaphore(%arg53 : memref<!tpu.dma_semaphore, #tpu.memory_space<semaphore_mem>>) src(%arg20 : memref<64x128xf32, #tpu.memory_space<vmem>>) dst(%dma_wait3A_2536 : memref<64x128xf32, #tpu.memory_space<hbm>>)
    %dma_wait3A_2537 = arith.constant 0 : i32
    %dma_wait3A_2538 = tpu.memref_slice %arg6[%add3A_2475, %dma_wait3A_2537] : memref<32768x128xf32, #tpu.memory_space<hbm>> -> memref<64x128xf32, #tpu.memory_space<hbm>>
    %dma_wait3A_2539 = arith.constant 0 : i32
    %dma_wait3A_2540 = tpu.memref_slice %arg6[%add3A_2475, %dma_wait3A_2539] : memref<32768x128xf32, #tpu.memory_space<hbm>> -> memref<64x128xf32, #tpu.memory_space<hbm>>
    tpu.wait_dma2 semaphore(%arg40 : memref<!tpu.dma_semaphore, #tpu.memory_space<semaphore_mem>>) src(%arg7 : memref<64x128xf32, #tpu.memory_space<vmem>>) dst(%dma_wait3A_2540 : memref<64x128xf32, #tpu.memory_space<hbm>>)
    %dma_wait3A_2541 = arith.constant 0 : i32
    %dma_wait3A_2542 = tpu.memref_slice %arg6[%add3A_2484, %dma_wait3A_2541] : memref<32768x128xf32, #tpu.memory_space<hbm>> -> memref<64x128xf32, #tpu.memory_space<hbm>>
    %dma_wait3A_2543 = arith.constant 0 : i32
    %dma_wait3A_2544 = tpu.memref_slice %arg6[%add3A_2484, %dma_wait3A_2543] : memref<32768x128xf32, #tpu.memory_space<hbm>> -> memref<64x128xf32, #tpu.memory_space<hbm>>
    tpu.wait_dma2 semaphore(%arg41 : memref<!tpu.dma_semaphore, #tpu.memory_space<semaphore_mem>>) src(%arg8 : memref<64x128xf32, #tpu.memory_space<vmem>>) dst(%dma_wait3A_2544 : memref<64x128xf32, #tpu.memory_space<hbm>>)
    return
  }
}

</mosaic_0001>

<sc_bundles>
// kernel: kernel.3.cloned.1.call-start
scs
__scs_entry_jumppad:
0x0: {  	(pc) =	sbr.rel $0x88, $3  }
0x1: {  	(tag) =	ssettag $0x0;
	lr =	simm.s32 $0x1  }
0x2: {  	[smem:$0x3F9D] =	sst lr;
	_ =	strace $0xD0000000  }
0x3: {  	_ = 	snop  }
0x4: {  	_ = 	snop  }
0x5: {  	_ = 	snop  }
0x6: {  	_ = 	snop  }
0x7: {  	_ = 	snop  }
__scs_overlays_trampoline_lowered:
0x8: {  	[smem:$0x3FAC] =	sst s0  }
0x9: {  	[smem:$0x3FAD] =	sst s1  }
0xa: {  	[smem:$0x3FAE] =	sst s2  }
0xb: {  	[smem:$0x3FAF] =	sst s3  }
0xc: {  	[smem:$0x3FB0] =	sst s4  }
0xd: {  	[smem:$0x3FB1] =	sst s5  }
0xe: {  	[smem:$0x3FB2] =	sst s6  }
0xf: {  	[smem:$0x3FB3] =	sst s7  }
0x10: {  	[smem:$0x3FB4] =	sst s8  }
0x11: {  	[smem:$0x3FB5] =	sst s9;
	s0 =	simm.s32 @!p0 $0x0  }
0x12: {  	s1 =	sld [smem:$0x3F9B];
	s0 =	simm.s32 @p0 $0x1  }
0x13: {  	[smem:$0x3FB6] =	sst s0;
	s0 =	simm.s32 @!p1 $0x0  }
0x14: {  	s2 =	sld [smem:$0x3F9A];
	s0 =	simm.s32 @p1 $0x1  }
0x15: {  	[smem:$0x3FB7] =	sst s0;
	s0 =	simm.s32 @!p2 $0x0  }
0x16: {  	s3 =	sld [smem:$0x3FDB];
	s0 =	simm.s32 @p2 $0x1  }
0x17: {  	s4 =	simm.s32 $0x1BF5;
	[smem:$0x3FB9] =	sst s0  }
0x18: {  	s0 =	sld [smem:$0x3F9C];
	_ =	swait.ge [sflag:s4], $0x0  }
0x19: {  	s7 =	sld [smem:$0x3F9D]  }
0x1a: {  	s8 =	sadd.s32 $0xFFFFE003, lr  }
0x1b: {  	s9 =	sadd.s32 $0xFFFFFEF7, lr;
	s5 =	simm.s32 $0xFFFFFFFF;
	p2 =	slt.u32 s8, $0xFFFFF086  }
0x1c: {  	p1 =	slt.u32 s9, $0xF7A;
	s5 =	simm.s32 @!p2 $0x0  }
0x1d: {  	s5 =	simm.s32 @p1 $0x1;
	p0 =	seq.s32 s7, s2  }
0x1e: {  	s7 =	smul.u32 @!p0 $0xF7A, s2;
	p2 =	seq.s32 @!p0 s5, $0x0  }
0x1f: {  	s9 =	smul.u32 $0xF7A, s1;
	s8 =	simm.s32 @!p0 $0x1BF5;
	p2 =	por !p2, p0  }
0x20: {  	[sflag:s8] =	ssyncset.s32 @!p0 $0xFFFFF086;
	s6 =	sadd.s32 @!p0 s3, s7;
	s7 =	simm.s32 @!p0 $0x108  }
0x21: {  	s3 =	sadd.s32 s3, s9;
	s6 =	sadd.s32 @!p0 $0x88, s6;
	s7 =	simm.s32 @p2 $0x1082  }
0x22: {  	[simem:s7], [sflag:s8] =	dma.local @!p0 [hbm:s6], $0xF7A  }
0x23: {  	s9 =	sor.u32 $0xD0000000, s2;
	s6 =	simm.s32 $0x108;
	_ =	swait.ge @!p0 [sflag:s8], $0x0  }
0x24: {  	s3 =	sadd.s32 $0x88, s3;
	s6 =	simm.s32 @!p1 $0x1082;
	[sflag:s4] =	ssyncset.s32 $0xFFFFF086  }
0x25: {  	[simem:s6], [sflag:s4] =	dma.local [hbm:s3], $0xF7A  }
0x26: {  	[smem:$0x3F9D] =	sst s1;
	(tag) =	ssettag s2;
	_ =	strace s9  }
0x27: {  	s1 =	sld [smem:$0x3FAD]  }
0x28: {  	s2 =	sld [smem:$0x3FAE]  }
0x29: {  	s4 =	sld [smem:$0x3FB0]  }
0x2a: {  	p0 =	seq.s32 s5, $0x0;
	s5 =	sld [smem:$0x3FB1]  }
0x2b: {  	s6 =	sld [smem:$0x3FB2]  }
0x2c: {  	s7 =	sld [smem:$0x3FB3]  }
0x2d: {  	s3 =	simm.s32 $0x108;
	s8 =	sld [smem:$0x3FB4]  }
0x2e: {  	s3 =	simm.s32 @!p0 $0x1082;
	s9 =	sld [smem:$0x3FB5]  }
0x2f: {  	lr =	sadd.s32 s0, s3;
	s0 =	sld [smem:$0x3FAC]  }
0x30: {  	s3 =	sld [smem:$0x3FAF]  }
0x31: {  	[smem:$0x3FB8] =	sst s10  }
0x32: {  	s10 =	sld [smem:$0x3FB6];
	_ =	sdelay $0x3  }
0x33: {  	p0 =	seq.s32 s10, $0x1;
	s10 =	sld [smem:$0x3FB8];
	_ =	sdelay $0x3  }
0x34: {  	[smem:$0x3FB8] =	sst s10  }
0x35: {  	s10 =	sld [smem:$0x3FB7];
	_ =	sdelay $0x3  }
0x36: {  	p1 =	seq.s32 s10, $0x1;
	s10 =	sld [smem:$0x3FB8];
	_ =	sdelay $0x3  }
0x37: {  	[smem:$0x3FB8] =	sst s10  }
0x38: {  	s10 =	sld [smem:$0x3FB9]  }
0x39: {  	_ = 	snop;
	(pc) =	sbr.ind lr, $3  }
0x3a: {  	_ = 	snop  }
0x3b: {  	_ = 	snop  }
0x3c: {  	p2 =	seq.s32 s10, $0x1;
	s10 =	sld [smem:$0x3FB8]  }
0x3d: {  	_ =	shalt  }
0x3e: {  	_ =	shalt  }
0x3f: {  	_ =	shalt  }
0x40: {  	_ =	shalt  }
0x41: {  	_ =	shalt  }
0x42: {  	_ =	shalt  }
0x43: {  	_ =	shalt  }
0x44: {  	_ =	shalt  }
0x45: {  	_ =	shalt  }
0x46: {  	_ =	shalt  }
0x47: {  	_ =	shalt  }
0x48: {  	_ =	shalt  }
0x49: {  	_ =	shalt  }
0x4a: {  	_ =	shalt  }
0x4b: {  	_ =	shalt  }
0x4c: {  	_ =	shalt  }
0x4d: {  	_ =	shalt  }
0x4e: {  	_ =	shalt  }
0x4f: {  	_ =	shalt  }
0x50: {  	_ =	shalt  }
0x51: {  	_ =	shalt  }
0x52: {  	_ =	shalt  }
0x53: {  	_ =	shalt  }
0x54: {  	_ =	shalt  }
0x55: {  	_ =	shalt  }
0x56: {  	_ =	shalt  }
0x57: {  	_ =	shalt  }
0x58: {  	_ =	shalt  }
0x59: {  	_ =	shalt  }
0x5a: {  	_ =	shalt  }
0x5b: {  	_ =	shalt  }
0x5c: {  	_ =	shalt  }
0x5d: {  	_ =	shalt  }
0x5e: {  	_ =	shalt  }
0x5f: {  	_ =	shalt  }
0x60: {  	_ =	shalt  }
0x61: {  	_ =	shalt  }
0x62: {  	_ =	shalt  }
0x63: {  	_ =	shalt  }
0x64: {  	_ =	shalt  }
0x65: {  	_ =	shalt  }
0x66: {  	_ =	shalt  }
0x67: {  	_ =	shalt  }
0x68: {  	_ =	shalt  }
0x69: {  	_ =	shalt  }
0x6a: {  	_ =	shalt  }
0x6b: {  	_ =	shalt  }
0x6c: {  	_ =	shalt  }
0x6d: {  	_ =	shalt  }
0x6e: {  	_ =	shalt  }
0x6f: {  	_ =	shalt  }
0x70: {  	_ =	shalt  }
0x71: {  	_ =	shalt  }
0x72: {  	_ =	shalt  }
0x73: {  	_ =	shalt  }
0x74: {  	_ =	shalt  }
0x75: {  	_ =	shalt  }
0x76: {  	_ =	shalt  }
0x77: {  	_ =	shalt  }
0x78: {  	_ =	shalt  }
0x79: {  	_ =	shalt  }
0x7a: {  	_ =	shalt  }
0x7b: {  	_ =	shalt  }
0x7c: {  	_ =	shalt  }
0x7d: {  	_ =	shalt  }
0x7e: {  	_ =	shalt  }
0x7f: {  	_ =	shalt  }
0x80: {  	_ =	shalt  }
0x81: {  	_ =	shalt  }
0x82: {  	_ =	shalt  }
0x83: {  	_ =	shalt  }
0x84: {  	_ =	shalt  }
0x85: {  	_ =	shalt  }
0x86: {  	_ =	shalt  }
0x87: {  	_ =	shalt  }
.Lfunc_end0:
.L_simem_size_0:
called_computation_lowered:
.L_overlay_start_0:
0x88: {  	s2 =	sld [smem:$0x3FD9]  }
0x89: {  	s3 =	sld [smem:$0x3FFE];
	_ =	sdelay $0x1  }
0x8a: {  	s1 =	srdreg.scid  }
0x8b: {  	s0 =	sand.u32 $0x1, s1  }
0x8c: {  	s17 =	sshll.u32 s0, $0xA;
	s2 =	sadd.s32 s3, s2  }
0x8d: {  	s2 =	sadd.s32 s2, s17  }
0x8e: {  	[smem:$0x3FC4] =	sst s2  }
0x8f: {  	_ = 	snop  }
0x90: {  	s2 =	sld [smem:$0x3FC9]  }
0x91: {  	s18 =	sld [smem:$0x3FC8]  }
0x92: {  	s4 =	sld [smem:$0x3FC6]  }
0x93: {  	s5 =	sld [smem:$0x3FD0];
	(tm) =	ssettm $0x1  }
0x94: {  	s6 =	sld [smem:$0x3FFB];
	_ =	sdelay $0x3  }
0x95: {  	_ =	strace s6  }
0x96: {  	s6 =	sld [smem:$0x3FFC];
	_ =	sdelay $0x3  }
0x97: {  	_ =	strace s6  }
0x98: {  	s6 =	sld [smem:$0x3FFD];
	_ =	sdelay $0x3  }
0x99: {  	_ =	strace s6  }
0x9a: {  	_ =	strace $0x8FFFFFFF  }
0x9b: {  	s19 =	sld [smem:$0x3FDB];
	_ =	sdelay $0x1  }
0x9c: {  	s7 =	simm.s32 $_scs_section_size  }
0x9d: {  	s8 =	simm.s32 $_size__tile_overlayer_lowered;
	s9 =	simm.s32 $_tile_overlayer_lowered  }
0x9e: {  	s22 =	simm.s32 $0x1BFF;
	s21 =	sshll.u32 s9, $0x1;
	s6 =	sadd.s32 s7, s19  }
0x9f: {  	s10 =	simm.s32 $0x0;
	s20 =	sshll.u32 s8, $0x1;
	s8 =	sadd.s32 s21, s6  }
0xa0: {  	[timem:s10], [sflag:s22] =	dma.local [hbm:s8], s20  }
0xa1: {  	_ =	swait.ge [sflag:s22], s20  }
0xa2: {  	s7 =	ssub.s32 $0x0, s20;
	[sflag:s22] =	ssyncset.done $0x0  }
0xa3: {  	[sflag:s22] =	ssyncadd.s32 s7;
	_ =	sdelay $0x1  }
0xa4: {  	s23 =	simm.s32 $0x1B8B  }
0xa5: {  	_ =	swait.ge [sflag:s23], $0x1  }
0xa6: {  	[sflag:s23] =	ssyncset.done $0x0  }
0xa7: {  	s25 =	simm.s32 $0x1B8E;
	s24 =	sld [smem:$0x3FFE];
	[sflag:s23] =	ssyncadd.s32 $0xFFFFFFFF  }
0xa8: {  	s26 =	simm.s32 $execute0_lowered;
	[smem:$0x3FD2] =	sst s25  }
0xa9: {  	s8 =	sshll.u32 s26, $0x1;
	_ =	strace $0x80000046;
	[dreg:$0x1] =	wrdreg $0xFFFFFFFF  }
0xaa: {  	s28 =	simm.s32 $_size_execute0_lowered;
	s6 =	sadd.s32 s6, s8;
	[dreg:$0x0] =	wrdreg $0x0  }
0xab: {  	s8 =	sshll.u32 s28, $0x1;
	[dreg:$0x2] =	wrdreg s6  }
0xac: {  	[dreg:$0x3] =	wrdreg s8  }
0xad: {  	[dreg:$0x4] =	wrdreg $0xC0  }
0xae: {  	_ =	task [dreg:s10], $0x5FFFF  }
0xaf: {  	[dreg:$0x1] =	wrdreg $0xFFFFFFFF  }
0xb0: {  	[dreg:$0x0] =	wrdreg $0x60  }
0xb1: {  	[dreg:$0x2] =	wrdreg s2  }
0xb2: {  	[dreg:$0x3] =	wrdreg s18  }
0xb3: {  	[dreg:$0x4] =	wrdreg s24  }
0xb4: {  	[dreg:$0x5] =	wrdreg s4  }
0xb5: {  	[dreg:$0x6] =	wrdreg s5  }
0xb6: {  	[dreg:$0x7] =	wrdreg $0x1D1000  }
0xb7: {  	[dreg:$0x8] =	wrdreg $0x9  }
0xb8: {  	_ =	task.clear_ibuf [dreg:s10], $0x9FFFF;
	_ =	strace $0x90000046  }
0xb9: {  	s29 =	simm.s32 $0x9;
	_ =	strace $0x80000048  }
0xba: {  	_ =	swait.ge [sflag:s29], $0x1  }
0xbb: {  	[sflag:s29] =	ssyncadd.s32 $0xFFFFFFFF  }
0xbc: {  	_ =	strace $0x90000048  }
0xbd: {  	_ =	sfence  }
0xbe: {  	s30 =	sld [smem:$0x0];
	_ =	sdelay $0x2  }
0xbf: {  	s31 =	sshll.u32 s1, $0xD;
	s1 =	sshrl.u32 s1, $0x2  }
0xc0: {  	s3 =	sand.u32 $0x4000, s31;
	s1 =	sadd.s32 s1, s30  }
0xc1: {  	s0 =	sor.u32 s3, s0;
	s1 =	sshll.u32 s1, $0x11  }
0xc2: {  	s0 =	sor.u32 s1, s0  }
0xc3: {  	s0 =	sadd.s32 $0x8F2B, s0  }
0xc4: {  	[sflag:s0] =	ssyncadd.remote.s32 $0x1  }
0xc5: {  	_ =	sfence.sel $0xFFFF  }
0xc6: {  	[dreg:$0x0] =	wrdreg $0xFFFFFFFF;
	(pc) =	sbr.abs _section_cstart, $3  }
0xc7: {  	[dreg:$0x1] =	wrdreg $0xFFFFFFFF  }
0xc8: {  	_ =	task.clear_ibuf [dreg:s10], $0x2FFFF;
	_ =	strace $0x9FFFFFFF  }
0xc9: {  	(tm) =	ssettm $0x7FFFFFFF  }
tec
execute0_lowered:
.L_overlay_start_1:
0x0: {  	(tag) =	ssettag $0x1  }
0x1: {  	s6 =	rddreg [dreg:$0x0]  }
0x2: {  	s5 =	rddreg [dreg:$0x1]  }
0x3: {  	s7 =	rddreg [dreg:$0x2]  }
0x4: {  	s0 =	rddreg [dreg:$0x3];
	s2 =	srdreg.scid  }
0x5: {  	[dreg:$0x7] =	wrdreg s0;
	s0 =	stileid.u32;
	s4 =	sand.u32 $0x1, s2  }
0x6: {  	s3 =	rddreg [dreg:$0x4];
	s8 =	sshll.u32 s0, $0xB;
	s9 =	sshll.u32 s4, $0xA  }
0x7: {  	s1 =	rddreg [dreg:$0x5];
	s8 =	sor.u32 s9, s8  }
0x8: {  	s2 =	simm.s32 $0x0;
	s7 =	sadd.s32 $0x400, s7;
	s12 =	sshll.u32 s8, $0x4  }
0x9: {  	[smem:$0x7FF] =	sst s2;
	s10 =	sshrl.u32 s8, $0x3;
	s17 =	sadd.s32 s6, s12  }
0xa: {  	_ =	strace $0x80000047;
	s18 =	sadd.s32 s5, s10;
	[dreg:$0x8] =	wrdreg s17  }
0xb: {  	s13 =	sor.u32 $0x40, s8;
	s19 =	sadd.s32 s7, s10;
	[dreg:$0x9] =	wrdreg s18  }
0xc: {  	s11 =	sshll.u32 s13, $0x4;
	s12 =	sadd.s32 s3, s12;
	[dreg:$0xa] =	wrdreg s19  }
0xd: {  	s21 =	sshrl.u32 s13, $0x3;
	s20 =	sadd.s32 s6, s11;
	[smem:$0x7CD] =	sst s12  }
0xe: {  	s23 =	sor.u32 $0x80, s8;
	s22 =	sadd.s32 s5, s21;
	[dreg:$0xb] =	wrdreg s20  }
0xf: {  	s10 =	sshll.u32 s23, $0x4;
	s24 =	sadd.s32 s7, s21;
	[dreg:$0xc] =	wrdreg s22  }
0x10: {  	s13 =	sshrl.u32 s23, $0x3;
	s25 =	sadd.s32 s6, s10;
	[dreg:$0xd] =	wrdreg s24  }
0x11: {  	s14 =	sor.u32 $0xC0, s8;
	s26 =	sadd.s32 s5, s13;
	[dreg:$0xe] =	wrdreg s25  }
0x12: {  	s9 =	sshll.u32 s14, $0x4;
	s13 =	sadd.s32 s7, s13;
	[dreg:$0xf] =	wrdreg s26  }
0x13: {  	s14 =	sshrl.u32 s14, $0x3;
	s15 =	sadd.s32 s6, s9;
	[dreg:$0x10] =	wrdreg s13  }
0x14: {  	s16 =	sadd.s32 s5, s14;
	[dreg:$0x11] =	wrdreg s15  }
0x15: {  	s14 =	sadd.s32 s7, s14;
	[dreg:$0x12] =	wrdreg s16  }
0x16: {  	s11 =	sadd.s32 s3, s11;
	[dreg:$0x13] =	wrdreg s14  }
0x17: {  	s10 =	sadd.s32 s3, s10;
	[smem:$0x7D1] =	sst s11  }
0x18: {  	s9 =	sadd.s32 s3, s9;
	[smem:$0x7D5] =	sst s10  }
0x19: {  	s15 =	sor.u32 $0x100, s8;
	[smem:$0x7D9] =	sst s9;
	s9 =	simm.s32 $0x1C380  }
0x1a: {  	s11 =	simm.s32 $0x1C400;
	s13 =	sshll.u32 s15, $0x4;
	[smem:$0x7EC] =	sst s9  }
0x1b: {  	s15 =	sshrl.u32 s15, $0x3;
	[smem:$0x7EE] =	sst s11;
	s17 =	sadd.s32 s6, s13  }
0x1c: {  	s16 =	sor.u32 $0x140, s8;
	s18 =	sadd.s32 s5, s15;
	[dreg:$0x14] =	wrdreg s17  }
0x1d: {  	s14 =	sshll.u32 s16, $0x4;
	s15 =	sadd.s32 s7, s15;
	[dreg:$0x15] =	wrdreg s18  }
0x1e: {  	s16 =	sshrl.u32 s16, $0x3;
	s19 =	sadd.s32 s6, s14;
	[dreg:$0x16] =	wrdreg s15  }
0x1f: {  	s20 =	sadd.s32 s5, s16;
	[dreg:$0x17] =	wrdreg s19  }
0x20: {  	s16 =	sadd.s32 s7, s16;
	[dreg:$0x18] =	wrdreg s20  }
0x21: {  	s10 =	sadd.s32 s3, s13;
	[dreg:$0x19] =	wrdreg s16  }
0x22: {  	s13 =	sadd.s32 s3, s14;
	[smem:$0x7DA] =	sst s10  }
0x23: {  	s17 =	sor.u32 $0x180, s8;
	[smem:$0x7DB] =	sst s13;
	s10 =	simm.s32 $0x1CB80  }
0x24: {  	s13 =	simm.s32 $0x1C480;
	s15 =	sshll.u32 s17, $0x4;
	[smem:$0x7ED] =	sst s10  }
0x25: {  	s17 =	sshrl.u32 s17, $0x3;
	[smem:$0x7F0] =	sst s13;
	s21 =	sadd.s32 s6, s15  }
0x26: {  	s18 =	sor.u32 $0x1C0, s8;
	s22 =	sadd.s32 s5, s17;
	[dreg:$0x1a] =	wrdreg s21  }
0x27: {  	s16 =	sshll.u32 s18, $0x4;
	s17 =	sadd.s32 s7, s17;
	[dreg:$0x1b] =	wrdreg s22  }
0x28: {  	s18 =	sshrl.u32 s18, $0x3;
	s23 =	sadd.s32 s6, s16;
	[dreg:$0x1c] =	wrdreg s17  }
0x29: {  	s24 =	sadd.s32 s5, s18;
	[dreg:$0x1d] =	wrdreg s23  }
0x2a: {  	s18 =	sadd.s32 s7, s18;
	[dreg:$0x1e] =	wrdreg s24  }
0x2b: {  	s14 =	sadd.s32 s3, s15;
	[dreg:$0x1f] =	wrdreg s18  }
0x2c: {  	s15 =	sadd.s32 s3, s16;
	[smem:$0x7DC] =	sst s14  }
0x2d: {  	s19 =	sor.u32 $0x200, s8;
	[smem:$0x7DD] =	sst s15;
	s14 =	simm.s32 $0x1CC80  }
0x2e: {  	s17 =	sshll.u32 s19, $0x4;
	s15 =	simm.s32 $0x1C500;
	[smem:$0x7F1] =	sst s14  }
0x2f: {  	s19 =	sshrl.u32 s19, $0x3;
	s25 =	sadd.s32 s6, s17;
	[smem:$0x7F2] =	sst s15  }
0x30: {  	s20 =	sor.u32 $0x240, s8;
	s26 =	sadd.s32 s5, s19;
	[smem:$0x7BE] =	sst s25  }
0x31: {  	s18 =	sshll.u32 s20, $0x4;
	s19 =	sadd.s32 s7, s19;
	[smem:$0x7BF] =	sst s26  }
0x32: {  	s20 =	sshrl.u32 s20, $0x3;
	s21 =	sadd.s32 s6, s18;
	[smem:$0x7C0] =	sst s19  }
0x33: {  	s22 =	sadd.s32 s5, s20;
	[smem:$0x7C1] =	sst s21  }
0x34: {  	s20 =	sadd.s32 s7, s20;
	[smem:$0x7C2] =	sst s22  }
0x35: {  	s16 =	sadd.s32 s3, s17;
	[smem:$0x7C3] =	sst s20  }
0x36: {  	s29 =	simm.s32 $0x1F;
	s17 =	sadd.s32 s3, s18;
	[smem:$0x7DE] =	sst s16  }
0x37: {  	s21 =	sor.u32 $0x280, s8;
	[smem:$0x7DF] =	sst s17;
	s16 =	simm.s32 $0x1CD00  }
0x38: {  	s17 =	simm.s32 $0x1C580;
	s19 =	sshll.u32 s21, $0x4;
	[smem:$0x7F3] =	sst s16  }
0x39: {  	s21 =	sshrl.u32 s21, $0x3;
	[smem:$0x7F4] =	sst s17;
	s23 =	sadd.s32 s6, s19  }
0x3a: {  	s22 =	sor.u32 $0x2C0, s8;
	s24 =	sadd.s32 s5, s21;
	[smem:$0x7C4] =	sst s23  }
0x3b: {  	s20 =	sshll.u32 s22, $0x4;
	s21 =	sadd.s32 s7, s21;
	[smem:$0x7C5] =	sst s24  }
0x3c: {  	s22 =	sshrl.u32 s22, $0x3;
	s25 =	sadd.s32 s6, s20;
	[smem:$0x7C6] =	sst s21  }
0x3d: {  	s31 =	simm.s32 $0x4;
	s26 =	sadd.s32 s5, s22;
	[smem:$0x7C7] =	sst s25  }
0x3e: {  	s30 =	simm.s32 $0x6000;
	s18 =	sadd.s32 s3, s19;
	[smem:$0x7C8] =	sst s26  }
0x3f: {  	s28 =	simm.s32 $0x1C080;
	s19 =	sadd.s32 s3, s20;
	[smem:$0x7E0] =	sst s18  }
0x40: {  	s4 =	ssub.s32 $0x2, s4;
	s24 =	sadd.s32 s7, s22;
	[smem:$0x7E1] =	sst s19  }
0x41: {  	s23 =	sor.u32 $0x300, s8;
	s18 =	simm.s32 $0x1CD80;
	[smem:$0x7C9] =	sst s24  }
0x42: {  	s19 =	simm.s32 $0x1C600;
	s22 =	sshll.u32 s23, $0x4;
	[smem:$0x7F5] =	sst s18  }
0x43: {  	s23 =	sshrl.u32 s23, $0x3;
	[smem:$0x7F6] =	sst s19;
	s25 =	sadd.s32 s6, s22  }
0x44: {  	p0 =	sne.s32 s0, $0x0;
	s26 =	sadd.s32 s5, s23;
	[smem:$0x7CA] =	sst s25  }
0x45: {  	s24 =	sor.u32 $0x340, s8;
	s23 =	sadd.s32 s7, s23;
	[smem:$0x7CB] =	sst s26  }
0x46: {  	s21 =	sshll.u32 s24, $0x4;
	s20 =	sadd.s32 s3, s22;
	[smem:$0x7CC] =	sst s23  }
0x47: {  	s9 =	simm.s32 $0x9;
	s25 =	sadd.s32 s6, s21;
	[smem:$0x7E2] =	sst s20  }
0x48: {  	s11 =	simm.s32 $0xB;
	s21 =	sadd.s32 s3, s21;
	[smem:$0x7CE] =	sst s25  }
0x49: {  	s23 =	sshrl.u32 s24, $0x3;
	s20 =	simm.s32 $0x1CE00;
	[smem:$0x7E3] =	sst s21  }
0x4a: {  	s10 =	simm.s32 $0xA;
	s26 =	sadd.s32 s5, s23;
	[smem:$0x7F7] =	sst s20  }
0x4b: {  	s24 =	sadd.s32 s7, s23;
	s25 =	sor.u32 $0x380, s8;
	[smem:$0x7CF] =	sst s26  }
0x4c: {  	s21 =	simm.s32 $0x1C680;
	[smem:$0x7D0] =	sst s24;
	s12 =	sshll.u32 s25, $0x4  }
0x4d: {  	s23 =	sshrl.u32 s25, $0x3;
	[smem:$0x7F8] =	sst s21;
	s26 =	sadd.s32 s6, s12  }
0x4e: {  	s13 =	simm.s32 $0xD;
	s24 =	sadd.s32 s5, s23;
	[smem:$0x7D2] =	sst s26  }
0x4f: {  	s14 =	simm.s32 $0xE;
	s25 =	sadd.s32 s7, s23;
	[smem:$0x7D3] =	sst s24  }
0x50: {  	s19 =	simm.s32 $0x1C100;
	s22 =	sadd.s32 s3, s12;
	[smem:$0x7D4] =	sst s25  }
0x51: {  	s8 =	sor.u32 $0x3C0, s8;
	s23 =	simm.s32 $0x1C200;
	[smem:$0x7E4] =	sst s22  }
0x52: {  	s20 =	simm.s32 $0x1;
	s12 =	simm.s32 $0x1CC00;
	[smem:$0x7E6] =	sst s23  }
0x53: {  	s21 =	simm.s32 $0x40;
	s24 =	simm.s32 $0x1CA00;
	[smem:$0x7EF] =	sst s12  }
0x54: {  	s26 =	sshll.u32 s8, $0x4;
	s22 =	simm.s32 $0x1CE80;
	[smem:$0x7E7] =	sst s24  }
0x55: {  	s8 =	sshrl.u32 s8, $0x3;
	s23 =	simm.s32 $0x1C700;
	[smem:$0x7F9] =	sst s22  }
0x56: {  	s25 =	sshrl.u32 s4, $0x1;
	s6 =	sadd.s32 s6, s26;
	[smem:$0x7FA] =	sst s23  }
0x57: {  	s12 =	simm.s32 $0xC;
	s5 =	sadd.s32 s5, s8;
	[smem:$0x7D6] =	sst s6  }
0x58: {  	s8 =	sadd.s32 s7, s8;
	s3 =	sadd.s32 s3, s26;
	[smem:$0x7D7] =	sst s5  }
0x59: {  	s26 =	simm.s32 $0x1C280;
	s4 =	ssub.s32 s4, s25;
	[smem:$0x7D8] =	sst s8  }
0x5a: {  	s7 =	simm.s32 $0x1C300;
	s24 =	simm.s32 $0x1CF00;
	[smem:$0x7E5] =	sst s3  }
0x5b: {  	s23 =	simm.s32 $0x2;
	s25 =	simm.s32 $0x1C780;
	[smem:$0x7E8] =	sst s26  }
0x5c: {  	s22 =	simm.s32 $0x4000;
	s6 =	simm.s32 $0x1CA80;
	[smem:$0x7EA] =	sst s7  }
0x5d: {  	s3 =	smax.u32 s4, $0x1;
	s8 =	simm.s32 $0x1CB00;
	[smem:$0x7FB] =	sst s24  }
0x5e: {  	[smem:$0x7FC] =	sst s25;
	s26 =	simm.s32 $0x1CF80;
	s25 =	simm.s32 $0x1E  }
0x5f: {  	s4 =	simm.s32 $0x5;
	s5 =	simm.s32 $0x6;
	[smem:$0x7E9] =	sst s6  }
0x60: {  	s7 =	simm.s32 $0x7;
	s24 =	simm.s32 $0x8000;
	[smem:$0x7EB] =	sst s8  }
0x61: {  	v0 =	vimm.s32 $0x0;
	[smem:$0x7FD] =	sst s26;
	s8 =	simm.s32 $0x8;
	s26 =	simm.s32 $0x1C900  }
.LBB2_1:
0x62: {  	s15 =	rddreg [dreg:$0x7];
	s16 =	sshrl.u32 @!p0 s1, $0x3;
	s17 =	simm.s32 @!p0 $0x1C1D  }
0x63: {  	[spmem:s16], [sflag:s17] =	dma.local @!p0 [hbm:s15], $0x20  }
0x64: {  	s15 =	rddreg [dreg:$0x8]  }
0x65: {  	s16 =	rddreg [dreg:$0x9]  }
0x66: {  	s0 =	rddreg [dreg:$0xa]  }
0x67: {  	[tilespmem:s2], [sflag:$0x1] =	stream.linear.gather [hbm4b:s15+s2], $0x2000, $0x38;
	[tilespmem:$0x1D110] =	vst v63  }
0x68: {  	s6 =	rddreg [dreg:$0xb]  }
0x69: {  	[tilespmem:s19], [sflag:$0x1] =	stream.linear.gather [hbm4b:s16+s2], $0x40, $0x38;
	[tilespmem:$0x1D110] =	vst v63  }
0x6a: {  	s17 =	rddreg [dreg:$0xc]  }
0x6b: {  	[tilespmem:s26], [sflag:$0x1] =	stream.linear.gather [hbm4b:s0+s2], $0x40, $0x38;
	[tilespmem:$0x1D110] =	vst v63  }
0x6c: {  	s16 =	rddreg [dreg:$0xd];
	s0 =	simm.s32 $0x2000  }
0x6d: {  	[tilespmem:s0], [sflag:$0x2] =	stream.linear.gather [hbm4b:s6+s2], $0x2000, $0x38;
	[tilespmem:$0x1D110] =	vst v63  }
0x6e: {  	s18 =	simm.s32 $0x1C180;
	s0 =	sld [smem:$0x7E6]  }
0x6f: {  	[tilespmem:s18], [sflag:$0x2] =	stream.linear.gather [hbm4b:s17+s2], $0x40, $0x38;
	[tilespmem:$0x1D110] =	vst v63  }
0x70: {  	s17 =	rddreg [dreg:$0xe];
	s18 =	simm.s32 $0x1C980  }
0x71: {  	[tilespmem:s18], [sflag:$0x2] =	stream.linear.gather [hbm4b:s16+s2], $0x40, $0x38;
	[tilespmem:$0x1D110] =	vst v63  }
0x72: {  	s16 =	rddreg [dreg:$0xf]  }
0x73: {  	[tilespmem:s22], [sflag:$0x3] =	stream.linear.gather [hbm4b:s17+s2], $0x2000, $0x38;
	[tilespmem:$0x1D110] =	vst v63  }
0x74: {  	s18 =	sld [smem:$0x7E7]  }
0x75: {  	[tilespmem:s0], [sflag:$0x3] =	stream.linear.gather [hbm4b:s16+s2], $0x40, $0x38;
	[tilespmem:$0x1D110] =	vst v63  }
0x76: {  	s17 =	rddreg [dreg:$0x10]  }
0x77: {  	[tilespmem:s18], [sflag:$0x3] =	stream.linear.gather [hbm4b:s17+s2], $0x40, $0x38;
	[tilespmem:$0x1D110] =	vst v63  }
0x78: {  	s16 =	rddreg [dreg:$0x11]  }
0x79: {  	[tilespmem:s30], [sflag:$0x4] =	stream.linear.gather [hbm4b:s16+s2], $0x2000, $0x38;
	[tilespmem:$0x1D110] =	vst v63  }
0x7a: {  	s15 =	rddreg [dreg:$0x12]  }
0x7b: {  	s0 =	sld [smem:$0x7E8]  }
0x7c: {  	s17 =	rddreg [dreg:$0x13]  }
0x7d: {  	s18 =	sld [smem:$0x7E9]  }
0x7e: {  	s16 =	rddreg [dreg:$0x15]  }
0x7f: {  	[tilespmem:s0], [sflag:$0x4] =	stream.linear.gather [hbm4b:s15+s2], $0x40, $0x38;
	[tilespmem:$0x1D110] =	vst v63  }
0x80: {  	s0 =	rddreg [dreg:$0x14]  }
0x81: {  	[tilespmem:s18], [sflag:$0x4] =	stream.linear.gather [hbm4b:s17+s2], $0x40, $0x38;
	[tilespmem:$0x1D110] =	vst v63  }
0x82: {  	s17 =	sld [smem:$0x7EA]  }
0x83: {  	s18 =	rddreg [dreg:$0x16]  }
0x84: {  	[tilespmem:s24], [sflag:$0x5] =	stream.linear.gather [hbm4b:s0+s2], $0x2000, $0x38;
	[tilespmem:$0x1D110] =	vst v63  }
0x85: {  	s0 =	sld [smem:$0x7EB]  }
0x86: {  	[tilespmem:s17], [sflag:$0x5] =	stream.linear.gather [hbm4b:s16+s2], $0x40, $0x38;
	[tilespmem:$0x1D110] =	vst v63  }
0x87: {  	s16 =	rddreg [dreg:$0x17]  }
0x88: {  	s17 =	sld [smem:$0x7EC]  }
0x89: {  	[tilespmem:s0], [sflag:$0x5] =	stream.linear.gather [hbm4b:s18+s2], $0x40, $0x38;
	[tilespmem:$0x1D110] =	vst v63  }
0x8a: {  	s18 =	simm.s32 $0xA000;
	s0 =	sld [smem:$0x7ED]  }
0x8b: {  	[tilespmem:s18], [sflag:$0x6] =	stream.linear.gather [hbm4b:s16+s2], $0x2000, $0x38;
	[tilespmem:$0x1D110] =	vst v63  }
0x8c: {  	s16 =	rddreg [dreg:$0x18]  }
0x8d: {  	s18 =	rddreg [dreg:$0x19]  }
0x8e: {  	[tilespmem:s17], [sflag:$0x6] =	stream.linear.gather [hbm4b:s16+s2], $0x40, $0x38;
	[tilespmem:$0x1D110] =	vst v63  }
0x8f: {  	s16 =	rddreg [dreg:$0x1a]  }
0x90: {  	s17 =	sld [smem:$0x7EE]  }
0x91: {  	[tilespmem:s0], [sflag:$0x6] =	stream.linear.gather [hbm4b:s18+s2], $0x40, $0x38;
	[tilespmem:$0x1D110] =	vst v63  }
0x92: {  	s18 =	simm.s32 $0xC000;
	s0 =	sld [smem:$0x7EF]  }
0x93: {  	[tilespmem:s18], [sflag:$0x7] =	stream.linear.gather [hbm4b:s16+s2], $0x2000, $0x38;
	[tilespmem:$0x1D110] =	vst v63  }
0x94: {  	s16 =	rddreg [dreg:$0x1b]  }
0x95: {  	s18 =	rddreg [dreg:$0x1c]  }
0x96: {  	[tilespmem:s17], [sflag:$0x7] =	stream.linear.gather [hbm4b:s16+s2], $0x40, $0x38;
	[tilespmem:$0x1D110] =	vst v63  }
0x97: {  	s16 =	rddreg [dreg:$0x1d]  }
0x98: {  	s17 =	sld [smem:$0x7F0]  }
0x99: {  	[tilespmem:s0], [sflag:$0x7] =	stream.linear.gather [hbm4b:s18+s2], $0x40, $0x38;
	[tilespmem:$0x1D110] =	vst v63  }
0x9a: {  	s18 =	simm.s32 $0xE000;
	s0 =	sld [smem:$0x7F1]  }
0x9b: {  	[tilespmem:s18], [sflag:$0x8] =	stream.linear.gather [hbm4b:s16+s2], $0x2000, $0x38;
	[tilespmem:$0x1D110] =	vst v63  }
0x9c: {  	s16 =	rddreg [dreg:$0x1e]  }
0x9d: {  	s18 =	rddreg [dreg:$0x1f]  }
0x9e: {  	[tilespmem:s17], [sflag:$0x8] =	stream.linear.gather [hbm4b:s16+s2], $0x40, $0x38;
	[tilespmem:$0x1D110] =	vst v63  }
0x9f: {  	s16 =	sld [smem:$0x7BE]  }
0xa0: {  	[tilespmem:s0], [sflag:$0x8] =	stream.linear.gather [hbm4b:s18+s2], $0x40, $0x38;
	[tilespmem:$0x1D110] =	vst v63  }
0xa1: {  	s17 =	sld [smem:$0x7F2];
	s18 =	simm.s32 $0x10000  }
0xa2: {  	[tilespmem:s18], [sflag:$0x9] =	stream.linear.gather [hbm4b:s16+s2], $0x2000, $0x38;
	[tilespmem:$0x1D110] =	vst v63  }
0xa3: {  	s16 =	sld [smem:$0x7BF]  }
0xa4: {  	s0 =	sld [smem:$0x7F3]  }
0xa5: {  	s18 =	sld [smem:$0x7C0]  }
0xa6: {  	[tilespmem:s17], [sflag:$0x9] =	stream.linear.gather [hbm4b:s16+s2], $0x40, $0x38;
	[tilespmem:$0x1D110] =	vst v63  }
0xa7: {  	s16 =	sld [smem:$0x7C1]  }
0xa8: {  	[tilespmem:s0], [sflag:$0x9] =	stream.linear.gather [hbm4b:s18+s2], $0x40, $0x38;
	[tilespmem:$0x1D110] =	vst v63  }
0xa9: {  	s17 =	sld [smem:$0x7F4];
	s18 =	simm.s32 $0x12000  }
0xaa: {  	[tilespmem:s18], [sflag:$0xA] =	stream.linear.gather [hbm4b:s16+s2], $0x2000, $0x38;
	[tilespmem:$0x1D110] =	vst v63  }
0xab: {  	s16 =	sld [smem:$0x7C2]  }
0xac: {  	s0 =	sld [smem:$0x7F5]  }
0xad: {  	s18 =	sld [smem:$0x7C3]  }
0xae: {  	[tilespmem:s17], [sflag:$0xA] =	stream.linear.gather [hbm4b:s16+s2], $0x40, $0x38;
	[tilespmem:$0x1D110] =	vst v63  }
0xaf: {  	s16 =	sld [smem:$0x7C4]  }
0xb0: {  	[tilespmem:s0], [sflag:$0xA] =	stream.linear.gather [hbm4b:s18+s2], $0x40, $0x38;
	[tilespmem:$0x1D110] =	vst v63  }
0xb1: {  	s17 =	sld [smem:$0x7F6];
	s18 =	simm.s32 $0x14000  }
0xb2: {  	[tilespmem:s18], [sflag:$0xB] =	stream.linear.gather [hbm4b:s16+s2], $0x2000, $0x38;
	[tilespmem:$0x1D110] =	vst v63  }
0xb3: {  	s16 =	sld [smem:$0x7C5]  }
0xb4: {  	s0 =	sld [smem:$0x7F7]  }
0xb5: {  	s18 =	sld [smem:$0x7C6]  }
0xb6: {  	[tilespmem:s17], [sflag:$0xB] =	stream.linear.gather [hbm4b:s16+s2], $0x40, $0x38;
	[tilespmem:$0x1D110] =	vst v63  }
0xb7: {  	s16 =	sld [smem:$0x7C7]  }
0xb8: {  	[tilespmem:s0], [sflag:$0xB] =	stream.linear.gather [hbm4b:s18+s2], $0x40, $0x38;
	[tilespmem:$0x1D110] =	vst v63  }
0xb9: {  	s17 =	sld [smem:$0x7F8];
	s18 =	simm.s32 $0x16000  }
0xba: {  	[tilespmem:s18], [sflag:$0xC] =	stream.linear.gather [hbm4b:s16+s2], $0x2000, $0x38;
	[tilespmem:$0x1D110] =	vst v63  }
0xbb: {  	s16 =	sld [smem:$0x7C8]  }
0xbc: {  	s0 =	sld [smem:$0x7F9]  }
0xbd: {  	s18 =	sld [smem:$0x7C9]  }
0xbe: {  	[tilespmem:s17], [sflag:$0xC] =	stream.linear.gather [hbm4b:s16+s2], $0x40, $0x38;
	[tilespmem:$0x1D110] =	vst v63  }
0xbf: {  	s16 =	sld [smem:$0x7CA]  }
0xc0: {  	[tilespmem:s0], [sflag:$0xC] =	stream.linear.gather [hbm4b:s18+s2], $0x40, $0x38;
	[tilespmem:$0x1D110] =	vst v63  }
0xc1: {  	s17 =	sld [smem:$0x7FA];
	s18 =	simm.s32 $0x18000  }
0xc2: {  	[tilespmem:s18], [sflag:$0xD] =	stream.linear.gather [hbm4b:s16+s2], $0x2000, $0x38;
	[tilespmem:$0x1D110] =	vst v63  }
0xc3: {  	s16 =	sld [smem:$0x7CB]  }
0xc4: {  	s0 =	sld [smem:$0x7FB]  }
0xc5: {  	s18 =	sld [smem:$0x7CC]  }
0xc6: {  	[tilespmem:s17], [sflag:$0xD] =	stream.linear.gather [hbm4b:s16+s2], $0x40, $0x38;
	[tilespmem:$0x1D110] =	vst v63  }
0xc7: {  	_ = 	snop  }
0xc8: {  	[tilespmem:s0], [sflag:$0xD] =	stream.linear.gather [hbm4b:s18+s2], $0x40, $0x38;
	[tilespmem:$0x1D110] =	vst v63  }
0xc9: {  	_ =	swait.ge [sflag:s20], $0x2000  }
0xca: {  	[sflag:s20] =	ssyncset.done $0x0  }
0xcb: {  	[sflag:s20] =	ssyncadd.s32 $0xFFFFE000  }
0xcc: {  	_ =	swait.ge [sflag:s20], $0x40  }
0xcd: {  	[sflag:s20] =	ssyncset.done $0x0  }
0xce: {  	[sflag:s20] =	ssyncadd.s32 $0xFFFFFFC0  }
0xcf: {  	_ =	swait.ge [sflag:s20], $0x40  }
0xd0: {  	[sflag:s20] =	ssyncset.done $0x0  }
0xd1: {  	s15 =	simm.s32 @!p0 $0x1D;
	[sflag:s20] =	ssyncadd.s32 $0xFFFFFFC0  }
0xd2: {  	_ =	swait.ge @!p0 [sflag:s15], $0x20  }
0xd3: {  	[sflag:s15] =	ssyncset.done @!p0 $0x0  }
0xd4: {  	[sflag:s15] =	ssyncadd.s32 @!p0 $0xFFFFFFE0  }
0xd5: {  	[bflag:$0x0] =	sbarrier.arrive $0xFFFF  }
0xd6: {  	v1 =	vld [tilespmem:$0x1C100]  }
0xd7: {  	v2 =	vld [tilespmem:$0x1C900]  }
0xd8: {  	v3 =	vld [tilespmem:$0x1C110]  }
0xd9: {  	v4 =	vld [tilespmem:$0x1C910]  }
0xda: {  	v5 =	vld [tilespmem:$0x1C120]  }
0xdb: {  	v6 =	vld [tilespmem:$0x1C920]  }
0xdc: {  	v7 =	vld [tilespmem:$0x1C130]  }
0xdd: {  	vm0 =	vgt.s32 v1, $0x5D;
	v1 =	vld [tilespmem:$0x1C930]  }
0xde: {  	vm1 =	vgt.s32 v3, $0x5D;
	vm10 =	veq.s32 v2, $0x0  }
0xdf: {  	vm11 =	veq.s32 v4, $0x0;
	vm12 =	vgt.s32 v5, $0x5D;
	v3 =	vsel vm0, $0x1, v0  }
0xe0: {  	vm13 =	veq.s32 v6, $0x0;
	v2 =	vsel vm1, $0x1, v0;
	v3 =	vsel vm10, $0xFFFFFFFF, v3  }
0xe1: {  	vm14 =	vgt.s32 v7, $0x5D;
	v2 =	vsel vm11, $0xFFFFFFFF, v2;
	[tilespmem:$0x1C000] =	vst v3;
	v3 =	vsel vm12, $0x1, v0  }
0xe2: {  	[tilespmem:$0x1C010] =	vst v2;
	v2 =	vsel vm13, $0xFFFFFFFF, v3;
	vm15 =	veq.s32 v1, $0x0;
	v1 =	vsel vm14, $0x1, v0  }
0xe3: {  	[tilespmem:$0x1C020] =	vst v2;
	v1 =	vsel vm15, $0xFFFFFFFF, v1  }
0xe4: {  	s0 =	simm.s32 $0x1C000;
	[tilespmem:$0x1C030] =	vst v1;
	(ifvalue) =	ssetifvalue $0xFFFFFFFF  }
0xe5: {  	[tilespmem:s2], [sflag:$0x1E] =	stream.indirect.gather.add.f32 [spmem:s1], $0x80, s0, s21, $0x40b8;
	[tilespmem:$0x1D110] =	vst v63  }
0xe6: {  	_ =	swait.ge [sflag:s23], $0x2000  }
0xe7: {  	[sflag:s23] =	ssyncset.done $0x0  }
0xe8: {  	[sflag:s23] =	ssyncadd.s32 $0xFFFFE000  }
0xe9: {  	_ =	swait.ge [sflag:s23], $0x40  }
0xea: {  	[sflag:s23] =	ssyncset.done $0x0  }
0xeb: {  	[sflag:s23] =	ssyncadd.s32 $0xFFFFFFC0  }
0xec: {  	_ =	swait.ge [sflag:s23], $0x40  }
0xed: {  	[sflag:s23] =	ssyncset.done $0x0  }
0xee: {  	[sflag:s23] =	ssyncadd.s32 $0xFFFFFFC0  }
0xef: {  	v1 =	vld [tilespmem:$0x1C180]  }
0xf0: {  	v2 =	vld [tilespmem:$0x1C980]  }
0xf1: {  	v3 =	vld [tilespmem:$0x1C190]  }
0xf2: {  	v59 =	vld [tilespmem:$0x1C990]  }
0xf3: {  	v60 =	vld [tilespmem:$0x1C1A0]  }
0xf4: {  	v61 =	vld [tilespmem:$0x1C9A0]  }
0xf5: {  	v62 =	vld [tilespmem:$0x1C1B0]  }
0xf6: {  	vm4 =	vgt.s32 v1, $0x5D;
	v1 =	vld [tilespmem:$0x1C9B0]  }
0xf7: {  	vm5 =	vgt.s32 v3, $0x5D;
	vm6 =	veq.s32 v2, $0x0  }
0xf8: {  	vm7 =	veq.s32 v59, $0x0;
	vm8 =	vgt.s32 v60, $0x5D;
	v3 =	vsel vm4, $0x1, v0  }
0xf9: {  	vm9 =	veq.s32 v61, $0x0;
	v2 =	vsel vm5, $0x1, v0;
	v3 =	vsel vm6, $0xFFFFFFFF, v3  }
0xfa: {  	vm10 =	vgt.s32 v62, $0x5D;
	v2 =	vsel vm7, $0xFFFFFFFF, v2;
	[tilespmem:$0x1C080] =	vst v3;
	v3 =	vsel vm8, $0x1, v0  }
0xfb: {  	[tilespmem:$0x1C090] =	vst v2;
	v2 =	vsel vm9, $0xFFFFFFFF, v3;
	vm11 =	veq.s32 v1, $0x0;
	v1 =	vsel vm10, $0x1, v0  }
0xfc: {  	[tilespmem:$0x1C0A0] =	vst v2;
	v1 =	vsel vm11, $0xFFFFFFFF, v1  }
0xfd: {  	s6 =	simm.s32 $0x2000;
	[tilespmem:$0x1C0B0] =	vst v1;
	(ifvalue) =	ssetifvalue $0xFFFFFFFF  }
0xfe: {  	[tilespmem:s6], [sflag:$0x1F] =	stream.indirect.gather.add.f32 [spmem:s1], $0x80, s28, s21, $0x40b8;
	[tilespmem:$0x1D110] =	vst v63  }
0xff: {  	_ =	swait.ge [sflag:s25], $0x2000  }
0x100: {  	s16 =	sld [smem:$0x7CD]  }
0x101: {  	[sflag:s25] =	ssyncset.done $0x0;
	s17 =	sld [smem:$0x7CE]  }
0x102: {  	s15 =	sld [smem:$0x7CF];
	[sflag:s25] =	ssyncadd.s32 $0xFFFFE000  }
0x103: {  	[hbm4b:s16+s2] =	stream.linear.scatter [tilespmem:s2], [sflag:$0xF], $0x2000, $0x38;
	[tilespmem:$0x1D110] =	vst v63  }
0x104: {  	s18 =	simm.s32 $0x1A000;
	s16 =	sld [smem:$0x7FC]  }
0x105: {  	[tilespmem:s18], [sflag:$0xE] =	stream.linear.gather [hbm4b:s17+s2], $0x2000, $0x38;
	[tilespmem:$0x1D110] =	vst v63  }
0x106: {  	s17 =	sld [smem:$0x7D0]  }
0x107: {  	s18 =	sld [smem:$0x7FD]  }
0x108: {  	[tilespmem:s16], [sflag:$0xE] =	stream.linear.gather [hbm4b:s15+s2], $0x40, $0x38;
	[tilespmem:$0x1D110] =	vst v63  }
0x109: {  	s16 =	simm.s32 $0x3  }
0x10a: {  	[tilespmem:s18], [sflag:$0xE] =	stream.linear.gather [hbm4b:s17+s2], $0x40, $0x38;
	[tilespmem:$0x1D110] =	vst v63  }
0x10b: {  	_ =	swait.ge [sflag:s16], $0x2000  }
0x10c: {  	[sflag:s16] =	ssyncset.done $0x0  }
0x10d: {  	[sflag:s16] =	ssyncadd.s32 $0xFFFFE000  }
0x10e: {  	_ =	swait.ge [sflag:s16], $0x40  }
0x10f: {  	[sflag:s16] =	ssyncset.done $0x0  }
0x110: {  	[sflag:s16] =	ssyncadd.s32 $0xFFFFFFC0  }
0x111: {  	_ =	swait.ge [sflag:s16], $0x40  }
0x112: {  	[sflag:s16] =	ssyncset.done $0x0  }
0x113: {  	[sflag:s16] =	ssyncadd.s32 $0xFFFFFFC0  }
0x114: {  	v1 =	vld [tilespmem:$0x1C200]  }
0x115: {  	v2 =	vld [tilespmem:$0x1CA00]  }
0x116: {  	v3 =	vld [tilespmem:$0x1C210]  }
0x117: {  	v63 =	vld [tilespmem:$0x1CA10]  }
0x118: {  	v9 =	vld [tilespmem:$0x1C220]  }
0x119: {  	v10 =	vld [tilespmem:$0x1CA20]  }
0x11a: {  	v11 =	vld [tilespmem:$0x1C230]  }
0x11b: {  	vm12 =	vgt.s32 v1, $0x5D;
	v1 =	vld [tilespmem:$0x1CA30]  }
0x11c: {  	vm13 =	vgt.s32 v3, $0x5D;
	vm14 =	veq.s32 v2, $0x0  }
0x11d: {  	vm15 =	veq.s32 v63, $0x0;
	vm4 =	vgt.s32 v9, $0x5D;
	v3 =	vsel vm12, $0x1, v0  }
0x11e: {  	vm5 =	veq.s32 v10, $0x0;
	v2 =	vsel vm13, $0x1, v0;
	v3 =	vsel vm14, $0xFFFFFFFF, v3  }
0x11f: {  	vm6 =	vgt.s32 v11, $0x5D;
	v2 =	vsel vm15, $0xFFFFFFFF, v2;
	[tilespmem:$0x1C000] =	vst v3;
	v3 =	vsel vm4, $0x1, v0  }
0x120: {  	[tilespmem:$0x1C010] =	vst v2;
	v2 =	vsel vm5, $0xFFFFFFFF, v3;
	vm7 =	veq.s32 v1, $0x0;
	v1 =	vsel vm6, $0x1, v0  }
0x121: {  	[tilespmem:$0x1C020] =	vst v2;
	v1 =	vsel vm7, $0xFFFFFFFF, v1  }
0x122: {  	[tilespmem:$0x1C030] =	vst v1;
	(ifvalue) =	ssetifvalue $0xFFFFFFFF  }
0x123: {  	[tilespmem:s22], [sflag:$0x1E] =	stream.indirect.gather.add.f32 [spmem:s1], $0x80, s0, s21, $0x40b8;
	[tilespmem:$0x1D110] =	vst v63  }
0x124: {  	_ =	swait.ge [sflag:s29], $0x2000  }
0x125: {  	s17 =	sld [smem:$0x7D1]  }
0x126: {  	[sflag:s29] =	ssyncset.done $0x0  }
0x127: {  	[sflag:s29] =	ssyncadd.s32 $0xFFFFE000  }
0x128: {  	[hbm4b:s17+s2] =	stream.linear.scatter [tilespmem:s6], [sflag:$0x10], $0x2000, $0x38;
	[tilespmem:$0x1D110] =	vst v63  }
0x129: {  	s17 =	simm.s32 $0xF  }
0x12a: {  	_ =	swait.ge [sflag:s17], $0x2000  }
0x12b: {  	s18 =	sld [smem:$0x7D2]  }
0x12c: {  	[sflag:s17] =	ssyncset.done $0x0  }
0x12d: {  	s16 =	sld [smem:$0x7D3];
	[sflag:s17] =	ssyncadd.s32 $0xFFFFE000  }
0x12e: {  	[tilespmem:s2], [sflag:$0x1] =	stream.linear.gather [hbm4b:s18+s2], $0x2000, $0x38;
	[tilespmem:$0x1D110] =	vst v63  }
0x12f: {  	s18 =	sld [smem:$0x7D4]  }
0x130: {  	[tilespmem:s19], [sflag:$0x1] =	stream.linear.gather [hbm4b:s16+s2], $0x40, $0x38;
	[tilespmem:$0x1D110] =	vst v63  }
0x131: {  	_ = 	snop  }
0x132: {  	[tilespmem:s26], [sflag:$0x1] =	stream.linear.gather [hbm4b:s18+s2], $0x40, $0x38;
	[tilespmem:$0x1D110] =	vst v63  }
0x133: {  	_ =	swait.ge [sflag:s31], $0x2000  }
0x134: {  	[sflag:s31] =	ssyncset.done $0x0  }
0x135: {  	[sflag:s31] =	ssyncadd.s32 $0xFFFFE000  }
0x136: {  	_ =	swait.ge [sflag:s31], $0x40  }
0x137: {  	[sflag:s31] =	ssyncset.done $0x0  }
0x138: {  	[sflag:s31] =	ssyncadd.s32 $0xFFFFFFC0  }
0x139: {  	_ =	swait.ge [sflag:s31], $0x40  }
0x13a: {  	[sflag:s31] =	ssyncset.done $0x0  }
0x13b: {  	[sflag:s31] =	ssyncadd.s32 $0xFFFFFFC0  }
0x13c: {  	v1 =	vld [tilespmem:$0x1C280]  }
0x13d: {  	v2 =	vld [tilespmem:$0x1CA80]  }
0x13e: {  	v3 =	vld [tilespmem:$0x1C290]  }
0x13f: {  	v12 =	vld [tilespmem:$0x1CA90]  }
0x140: {  	v13 =	vld [tilespmem:$0x1C2A0]  }
0x141: {  	v14 =	vld [tilespmem:$0x1CAA0]  }
0x142: {  	v15 =	vld [tilespmem:$0x1C2B0]  }
0x143: {  	vm8 =	vgt.s32 v1, $0x5D;
	v1 =	vld [tilespmem:$0x1CAB0]  }
0x144: {  	vm9 =	vgt.s32 v3, $0x5D;
	vm10 =	veq.s32 v2, $0x0  }
0x145: {  	vm11 =	veq.s32 v12, $0x0;
	vm12 =	vgt.s32 v13, $0x5D;
	v3 =	vsel vm8, $0x1, v0  }
0x146: {  	vm13 =	veq.s32 v14, $0x0;
	v2 =	vsel vm9, $0x1, v0;
	v3 =	vsel vm10, $0xFFFFFFFF, v3  }
0x147: {  	vm14 =	vgt.s32 v15, $0x5D;
	v2 =	vsel vm11, $0xFFFFFFFF, v2;
	[tilespmem:$0x1C080] =	vst v3;
	v3 =	vsel vm12, $0x1, v0  }
0x148: {  	[tilespmem:$0x1C090] =	vst v2;
	v2 =	vsel vm13, $0xFFFFFFFF, v3;
	vm15 =	veq.s32 v1, $0x0;
	v1 =	vsel vm14, $0x1, v0  }
0x149: {  	[tilespmem:$0x1C0A0] =	vst v2;
	v1 =	vsel vm15, $0xFFFFFFFF, v1  }
0x14a: {  	[tilespmem:$0x1C0B0] =	vst v1;
	(ifvalue) =	ssetifvalue $0xFFFFFFFF  }
0x14b: {  	[tilespmem:s30], [sflag:$0x1F] =	stream.indirect.gather.add.f32 [spmem:s1], $0x80, s28, s21, $0x40b8;
	[tilespmem:$0x1D110] =	vst v63  }
0x14c: {  	_ =	swait.ge [sflag:s25], $0x2000  }
0x14d: {  	s18 =	sld [smem:$0x7D5]  }
0x14e: {  	[sflag:s25] =	ssyncset.done $0x0  }
0x14f: {  	[sflag:s25] =	ssyncadd.s32 $0xFFFFE000  }
0x150: {  	[hbm4b:s18+s2] =	stream.linear.scatter [tilespmem:s22], [sflag:$0x11], $0x2000, $0x38;
	[tilespmem:$0x1D110] =	vst v63  }
0x151: {  	s18 =	simm.s32 $0x10  }
0x152: {  	_ =	swait.ge [sflag:s18], $0x2000  }
0x153: {  	s15 =	sld [smem:$0x7D6]  }
0x154: {  	[sflag:s18] =	ssyncset.done $0x0  }
0x155: {  	s16 =	sld [smem:$0x7D7];
	[sflag:s18] =	ssyncadd.s32 $0xFFFFE000  }
0x156: {  	[tilespmem:s6], [sflag:$0x2] =	stream.linear.gather [hbm4b:s15+s2], $0x2000, $0x38;
	[tilespmem:$0x1D110] =	vst v63  }
0x157: {  	s15 =	sld [smem:$0x7D8];
	s6 =	simm.s32 $0x1C180  }
0x158: {  	[tilespmem:s6], [sflag:$0x2] =	stream.linear.gather [hbm4b:s16+s2], $0x40, $0x38;
	[tilespmem:$0x1D110] =	vst v63  }
0x159: {  	s16 =	simm.s32 $0x1C980  }
0x15a: {  	[tilespmem:s16], [sflag:$0x2] =	stream.linear.gather [hbm4b:s15+s2], $0x40, $0x38;
	[tilespmem:$0x1D110] =	vst v63  }
0x15b: {  	_ =	swait.ge [sflag:s4], $0x2000  }
0x15c: {  	[sflag:s4] =	ssyncset.done $0x0  }
0x15d: {  	[sflag:s4] =	ssyncadd.s32 $0xFFFFE000  }
0x15e: {  	_ =	swait.ge [sflag:s4], $0x40  }
0x15f: {  	[sflag:s4] =	ssyncset.done $0x0  }
0x160: {  	[sflag:s4] =	ssyncadd.s32 $0xFFFFFFC0  }
0x161: {  	_ =	swait.ge [sflag:s4], $0x40  }
0x162: {  	[sflag:s4] =	ssyncset.done $0x0  }
0x163: {  	[sflag:s4] =	ssyncadd.s32 $0xFFFFFFC0  }
0x164: {  	v1 =	vld [tilespmem:$0x1C300]  }
0x165: {  	v2 =	vld [tilespmem:$0x1CB00]  }
0x166: {  	v3 =	vld [tilespmem:$0x1C310]  }
0x167: {  	v16 =	vld [tilespmem:$0x1CB10]  }
0x168: {  	v17 =	vld [tilespmem:$0x1C320]  }
0x169: {  	v18 =	vld [tilespmem:$0x1CB20]  }
0x16a: {  	v19 =	vld [tilespmem:$0x1C330]  }
0x16b: {  	vm4 =	vgt.s32 v1, $0x5D;
	v1 =	vld [tilespmem:$0x1CB30]  }
0x16c: {  	vm5 =	vgt.s32 v3, $0x5D;
	vm6 =	veq.s32 v2, $0x0  }
0x16d: {  	vm7 =	veq.s32 v16, $0x0;
	vm8 =	vgt.s32 v17, $0x5D;
	v3 =	vsel vm4, $0x1, v0  }
0x16e: {  	vm9 =	veq.s32 v18, $0x0;
	v2 =	vsel vm5, $0x1, v0;
	v3 =	vsel vm6, $0xFFFFFFFF, v3  }
0x16f: {  	vm10 =	vgt.s32 v19, $0x5D;
	v2 =	vsel vm7, $0xFFFFFFFF, v2;
	[tilespmem:$0x1C000] =	vst v3;
	v3 =	vsel vm8, $0x1, v0  }
0x170: {  	[tilespmem:$0x1C010] =	vst v2;
	v2 =	vsel vm9, $0xFFFFFFFF, v3;
	vm11 =	veq.s32 v1, $0x0;
	v1 =	vsel vm10, $0x1, v0  }
0x171: {  	[tilespmem:$0x1C020] =	vst v2;
	v1 =	vsel vm11, $0xFFFFFFFF, v1  }
0x172: {  	[tilespmem:$0x1C030] =	vst v1;
	(ifvalue) =	ssetifvalue $0xFFFFFFFF  }
0x173: {  	[tilespmem:s24], [sflag:$0x1E] =	stream.indirect.gather.add.f32 [spmem:s1], $0x80, s0, s21, $0x40b8;
	[tilespmem:$0x1D110] =	vst v63  }
0x174: {  	_ =	swait.ge [sflag:s29], $0x2000  }
0x175: {  	s16 =	sld [smem:$0x7D9]  }
0x176: {  	[sflag:s29] =	ssyncset.done $0x0  }
0x177: {  	[sflag:s29] =	ssyncadd.s32 $0xFFFFE000  }
0x178: {  	[hbm4b:s16+s2] =	stream.linear.scatter [tilespmem:s30], [sflag:$0x12], $0x2000, $0x38;
	[tilespmem:$0x1D110] =	vst v63  }
0x179: {  	_ =	swait.ge [sflag:s5], $0x2000  }
0x17a: {  	[sflag:s5] =	ssyncset.done $0x0  }
0x17b: {  	[sflag:s5] =	ssyncadd.s32 $0xFFFFE000  }
0x17c: {  	_ =	swait.ge [sflag:s5], $0x40  }
0x17d: {  	[sflag:s5] =	ssyncset.done $0x0  }
0x17e: {  	[sflag:s5] =	ssyncadd.s32 $0xFFFFFFC0  }
0x17f: {  	_ =	swait.ge [sflag:s5], $0x40  }
0x180: {  	[sflag:s5] =	ssyncset.done $0x0  }
0x181: {  	[sflag:s5] =	ssyncadd.s32 $0xFFFFFFC0  }
0x182: {  	v1 =	vld [tilespmem:$0x1C380]  }
0x183: {  	v2 =	vld [tilespmem:$0x1CB80]  }
0x184: {  	v3 =	vld [tilespmem:$0x1C390]  }
0x185: {  	v20 =	vld [tilespmem:$0x1CB90]  }
0x186: {  	v21 =	vld [tilespmem:$0x1C3A0]  }
0x187: {  	v22 =	vld [tilespmem:$0x1CBA0]  }
0x188: {  	v23 =	vld [tilespmem:$0x1C3B0]  }
0x189: {  	vm12 =	vgt.s32 v1, $0x5D;
	v1 =	vld [tilespmem:$0x1CBB0]  }
0x18a: {  	vm13 =	vgt.s32 v3, $0x5D;
	vm14 =	veq.s32 v2, $0x0  }
0x18b: {  	vm15 =	veq.s32 v20, $0x0;
	vm4 =	vgt.s32 v21, $0x5D;
	v3 =	vsel vm12, $0x1, v0  }
0x18c: {  	vm5 =	veq.s32 v22, $0x0;
	v2 =	vsel vm13, $0x1, v0;
	v3 =	vsel vm14, $0xFFFFFFFF, v3  }
0x18d: {  	vm6 =	vgt.s32 v23, $0x5D;
	v2 =	vsel vm15, $0xFFFFFFFF, v2;
	[tilespmem:$0x1C080] =	vst v3;
	v3 =	vsel vm4, $0x1, v0  }
0x18e: {  	[tilespmem:$0x1C090] =	vst v2;
	v2 =	vsel vm5, $0xFFFFFFFF, v3;
	vm7 =	veq.s32 v1, $0x0;
	v1 =	vsel vm6, $0x1, v0  }
0x18f: {  	[tilespmem:$0x1C0A0] =	vst v2;
	v1 =	vsel vm7, $0xFFFFFFFF, v1  }
0x190: {  	s16 =	simm.s32 $0xA000;
	[tilespmem:$0x1C0B0] =	vst v1;
	(ifvalue) =	ssetifvalue $0xFFFFFFFF  }
0x191: {  	[tilespmem:s16], [sflag:$0x1F] =	stream.indirect.gather.add.f32 [spmem:s1], $0x80, s28, s21, $0x40b8;
	[tilespmem:$0x1D110] =	vst v63  }
0x192: {  	_ =	swait.ge [sflag:s25], $0x2000  }
0x193: {  	s6 =	sld [smem:$0x7DA]  }
0x194: {  	[sflag:s25] =	ssyncset.done $0x0  }
0x195: {  	[sflag:s25] =	ssyncadd.s32 $0xFFFFE000  }
0x196: {  	[hbm4b:s6+s2] =	stream.linear.scatter [tilespmem:s24], [sflag:$0x13], $0x2000, $0x38;
	[tilespmem:$0x1D110] =	vst v63  }
0x197: {  	_ =	swait.ge [sflag:s7], $0x2000  }
0x198: {  	[sflag:s7] =	ssyncset.done $0x0  }
0x199: {  	[sflag:s7] =	ssyncadd.s32 $0xFFFFE000  }
0x19a: {  	_ =	swait.ge [sflag:s7], $0x40  }
0x19b: {  	[sflag:s7] =	ssyncset.done $0x0  }
0x19c: {  	[sflag:s7] =	ssyncadd.s32 $0xFFFFFFC0  }
0x19d: {  	_ =	swait.ge [sflag:s7], $0x40  }
0x19e: {  	[sflag:s7] =	ssyncset.done $0x0  }
0x19f: {  	[sflag:s7] =	ssyncadd.s32 $0xFFFFFFC0  }
0x1a0: {  	v1 =	vld [tilespmem:$0x1C400]  }
0x1a1: {  	v2 =	vld [tilespmem:$0x1CC00]  }
0x1a2: {  	v3 =	vld [tilespmem:$0x1C410]  }
0x1a3: {  	v24 =	vld [tilespmem:$0x1CC10]  }
0x1a4: {  	v25 =	vld [tilespmem:$0x1C420]  }
0x1a5: {  	v26 =	vld [tilespmem:$0x1CC20]  }
0x1a6: {  	v27 =	vld [tilespmem:$0x1C430]  }
0x1a7: {  	vm8 =	vgt.s32 v1, $0x5D;
	v1 =	vld [tilespmem:$0x1CC30]  }
0x1a8: {  	vm9 =	vgt.s32 v3, $0x5D;
	vm10 =	veq.s32 v2, $0x0  }
0x1a9: {  	vm11 =	veq.s32 v24, $0x0;
	vm12 =	vgt.s32 v25, $0x5D;
	v3 =	vsel vm8, $0x1, v0  }
0x1aa: {  	vm13 =	veq.s32 v26, $0x0;
	v2 =	vsel vm9, $0x1, v0;
	v3 =	vsel vm10, $0xFFFFFFFF, v3  }
0x1ab: {  	vm14 =	vgt.s32 v27, $0x5D;
	v2 =	vsel vm11, $0xFFFFFFFF, v2;
	[tilespmem:$0x1C000] =	vst v3;
	v3 =	vsel vm12, $0x1, v0  }
0x1ac: {  	[tilespmem:$0x1C010] =	vst v2;
	v2 =	vsel vm13, $0xFFFFFFFF, v3;
	vm15 =	veq.s32 v1, $0x0;
	v1 =	vsel vm14, $0x1, v0  }
0x1ad: {  	[tilespmem:$0x1C020] =	vst v2;
	v1 =	vsel vm15, $0xFFFFFFFF, v1  }
0x1ae: {  	s6 =	simm.s32 $0xC000;
	[tilespmem:$0x1C030] =	vst v1;
	(ifvalue) =	ssetifvalue $0xFFFFFFFF  }
0x1af: {  	[tilespmem:s6], [sflag:$0x1E] =	stream.indirect.gather.add.f32 [spmem:s1], $0x80, s0, s21, $0x40b8;
	[tilespmem:$0x1D110] =	vst v63  }
0x1b0: {  	_ =	swait.ge [sflag:s29], $0x2000  }
0x1b1: {  	s15 =	sld [smem:$0x7DB]  }
0x1b2: {  	[sflag:s29] =	ssyncset.done $0x0  }
0x1b3: {  	[sflag:s29] =	ssyncadd.s32 $0xFFFFE000  }
0x1b4: {  	[hbm4b:s15+s2] =	stream.linear.scatter [tilespmem:s16], [sflag:$0x14], $0x2000, $0x38;
	[tilespmem:$0x1D110] =	vst v63  }
0x1b5: {  	_ =	swait.ge [sflag:s8], $0x2000  }
0x1b6: {  	[sflag:s8] =	ssyncset.done $0x0  }
0x1b7: {  	[sflag:s8] =	ssyncadd.s32 $0xFFFFE000  }
0x1b8: {  	_ =	swait.ge [sflag:s8], $0x40  }
0x1b9: {  	[sflag:s8] =	ssyncset.done $0x0  }
0x1ba: {  	[sflag:s8] =	ssyncadd.s32 $0xFFFFFFC0  }
0x1bb: {  	_ =	swait.ge [sflag:s8], $0x40  }
0x1bc: {  	[sflag:s8] =	ssyncset.done $0x0  }
0x1bd: {  	[sflag:s8] =	ssyncadd.s32 $0xFFFFFFC0  }
0x1be: {  	v1 =	vld [tilespmem:$0x1C480]  }
0x1bf: {  	v2 =	vld [tilespmem:$0x1CC80]  }
0x1c0: {  	v3 =	vld [tilespmem:$0x1C490]  }
0x1c1: {  	v28 =	vld [tilespmem:$0x1CC90]  }
0x1c2: {  	v29 =	vld [tilespmem:$0x1C4A0]  }
0x1c3: {  	v30 =	vld [tilespmem:$0x1CCA0]  }
0x1c4: {  	v31 =	vld [tilespmem:$0x1C4B0]  }
0x1c5: {  	vm4 =	vgt.s32 v1, $0x5D;
	v1 =	vld [tilespmem:$0x1CCB0]  }
0x1c6: {  	vm5 =	vgt.s32 v3, $0x5D;
	vm6 =	veq.s32 v2, $0x0  }
0x1c7: {  	vm7 =	veq.s32 v28, $0x0;
	vm8 =	vgt.s32 v29, $0x5D;
	v3 =	vsel vm4, $0x1, v0  }
0x1c8: {  	vm9 =	veq.s32 v30, $0x0;
	v2 =	vsel vm5, $0x1, v0;
	v3 =	vsel vm6, $0xFFFFFFFF, v3  }
0x1c9: {  	vm10 =	vgt.s32 v31, $0x5D;
	v2 =	vsel vm7, $0xFFFFFFFF, v2;
	[tilespmem:$0x1C080] =	vst v3;
	v3 =	vsel vm8, $0x1, v0  }
0x1ca: {  	[tilespmem:$0x1C090] =	vst v2;
	v2 =	vsel vm9, $0xFFFFFFFF, v3;
	vm11 =	veq.s32 v1, $0x0;
	v1 =	vsel vm10, $0x1, v0  }
0x1cb: {  	[tilespmem:$0x1C0A0] =	vst v2;
	v1 =	vsel vm11, $0xFFFFFFFF, v1  }
0x1cc: {  	s16 =	simm.s32 $0xE000;
	[tilespmem:$0x1C0B0] =	vst v1;
	(ifvalue) =	ssetifvalue $0xFFFFFFFF  }
0x1cd: {  	[tilespmem:s16], [sflag:$0x1F] =	stream.indirect.gather.add.f32 [spmem:s1], $0x80, s28, s21, $0x40b8;
	[tilespmem:$0x1D110] =	vst v63  }
0x1ce: {  	_ =	swait.ge [sflag:s25], $0x2000  }
0x1cf: {  	s15 =	sld [smem:$0x7DC]  }
0x1d0: {  	[sflag:s25] =	ssyncset.done $0x0  }
0x1d1: {  	[sflag:s25] =	ssyncadd.s32 $0xFFFFE000  }
0x1d2: {  	[hbm4b:s15+s2] =	stream.linear.scatter [tilespmem:s6], [sflag:$0x15], $0x2000, $0x38;
	[tilespmem:$0x1D110] =	vst v63  }
0x1d3: {  	_ =	swait.ge [sflag:s9], $0x2000  }
0x1d4: {  	[sflag:s9] =	ssyncset.done $0x0  }
0x1d5: {  	[sflag:s9] =	ssyncadd.s32 $0xFFFFE000  }
0x1d6: {  	_ =	swait.ge [sflag:s9], $0x40  }
0x1d7: {  	[sflag:s9] =	ssyncset.done $0x0  }
0x1d8: {  	[sflag:s9] =	ssyncadd.s32 $0xFFFFFFC0  }
0x1d9: {  	_ =	swait.ge [sflag:s9], $0x40  }
0x1da: {  	[sflag:s9] =	ssyncset.done $0x0  }
0x1db: {  	[sflag:s9] =	ssyncadd.s32 $0xFFFFFFC0  }
0x1dc: {  	v1 =	vld [tilespmem:$0x1C500]  }
0x1dd: {  	v2 =	vld [tilespmem:$0x1CD00]  }
0x1de: {  	v3 =	vld [tilespmem:$0x1C510]  }
0x1df: {  	v32 =	vld [tilespmem:$0x1CD10]  }
0x1e0: {  	v33 =	vld [tilespmem:$0x1C520]  }
0x1e1: {  	v34 =	vld [tilespmem:$0x1CD20]  }
0x1e2: {  	v35 =	vld [tilespmem:$0x1C530]  }
0x1e3: {  	vm12 =	vgt.s32 v1, $0x5D;
	v1 =	vld [tilespmem:$0x1CD30]  }
0x1e4: {  	vm13 =	vgt.s32 v3, $0x5D;
	vm14 =	veq.s32 v2, $0x0  }
0x1e5: {  	vm15 =	veq.s32 v32, $0x0;
	vm4 =	vgt.s32 v33, $0x5D;
	v3 =	vsel vm12, $0x1, v0  }
0x1e6: {  	vm5 =	veq.s32 v34, $0x0;
	v2 =	vsel vm13, $0x1, v0;
	v3 =	vsel vm14, $0xFFFFFFFF, v3  }
0x1e7: {  	vm6 =	vgt.s32 v35, $0x5D;
	v2 =	vsel vm15, $0xFFFFFFFF, v2;
	[tilespmem:$0x1C000] =	vst v3;
	v3 =	vsel vm4, $0x1, v0  }
0x1e8: {  	[tilespmem:$0x1C010] =	vst v2;
	v2 =	vsel vm5, $0xFFFFFFFF, v3;
	vm7 =	veq.s32 v1, $0x0;
	v1 =	vsel vm6, $0x1, v0  }
0x1e9: {  	[tilespmem:$0x1C020] =	vst v2;
	v1 =	vsel vm7, $0xFFFFFFFF, v1  }
0x1ea: {  	s6 =	simm.s32 $0x10000;
	[tilespmem:$0x1C030] =	vst v1;
	(ifvalue) =	ssetifvalue $0xFFFFFFFF  }
0x1eb: {  	[tilespmem:s6], [sflag:$0x1E] =	stream.indirect.gather.add.f32 [spmem:s1], $0x80, s0, s21, $0x40b8;
	[tilespmem:$0x1D110] =	vst v63  }
0x1ec: {  	_ =	swait.ge [sflag:s29], $0x2000  }
0x1ed: {  	s15 =	sld [smem:$0x7DD]  }
0x1ee: {  	[sflag:s29] =	ssyncset.done $0x0  }
0x1ef: {  	[sflag:s29] =	ssyncadd.s32 $0xFFFFE000  }
0x1f0: {  	[hbm4b:s15+s2] =	stream.linear.scatter [tilespmem:s16], [sflag:$0x16], $0x2000, $0x38;
	[tilespmem:$0x1D110] =	vst v63  }
0x1f1: {  	_ =	swait.ge [sflag:s10], $0x2000  }
0x1f2: {  	[sflag:s10] =	ssyncset.done $0x0  }
0x1f3: {  	[sflag:s10] =	ssyncadd.s32 $0xFFFFE000  }
0x1f4: {  	_ =	swait.ge [sflag:s10], $0x40  }
0x1f5: {  	[sflag:s10] =	ssyncset.done $0x0  }
0x1f6: {  	[sflag:s10] =	ssyncadd.s32 $0xFFFFFFC0  }
0x1f7: {  	_ =	swait.ge [sflag:s10], $0x40  }
0x1f8: {  	[sflag:s10] =	ssyncset.done $0x0  }
0x1f9: {  	[sflag:s10] =	ssyncadd.s32 $0xFFFFFFC0  }
0x1fa: {  	v1 =	vld [tilespmem:$0x1C580]  }
0x1fb: {  	v2 =	vld [tilespmem:$0x1CD80]  }
0x1fc: {  	v3 =	vld [tilespmem:$0x1C590]  }
0x1fd: {  	v36 =	vld [tilespmem:$0x1CD90]  }
0x1fe: {  	v37 =	vld [tilespmem:$0x1C5A0]  }
0x1ff: {  	v38 =	vld [tilespmem:$0x1CDA0]  }
0x200: {  	v39 =	vld [tilespmem:$0x1C5B0]  }
0x201: {  	vm8 =	vgt.s32 v1, $0x5D;
	v1 =	vld [tilespmem:$0x1CDB0]  }
0x202: {  	vm9 =	vgt.s32 v3, $0x5D;
	vm10 =	veq.s32 v2, $0x0  }
0x203: {  	vm11 =	veq.s32 v36, $0x0;
	vm12 =	vgt.s32 v37, $0x5D;
	v3 =	vsel vm8, $0x1, v0  }
0x204: {  	vm13 =	veq.s32 v38, $0x0;
	v2 =	vsel vm9, $0x1, v0;
	v3 =	vsel vm10, $0xFFFFFFFF, v3  }
0x205: {  	vm14 =	vgt.s32 v39, $0x5D;
	v2 =	vsel vm11, $0xFFFFFFFF, v2;
	[tilespmem:$0x1C080] =	vst v3;
	v3 =	vsel vm12, $0x1, v0  }
0x206: {  	[tilespmem:$0x1C090] =	vst v2;
	v2 =	vsel vm13, $0xFFFFFFFF, v3;
	vm15 =	veq.s32 v1, $0x0;
	v1 =	vsel vm14, $0x1, v0  }
0x207: {  	[tilespmem:$0x1C0A0] =	vst v2;
	v1 =	vsel vm15, $0xFFFFFFFF, v1  }
0x208: {  	s16 =	simm.s32 $0x12000;
	[tilespmem:$0x1C0B0] =	vst v1;
	(ifvalue) =	ssetifvalue $0xFFFFFFFF  }
0x209: {  	[tilespmem:s16], [sflag:$0x1F] =	stream.indirect.gather.add.f32 [spmem:s1], $0x80, s28, s21, $0x40b8;
	[tilespmem:$0x1D110] =	vst v63  }
0x20a: {  	_ =	swait.ge [sflag:s25], $0x2000  }
0x20b: {  	s15 =	sld [smem:$0x7DE]  }
0x20c: {  	[sflag:s25] =	ssyncset.done $0x0  }
0x20d: {  	[sflag:s25] =	ssyncadd.s32 $0xFFFFE000  }
0x20e: {  	[hbm4b:s15+s2] =	stream.linear.scatter [tilespmem:s6], [sflag:$0x17], $0x2000, $0x38;
	[tilespmem:$0x1D110] =	vst v63  }
0x20f: {  	_ =	swait.ge [sflag:s11], $0x2000  }
0x210: {  	[sflag:s11] =	ssyncset.done $0x0  }
0x211: {  	[sflag:s11] =	ssyncadd.s32 $0xFFFFE000  }
0x212: {  	_ =	swait.ge [sflag:s11], $0x40  }
0x213: {  	[sflag:s11] =	ssyncset.done $0x0  }
0x214: {  	[sflag:s11] =	ssyncadd.s32 $0xFFFFFFC0  }
0x215: {  	_ =	swait.ge [sflag:s11], $0x40  }
0x216: {  	[sflag:s11] =	ssyncset.done $0x0  }
0x217: {  	[sflag:s11] =	ssyncadd.s32 $0xFFFFFFC0  }
0x218: {  	v1 =	vld [tilespmem:$0x1C600]  }
0x219: {  	v2 =	vld [tilespmem:$0x1CE00]  }
0x21a: {  	v3 =	vld [tilespmem:$0x1C610]  }
0x21b: {  	v40 =	vld [tilespmem:$0x1CE10]  }
0x21c: {  	v41 =	vld [tilespmem:$0x1C620]  }
0x21d: {  	v42 =	vld [tilespmem:$0x1CE20]  }
0x21e: {  	v43 =	vld [tilespmem:$0x1C630]  }
0x21f: {  	vm4 =	vgt.s32 v1, $0x5D;
	v1 =	vld [tilespmem:$0x1CE30]  }
0x220: {  	vm5 =	vgt.s32 v3, $0x5D;
	vm6 =	veq.s32 v2, $0x0  }
0x221: {  	vm7 =	veq.s32 v40, $0x0;
	vm8 =	vgt.s32 v41, $0x5D;
	v3 =	vsel vm4, $0x1, v0  }
0x222: {  	vm9 =	veq.s32 v42, $0x0;
	v2 =	vsel vm5, $0x1, v0;
	v3 =	vsel vm6, $0xFFFFFFFF, v3  }
0x223: {  	vm10 =	vgt.s32 v43, $0x5D;
	v2 =	vsel vm7, $0xFFFFFFFF, v2;
	[tilespmem:$0x1C000] =	vst v3;
	v3 =	vsel vm8, $0x1, v0  }
0x224: {  	[tilespmem:$0x1C010] =	vst v2;
	v2 =	vsel vm9, $0xFFFFFFFF, v3;
	vm11 =	veq.s32 v1, $0x0;
	v1 =	vsel vm10, $0x1, v0  }
0x225: {  	[tilespmem:$0x1C020] =	vst v2;
	v1 =	vsel vm11, $0xFFFFFFFF, v1  }
0x226: {  	s6 =	simm.s32 $0x14000;
	[tilespmem:$0x1C030] =	vst v1;
	(ifvalue) =	ssetifvalue $0xFFFFFFFF  }
0x227: {  	[tilespmem:s6], [sflag:$0x1E] =	stream.indirect.gather.add.f32 [spmem:s1], $0x80, s0, s21, $0x40b8;
	[tilespmem:$0x1D110] =	vst v63  }
0x228: {  	_ =	swait.ge [sflag:s29], $0x2000  }
0x229: {  	s15 =	sld [smem:$0x7DF]  }
0x22a: {  	[sflag:s29] =	ssyncset.done $0x0  }
0x22b: {  	[sflag:s29] =	ssyncadd.s32 $0xFFFFE000  }
0x22c: {  	[hbm4b:s15+s2] =	stream.linear.scatter [tilespmem:s16], [sflag:$0x18], $0x2000, $0x38;
	[tilespmem:$0x1D110] =	vst v63  }
0x22d: {  	_ =	swait.ge [sflag:s12], $0x2000  }
0x22e: {  	[sflag:s12] =	ssyncset.done $0x0  }
0x22f: {  	[sflag:s12] =	ssyncadd.s32 $0xFFFFE000  }
0x230: {  	_ =	swait.ge [sflag:s12], $0x40  }
0x231: {  	[sflag:s12] =	ssyncset.done $0x0  }
0x232: {  	[sflag:s12] =	ssyncadd.s32 $0xFFFFFFC0  }
0x233: {  	_ =	swait.ge [sflag:s12], $0x40  }
0x234: {  	[sflag:s12] =	ssyncset.done $0x0  }
0x235: {  	[sflag:s12] =	ssyncadd.s32 $0xFFFFFFC0  }
0x236: {  	v1 =	vld [tilespmem:$0x1C680]  }
0x237: {  	v2 =	vld [tilespmem:$0x1CE80]  }
0x238: {  	v3 =	vld [tilespmem:$0x1C690]  }
0x239: {  	v44 =	vld [tilespmem:$0x1CE90]  }
0x23a: {  	v45 =	vld [tilespmem:$0x1C6A0]  }
0x23b: {  	v46 =	vld [tilespmem:$0x1CEA0]  }
0x23c: {  	v47 =	vld [tilespmem:$0x1C6B0]  }
0x23d: {  	vm12 =	vgt.s32 v1, $0x5D;
	v1 =	vld [tilespmem:$0x1CEB0]  }
0x23e: {  	vm13 =	vgt.s32 v3, $0x5D;
	vm14 =	veq.s32 v2, $0x0  }
0x23f: {  	vm15 =	veq.s32 v44, $0x0;
	vm4 =	vgt.s32 v45, $0x5D;
	v3 =	vsel vm12, $0x1, v0  }
0x240: {  	vm5 =	veq.s32 v46, $0x0;
	v2 =	vsel vm13, $0x1, v0;
	v3 =	vsel vm14, $0xFFFFFFFF, v3  }
0x241: {  	vm6 =	vgt.s32 v47, $0x5D;
	v2 =	vsel vm15, $0xFFFFFFFF, v2;
	[tilespmem:$0x1C080] =	vst v3;
	v3 =	vsel vm4, $0x1, v0  }
0x242: {  	[tilespmem:$0x1C090] =	vst v2;
	v2 =	vsel vm5, $0xFFFFFFFF, v3;
	vm7 =	veq.s32 v1, $0x0;
	v1 =	vsel vm6, $0x1, v0  }
0x243: {  	[tilespmem:$0x1C0A0] =	vst v2;
	v1 =	vsel vm7, $0xFFFFFFFF, v1  }
0x244: {  	s16 =	simm.s32 $0x16000;
	[tilespmem:$0x1C0B0] =	vst v1;
	(ifvalue) =	ssetifvalue $0xFFFFFFFF  }
0x245: {  	[tilespmem:s16], [sflag:$0x1F] =	stream.indirect.gather.add.f32 [spmem:s1], $0x80, s28, s21, $0x40b8;
	[tilespmem:$0x1D110] =	vst v63  }
0x246: {  	_ =	swait.ge [sflag:s25], $0x2000  }
0x247: {  	s15 =	sld [smem:$0x7E0]  }
0x248: {  	[sflag:s25] =	ssyncset.done $0x0  }
0x249: {  	[sflag:s25] =	ssyncadd.s32 $0xFFFFE000  }
0x24a: {  	[hbm4b:s15+s2] =	stream.linear.scatter [tilespmem:s6], [sflag:$0x19], $0x2000, $0x38;
	[tilespmem:$0x1D110] =	vst v63  }
0x24b: {  	_ =	swait.ge [sflag:s13], $0x2000  }
0x24c: {  	[sflag:s13] =	ssyncset.done $0x0  }
0x24d: {  	[sflag:s13] =	ssyncadd.s32 $0xFFFFE000  }
0x24e: {  	_ =	swait.ge [sflag:s13], $0x40  }
0x24f: {  	[sflag:s13] =	ssyncset.done $0x0  }
0x250: {  	[sflag:s13] =	ssyncadd.s32 $0xFFFFFFC0  }
0x251: {  	_ =	swait.ge [sflag:s13], $0x40  }
0x252: {  	[sflag:s13] =	ssyncset.done $0x0  }
0x253: {  	[sflag:s13] =	ssyncadd.s32 $0xFFFFFFC0  }
0x254: {  	v1 =	vld [tilespmem:$0x1C700]  }
0x255: {  	v2 =	vld [tilespmem:$0x1CF00]  }
0x256: {  	v3 =	vld [tilespmem:$0x1C710]  }
0x257: {  	v48 =	vld [tilespmem:$0x1CF10]  }
0x258: {  	v49 =	vld [tilespmem:$0x1C720]  }
0x259: {  	v50 =	vld [tilespmem:$0x1CF20]  }
0x25a: {  	v51 =	vld [tilespmem:$0x1C730]  }
0x25b: {  	vm8 =	vgt.s32 v1, $0x5D;
	v1 =	vld [tilespmem:$0x1CF30]  }
0x25c: {  	vm9 =	vgt.s32 v3, $0x5D;
	vm10 =	veq.s32 v2, $0x0  }
0x25d: {  	vm11 =	veq.s32 v48, $0x0;
	vm12 =	vgt.s32 v49, $0x5D;
	v3 =	vsel vm8, $0x1, v0  }
0x25e: {  	vm13 =	veq.s32 v50, $0x0;
	v2 =	vsel vm9, $0x1, v0;
	v3 =	vsel vm10, $0xFFFFFFFF, v3  }
0x25f: {  	vm14 =	vgt.s32 v51, $0x5D;
	v2 =	vsel vm11, $0xFFFFFFFF, v2;
	[tilespmem:$0x1C000] =	vst v3;
	v3 =	vsel vm12, $0x1, v0  }
0x260: {  	[tilespmem:$0x1C010] =	vst v2;
	v2 =	vsel vm13, $0xFFFFFFFF, v3;
	vm15 =	veq.s32 v1, $0x0;
	v1 =	vsel vm14, $0x1, v0  }
0x261: {  	[tilespmem:$0x1C020] =	vst v2;
	v1 =	vsel vm15, $0xFFFFFFFF, v1  }
0x262: {  	s6 =	simm.s32 $0x18000;
	[tilespmem:$0x1C030] =	vst v1;
	(ifvalue) =	ssetifvalue $0xFFFFFFFF  }
0x263: {  	[tilespmem:s6], [sflag:$0x1E] =	stream.indirect.gather.add.f32 [spmem:s1], $0x80, s0, s21, $0x40b8;
	[tilespmem:$0x1D110] =	vst v63  }
0x264: {  	_ =	swait.ge [sflag:s29], $0x2000  }
0x265: {  	s15 =	sld [smem:$0x7E1]  }
0x266: {  	[sflag:s29] =	ssyncset.done $0x0  }
0x267: {  	[sflag:s29] =	ssyncadd.s32 $0xFFFFE000  }
0x268: {  	[hbm4b:s15+s2] =	stream.linear.scatter [tilespmem:s16], [sflag:$0x1A], $0x2000, $0x38;
	[tilespmem:$0x1D110] =	vst v63  }
0x269: {  	_ =	swait.ge [sflag:s14], $0x2000  }
0x26a: {  	[sflag:s14] =	ssyncset.done $0x0  }
0x26b: {  	[sflag:s14] =	ssyncadd.s32 $0xFFFFE000  }
0x26c: {  	_ =	swait.ge [sflag:s14], $0x40  }
0x26d: {  	[sflag:s14] =	ssyncset.done $0x0  }
0x26e: {  	[sflag:s14] =	ssyncadd.s32 $0xFFFFFFC0  }
0x26f: {  	_ =	swait.ge [sflag:s14], $0x40  }
0x270: {  	[sflag:s14] =	ssyncset.done $0x0  }
0x271: {  	[sflag:s14] =	ssyncadd.s32 $0xFFFFFFC0  }
0x272: {  	v1 =	vld [tilespmem:$0x1C780]  }
0x273: {  	v2 =	vld [tilespmem:$0x1CF80]  }
0x274: {  	v3 =	vld [tilespmem:$0x1C790]  }
0x275: {  	v52 =	vld [tilespmem:$0x1CF90]  }
0x276: {  	v53 =	vld [tilespmem:$0x1C7A0]  }
0x277: {  	v54 =	vld [tilespmem:$0x1CFA0]  }
0x278: {  	v55 =	vld [tilespmem:$0x1C7B0]  }
0x279: {  	vm4 =	vgt.s32 v1, $0x5D;
	v1 =	vld [tilespmem:$0x1CFB0]  }
0x27a: {  	vm5 =	vgt.s32 v3, $0x5D;
	vm6 =	veq.s32 v2, $0x0  }
0x27b: {  	vm7 =	veq.s32 v52, $0x0;
	vm8 =	vgt.s32 v53, $0x5D;
	v3 =	vsel vm4, $0x1, v0  }
0x27c: {  	vm9 =	veq.s32 v54, $0x0;
	v2 =	vsel vm5, $0x1, v0;
	v3 =	vsel vm6, $0xFFFFFFFF, v3  }
0x27d: {  	vm10 =	vgt.s32 v55, $0x5D;
	v2 =	vsel vm7, $0xFFFFFFFF, v2;
	[tilespmem:$0x1C080] =	vst v3;
	v3 =	vsel vm8, $0x1, v0  }
0x27e: {  	[tilespmem:$0x1C090] =	vst v2;
	v2 =	vsel vm9, $0xFFFFFFFF, v3;
	vm11 =	veq.s32 v1, $0x0;
	v1 =	vsel vm10, $0x1, v0  }
0x27f: {  	[tilespmem:$0x1C0A0] =	vst v2;
	v1 =	vsel vm11, $0xFFFFFFFF, v1  }
0x280: {  	s16 =	simm.s32 $0x1A000;
	[tilespmem:$0x1C0B0] =	vst v1;
	(ifvalue) =	ssetifvalue $0xFFFFFFFF  }
0x281: {  	[tilespmem:s16], [sflag:$0x1F] =	stream.indirect.gather.add.f32 [spmem:s1], $0x80, s28, s21, $0x40b8;
	[tilespmem:$0x1D110] =	vst v63  }
0x282: {  	_ =	swait.ge [sflag:s25], $0x2000  }
0x283: {  	s15 =	sld [smem:$0x7E2]  }
0x284: {  	[sflag:s25] =	ssyncset.done $0x0  }
0x285: {  	[sflag:s25] =	ssyncadd.s32 $0xFFFFE000  }
0x286: {  	[hbm4b:s15+s2] =	stream.linear.scatter [tilespmem:s6], [sflag:$0x1B], $0x2000, $0x38;
	[tilespmem:$0x1D110] =	vst v63  }
0x287: {  	_ =	swait.ge [sflag:s20], $0x2000  }
0x288: {  	[sflag:s20] =	ssyncset.done $0x0  }
0x289: {  	[sflag:s20] =	ssyncadd.s32 $0xFFFFE000  }
0x28a: {  	_ =	swait.ge [sflag:s20], $0x40  }
0x28b: {  	[sflag:s20] =	ssyncset.done $0x0  }
0x28c: {  	[sflag:s20] =	ssyncadd.s32 $0xFFFFFFC0  }
0x28d: {  	_ =	swait.ge [sflag:s20], $0x40  }
0x28e: {  	[sflag:s20] =	ssyncset.done $0x0  }
0x28f: {  	[sflag:s20] =	ssyncadd.s32 $0xFFFFFFC0  }
0x290: {  	v1 =	vld [tilespmem:$0x1C100]  }
0x291: {  	v2 =	vld [tilespmem:$0x1C900]  }
0x292: {  	v3 =	vld [tilespmem:$0x1C110]  }
0x293: {  	v56 =	vld [tilespmem:$0x1C910]  }
0x294: {  	v57 =	vld [tilespmem:$0x1C120]  }
0x295: {  	v58 =	vld [tilespmem:$0x1C920]  }
0x296: {  	v59 =	vld [tilespmem:$0x1C130]  }
0x297: {  	vm12 =	vgt.s32 v1, $0x5D;
	v1 =	vld [tilespmem:$0x1C930]  }
0x298: {  	vm13 =	vgt.s32 v3, $0x5D;
	vm14 =	veq.s32 v2, $0x0  }
0x299: {  	vm15 =	veq.s32 v56, $0x0;
	vm4 =	vgt.s32 v57, $0x5D;
	v3 =	vsel vm12, $0x1, v0  }
0x29a: {  	vm5 =	veq.s32 v58, $0x0;
	v2 =	vsel vm13, $0x1, v0;
	v3 =	vsel vm14, $0xFFFFFFFF, v3  }
0x29b: {  	vm6 =	vgt.s32 v59, $0x5D;
	v2 =	vsel vm15, $0xFFFFFFFF, v2;
	[tilespmem:$0x1C000] =	vst v3;
	v3 =	vsel vm4, $0x1, v0  }
0x29c: {  	[tilespmem:$0x1C010] =	vst v2;
	v2 =	vsel vm5, $0xFFFFFFFF, v3;
	vm7 =	veq.s32 v1, $0x0;
	v1 =	vsel vm6, $0x1, v0  }
0x29d: {  	[tilespmem:$0x1C020] =	vst v2;
	v1 =	vsel vm7, $0xFFFFFFFF, v1  }
0x29e: {  	[tilespmem:$0x1C030] =	vst v1;
	(ifvalue) =	ssetifvalue $0xFFFFFFFF  }
0x29f: {  	[tilespmem:s2], [sflag:$0x1E] =	stream.indirect.gather.add.f32 [spmem:s1], $0x80, s0, s21, $0x40b8;
	[tilespmem:$0x1D110] =	vst v63  }
0x2a0: {  	_ =	swait.ge [sflag:s29], $0x2000  }
0x2a1: {  	s0 =	sld [smem:$0x7E3]  }
0x2a2: {  	[sflag:s29] =	ssyncset.done $0x0  }
0x2a3: {  	[sflag:s29] =	ssyncadd.s32 $0xFFFFE000  }
0x2a4: {  	[hbm4b:s0+s2] =	stream.linear.scatter [tilespmem:s16], [sflag:$0x1C], $0x2000, $0x38;
	[tilespmem:$0x1D110] =	vst v63  }
0x2a5: {  	_ =	swait.ge [sflag:s23], $0x2000  }
0x2a6: {  	[sflag:s23] =	ssyncset.done $0x0  }
0x2a7: {  	[sflag:s23] =	ssyncadd.s32 $0xFFFFE000  }
0x2a8: {  	_ =	swait.ge [sflag:s23], $0x40  }
0x2a9: {  	[sflag:s23] =	ssyncset.done $0x0  }
0x2aa: {  	[sflag:s23] =	ssyncadd.s32 $0xFFFFFFC0  }
0x2ab: {  	_ =	swait.ge [sflag:s23], $0x40  }
0x2ac: {  	[sflag:s23] =	ssyncset.done $0x0  }
0x2ad: {  	[sflag:s23] =	ssyncadd.s32 $0xFFFFFFC0  }
0x2ae: {  	v1 =	vld [tilespmem:$0x1C180]  }
0x2af: {  	v2 =	vld [tilespmem:$0x1C980]  }
0x2b0: {  	v3 =	vld [tilespmem:$0x1C190]  }
0x2b1: {  	v60 =	vld [tilespmem:$0x1C990]  }
0x2b2: {  	v61 =	vld [tilespmem:$0x1C1A0]  }
0x2b3: {  	v62 =	vld [tilespmem:$0x1C9A0]  }
0x2b4: {  	v63 =	vld [tilespmem:$0x1C1B0]  }
0x2b5: {  	vm8 =	vgt.s32 v1, $0x5D;
	v1 =	vld [tilespmem:$0x1C9B0]  }
0x2b6: {  	vm9 =	vgt.s32 v3, $0x5D;
	vm10 =	veq.s32 v2, $0x0  }
0x2b7: {  	vm11 =	veq.s32 v60, $0x0;
	vm12 =	vgt.s32 v61, $0x5D;
	v3 =	vsel vm8, $0x1, v0  }
0x2b8: {  	vm13 =	veq.s32 v62, $0x0;
	v2 =	vsel vm9, $0x1, v0;
	v3 =	vsel vm10, $0xFFFFFFFF, v3  }
0x2b9: {  	vm14 =	vgt.s32 v63, $0x5D;
	v2 =	vsel vm11, $0xFFFFFFFF, v2;
	[tilespmem:$0x1C080] =	vst v3;
	v3 =	vsel vm12, $0x1, v0  }
0x2ba: {  	[tilespmem:$0x1C090] =	vst v2;
	v2 =	vsel vm13, $0xFFFFFFFF, v3;
	vm15 =	veq.s32 v1, $0x0;
	v1 =	vsel vm14, $0x1, v0  }
0x2bb: {  	[tilespmem:$0x1C0A0] =	vst v2;
	v1 =	vsel vm15, $0xFFFFFFFF, v1  }
0x2bc: {  	s0 =	simm.s32 $0x2000;
	[tilespmem:$0x1C0B0] =	vst v1;
	(ifvalue) =	ssetifvalue $0xFFFFFFFF  }
0x2bd: {  	[tilespmem:s0], [sflag:$0x1F] =	stream.indirect.gather.add.f32 [spmem:s1], $0x80, s28, s21, $0x40b8;
	[tilespmem:$0x1D110] =	vst v63  }
0x2be: {  	_ =	swait.ge [sflag:s25], $0x2000  }
0x2bf: {  	s6 =	sld [smem:$0x7E4]  }
0x2c0: {  	[sflag:s25] =	ssyncset.done $0x0  }
0x2c1: {  	[sflag:s25] =	ssyncadd.s32 $0xFFFFE000  }
0x2c2: {  	[hbm4b:s6+s2] =	stream.linear.scatter [tilespmem:s2], [sflag:$0xF], $0x2000, $0x38;
	[tilespmem:$0x1D110] =	vst v63  }
0x2c3: {  	_ =	swait.ge [sflag:s29], $0x2000  }
0x2c4: {  	s16 =	sld [smem:$0x7E5]  }
0x2c5: {  	[sflag:s29] =	ssyncset.done $0x0  }
0x2c6: {  	s6 =	simm.s32 $0x11;
	[sflag:s29] =	ssyncadd.s32 $0xFFFFE000  }
0x2c7: {  	[hbm4b:s16+s2] =	stream.linear.scatter [tilespmem:s0], [sflag:$0x10], $0x2000, $0x38;
	[tilespmem:$0x1D110] =	vst v63  }
0x2c8: {  	_ =	swait.ge [sflag:s6], $0x2000  }
0x2c9: {  	[sflag:s6] =	ssyncset.done $0x0  }
0x2ca: {  	s15 =	simm.s32 $0x12;
	[sflag:s6] =	ssyncadd.s32 $0xFFFFE000  }
0x2cb: {  	_ =	swait.ge [sflag:s15], $0x2000  }
0x2cc: {  	[sflag:s15] =	ssyncset.done $0x0  }
0x2cd: {  	s16 =	simm.s32 $0x13;
	[sflag:s15] =	ssyncadd.s32 $0xFFFFE000  }
0x2ce: {  	_ =	swait.ge [sflag:s16], $0x2000  }
0x2cf: {  	[sflag:s16] =	ssyncset.done $0x0  }
0x2d0: {  	s6 =	simm.s32 $0x14;
	[sflag:s16] =	ssyncadd.s32 $0xFFFFE000  }
0x2d1: {  	_ =	swait.ge [sflag:s6], $0x2000  }
0x2d2: {  	[sflag:s6] =	ssyncset.done $0x0  }
0x2d3: {  	s15 =	simm.s32 $0x15;
	[sflag:s6] =	ssyncadd.s32 $0xFFFFE000  }
0x2d4: {  	_ =	swait.ge [sflag:s15], $0x2000  }
0x2d5: {  	[sflag:s15] =	ssyncset.done $0x0  }
0x2d6: {  	s16 =	simm.s32 $0x16;
	[sflag:s15] =	ssyncadd.s32 $0xFFFFE000  }
0x2d7: {  	_ =	swait.ge [sflag:s16], $0x2000  }
0x2d8: {  	[sflag:s16] =	ssyncset.done $0x0  }
0x2d9: {  	s6 =	simm.s32 $0x17;
	[sflag:s16] =	ssyncadd.s32 $0xFFFFE000  }
0x2da: {  	_ =	swait.ge [sflag:s6], $0x2000  }
0x2db: {  	[sflag:s6] =	ssyncset.done $0x0  }
0x2dc: {  	s15 =	simm.s32 $0x18;
	[sflag:s6] =	ssyncadd.s32 $0xFFFFE000  }
0x2dd: {  	_ =	swait.ge [sflag:s15], $0x2000  }
0x2de: {  	[sflag:s15] =	ssyncset.done $0x0  }
0x2df: {  	s16 =	simm.s32 $0x19;
	[sflag:s15] =	ssyncadd.s32 $0xFFFFE000  }
0x2e0: {  	_ =	swait.ge [sflag:s16], $0x2000  }
0x2e1: {  	[sflag:s16] =	ssyncset.done $0x0  }
0x2e2: {  	s6 =	simm.s32 $0x1A;
	[sflag:s16] =	ssyncadd.s32 $0xFFFFE000  }
0x2e3: {  	_ =	swait.ge [sflag:s6], $0x2000  }
0x2e4: {  	[sflag:s6] =	ssyncset.done $0x0  }
0x2e5: {  	s15 =	simm.s32 $0x1B;
	[sflag:s6] =	ssyncadd.s32 $0xFFFFE000  }
0x2e6: {  	_ =	swait.ge [sflag:s15], $0x2000  }
0x2e7: {  	[sflag:s15] =	ssyncset.done $0x0  }
0x2e8: {  	s16 =	simm.s32 $0x1C;
	[sflag:s15] =	ssyncadd.s32 $0xFFFFE000  }
0x2e9: {  	_ =	swait.ge [sflag:s16], $0x2000  }
0x2ea: {  	[sflag:s16] =	ssyncset.done $0x0  }
0x2eb: {  	s3 =	sadd.s32 $0xFFFFFFFF, s3;
	[sflag:s16] =	ssyncadd.s32 $0xFFFFE000  }
0x2ec: {  	p1 =	sne.s32 s3, $0x0;
	_ =	swait.ge [sflag:s17], $0x2000  }
.Ltmp0:
0x2ed: {  	[sflag:s17] =	ssyncset.done $0x0;
	(pc) =	sbr.rel @p1 .LBB2_1-.Ltmp0, $4  }
0x2ee: {  	[sflag:s17] =	ssyncadd.s32 $0xFFFFE000  }
0x2ef: {  	_ =	swait.ge [sflag:s18], $0x2000  }
0x2f0: {  	[sflag:s18] =	ssyncset.done $0x0  }
0x2f1: {  	[sflag:s18] =	ssyncadd.s32 $0xFFFFE000  }
0x2f2: {  	_ =	sfence.sel $0x180000  }
0x2f3: {  	[bflag:$0x0] =	sbarrier.arrive $0xFFFF  }
0x2f4: {  	_ =	strace $0x90000047  }
0x2f5: {  	[bflag:$0x2] =	sbarrier.arrive $0xFFFF  }
0x2f6: {  	s0 =	rddreg [dreg:$0x6]  }
0x2f7: {  	s0 =	sadd.s32 @!p0 $0x100000, s0  }
0x2f8: {  	[sflag:s0] =	ssyncadd.tile.s32 @!p0 $0x1;
	_ =	shalt  }
.Lfunc_end2:
_tile_overlayer_lowered:
.L_overlay_start_2:
0x2f9: {  	(tag) =	ssettag $0x2  }
0x2fa: {  	s0 =	rddreg [dreg:$0x0];
	s2 =	stileid.u32  }
0x2fb: {  	s1 =	rddreg [dreg:$0x1];
	p0 =	sne.s32 s2, $0x0  }
0x2fc: {  	s3 =	rddreg [dreg:$0x2];
	[bflag:$0x3] =	sbarrier.arrive $0xFFFF;
	s2 =	simm.s32 @!p0 $0x1C20  }
0x2fd: {  	[timem:s3], [sflag:s2] =	dma.local @!p0 [hbm:s0], s1  }
0x2fe: {  	s0 =	simm.s32 @!p0 $0x20  }
0x2ff: {  	_ =	swait.ge @!p0 [sflag:s0], s1  }
0x300: {  	s1 =	ssub.s32 @!p0 $0x0, s1;
	[sflag:s0] =	ssyncset.done @!p0 $0x0  }
0x301: {  	[sflag:s0] =	ssyncadd.s32 @!p0 s1  }
0x302: {  	[bflag:$0x3] =	sbarrier.arrive $0xFFFF  }
0x303: {  	_ =	shalt  }

</sc_bundles>
